<compile_context>
chip_gen: v7x
topology: tpu7x:2x2x1
jax: 0.10.2.dev20260603
libtpu: 0.0.44.dev20260713+nightly
codegen_flags: <defaults>
</compile_context>

<pallas_src>
import functools

import jax
import jax.numpy as jnp
from jax import lax
from jax.experimental import pallas as pl
from jax.experimental.pallas import tpu as pltpu
from jax.experimental.pallas import tpu_sc as plsc

_K = 1024
_D = 256
_N = 2 * 224 * 224
_TILE = 2048
_GRID = _N // _TILE

_NC = 2
_NS = 16
_NW = _NC * _NS
_BPW = _N // _NW
_CH = 112
_NCH = _BPW // _CH


def _conv(x, w, b):
    y = lax.conv_general_dilated(
        x, w, window_strides=(1, 1), padding=((1, 1), (1, 1)),
        dimension_numbers=('NCHW', 'OIHW', 'NCHW'))
    return y + b[None, :, None, None]


def _argmin_body(xsq_ref, xf_ref, embT_ref, embsq_ref, idx_ref):
    xf = xf_ref[...]
    dot = jnp.dot(xf, embT_ref[...],
                  preferred_element_type=jnp.float32)
    d2 = (xsq_ref[...] + embsq_ref[...]) - 2.0 * dot
    dist = jnp.sqrt(d2)
    m = jnp.min(dist, axis=1, keepdims=True)
    ids = lax.broadcasted_iota(jnp.int32, dist.shape, 1)
    idx = jnp.min(jnp.where(dist <= m, ids, _K), axis=1)
    idx_ref[0, 0, :] = idx


def _vq_argmin(xsq, xf, embT, embsq):
    out = pl.pallas_call(
        _argmin_body,
        grid=(_GRID,),
        in_specs=[
            pl.BlockSpec((_TILE, 1), lambda i: (i, 0)),
            pl.BlockSpec((_TILE, _D), lambda i: (i, 0)),
            pl.BlockSpec((_D, _K), lambda i: (0, 0)),
            pl.BlockSpec((1, _K), lambda i: (0, 0)),
        ],
        out_specs=pl.BlockSpec((1, 1, _TILE), lambda i: (i, 0, 0)),
        out_shape=jax.ShapeDtypeStruct((_GRID, 1, _TILE), jnp.int32),
        compiler_params=pltpu.CompilerParams(
            dimension_semantics=("arbitrary",)),
    )(xsq, xf, embT, embsq)
    return out.reshape(-1)


_NBUF = 4
_REP = 32


@functools.cache
def _make_sc_gather():
    @functools.partial(
        pl.kernel,
        mesh=plsc.VectorSubcoreMesh(core_axis_name="c", subcore_axis_name="s"),
        out_type=jax.ShapeDtypeStruct((_N, _D), jnp.float32),
        scratch_types=[
            pltpu.VMEM((_BPW,), jnp.int32),
        ] + [pltpu.VMEM((_CH, _D), jnp.float32) for _ in range(_NBUF)]
          + [pltpu.SemaphoreType.DMA for _ in range(_NBUF)],
    )
    def _sc_gather(emb_hbm, idx_hbm, out_hbm, idx_v, *bufs_and_sems):
        bufs = bufs_and_sems[:_NBUF]
        sems = bufs_and_sems[_NBUF:]
        wid = lax.axis_index("s") * _NC + lax.axis_index("c")
        base = wid * _BPW
        pltpu.sync_copy(idx_hbm.at[pl.ds(base, _BPW)], idx_v)

        def start(c, b):
            pltpu.async_copy(emb_hbm.at[idx_v.at[pl.ds(c * _CH, _CH)]],
                             bufs[b], sems[b])

        for b in range(_NBUF - 1):
            start(b, b)

        def body(j, carry):
            for b in range(_NBUF):
                c = _NBUF * j + b

                @pl.when(c + _NBUF - 1 < _NCH)
                def _():
                    start(c + _NBUF - 1, (b + _NBUF - 1) % _NBUF)

                pltpu.make_async_copy(
                    emb_hbm.at[idx_v.at[pl.ds(c * _CH, _CH)]],
                    bufs[b], sems[b]).wait()
                pltpu.sync_copy(bufs[b], out_hbm.at[pl.ds(base + c * _CH, _CH)])
            return carry

        lax.fori_loop(0, _NCH // _NBUF, body, 0)

    return _sc_gather


_TSZ = 1032
_PPW = _N // _NW
_PHALF = _PPW // 2
_VPH = _PHALF // 16


@functools.cache
def _make_sc_postconv():
    @functools.partial(
        pl.kernel,
        mesh=plsc.VectorSubcoreMesh(core_axis_name="c", subcore_axis_name="s"),
        out_type=jax.ShapeDtypeStruct((2 * 8 * _S,), jnp.float32),
        scratch_types=[
            pltpu.VMEM((8 * 9 * _TSZ,), jnp.float32),
            pltpu.VMEM((9, _PHALF), jnp.int32),
            pltpu.VMEM((8 * _PHALF,), jnp.float32),
            pltpu.VMEM((8, 16), jnp.float32),
        ],
        compiler_params=pltpu.CompilerParams(needs_layout_passes=False),
    )
    def _sc_postconv(tab_hbm, taps_hbm, bias_hbm, out_hbm,
                     tab_v, taps_v, out_v, bias_v):
        wid = lax.axis_index("s") * _NC + lax.axis_index("c")
        img = wid // 16
        pltpu.sync_copy(tab_hbm, tab_v)
        pltpu.sync_copy(bias_hbm, bias_v)

        for half in range(2):
            pltpu.sync_copy(taps_hbm.at[wid, half], taps_v)

            def body(i, carry):
                vs = [taps_v[t, pl.ds(i * 16, 16)] for t in range(9)]
                for co in range(8):
                    acc = bias_v[co, :]
                    for t in range(9):
                        acc = acc + plsc.load_gather(
                            tab_v, [vs[t] + (co * 9 + t) * _TSZ])
                    out_v[pl.ds(co * _PHALF + i * 16, 16)] = (
                        jnp.maximum(acc, 0.0))
                return carry

            lax.fori_loop(0, _VPH, body, 0)
            s0 = (wid % 16) * _PPW + half * _PHALF
            for co in range(8):
                pltpu.sync_copy(
                    out_v.at[pl.ds(co * _PHALF, _PHALF)],
                    out_hbm.at[pl.ds((img * 8 + co) * _S + s0, _PHALF)])

    return _sc_postconv


_S = 50176


def _dec_body(x_ref, w1_ref, b1_ref, w2_ref, b2_ref, out_ref):
    X = x_ref[0]
    pxm = lax.broadcasted_iota(jnp.int32, (1, _S), 1)
    w_of = pxm % 224
    masks = []
    for dh in (-1, 0, 1):
        for dw in (-1, 0, 1):
            cond = (pxm >= 0)
            if dh == -1:
                cond = cond & (pxm >= 224)
            elif dh == 1:
                cond = cond & (pxm < _S - 224)
            if dw == -1:
                cond = cond & (w_of >= 1)
            elif dw == 1:
                cond = cond & (w_of <= 222)
            masks.append(jnp.where(cond, 1.0, 0.0))

    def conv_full(Xin, w_ref, cout, bias):
        acc = jnp.zeros((cout, _S), jnp.float32) + bias
        k = 0
        for dh in (-1, 0, 1):
            for dw in (-1, 0, 1):
                shift = dh * 224 + dw
                xs = pltpu.roll(Xin, (-shift) % _S, 1) if shift else Xin
                term = jnp.dot(w_ref[k], xs,
                               preferred_element_type=jnp.float32)
                acc = acc + term * masks[k]
                k += 1
        return acc

    y1 = jnp.maximum(conv_full(X, w1_ref, 16, b1_ref[...]), 0.0)
    y2 = conv_full(y1, w2_ref, 8, b2_ref[...])
    out_ref[0] = jax.nn.sigmoid(y2)[0:1, :]


def _dec_tc(h1, w1t, b1, w2p, b2p):
    return pl.pallas_call(
        _dec_body,
        grid=(2,),
        in_specs=[
            pl.BlockSpec((1, 8, _S), lambda n: (n, 0, 0)),
            pl.BlockSpec((9, 16, 8), lambda n: (0, 0, 0)),
            pl.BlockSpec((16, 1), lambda n: (0, 0)),
            pl.BlockSpec((9, 8, 16), lambda n: (0, 0, 0)),
            pl.BlockSpec((8, 1), lambda n: (0, 0)),
        ],
        out_specs=pl.BlockSpec((1, 1, _S), lambda n: (n, 0, 0)),
        out_shape=jax.ShapeDtypeStruct((2, 1, _S), jnp.float32),
        compiler_params=pltpu.CompilerParams(
            dimension_semantics=("arbitrary",)),
    )(h1, w1t, b1, w2p, b2p)


def kernel(x, enc_w1, enc_b1, enc_w2, enc_b2, pre_w, pre_b, emb,
           post_w, post_b, dec_w1, dec_b1, dec_w2, dec_b2):
    h = jax.nn.relu(_conv(x, enc_w1, enc_b1))
    h = jax.nn.relu(_conv(h, enc_w2, enc_b2))
    encoded = jax.nn.sigmoid(_conv(h, pre_w, pre_b))

    xp = encoded.transpose(0, 2, 3, 1)
    shp = xp.shape
    xf = xp.reshape(-1, _D)
    xsq = jnp.sum(xf ** 2, axis=1, keepdims=True)
    embsq = jnp.sum(emb ** 2, axis=1)[None, :]

    idx = _vq_argmin(xsq, xf, emb.T, embsq)

    emb_rep = jnp.tile(emb, (_REP, 1))
    rep_off = (jnp.arange(_N, dtype=jnp.int32) // _BPW % _REP) * _K
    qf = _make_sc_gather()(emb_rep, idx + rep_off)
    quantized = qf.reshape(shp).transpose(0, 3, 1, 2)

    w2 = jnp.flip(post_w, axis=(2, 3)).transpose(1, 0, 2, 3)
    w2r = w2.reshape(8, _D, 9)
    T = jnp.einsum('ic,ock->oki', emb, w2r,
                   precision=lax.Precision.HIGHEST)
    tab = jnp.zeros((8, 9, _TSZ), jnp.float32).at[:, :, :_K].set(T)
    bias16 = jnp.tile(post_b[:, None], (1, 16))

    idx_img = idx.reshape(2, 224, 224)
    padi = jnp.pad(idx_img, ((0, 0), (1, 1), (1, 1)), constant_values=_K)
    taps = jnp.stack([padi[:, dh:dh + 224, dw:dw + 224].reshape(-1)
                      for dh in range(3) for dw in range(3)])
    tapsw = taps.reshape(9, _NW, 2, _PHALF).transpose(1, 2, 0, 3)

    h1 = _make_sc_postconv()(tab.reshape(-1), tapsw,
                             bias16).reshape(2, 8, _S)

    e1 = jnp.flip(dec_w1, axis=(2, 3)).transpose(1, 0, 2, 3)
    w1t = e1.transpose(2, 3, 0, 1).reshape(9, 16, 8)
    e2 = jnp.flip(dec_w2, axis=(2, 3)).transpose(1, 0, 2, 3)
    w2t = e2.transpose(2, 3, 0, 1).reshape(9, 1, 16)
    w2p = jnp.zeros((9, 8, 16), jnp.float32).at[:, 0:1, :].set(w2t)
    b2p = jnp.zeros((8, 1), jnp.float32).at[0, 0].set(dec_b2[0])

    recon = _dec_tc(h1, w1t, dec_b1[:, None], w2p, b2p)
    recon_x = recon.reshape(2, 1, 224, 224)
    return (encoded, quantized, recon_x)

# --- scband reference (transcript-rebuilt; emitter-appended) ---
"""Pipeline reference for scband-vqvae-84146999263387 (READ-ONLY COPY).

The authoritative reference and input builder live on the scoring server;
editing this copy changes nothing except your own understanding.
"""

import jax, jax.numpy as jnp
import numpy as np

K = 1024
D = 256


def _conv(x, w, b):
    y = jax.lax.conv_general_dilated(x, w, window_strides=(1, 1), padding=((1, 1), (1, 1)), dimension_numbers=('NCHW', 'OIHW', 'NCHW'))
    return y + b[None, :, None, None]


def _convT(x, w, b):
    # ConvTranspose2d(k=3, stride=1, padding=1) == conv with spatially flipped,
    # channel-transposed kernel and SAME padding. torch weight layout: [in, out, kh, kw]
    w2 = jnp.flip(w, axis=(2, 3)).transpose(1, 0, 2, 3)
    return _conv(x, w2, b)


def _vq(encoded, emb):
    xp = encoded.transpose(0, 2, 3, 1)
    shp = xp.shape
    xf = xp.reshape(-1, emb.shape[1])
    distances = jnp.sqrt(jnp.sum(xf ** 2, axis=1, keepdims=True) + jnp.sum(emb ** 2, axis=1) - 2.0 * (xf @ emb.T))
    idx = jnp.argmin(distances, axis=1)
    encodings = jax.nn.one_hot(idx, emb.shape[0], dtype=xf.dtype)
    quantized = encodings @ emb
    return quantized.reshape(shp).transpose(0, 3, 1, 2)


def setup_inputs(seed: int = 0) -> dict:
    key = jax.random.key(seed)
    ks = jax.random.split(key, 16)

    def w_init(k, shape):
        fan_in = shape[1] * shape[2] * shape[3]
        return jax.random.normal(k, shape, dtype=jnp.float32) / np.sqrt(fan_in)

    x = jax.random.uniform(ks[0], (2, 1, 224, 224), dtype=jnp.float32)
    enc_w1 = w_init(ks[1], (16, 1, 3, 3)); enc_b1 = jnp.zeros((16,), jnp.float32)
    enc_w2 = w_init(ks[2], (8, 16, 3, 3)); enc_b2 = jnp.zeros((8,), jnp.float32)
    pre_w = w_init(ks[3], (D, 8, 3, 3)); pre_b = jnp.zeros((D,), jnp.float32)
    emb = jax.random.uniform(ks[4], (K, D), dtype=jnp.float32, minval=-1.0 / K, maxval=1.0 / K)
    # ConvTranspose2d weights: [in, out, kh, kw]
    post_w = jax.random.normal(ks[5], (D, 8, 3, 3), dtype=jnp.float32) / np.sqrt(D * 9)
    post_b = jnp.zeros((8,), jnp.float32)
    dec_w1 = jax.random.normal(ks[6], (8, 16, 3, 3), dtype=jnp.float32) / np.sqrt(8 * 9)
    dec_b1 = jnp.zeros((16,), jnp.float32)
    dec_w2 = jax.random.normal(ks[7], (16, 1, 3, 3), dtype=jnp.float32) / np.sqrt(16 * 9)
    dec_b2 = jnp.zeros((1,), jnp.float32)
    return {"x": x, "enc_w1": enc_w1, "enc_b1": enc_b1, "enc_w2": enc_w2, "enc_b2": enc_b2,
            "pre_w": pre_w, "pre_b": pre_b, "emb": emb, "post_w": post_w, "post_b": post_b,
            "dec_w1": dec_w1, "dec_b1": dec_b1, "dec_w2": dec_w2, "dec_b2": dec_b2}


def reference(x, enc_w1, enc_b1, enc_w2, enc_b2, pre_w, pre_b, emb, post_w, post_b, dec_w1, dec_b1, dec_w2, dec_b2):
    h = jax.nn.relu(_conv(x, enc_w1, enc_b1))
    h = jax.nn.relu(_conv(h, enc_w2, enc_b2))
    encoded = jax.nn.sigmoid(_conv(h, pre_w, pre_b))
    quantized = _vq(encoded, emb)
    quantized_skip_grad = encoded + jax.lax.stop_gradient(quantized - encoded)
    h = jax.nn.relu(_convT(quantized_skip_grad, post_w, post_b))
    h = jax.nn.relu(_convT(h, dec_w1, dec_b1))
    recon_x = jax.nn.sigmoid(_convT(h, dec_w2, dec_b2))
    return (encoded, quantized, recon_x)

if __name__ == "__main__":
    import jax
    _d = setup_inputs()
    print(jax.jit(kernel)(*tuple(_d.values())))

</pallas_src>

<mosaic_0001>
#map = affine_map<(d0, d1) -> (0)>
#map1 = affine_map<(d0, d1) -> (0, 0, 0, 0)>
#map2 = affine_map<(d0, d1) -> (0, 0)>
module attributes {stable_mosaic.version = 14 : i64} {
  func.func @_sc_postconv(%arg0: i32, %arg1: i32, %arg2: memref<74304xf32, #tpu.memory_space<hbm>>, %arg3: memref<32x2x9x1568xi32, #tpu.memory_space<hbm>>, %arg4: memref<8x16xf32, #tpu.memory_space<hbm>>, %arg5: memref<802816xf32, #tpu.memory_space<hbm>>, %arg6: memref<74304xf32, #tpu.memory_space<vmem>>, %arg7: memref<9x1568xi32, #tpu.memory_space<vmem>>, %arg8: memref<12544xf32, #tpu.memory_space<vmem>>, %arg9: memref<8x16xf32, #tpu.memory_space<vmem>>) attributes {dimension_semantics = [#tpu.dimension_semantics<core_parallel>, #tpu.dimension_semantics<subcore_parallel>], iteration_bounds = array<i64: 2, 16>, scalar_prefetch = 0 : i64, scratch_operands = 4 : i64, tpu.core_type = #tpu.core_type<sc_vector_subcore>, window_params = [{transform_indices = #map}, {transform_indices = #map1}, {transform_indices = #map2}, {transform_indices = #map}]} {
    %mul3A = arith.constant 2 : i32
    %mul3A_0 = arith.muli %arg1, %mul3A : i32
    %add3A = arith.addi %mul3A_0, %arg0 : i32
    %jit3A = arith.constant 16 : i32
    %div3A = arith.divsi %add3A, %jit3A : i32
    %sign3A = arith.constant 0 : i32
    %sign3A_1 = arith.cmpi sgt, %add3A, %sign3A : i32
    %sign3A_2 = arith.extui %sign3A_1 : i1 to i32
    %sign3A_3 = arith.constant 0 : i32
    %sign3A_4 = arith.cmpi slt, %add3A, %sign3A_3 : i32
    %sign3A_5 = arith.extui %sign3A_4 : i1 to i32
    %sign3A_6 = arith.subi %sign3A_2, %sign3A_5 : i32
    %sign3A_7 = arith.constant 0 : i32
    %sign3A_8 = arith.cmpi sgt, %jit3A, %sign3A_7 : i32
    %sign3A_9 = arith.extui %sign3A_8 : i1 to i32
    %sign3A_10 = arith.constant 0 : i32
    %sign3A_11 = arith.cmpi slt, %jit3A, %sign3A_10 : i32
    %sign3A_12 = arith.extui %sign3A_11 : i1 to i32
    %sign3A_13 = arith.subi %sign3A_9, %sign3A_12 : i32
    %ne3A = arith.cmpi ne, %sign3A_6, %sign3A_13 : i32
    %rem3A = arith.remsi %add3A, %jit3A : i32
    %ne3A_14 = arith.constant 0 : i32
    %ne3A_15 = arith.cmpi ne, %rem3A, %ne3A_14 : i32
    %and3A = arith.andi %ne3A, %ne3A_15 : i1
    %sub3A = arith.constant 1 : i32
    %sub3A_16 = arith.subi %div3A, %sub3A : i32
    %select_n3A = arith.select %and3A, %sub3A_16, %div3A : i32
    "tpu.region"() ({
      %run_scoped3A_179 = tpu.sem_alloc : memref<!tpu.dma_semaphore, #tpu.memory_space<semaphore_mem>>
      tpu.enqueue_dma source(%arg2 : memref<74304xf32, #tpu.memory_space<hbm>>) target(%arg6 : memref<74304xf32, #tpu.memory_space<vmem>>) target_semaphore(%run_scoped3A_179 : memref<!tpu.dma_semaphore, #tpu.memory_space<semaphore_mem>>)
      tpu.wait_dma2 semaphore(%run_scoped3A_179 : memref<!tpu.dma_semaphore, #tpu.memory_space<semaphore_mem>>) src(%arg2 : memref<74304xf32, #tpu.memory_space<hbm>>) dst(%arg6 : memref<74304xf32, #tpu.memory_space<vmem>>)
      tpu.yield
    }) : () -> ()
    "tpu.region"() ({
      %run_scoped3A_179 = tpu.sem_alloc : memref<!tpu.dma_semaphore, #tpu.memory_space<semaphore_mem>>
      tpu.enqueue_dma source(%arg4 : memref<8x16xf32, #tpu.memory_space<hbm>>) target(%arg9 : memref<8x16xf32, #tpu.memory_space<vmem>>) target_semaphore(%run_scoped3A_179 : memref<!tpu.dma_semaphore, #tpu.memory_space<semaphore_mem>>)
      tpu.wait_dma2 semaphore(%run_scoped3A_179 : memref<!tpu.dma_semaphore, #tpu.memory_space<semaphore_mem>>) src(%arg4 : memref<8x16xf32, #tpu.memory_space<hbm>>) dst(%arg9 : memref<8x16xf32, #tpu.memory_space<vmem>>)
      tpu.yield
    }) : () -> ()
    %run_scoped3A = arith.constant 0 : i32
    "tpu.region"() ({
      %run_scoped3A_179 = tpu.sem_alloc : memref<!tpu.dma_semaphore, #tpu.memory_space<semaphore_mem>>
      %dma_start3A = arith.constant 0 : i32
      %dma_start3A_180 = arith.constant 0 : i32
      %dma_start3A_181 = tpu.memref_slice %arg3[%add3A, %run_scoped3A, %dma_start3A, %dma_start3A_180] : memref<32x2x9x1568xi32, #tpu.memory_space<hbm>> -> memref<1x1x9x1568xi32, #tpu.memory_space<hbm>>
      %dma_start3A_182 = tpu.memref_squeeze %dma_start3A_181 : memref<1x1x9x1568xi32, #tpu.memory_space<hbm>> -> memref<9x1568xi32, #tpu.memory_space<hbm>>
      %dma_start3A_183 = arith.constant 0 : i32
      %dma_start3A_184 = arith.constant 0 : i32
      %dma_start3A_185 = tpu.memref_slice %arg3[%add3A, %run_scoped3A, %dma_start3A_183, %dma_start3A_184] : memref<32x2x9x1568xi32, #tpu.memory_space<hbm>> -> memref<1x1x9x1568xi32, #tpu.memory_space<hbm>>
      %dma_start3A_186 = tpu.memref_squeeze %dma_start3A_185 : memref<1x1x9x1568xi32, #tpu.memory_space<hbm>> -> memref<9x1568xi32, #tpu.memory_space<hbm>>
      tpu.enqueue_dma source(%dma_start3A_186 : memref<9x1568xi32, #tpu.memory_space<hbm>>) target(%arg7 : memref<9x1568xi32, #tpu.memory_space<vmem>>) target_semaphore(%run_scoped3A_179 : memref<!tpu.dma_semaphore, #tpu.memory_space<semaphore_mem>>)
      %dma_wait3A = arith.constant 0 : i32
      %dma_wait3A_187 = arith.constant 0 : i32
      %dma_wait3A_188 = tpu.memref_slice %arg3[%add3A, %run_scoped3A, %dma_wait3A, %dma_wait3A_187] : memref<32x2x9x1568xi32, #tpu.memory_space<hbm>> -> memref<1x1x9x1568xi32, #tpu.memory_space<hbm>>
      %dma_wait3A_189 = tpu.memref_squeeze %dma_wait3A_188 : memref<1x1x9x1568xi32, #tpu.memory_space<hbm>> -> memref<9x1568xi32, #tpu.memory_space<hbm>>
      %dma_wait3A_190 = arith.constant 0 : i32
      %dma_wait3A_191 = arith.constant 0 : i32
      %dma_wait3A_192 = tpu.memref_slice %arg3[%add3A, %run_scoped3A, %dma_wait3A_190, %dma_wait3A_191] : memref<32x2x9x1568xi32, #tpu.memory_space<hbm>> -> memref<1x1x9x1568xi32, #tpu.memory_space<hbm>>
      %dma_wait3A_193 = tpu.memref_squeeze %dma_wait3A_192 : memref<1x1x9x1568xi32, #tpu.memory_space<hbm>> -> memref<9x1568xi32, #tpu.memory_space<hbm>>
      tpu.wait_dma2 semaphore(%run_scoped3A_179 : memref<!tpu.dma_semaphore, #tpu.memory_space<semaphore_mem>>) src(%dma_wait3A_193 : memref<9x1568xi32, #tpu.memory_space<hbm>>) dst(%arg7 : memref<9x1568xi32, #tpu.memory_space<vmem>>)
      tpu.yield
    }) : () -> ()
    %scan3A = arith.constant 0 : i32
    %scan3A_17 = arith.constant 0 : i32
    %scan3A_18 = arith.constant 98 : i32
    %scan3A_19 = arith.addi %scan3A_17, %scan3A_18 : i32
    %scan3A_20 = arith.constant 1 : i32
    scf.for %scan3A_179 = %scan3A_17 to %scan3A_19 step %scan3A_20  : i32 {
      %mul3A_180 = arith.constant 16 : i32
      %mul3A_181 = arith.muli %scan3A_179, %mul3A_180 : i32
      %get3A = arith.constant 0 : i32
      %get3A_182 = arith.index_cast %get3A : i32 to index
      %get3A_183 = arith.index_cast %mul3A_181 : i32 to index
      %get3A_184 = tpu.vector_load %arg7[%get3A_182, %get3A_183] {strides = array<i32>} : memref<9x1568xi32, #tpu.memory_space<vmem>>, vector<16xi32>,
      %mul3A_185 = arith.constant 16 : i32
      %mul3A_186 = arith.muli %scan3A_179, %mul3A_185 : i32
      %get3A_187 = arith.constant 1 : i32
      %get3A_188 = arith.index_cast %get3A_187 : i32 to index
      %get3A_189 = arith.index_cast %mul3A_186 : i32 to index
      %get3A_190 = tpu.vector_load %arg7[%get3A_188, %get3A_189] {strides = array<i32>} : memref<9x1568xi32, #tpu.memory_space<vmem>>, vector<16xi32>,
      %mul3A_191 = arith.constant 16 : i32
      %mul3A_192 = arith.muli %scan3A_179, %mul3A_191 : i32
      %get3A_193 = arith.constant 2 : i32
      %get3A_194 = arith.index_cast %get3A_193 : i32 to index
      %get3A_195 = arith.index_cast %mul3A_192 : i32 to index
      %get3A_196 = tpu.vector_load %arg7[%get3A_194, %get3A_195] {strides = array<i32>} : memref<9x1568xi32, #tpu.memory_space<vmem>>, vector<16xi32>,
      %mul3A_197 = arith.constant 16 : i32
      %mul3A_198 = arith.muli %scan3A_179, %mul3A_197 : i32
      %get3A_199 = arith.constant 3 : i32
      %get3A_200 = arith.index_cast %get3A_199 : i32 to index
      %get3A_201 = arith.index_cast %mul3A_198 : i32 to index
      %get3A_202 = tpu.vector_load %arg7[%get3A_200, %get3A_201] {strides = array<i32>} : memref<9x1568xi32, #tpu.memory_space<vmem>>, vector<16xi32>,
      %mul3A_203 = arith.constant 16 : i32
      %mul3A_204 = arith.muli %scan3A_179, %mul3A_203 : i32
      %get3A_205 = arith.constant 4 : i32
      %get3A_206 = arith.index_cast %get3A_205 : i32 to index
      %get3A_207 = arith.index_cast %mul3A_204 : i32 to index
      %get3A_208 = tpu.vector_load %arg7[%get3A_206, %get3A_207] {strides = array<i32>} : memref<9x1568xi32, #tpu.memory_space<vmem>>, vector<16xi32>,
      %mul3A_209 = arith.constant 16 : i32
      %mul3A_210 = arith.muli %scan3A_179, %mul3A_209 : i32
      %get3A_211 = arith.constant 5 : i32
      %get3A_212 = arith.index_cast %get3A_211 : i32 to index
      %get3A_213 = arith.index_cast %mul3A_210 : i32 to index
      %get3A_214 = tpu.vector_load %arg7[%get3A_212, %get3A_213] {strides = array<i32>} : memref<9x1568xi32, #tpu.memory_space<vmem>>, vector<16xi32>,
      %mul3A_215 = arith.constant 16 : i32
      %mul3A_216 = arith.muli %scan3A_179, %mul3A_215 : i32
      %get3A_217 = arith.constant 6 : i32
      %get3A_218 = arith.index_cast %get3A_217 : i32 to index
      %get3A_219 = arith.index_cast %mul3A_216 : i32 to index
      %get3A_220 = tpu.vector_load %arg7[%get3A_218, %get3A_219] {strides = array<i32>} : memref<9x1568xi32, #tpu.memory_space<vmem>>, vector<16xi32>,
      %mul3A_221 = arith.constant 16 : i32
      %mul3A_222 = arith.muli %scan3A_179, %mul3A_221 : i32
      %get3A_223 = arith.constant 7 : i32
      %get3A_224 = arith.index_cast %get3A_223 : i32 to index
      %get3A_225 = arith.index_cast %mul3A_222 : i32 to index
      %get3A_226 = tpu.vector_load %arg7[%get3A_224, %get3A_225] {strides = array<i32>} : memref<9x1568xi32, #tpu.memory_space<vmem>>, vector<16xi32>,
      %mul3A_227 = arith.constant 16 : i32
      %mul3A_228 = arith.muli %scan3A_179, %mul3A_227 : i32
      %get3A_229 = arith.constant 8 : i32
      %get3A_230 = arith.index_cast %get3A_229 : i32 to index
      %get3A_231 = arith.index_cast %mul3A_228 : i32 to index
      %get3A_232 = tpu.vector_load %arg7[%get3A_230, %get3A_231] {strides = array<i32>} : memref<9x1568xi32, #tpu.memory_space<vmem>>, vector<16xi32>,
      %get3A_233 = arith.constant 0 : i32
      %get3A_234 = arith.index_cast %get3A_233 : i32 to index
      %get3A_235 = arith.constant 0 : index
      %get3A_236 = tpu.vector_load %arg9[%get3A_234, %get3A_235] {strides = array<i32>} : memref<8x16xf32, #tpu.memory_space<vmem>>, vector<16xf32>,
      %add3A_237 = arith.constant 0 : i32
      %add3A_238 = vector.broadcast %add3A_237 : i32 to vector<16xi32>
      %add3A_239 = arith.addi %get3A_184, %add3A_238 : vector<16xi32>
      %gather3A = tpu.vector_load_idx %arg6[%add3A_239] : memref<74304xf32, #tpu.memory_space<vmem>>[vector<16xi32>], vector<16xf32>,
      %add3A_240 = arith.addf %get3A_236, %gather3A : vector<16xf32>
      %add3A_241 = arith.constant 1032 : i32
      %add3A_242 = vector.broadcast %add3A_241 : i32 to vector<16xi32>
      %add3A_243 = arith.addi %get3A_190, %add3A_242 : vector<16xi32>
      %gather3A_244 = tpu.vector_load_idx %arg6[%add3A_243] : memref<74304xf32, #tpu.memory_space<vmem>>[vector<16xi32>], vector<16xf32>,
      %add3A_245 = arith.addf %add3A_240, %gather3A_244 : vector<16xf32>
      %add3A_246 = arith.constant 2064 : i32
      %add3A_247 = vector.broadcast %add3A_246 : i32 to vector<16xi32>
      %add3A_248 = arith.addi %get3A_196, %add3A_247 : vector<16xi32>
      %gather3A_249 = tpu.vector_load_idx %arg6[%add3A_248] : memref<74304xf32, #tpu.memory_space<vmem>>[vector<16xi32>], vector<16xf32>,
      %add3A_250 = arith.addf %add3A_245, %gather3A_249 : vector<16xf32>
      %add3A_251 = arith.constant 3096 : i32
      %add3A_252 = vector.broadcast %add3A_251 : i32 to vector<16xi32>
      %add3A_253 = arith.addi %get3A_202, %add3A_252 : vector<16xi32>
      %gather3A_254 = tpu.vector_load_idx %arg6[%add3A_253] : memref<74304xf32, #tpu.memory_space<vmem>>[vector<16xi32>], vector<16xf32>,
      %add3A_255 = arith.addf %add3A_250, %gather3A_254 : vector<16xf32>
      %add3A_256 = arith.constant 4128 : i32
      %add3A_257 = vector.broadcast %add3A_256 : i32 to vector<16xi32>
      %add3A_258 = arith.addi %get3A_208, %add3A_257 : vector<16xi32>
      %gather3A_259 = tpu.vector_load_idx %arg6[%add3A_258] : memref<74304xf32, #tpu.memory_space<vmem>>[vector<16xi32>], vector<16xf32>,
      %add3A_260 = arith.addf %add3A_255, %gather3A_259 : vector<16xf32>
      %add3A_261 = arith.constant 5160 : i32
      %add3A_262 = vector.broadcast %add3A_261 : i32 to vector<16xi32>
      %add3A_263 = arith.addi %get3A_214, %add3A_262 : vector<16xi32>
      %gather3A_264 = tpu.vector_load_idx %arg6[%add3A_263] : memref<74304xf32, #tpu.memory_space<vmem>>[vector<16xi32>], vector<16xf32>,
      %add3A_265 = arith.addf %add3A_260, %gather3A_264 : vector<16xf32>
      %add3A_266 = arith.constant 6192 : i32
      %add3A_267 = vector.broadcast %add3A_266 : i32 to vector<16xi32>
      %add3A_268 = arith.addi %get3A_220, %add3A_267 : vector<16xi32>
      %gather3A_269 = tpu.vector_load_idx %arg6[%add3A_268] : memref<74304xf32, #tpu.memory_space<vmem>>[vector<16xi32>], vector<16xf32>,
      %add3A_270 = arith.addf %add3A_265, %gather3A_269 : vector<16xf32>
      %add3A_271 = arith.constant 7224 : i32
      %add3A_272 = vector.broadcast %add3A_271 : i32 to vector<16xi32>
      %add3A_273 = arith.addi %get3A_226, %add3A_272 : vector<16xi32>
      %gather3A_274 = tpu.vector_load_idx %arg6[%add3A_273] : memref<74304xf32, #tpu.memory_space<vmem>>[vector<16xi32>], vector<16xf32>,
      %add3A_275 = arith.addf %add3A_270, %gather3A_274 : vector<16xf32>
      %add3A_276 = arith.constant 8256 : i32
      %add3A_277 = vector.broadcast %add3A_276 : i32 to vector<16xi32>
      %add3A_278 = arith.addi %get3A_232, %add3A_277 : vector<16xi32>
      %gather3A_279 = tpu.vector_load_idx %arg6[%add3A_278] : memref<74304xf32, #tpu.memory_space<vmem>>[vector<16xi32>], vector<16xf32>,
      %add3A_280 = arith.addf %add3A_275, %gather3A_279 : vector<16xf32>
      %max3A = arith.constant 0.000000e+00 : f32
      %max3A_281 = vector.broadcast %max3A : f32 to vector<16xf32>
      %max3A_282 = arith.maximumf %add3A_280, %max3A_281 : vector<16xf32>
      %mul3A_283 = arith.constant 16 : i32
      %mul3A_284 = arith.muli %scan3A_179, %mul3A_283 : i32
      %add3A_285 = arith.constant 0 : i32
      %add3A_286 = arith.addi %add3A_285, %mul3A_284 : i32
      %swap3A = arith.index_cast %add3A_286 : i32 to index
      %swap3A_287 = tpu.vector_load %arg8[%swap3A] {strides = array<i32>} : memref<12544xf32, #tpu.memory_space<vmem>>, vector<16xf32>,
      tpu.vector_store %arg8[%swap3A], %max3A_282 {strides = array<i32>} : memref<12544xf32, #tpu.memory_space<vmem>>, vector<16xf32>,
      %get3A_288 = arith.constant 1 : i32
      %get3A_289 = arith.index_cast %get3A_288 : i32 to index
      %get3A_290 = arith.constant 0 : index
      %get3A_291 = tpu.vector_load %arg9[%get3A_289, %get3A_290] {strides = array<i32>} : memref<8x16xf32, #tpu.memory_space<vmem>>, vector<16xf32>,
      %add3A_292 = arith.constant 9288 : i32
      %add3A_293 = vector.broadcast %add3A_292 : i32 to vector<16xi32>
      %add3A_294 = arith.addi %get3A_184, %add3A_293 : vector<16xi32>
      %gather3A_295 = tpu.vector_load_idx %arg6[%add3A_294] : memref<74304xf32, #tpu.memory_space<vmem>>[vector<16xi32>], vector<16xf32>,
      %add3A_296 = arith.addf %get3A_291, %gather3A_295 : vector<16xf32>
      %add3A_297 = arith.constant 10320 : i32
      %add3A_298 = vector.broadcast %add3A_297 : i32 to vector<16xi32>
      %add3A_299 = arith.addi %get3A_190, %add3A_298 : vector<16xi32>
      %gather3A_300 = tpu.vector_load_idx %arg6[%add3A_299] : memref<74304xf32, #tpu.memory_space<vmem>>[vector<16xi32>], vector<16xf32>,
      %add3A_301 = arith.addf %add3A_296, %gather3A_300 : vector<16xf32>
      %add3A_302 = arith.constant 11352 : i32
      %add3A_303 = vector.broadcast %add3A_302 : i32 to vector<16xi32>
      %add3A_304 = arith.addi %get3A_196, %add3A_303 : vector<16xi32>
      %gather3A_305 = tpu.vector_load_idx %arg6[%add3A_304] : memref<74304xf32, #tpu.memory_space<vmem>>[vector<16xi32>], vector<16xf32>,
      %add3A_306 = arith.addf %add3A_301, %gather3A_305 : vector<16xf32>
      %add3A_307 = arith.constant 12384 : i32
      %add3A_308 = vector.broadcast %add3A_307 : i32 to vector<16xi32>
      %add3A_309 = arith.addi %get3A_202, %add3A_308 : vector<16xi32>
      %gather3A_310 = tpu.vector_load_idx %arg6[%add3A_309] : memref<74304xf32, #tpu.memory_space<vmem>>[vector<16xi32>], vector<16xf32>,
      %add3A_311 = arith.addf %add3A_306, %gather3A_310 : vector<16xf32>
      %add3A_312 = arith.constant 13416 : i32
      %add3A_313 = vector.broadcast %add3A_312 : i32 to vector<16xi32>
      %add3A_314 = arith.addi %get3A_208, %add3A_313 : vector<16xi32>
      %gather3A_315 = tpu.vector_load_idx %arg6[%add3A_314] : memref<74304xf32, #tpu.memory_space<vmem>>[vector<16xi32>], vector<16xf32>,
      %add3A_316 = arith.addf %add3A_311, %gather3A_315 : vector<16xf32>
      %add3A_317 = arith.constant 14448 : i32
      %add3A_318 = vector.broadcast %add3A_317 : i32 to vector<16xi32>
      %add3A_319 = arith.addi %get3A_214, %add3A_318 : vector<16xi32>
      %gather3A_320 = tpu.vector_load_idx %arg6[%add3A_319] : memref<74304xf32, #tpu.memory_space<vmem>>[vector<16xi32>], vector<16xf32>,
      %add3A_321 = arith.addf %add3A_316, %gather3A_320 : vector<16xf32>
      %add3A_322 = arith.constant 15480 : i32
      %add3A_323 = vector.broadcast %add3A_322 : i32 to vector<16xi32>
      %add3A_324 = arith.addi %get3A_220, %add3A_323 : vector<16xi32>
      %gather3A_325 = tpu.vector_load_idx %arg6[%add3A_324] : memref<74304xf32, #tpu.memory_space<vmem>>[vector<16xi32>], vector<16xf32>,
      %add3A_326 = arith.addf %add3A_321, %gather3A_325 : vector<16xf32>
      %add3A_327 = arith.constant 16512 : i32
      %add3A_328 = vector.broadcast %add3A_327 : i32 to vector<16xi32>
      %add3A_329 = arith.addi %get3A_226, %add3A_328 : vector<16xi32>
      %gather3A_330 = tpu.vector_load_idx %arg6[%add3A_329] : memref<74304xf32, #tpu.memory_space<vmem>>[vector<16xi32>], vector<16xf32>,
      %add3A_331 = arith.addf %add3A_326, %gather3A_330 : vector<16xf32>
      %add3A_332 = arith.constant 17544 : i32
      %add3A_333 = vector.broadcast %add3A_332 : i32 to vector<16xi32>
      %add3A_334 = arith.addi %get3A_232, %add3A_333 : vector<16xi32>
      %gather3A_335 = tpu.vector_load_idx %arg6[%add3A_334] : memref<74304xf32, #tpu.memory_space<vmem>>[vector<16xi32>], vector<16xf32>,
      %add3A_336 = arith.addf %add3A_331, %gather3A_335 : vector<16xf32>
      %max3A_337 = arith.constant 0.000000e+00 : f32
      %max3A_338 = vector.broadcast %max3A_337 : f32 to vector<16xf32>
      %max3A_339 = arith.maximumf %add3A_336, %max3A_338 : vector<16xf32>
      %mul3A_340 = arith.constant 16 : i32
      %mul3A_341 = arith.muli %scan3A_179, %mul3A_340 : i32
      %add3A_342 = arith.constant 1568 : i32
      %add3A_343 = arith.addi %add3A_342, %mul3A_341 : i32
      %swap3A_344 = arith.index_cast %add3A_343 : i32 to index
      %swap3A_345 = tpu.vector_load %arg8[%swap3A_344] {strides = array<i32>} : memref<12544xf32, #tpu.memory_space<vmem>>, vector<16xf32>,
      tpu.vector_store %arg8[%swap3A_344], %max3A_339 {strides = array<i32>} : memref<12544xf32, #tpu.memory_space<vmem>>, vector<16xf32>,
      %get3A_346 = arith.constant 2 : i32
      %get3A_347 = arith.index_cast %get3A_346 : i32 to index
      %get3A_348 = arith.constant 0 : index
      %get3A_349 = tpu.vector_load %arg9[%get3A_347, %get3A_348] {strides = array<i32>} : memref<8x16xf32, #tpu.memory_space<vmem>>, vector<16xf32>,
      %add3A_350 = arith.constant 18576 : i32
      %add3A_351 = vector.broadcast %add3A_350 : i32 to vector<16xi32>
      %add3A_352 = arith.addi %get3A_184, %add3A_351 : vector<16xi32>
      %gather3A_353 = tpu.vector_load_idx %arg6[%add3A_352] : memref<74304xf32, #tpu.memory_space<vmem>>[vector<16xi32>], vector<16xf32>,
      %add3A_354 = arith.addf %get3A_349, %gather3A_353 : vector<16xf32>
      %add3A_355 = arith.constant 19608 : i32
      %add3A_356 = vector.broadcast %add3A_355 : i32 to vector<16xi32>
      %add3A_357 = arith.addi %get3A_190, %add3A_356 : vector<16xi32>
      %gather3A_358 = tpu.vector_load_idx %arg6[%add3A_357] : memref<74304xf32, #tpu.memory_space<vmem>>[vector<16xi32>], vector<16xf32>,
      %add3A_359 = arith.addf %add3A_354, %gather3A_358 : vector<16xf32>
      %add3A_360 = arith.constant 20640 : i32
      %add3A_361 = vector.broadcast %add3A_360 : i32 to vector<16xi32>
      %add3A_362 = arith.addi %get3A_196, %add3A_361 : vector<16xi32>
      %gather3A_363 = tpu.vector_load_idx %arg6[%add3A_362] : memref<74304xf32, #tpu.memory_space<vmem>>[vector<16xi32>], vector<16xf32>,
      %add3A_364 = arith.addf %add3A_359, %gather3A_363 : vector<16xf32>
      %add3A_365 = arith.constant 21672 : i32
      %add3A_366 = vector.broadcast %add3A_365 : i32 to vector<16xi32>
      %add3A_367 = arith.addi %get3A_202, %add3A_366 : vector<16xi32>
      %gather3A_368 = tpu.vector_load_idx %arg6[%add3A_367] : memref<74304xf32, #tpu.memory_space<vmem>>[vector<16xi32>], vector<16xf32>,
      %add3A_369 = arith.addf %add3A_364, %gather3A_368 : vector<16xf32>
      %add3A_370 = arith.constant 22704 : i32
      %add3A_371 = vector.broadcast %add3A_370 : i32 to vector<16xi32>
      %add3A_372 = arith.addi %get3A_208, %add3A_371 : vector<16xi32>
      %gather3A_373 = tpu.vector_load_idx %arg6[%add3A_372] : memref<74304xf32, #tpu.memory_space<vmem>>[vector<16xi32>], vector<16xf32>,
      %add3A_374 = arith.addf %add3A_369, %gather3A_373 : vector<16xf32>
      %add3A_375 = arith.constant 23736 : i32
      %add3A_376 = vector.broadcast %add3A_375 : i32 to vector<16xi32>
      %add3A_377 = arith.addi %get3A_214, %add3A_376 : vector<16xi32>
      %gather3A_378 = tpu.vector_load_idx %arg6[%add3A_377] : memref<74304xf32, #tpu.memory_space<vmem>>[vector<16xi32>], vector<16xf32>,
      %add3A_379 = arith.addf %add3A_374, %gather3A_378 : vector<16xf32>
      %add3A_380 = arith.constant 24768 : i32
      %add3A_381 = vector.broadcast %add3A_380 : i32 to vector<16xi32>
      %add3A_382 = arith.addi %get3A_220, %add3A_381 : vector<16xi32>
      %gather3A_383 = tpu.vector_load_idx %arg6[%add3A_382] : memref<74304xf32, #tpu.memory_space<vmem>>[vector<16xi32>], vector<16xf32>,
      %add3A_384 = arith.addf %add3A_379, %gather3A_383 : vector<16xf32>
      %add3A_385 = arith.constant 25800 : i32
      %add3A_386 = vector.broadcast %add3A_385 : i32 to vector<16xi32>
      %add3A_387 = arith.addi %get3A_226, %add3A_386 : vector<16xi32>
      %gather3A_388 = tpu.vector_load_idx %arg6[%add3A_387] : memref<74304xf32, #tpu.memory_space<vmem>>[vector<16xi32>], vector<16xf32>,
      %add3A_389 = arith.addf %add3A_384, %gather3A_388 : vector<16xf32>
      %add3A_390 = arith.constant 26832 : i32
      %add3A_391 = vector.broadcast %add3A_390 : i32 to vector<16xi32>
      %add3A_392 = arith.addi %get3A_232, %add3A_391 : vector<16xi32>
      %gather3A_393 = tpu.vector_load_idx %arg6[%add3A_392] : memref<74304xf32, #tpu.memory_space<vmem>>[vector<16xi32>], vector<16xf32>,
      %add3A_394 = arith.addf %add3A_389, %gather3A_393 : vector<16xf32>
      %max3A_395 = arith.constant 0.000000e+00 : f32
      %max3A_396 = vector.broadcast %max3A_395 : f32 to vector<16xf32>
      %max3A_397 = arith.maximumf %add3A_394, %max3A_396 : vector<16xf32>
      %mul3A_398 = arith.constant 16 : i32
      %mul3A_399 = arith.muli %scan3A_179, %mul3A_398 : i32
      %add3A_400 = arith.constant 3136 : i32
      %add3A_401 = arith.addi %add3A_400, %mul3A_399 : i32
      %swap3A_402 = arith.index_cast %add3A_401 : i32 to index
      %swap3A_403 = tpu.vector_load %arg8[%swap3A_402] {strides = array<i32>} : memref<12544xf32, #tpu.memory_space<vmem>>, vector<16xf32>,
      tpu.vector_store %arg8[%swap3A_402], %max3A_397 {strides = array<i32>} : memref<12544xf32, #tpu.memory_space<vmem>>, vector<16xf32>,
      %get3A_404 = arith.constant 3 : i32
      %get3A_405 = arith.index_cast %get3A_404 : i32 to index
      %get3A_406 = arith.constant 0 : index
      %get3A_407 = tpu.vector_load %arg9[%get3A_405, %get3A_406] {strides = array<i32>} : memref<8x16xf32, #tpu.memory_space<vmem>>, vector<16xf32>,
      %add3A_408 = arith.constant 27864 : i32
      %add3A_409 = vector.broadcast %add3A_408 : i32 to vector<16xi32>
      %add3A_410 = arith.addi %get3A_184, %add3A_409 : vector<16xi32>
      %gather3A_411 = tpu.vector_load_idx %arg6[%add3A_410] : memref<74304xf32, #tpu.memory_space<vmem>>[vector<16xi32>], vector<16xf32>,
      %add3A_412 = arith.addf %get3A_407, %gather3A_411 : vector<16xf32>
      %add3A_413 = arith.constant 28896 : i32
      %add3A_414 = vector.broadcast %add3A_413 : i32 to vector<16xi32>
      %add3A_415 = arith.addi %get3A_190, %add3A_414 : vector<16xi32>
      %gather3A_416 = tpu.vector_load_idx %arg6[%add3A_415] : memref<74304xf32, #tpu.memory_space<vmem>>[vector<16xi32>], vector<16xf32>,
      %add3A_417 = arith.addf %add3A_412, %gather3A_416 : vector<16xf32>
      %add3A_418 = arith.constant 29928 : i32
      %add3A_419 = vector.broadcast %add3A_418 : i32 to vector<16xi32>
      %add3A_420 = arith.addi %get3A_196, %add3A_419 : vector<16xi32>
      %gather3A_421 = tpu.vector_load_idx %arg6[%add3A_420] : memref<74304xf32, #tpu.memory_space<vmem>>[vector<16xi32>], vector<16xf32>,
      %add3A_422 = arith.addf %add3A_417, %gather3A_421 : vector<16xf32>
      %add3A_423 = arith.constant 30960 : i32
      %add3A_424 = vector.broadcast %add3A_423 : i32 to vector<16xi32>
      %add3A_425 = arith.addi %get3A_202, %add3A_424 : vector<16xi32>
      %gather3A_426 = tpu.vector_load_idx %arg6[%add3A_425] : memref<74304xf32, #tpu.memory_space<vmem>>[vector<16xi32>], vector<16xf32>,
      %add3A_427 = arith.addf %add3A_422, %gather3A_426 : vector<16xf32>
      %add3A_428 = arith.constant 31992 : i32
      %add3A_429 = vector.broadcast %add3A_428 : i32 to vector<16xi32>
      %add3A_430 = arith.addi %get3A_208, %add3A_429 : vector<16xi32>
      %gather3A_431 = tpu.vector_load_idx %arg6[%add3A_430] : memref<74304xf32, #tpu.memory_space<vmem>>[vector<16xi32>], vector<16xf32>,
      %add3A_432 = arith.addf %add3A_427, %gather3A_431 : vector<16xf32>
      %add3A_433 = arith.constant 33024 : i32
      %add3A_434 = vector.broadcast %add3A_433 : i32 to vector<16xi32>
      %add3A_435 = arith.addi %get3A_214, %add3A_434 : vector<16xi32>
      %gather3A_436 = tpu.vector_load_idx %arg6[%add3A_435] : memref<74304xf32, #tpu.memory_space<vmem>>[vector<16xi32>], vector<16xf32>,
      %add3A_437 = arith.addf %add3A_432, %gather3A_436 : vector<16xf32>
      %add3A_438 = arith.constant 34056 : i32
      %add3A_439 = vector.broadcast %add3A_438 : i32 to vector<16xi32>
      %add3A_440 = arith.addi %get3A_220, %add3A_439 : vector<16xi32>
      %gather3A_441 = tpu.vector_load_idx %arg6[%add3A_440] : memref<74304xf32, #tpu.memory_space<vmem>>[vector<16xi32>], vector<16xf32>,
      %add3A_442 = arith.addf %add3A_437, %gather3A_441 : vector<16xf32>
      %add3A_443 = arith.constant 35088 : i32
      %add3A_444 = vector.broadcast %add3A_443 : i32 to vector<16xi32>
      %add3A_445 = arith.addi %get3A_226, %add3A_444 : vector<16xi32>
      %gather3A_446 = tpu.vector_load_idx %arg6[%add3A_445] : memref<74304xf32, #tpu.memory_space<vmem>>[vector<16xi32>], vector<16xf32>,
      %add3A_447 = arith.addf %add3A_442, %gather3A_446 : vector<16xf32>
      %add3A_448 = arith.constant 36120 : i32
      %add3A_449 = vector.broadcast %add3A_448 : i32 to vector<16xi32>
      %add3A_450 = arith.addi %get3A_232, %add3A_449 : vector<16xi32>
      %gather3A_451 = tpu.vector_load_idx %arg6[%add3A_450] : memref<74304xf32, #tpu.memory_space<vmem>>[vector<16xi32>], vector<16xf32>,
      %add3A_452 = arith.addf %add3A_447, %gather3A_451 : vector<16xf32>
      %max3A_453 = arith.constant 0.000000e+00 : f32
      %max3A_454 = vector.broadcast %max3A_453 : f32 to vector<16xf32>
      %max3A_455 = arith.maximumf %add3A_452, %max3A_454 : vector<16xf32>
      %mul3A_456 = arith.constant 16 : i32
      %mul3A_457 = arith.muli %scan3A_179, %mul3A_456 : i32
      %add3A_458 = arith.constant 4704 : i32
      %add3A_459 = arith.addi %add3A_458, %mul3A_457 : i32
      %swap3A_460 = arith.index_cast %add3A_459 : i32 to index
      %swap3A_461 = tpu.vector_load %arg8[%swap3A_460] {strides = array<i32>} : memref<12544xf32, #tpu.memory_space<vmem>>, vector<16xf32>,
      tpu.vector_store %arg8[%swap3A_460], %max3A_455 {strides = array<i32>} : memref<12544xf32, #tpu.memory_space<vmem>>, vector<16xf32>,
      %get3A_462 = arith.constant 4 : i32
      %get3A_463 = arith.index_cast %get3A_462 : i32 to index
      %get3A_464 = arith.constant 0 : index
      %get3A_465 = tpu.vector_load %arg9[%get3A_463, %get3A_464] {strides = array<i32>} : memref<8x16xf32, #tpu.memory_space<vmem>>, vector<16xf32>,
      %add3A_466 = arith.constant 37152 : i32
      %add3A_467 = vector.broadcast %add3A_466 : i32 to vector<16xi32>
      %add3A_468 = arith.addi %get3A_184, %add3A_467 : vector<16xi32>
      %gather3A_469 = tpu.vector_load_idx %arg6[%add3A_468] : memref<74304xf32, #tpu.memory_space<vmem>>[vector<16xi32>], vector<16xf32>,
      %add3A_470 = arith.addf %get3A_465, %gather3A_469 : vector<16xf32>
      %add3A_471 = arith.constant 38184 : i32
      %add3A_472 = vector.broadcast %add3A_471 : i32 to vector<16xi32>
      %add3A_473 = arith.addi %get3A_190, %add3A_472 : vector<16xi32>
      %gather3A_474 = tpu.vector_load_idx %arg6[%add3A_473] : memref<74304xf32, #tpu.memory_space<vmem>>[vector<16xi32>], vector<16xf32>,
      %add3A_475 = arith.addf %add3A_470, %gather3A_474 : vector<16xf32>
      %add3A_476 = arith.constant 39216 : i32
      %add3A_477 = vector.broadcast %add3A_476 : i32 to vector<16xi32>
      %add3A_478 = arith.addi %get3A_196, %add3A_477 : vector<16xi32>
      %gather3A_479 = tpu.vector_load_idx %arg6[%add3A_478] : memref<74304xf32, #tpu.memory_space<vmem>>[vector<16xi32>], vector<16xf32>,
      %add3A_480 = arith.addf %add3A_475, %gather3A_479 : vector<16xf32>
      %add3A_481 = arith.constant 40248 : i32
      %add3A_482 = vector.broadcast %add3A_481 : i32 to vector<16xi32>
      %add3A_483 = arith.addi %get3A_202, %add3A_482 : vector<16xi32>
      %gather3A_484 = tpu.vector_load_idx %arg6[%add3A_483] : memref<74304xf32, #tpu.memory_space<vmem>>[vector<16xi32>], vector<16xf32>,
      %add3A_485 = arith.addf %add3A_480, %gather3A_484 : vector<16xf32>
      %add3A_486 = arith.constant 41280 : i32
      %add3A_487 = vector.broadcast %add3A_486 : i32 to vector<16xi32>
      %add3A_488 = arith.addi %get3A_208, %add3A_487 : vector<16xi32>
      %gather3A_489 = tpu.vector_load_idx %arg6[%add3A_488] : memref<74304xf32, #tpu.memory_space<vmem>>[vector<16xi32>], vector<16xf32>,
      %add3A_490 = arith.addf %add3A_485, %gather3A_489 : vector<16xf32>
      %add3A_491 = arith.constant 42312 : i32
      %add3A_492 = vector.broadcast %add3A_491 : i32 to vector<16xi32>
      %add3A_493 = arith.addi %get3A_214, %add3A_492 : vector<16xi32>
      %gather3A_494 = tpu.vector_load_idx %arg6[%add3A_493] : memref<74304xf32, #tpu.memory_space<vmem>>[vector<16xi32>], vector<16xf32>,
      %add3A_495 = arith.addf %add3A_490, %gather3A_494 : vector<16xf32>
      %add3A_496 = arith.constant 43344 : i32
      %add3A_497 = vector.broadcast %add3A_496 : i32 to vector<16xi32>
      %add3A_498 = arith.addi %get3A_220, %add3A_497 : vector<16xi32>
      %gather3A_499 = tpu.vector_load_idx %arg6[%add3A_498] : memref<74304xf32, #tpu.memory_space<vmem>>[vector<16xi32>], vector<16xf32>,
      %add3A_500 = arith.addf %add3A_495, %gather3A_499 : vector<16xf32>
      %add3A_501 = arith.constant 44376 : i32
      %add3A_502 = vector.broadcast %add3A_501 : i32 to vector<16xi32>
      %add3A_503 = arith.addi %get3A_226, %add3A_502 : vector<16xi32>
      %gather3A_504 = tpu.vector_load_idx %arg6[%add3A_503] : memref<74304xf32, #tpu.memory_space<vmem>>[vector<16xi32>], vector<16xf32>,
      %add3A_505 = arith.addf %add3A_500, %gather3A_504 : vector<16xf32>
      %add3A_506 = arith.constant 45408 : i32
      %add3A_507 = vector.broadcast %add3A_506 : i32 to vector<16xi32>
      %add3A_508 = arith.addi %get3A_232, %add3A_507 : vector<16xi32>
      %gather3A_509 = tpu.vector_load_idx %arg6[%add3A_508] : memref<74304xf32, #tpu.memory_space<vmem>>[vector<16xi32>], vector<16xf32>,
      %add3A_510 = arith.addf %add3A_505, %gather3A_509 : vector<16xf32>
      %max3A_511 = arith.constant 0.000000e+00 : f32
      %max3A_512 = vector.broadcast %max3A_511 : f32 to vector<16xf32>
      %max3A_513 = arith.maximumf %add3A_510, %max3A_512 : vector<16xf32>
      %mul3A_514 = arith.constant 16 : i32
      %mul3A_515 = arith.muli %scan3A_179, %mul3A_514 : i32
      %add3A_516 = arith.constant 6272 : i32
      %add3A_517 = arith.addi %add3A_516, %mul3A_515 : i32
      %swap3A_518 = arith.index_cast %add3A_517 : i32 to index
      %swap3A_519 = tpu.vector_load %arg8[%swap3A_518] {strides = array<i32>} : memref<12544xf32, #tpu.memory_space<vmem>>, vector<16xf32>,
      tpu.vector_store %arg8[%swap3A_518], %max3A_513 {strides = array<i32>} : memref<12544xf32, #tpu.memory_space<vmem>>, vector<16xf32>,
      %get3A_520 = arith.constant 5 : i32
      %get3A_521 = arith.index_cast %get3A_520 : i32 to index
      %get3A_522 = arith.constant 0 : index
      %get3A_523 = tpu.vector_load %arg9[%get3A_521, %get3A_522] {strides = array<i32>} : memref<8x16xf32, #tpu.memory_space<vmem>>, vector<16xf32>,
      %add3A_524 = arith.constant 46440 : i32
      %add3A_525 = vector.broadcast %add3A_524 : i32 to vector<16xi32>
      %add3A_526 = arith.addi %get3A_184, %add3A_525 : vector<16xi32>
      %gather3A_527 = tpu.vector_load_idx %arg6[%add3A_526] : memref<74304xf32, #tpu.memory_space<vmem>>[vector<16xi32>], vector<16xf32>,
      %add3A_528 = arith.addf %get3A_523, %gather3A_527 : vector<16xf32>
      %add3A_529 = arith.constant 47472 : i32
      %add3A_530 = vector.broadcast %add3A_529 : i32 to vector<16xi32>
      %add3A_531 = arith.addi %get3A_190, %add3A_530 : vector<16xi32>
      %gather3A_532 = tpu.vector_load_idx %arg6[%add3A_531] : memref<74304xf32, #tpu.memory_space<vmem>>[vector<16xi32>], vector<16xf32>,
      %add3A_533 = arith.addf %add3A_528, %gather3A_532 : vector<16xf32>
      %add3A_534 = arith.constant 48504 : i32
      %add3A_535 = vector.broadcast %add3A_534 : i32 to vector<16xi32>
      %add3A_536 = arith.addi %get3A_196, %add3A_535 : vector<16xi32>
      %gather3A_537 = tpu.vector_load_idx %arg6[%add3A_536] : memref<74304xf32, #tpu.memory_space<vmem>>[vector<16xi32>], vector<16xf32>,
      %add3A_538 = arith.addf %add3A_533, %gather3A_537 : vector<16xf32>
      %add3A_539 = arith.constant 49536 : i32
      %add3A_540 = vector.broadcast %add3A_539 : i32 to vector<16xi32>
      %add3A_541 = arith.addi %get3A_202, %add3A_540 : vector<16xi32>
      %gather3A_542 = tpu.vector_load_idx %arg6[%add3A_541] : memref<74304xf32, #tpu.memory_space<vmem>>[vector<16xi32>], vector<16xf32>,
      %add3A_543 = arith.addf %add3A_538, %gather3A_542 : vector<16xf32>
      %add3A_544 = arith.constant 50568 : i32
      %add3A_545 = vector.broadcast %add3A_544 : i32 to vector<16xi32>
      %add3A_546 = arith.addi %get3A_208, %add3A_545 : vector<16xi32>
      %gather3A_547 = tpu.vector_load_idx %arg6[%add3A_546] : memref<74304xf32, #tpu.memory_space<vmem>>[vector<16xi32>], vector<16xf32>,
      %add3A_548 = arith.addf %add3A_543, %gather3A_547 : vector<16xf32>
      %add3A_549 = arith.constant 51600 : i32
      %add3A_550 = vector.broadcast %add3A_549 : i32 to vector<16xi32>
      %add3A_551 = arith.addi %get3A_214, %add3A_550 : vector<16xi32>
      %gather3A_552 = tpu.vector_load_idx %arg6[%add3A_551] : memref<74304xf32, #tpu.memory_space<vmem>>[vector<16xi32>], vector<16xf32>,
      %add3A_553 = arith.addf %add3A_548, %gather3A_552 : vector<16xf32>
      %add3A_554 = arith.constant 52632 : i32
      %add3A_555 = vector.broadcast %add3A_554 : i32 to vector<16xi32>
      %add3A_556 = arith.addi %get3A_220, %add3A_555 : vector<16xi32>
      %gather3A_557 = tpu.vector_load_idx %arg6[%add3A_556] : memref<74304xf32, #tpu.memory_space<vmem>>[vector<16xi32>], vector<16xf32>,
      %add3A_558 = arith.addf %add3A_553, %gather3A_557 : vector<16xf32>
      %add3A_559 = arith.constant 53664 : i32
      %add3A_560 = vector.broadcast %add3A_559 : i32 to vector<16xi32>
      %add3A_561 = arith.addi %get3A_226, %add3A_560 : vector<16xi32>
      %gather3A_562 = tpu.vector_load_idx %arg6[%add3A_561] : memref<74304xf32, #tpu.memory_space<vmem>>[vector<16xi32>], vector<16xf32>,
      %add3A_563 = arith.addf %add3A_558, %gather3A_562 : vector<16xf32>
      %add3A_564 = arith.constant 54696 : i32
      %add3A_565 = vector.broadcast %add3A_564 : i32 to vector<16xi32>
      %add3A_566 = arith.addi %get3A_232, %add3A_565 : vector<16xi32>
      %gather3A_567 = tpu.vector_load_idx %arg6[%add3A_566] : memref<74304xf32, #tpu.memory_space<vmem>>[vector<16xi32>], vector<16xf32>,
      %add3A_568 = arith.addf %add3A_563, %gather3A_567 : vector<16xf32>
      %max3A_569 = arith.constant 0.000000e+00 : f32
      %max3A_570 = vector.broadcast %max3A_569 : f32 to vector<16xf32>
      %max3A_571 = arith.maximumf %add3A_568, %max3A_570 : vector<16xf32>
      %mul3A_572 = arith.constant 16 : i32
      %mul3A_573 = arith.muli %scan3A_179, %mul3A_572 : i32
      %add3A_574 = arith.constant 7840 : i32
      %add3A_575 = arith.addi %add3A_574, %mul3A_573 : i32
      %swap3A_576 = arith.index_cast %add3A_575 : i32 to index
      %swap3A_577 = tpu.vector_load %arg8[%swap3A_576] {strides = array<i32>} : memref<12544xf32, #tpu.memory_space<vmem>>, vector<16xf32>,
      tpu.vector_store %arg8[%swap3A_576], %max3A_571 {strides = array<i32>} : memref<12544xf32, #tpu.memory_space<vmem>>, vector<16xf32>,
      %get3A_578 = arith.constant 6 : i32
      %get3A_579 = arith.index_cast %get3A_578 : i32 to index
      %get3A_580 = arith.constant 0 : index
      %get3A_581 = tpu.vector_load %arg9[%get3A_579, %get3A_580] {strides = array<i32>} : memref<8x16xf32, #tpu.memory_space<vmem>>, vector<16xf32>,
      %add3A_582 = arith.constant 55728 : i32
      %add3A_583 = vector.broadcast %add3A_582 : i32 to vector<16xi32>
      %add3A_584 = arith.addi %get3A_184, %add3A_583 : vector<16xi32>
      %gather3A_585 = tpu.vector_load_idx %arg6[%add3A_584] : memref<74304xf32, #tpu.memory_space<vmem>>[vector<16xi32>], vector<16xf32>,
      %add3A_586 = arith.addf %get3A_581, %gather3A_585 : vector<16xf32>
      %add3A_587 = arith.constant 56760 : i32
      %add3A_588 = vector.broadcast %add3A_587 : i32 to vector<16xi32>
      %add3A_589 = arith.addi %get3A_190, %add3A_588 : vector<16xi32>
      %gather3A_590 = tpu.vector_load_idx %arg6[%add3A_589] : memref<74304xf32, #tpu.memory_space<vmem>>[vector<16xi32>], vector<16xf32>,
      %add3A_591 = arith.addf %add3A_586, %gather3A_590 : vector<16xf32>
      %add3A_592 = arith.constant 57792 : i32
      %add3A_593 = vector.broadcast %add3A_592 : i32 to vector<16xi32>
      %add3A_594 = arith.addi %get3A_196, %add3A_593 : vector<16xi32>
      %gather3A_595 = tpu.vector_load_idx %arg6[%add3A_594] : memref<74304xf32, #tpu.memory_space<vmem>>[vector<16xi32>], vector<16xf32>,
      %add3A_596 = arith.addf %add3A_591, %gather3A_595 : vector<16xf32>
      %add3A_597 = arith.constant 58824 : i32
      %add3A_598 = vector.broadcast %add3A_597 : i32 to vector<16xi32>
      %add3A_599 = arith.addi %get3A_202, %add3A_598 : vector<16xi32>
      %gather3A_600 = tpu.vector_load_idx %arg6[%add3A_599] : memref<74304xf32, #tpu.memory_space<vmem>>[vector<16xi32>], vector<16xf32>,
      %add3A_601 = arith.addf %add3A_596, %gather3A_600 : vector<16xf32>
      %add3A_602 = arith.constant 59856 : i32
      %add3A_603 = vector.broadcast %add3A_602 : i32 to vector<16xi32>
      %add3A_604 = arith.addi %get3A_208, %add3A_603 : vector<16xi32>
      %gather3A_605 = tpu.vector_load_idx %arg6[%add3A_604] : memref<74304xf32, #tpu.memory_space<vmem>>[vector<16xi32>], vector<16xf32>,
      %add3A_606 = arith.addf %add3A_601, %gather3A_605 : vector<16xf32>
      %add3A_607 = arith.constant 60888 : i32
      %add3A_608 = vector.broadcast %add3A_607 : i32 to vector<16xi32>
      %add3A_609 = arith.addi %get3A_214, %add3A_608 : vector<16xi32>
      %gather3A_610 = tpu.vector_load_idx %arg6[%add3A_609] : memref<74304xf32, #tpu.memory_space<vmem>>[vector<16xi32>], vector<16xf32>,
      %add3A_611 = arith.addf %add3A_606, %gather3A_610 : vector<16xf32>
      %add3A_612 = arith.constant 61920 : i32
      %add3A_613 = vector.broadcast %add3A_612 : i32 to vector<16xi32>
      %add3A_614 = arith.addi %get3A_220, %add3A_613 : vector<16xi32>
      %gather3A_615 = tpu.vector_load_idx %arg6[%add3A_614] : memref<74304xf32, #tpu.memory_space<vmem>>[vector<16xi32>], vector<16xf32>,
      %add3A_616 = arith.addf %add3A_611, %gather3A_615 : vector<16xf32>
      %add3A_617 = arith.constant 62952 : i32
      %add3A_618 = vector.broadcast %add3A_617 : i32 to vector<16xi32>
      %add3A_619 = arith.addi %get3A_226, %add3A_618 : vector<16xi32>
      %gather3A_620 = tpu.vector_load_idx %arg6[%add3A_619] : memref<74304xf32, #tpu.memory_space<vmem>>[vector<16xi32>], vector<16xf32>,
      %add3A_621 = arith.addf %add3A_616, %gather3A_620 : vector<16xf32>
      %add3A_622 = arith.constant 63984 : i32
      %add3A_623 = vector.broadcast %add3A_622 : i32 to vector<16xi32>
      %add3A_624 = arith.addi %get3A_232, %add3A_623 : vector<16xi32>
      %gather3A_625 = tpu.vector_load_idx %arg6[%add3A_624] : memref<74304xf32, #tpu.memory_space<vmem>>[vector<16xi32>], vector<16xf32>,
      %add3A_626 = arith.addf %add3A_621, %gather3A_625 : vector<16xf32>
      %max3A_627 = arith.constant 0.000000e+00 : f32
      %max3A_628 = vector.broadcast %max3A_627 : f32 to vector<16xf32>
      %max3A_629 = arith.maximumf %add3A_626, %max3A_628 : vector<16xf32>
      %mul3A_630 = arith.constant 16 : i32
      %mul3A_631 = arith.muli %scan3A_179, %mul3A_630 : i32
      %add3A_632 = arith.constant 9408 : i32
      %add3A_633 = arith.addi %add3A_632, %mul3A_631 : i32
      %swap3A_634 = arith.index_cast %add3A_633 : i32 to index
      %swap3A_635 = tpu.vector_load %arg8[%swap3A_634] {strides = array<i32>} : memref<12544xf32, #tpu.memory_space<vmem>>, vector<16xf32>,
      tpu.vector_store %arg8[%swap3A_634], %max3A_629 {strides = array<i32>} : memref<12544xf32, #tpu.memory_space<vmem>>, vector<16xf32>,
      %get3A_636 = arith.constant 7 : i32
      %get3A_637 = arith.index_cast %get3A_636 : i32 to index
      %get3A_638 = arith.constant 0 : index
      %get3A_639 = tpu.vector_load %arg9[%get3A_637, %get3A_638] {strides = array<i32>} : memref<8x16xf32, #tpu.memory_space<vmem>>, vector<16xf32>,
      %add3A_640 = arith.constant 65016 : i32
      %add3A_641 = vector.broadcast %add3A_640 : i32 to vector<16xi32>
      %add3A_642 = arith.addi %get3A_184, %add3A_641 : vector<16xi32>
      %gather3A_643 = tpu.vector_load_idx %arg6[%add3A_642] : memref<74304xf32, #tpu.memory_space<vmem>>[vector<16xi32>], vector<16xf32>,
      %add3A_644 = arith.addf %get3A_639, %gather3A_643 : vector<16xf32>
      %add3A_645 = arith.constant 66048 : i32
      %add3A_646 = vector.broadcast %add3A_645 : i32 to vector<16xi32>
      %add3A_647 = arith.addi %get3A_190, %add3A_646 : vector<16xi32>
      %gather3A_648 = tpu.vector_load_idx %arg6[%add3A_647] : memref<74304xf32, #tpu.memory_space<vmem>>[vector<16xi32>], vector<16xf32>,
      %add3A_649 = arith.addf %add3A_644, %gather3A_648 : vector<16xf32>
      %add3A_650 = arith.constant 67080 : i32
      %add3A_651 = vector.broadcast %add3A_650 : i32 to vector<16xi32>
      %add3A_652 = arith.addi %get3A_196, %add3A_651 : vector<16xi32>
      %gather3A_653 = tpu.vector_load_idx %arg6[%add3A_652] : memref<74304xf32, #tpu.memory_space<vmem>>[vector<16xi32>], vector<16xf32>,
      %add3A_654 = arith.addf %add3A_649, %gather3A_653 : vector<16xf32>
      %add3A_655 = arith.constant 68112 : i32
      %add3A_656 = vector.broadcast %add3A_655 : i32 to vector<16xi32>
      %add3A_657 = arith.addi %get3A_202, %add3A_656 : vector<16xi32>
      %gather3A_658 = tpu.vector_load_idx %arg6[%add3A_657] : memref<74304xf32, #tpu.memory_space<vmem>>[vector<16xi32>], vector<16xf32>,
      %add3A_659 = arith.addf %add3A_654, %gather3A_658 : vector<16xf32>
      %add3A_660 = arith.constant 69144 : i32
      %add3A_661 = vector.broadcast %add3A_660 : i32 to vector<16xi32>
      %add3A_662 = arith.addi %get3A_208, %add3A_661 : vector<16xi32>
      %gather3A_663 = tpu.vector_load_idx %arg6[%add3A_662] : memref<74304xf32, #tpu.memory_space<vmem>>[vector<16xi32>], vector<16xf32>,
      %add3A_664 = arith.addf %add3A_659, %gather3A_663 : vector<16xf32>
      %add3A_665 = arith.constant 70176 : i32
      %add3A_666 = vector.broadcast %add3A_665 : i32 to vector<16xi32>
      %add3A_667 = arith.addi %get3A_214, %add3A_666 : vector<16xi32>
      %gather3A_668 = tpu.vector_load_idx %arg6[%add3A_667] : memref<74304xf32, #tpu.memory_space<vmem>>[vector<16xi32>], vector<16xf32>,
      %add3A_669 = arith.addf %add3A_664, %gather3A_668 : vector<16xf32>
      %add3A_670 = arith.constant 71208 : i32
      %add3A_671 = vector.broadcast %add3A_670 : i32 to vector<16xi32>
      %add3A_672 = arith.addi %get3A_220, %add3A_671 : vector<16xi32>
      %gather3A_673 = tpu.vector_load_idx %arg6[%add3A_672] : memref<74304xf32, #tpu.memory_space<vmem>>[vector<16xi32>], vector<16xf32>,
      %add3A_674 = arith.addf %add3A_669, %gather3A_673 : vector<16xf32>
      %add3A_675 = arith.constant 72240 : i32
      %add3A_676 = vector.broadcast %add3A_675 : i32 to vector<16xi32>
      %add3A_677 = arith.addi %get3A_226, %add3A_676 : vector<16xi32>
      %gather3A_678 = tpu.vector_load_idx %arg6[%add3A_677] : memref<74304xf32, #tpu.memory_space<vmem>>[vector<16xi32>], vector<16xf32>,
      %add3A_679 = arith.addf %add3A_674, %gather3A_678 : vector<16xf32>
      %add3A_680 = arith.constant 73272 : i32
      %add3A_681 = vector.broadcast %add3A_680 : i32 to vector<16xi32>
      %add3A_682 = arith.addi %get3A_232, %add3A_681 : vector<16xi32>
      %gather3A_683 = tpu.vector_load_idx %arg6[%add3A_682] : memref<74304xf32, #tpu.memory_space<vmem>>[vector<16xi32>], vector<16xf32>,
      %add3A_684 = arith.addf %add3A_679, %gather3A_683 : vector<16xf32>
      %max3A_685 = arith.constant 0.000000e+00 : f32
      %max3A_686 = vector.broadcast %max3A_685 : f32 to vector<16xf32>
      %max3A_687 = arith.maximumf %add3A_684, %max3A_686 : vector<16xf32>
      %mul3A_688 = arith.constant 16 : i32
      %mul3A_689 = arith.muli %scan3A_179, %mul3A_688 : i32
      %add3A_690 = arith.constant 10976 : i32
      %add3A_691 = arith.addi %add3A_690, %mul3A_689 : i32
      %swap3A_692 = arith.index_cast %add3A_691 : i32 to index
      %swap3A_693 = tpu.vector_load %arg8[%swap3A_692] {strides = array<i32>} : memref<12544xf32, #tpu.memory_space<vmem>>, vector<16xf32>,
      tpu.vector_store %arg8[%swap3A_692], %max3A_687 {strides = array<i32>} : memref<12544xf32, #tpu.memory_space<vmem>>, vector<16xf32>,
    }
    %scan3A_21 = arith.constant 98 : i32
    %jit3A_22 = arith.constant 16 : i32
    %eq3A = arith.constant 0 : i32
    %eq3A_23 = arith.cmpi eq, %jit3A_22, %eq3A : i32
    %jit3A_24 = arith.constant 1 : i32
    %select_n3A_25 = arith.select %eq3A_23, %jit3A_24, %jit3A_22 : i32
    %rem3A_26 = arith.remsi %add3A, %select_n3A_25 : i32
    %ne3A_27 = arith.constant 0 : i32
    %ne3A_28 = arith.cmpi ne, %rem3A_26, %ne3A_27 : i32
    %lt3A = arith.constant 0 : i32
    %lt3A_29 = arith.cmpi slt, %rem3A_26, %lt3A : i32
    %lt3A_30 = arith.constant 0 : i32
    %lt3A_31 = arith.cmpi slt, %select_n3A_25, %lt3A_30 : i32
    %ne3A_32 = arith.xori %lt3A_29, %lt3A_31 : i1
    %and3A_33 = arith.andi %ne3A_32, %ne3A_28 : i1
    %add3A_34 = arith.addi %rem3A_26, %select_n3A_25 : i32
    %select_n3A_35 = arith.select %and3A_33, %add3A_34, %rem3A_26 : i32
    %mul3A_36 = arith.constant 3136 : i32
    %mul3A_37 = arith.muli %select_n3A_35, %mul3A_36 : i32
    %add3A_38 = arith.constant 0 : i32
    %add3A_39 = arith.addi %mul3A_37, %add3A_38 : i32
    %mul3A_40 = arith.constant 8 : i32
    %mul3A_41 = arith.muli %select_n3A, %mul3A_40 : i32
    %add3A_42 = arith.constant 0 : i32
    %add3A_43 = arith.addi %mul3A_41, %add3A_42 : i32
    %mul3A_44 = arith.constant 50176 : i32
    %mul3A_45 = arith.muli %add3A_43, %mul3A_44 : i32
    %add3A_46 = arith.addi %mul3A_45, %add3A_39 : i32
    "tpu.region"() ({
      %run_scoped3A_179 = tpu.sem_alloc : memref<!tpu.dma_semaphore, #tpu.memory_space<semaphore_mem>>
      %dma_start3A = arith.constant 0 : i32
      %dma_start3A_180 = tpu.memref_slice %arg8[%dma_start3A] : memref<12544xf32, #tpu.memory_space<vmem>> -> memref<1568xf32, #tpu.memory_space<vmem>>
      %dma_start3A_181 = tpu.memref_slice %arg5[%add3A_46] : memref<802816xf32, #tpu.memory_space<hbm>> -> memref<1568xf32, #tpu.memory_space<hbm>>
      %dma_start3A_182 = tpu.memref_slice %arg5[%add3A_46] : memref<802816xf32, #tpu.memory_space<hbm>> -> memref<1568xf32, #tpu.memory_space<hbm>>
      %dma_start3A_183 = arith.constant 0 : i32
      %dma_start3A_184 = tpu.memref_slice %arg8[%dma_start3A_183] : memref<12544xf32, #tpu.memory_space<vmem>> -> memref<1568xf32, #tpu.memory_space<vmem>>
      tpu.enqueue_dma source(%dma_start3A_184 : memref<1568xf32, #tpu.memory_space<vmem>>) target(%dma_start3A_182 : memref<1568xf32, #tpu.memory_space<hbm>>) target_semaphore(%run_scoped3A_179 : memref<!tpu.dma_semaphore, #tpu.memory_space<semaphore_mem>>)
      %dma_wait3A = arith.constant 0 : i32
      %dma_wait3A_185 = tpu.memref_slice %arg8[%dma_wait3A] : memref<12544xf32, #tpu.memory_space<vmem>> -> memref<1568xf32, #tpu.memory_space<vmem>>
      %dma_wait3A_186 = tpu.memref_slice %arg5[%add3A_46] : memref<802816xf32, #tpu.memory_space<hbm>> -> memref<1568xf32, #tpu.memory_space<hbm>>
      %dma_wait3A_187 = tpu.memref_slice %arg5[%add3A_46] : memref<802816xf32, #tpu.memory_space<hbm>> -> memref<1568xf32, #tpu.memory_space<hbm>>
      %dma_wait3A_188 = arith.constant 0 : i32
      %dma_wait3A_189 = tpu.memref_slice %arg8[%dma_wait3A_188] : memref<12544xf32, #tpu.memory_space<vmem>> -> memref<1568xf32, #tpu.memory_space<vmem>>
      tpu.wait_dma2 semaphore(%run_scoped3A_179 : memref<!tpu.dma_semaphore, #tpu.memory_space<semaphore_mem>>) src(%dma_wait3A_189 : memref<1568xf32, #tpu.memory_space<vmem>>) dst(%dma_wait3A_187 : memref<1568xf32, #tpu.memory_space<hbm>>)
      tpu.yield
    }) : () -> ()
    %mul3A_47 = arith.constant 8 : i32
    %mul3A_48 = arith.muli %select_n3A, %mul3A_47 : i32
    %add3A_49 = arith.constant 1 : i32
    %add3A_50 = arith.addi %mul3A_48, %add3A_49 : i32
    %mul3A_51 = arith.constant 50176 : i32
    %mul3A_52 = arith.muli %add3A_50, %mul3A_51 : i32
    %add3A_53 = arith.addi %mul3A_52, %add3A_39 : i32
    "tpu.region"() ({
      %run_scoped3A_179 = tpu.sem_alloc : memref<!tpu.dma_semaphore, #tpu.memory_space<semaphore_mem>>
      %dma_start3A = arith.constant 1568 : i32
      %dma_start3A_180 = tpu.memref_slice %arg8[%dma_start3A] : memref<12544xf32, #tpu.memory_space<vmem>> -> memref<1568xf32, #tpu.memory_space<vmem>>
      %dma_start3A_181 = tpu.memref_slice %arg5[%add3A_53] : memref<802816xf32, #tpu.memory_space<hbm>> -> memref<1568xf32, #tpu.memory_space<hbm>>
      %dma_start3A_182 = tpu.memref_slice %arg5[%add3A_53] : memref<802816xf32, #tpu.memory_space<hbm>> -> memref<1568xf32, #tpu.memory_space<hbm>>
      %dma_start3A_183 = arith.constant 1568 : i32
      %dma_start3A_184 = tpu.memref_slice %arg8[%dma_start3A_183] : memref<12544xf32, #tpu.memory_space<vmem>> -> memref<1568xf32, #tpu.memory_space<vmem>>
      tpu.enqueue_dma source(%dma_start3A_184 : memref<1568xf32, #tpu.memory_space<vmem>>) target(%dma_start3A_182 : memref<1568xf32, #tpu.memory_space<hbm>>) target_semaphore(%run_scoped3A_179 : memref<!tpu.dma_semaphore, #tpu.memory_space<semaphore_mem>>)
      %dma_wait3A = arith.constant 1568 : i32
      %dma_wait3A_185 = tpu.memref_slice %arg8[%dma_wait3A] : memref<12544xf32, #tpu.memory_space<vmem>> -> memref<1568xf32, #tpu.memory_space<vmem>>
      %dma_wait3A_186 = tpu.memref_slice %arg5[%add3A_53] : memref<802816xf32, #tpu.memory_space<hbm>> -> memref<1568xf32, #tpu.memory_space<hbm>>
      %dma_wait3A_187 = tpu.memref_slice %arg5[%add3A_53] : memref<802816xf32, #tpu.memory_space<hbm>> -> memref<1568xf32, #tpu.memory_space<hbm>>
      %dma_wait3A_188 = arith.constant 1568 : i32
      %dma_wait3A_189 = tpu.memref_slice %arg8[%dma_wait3A_188] : memref<12544xf32, #tpu.memory_space<vmem>> -> memref<1568xf32, #tpu.memory_space<vmem>>
      tpu.wait_dma2 semaphore(%run_scoped3A_179 : memref<!tpu.dma_semaphore, #tpu.memory_space<semaphore_mem>>) src(%dma_wait3A_189 : memref<1568xf32, #tpu.memory_space<vmem>>) dst(%dma_wait3A_187 : memref<1568xf32, #tpu.memory_space<hbm>>)
      tpu.yield
    }) : () -> ()
    %mul3A_54 = arith.constant 8 : i32
    %mul3A_55 = arith.muli %select_n3A, %mul3A_54 : i32
    %add3A_56 = arith.constant 2 : i32
    %add3A_57 = arith.addi %mul3A_55, %add3A_56 : i32
    %mul3A_58 = arith.constant 50176 : i32
    %mul3A_59 = arith.muli %add3A_57, %mul3A_58 : i32
    %add3A_60 = arith.addi %mul3A_59, %add3A_39 : i32
    "tpu.region"() ({
      %run_scoped3A_179 = tpu.sem_alloc : memref<!tpu.dma_semaphore, #tpu.memory_space<semaphore_mem>>
      %dma_start3A = arith.constant 3136 : i32
      %dma_start3A_180 = tpu.memref_slice %arg8[%dma_start3A] : memref<12544xf32, #tpu.memory_space<vmem>> -> memref<1568xf32, #tpu.memory_space<vmem>>
      %dma_start3A_181 = tpu.memref_slice %arg5[%add3A_60] : memref<802816xf32, #tpu.memory_space<hbm>> -> memref<1568xf32, #tpu.memory_space<hbm>>
      %dma_start3A_182 = tpu.memref_slice %arg5[%add3A_60] : memref<802816xf32, #tpu.memory_space<hbm>> -> memref<1568xf32, #tpu.memory_space<hbm>>
      %dma_start3A_183 = arith.constant 3136 : i32
      %dma_start3A_184 = tpu.memref_slice %arg8[%dma_start3A_183] : memref<12544xf32, #tpu.memory_space<vmem>> -> memref<1568xf32, #tpu.memory_space<vmem>>
      tpu.enqueue_dma source(%dma_start3A_184 : memref<1568xf32, #tpu.memory_space<vmem>>) target(%dma_start3A_182 : memref<1568xf32, #tpu.memory_space<hbm>>) target_semaphore(%run_scoped3A_179 : memref<!tpu.dma_semaphore, #tpu.memory_space<semaphore_mem>>)
      %dma_wait3A = arith.constant 3136 : i32
      %dma_wait3A_185 = tpu.memref_slice %arg8[%dma_wait3A] : memref<12544xf32, #tpu.memory_space<vmem>> -> memref<1568xf32, #tpu.memory_space<vmem>>
      %dma_wait3A_186 = tpu.memref_slice %arg5[%add3A_60] : memref<802816xf32, #tpu.memory_space<hbm>> -> memref<1568xf32, #tpu.memory_space<hbm>>
      %dma_wait3A_187 = tpu.memref_slice %arg5[%add3A_60] : memref<802816xf32, #tpu.memory_space<hbm>> -> memref<1568xf32, #tpu.memory_space<hbm>>
      %dma_wait3A_188 = arith.constant 3136 : i32
      %dma_wait3A_189 = tpu.memref_slice %arg8[%dma_wait3A_188] : memref<12544xf32, #tpu.memory_space<vmem>> -> memref<1568xf32, #tpu.memory_space<vmem>>
      tpu.wait_dma2 semaphore(%run_scoped3A_179 : memref<!tpu.dma_semaphore, #tpu.memory_space<semaphore_mem>>) src(%dma_wait3A_189 : memref<1568xf32, #tpu.memory_space<vmem>>) dst(%dma_wait3A_187 : memref<1568xf32, #tpu.memory_space<hbm>>)
      tpu.yield
    }) : () -> ()
    %mul3A_61 = arith.constant 8 : i32
    %mul3A_62 = arith.muli %select_n3A, %mul3A_61 : i32
    %add3A_63 = arith.constant 3 : i32
    %add3A_64 = arith.addi %mul3A_62, %add3A_63 : i32
    %mul3A_65 = arith.constant 50176 : i32
    %mul3A_66 = arith.muli %add3A_64, %mul3A_65 : i32
    %add3A_67 = arith.addi %mul3A_66, %add3A_39 : i32
    "tpu.region"() ({
      %run_scoped3A_179 = tpu.sem_alloc : memref<!tpu.dma_semaphore, #tpu.memory_space<semaphore_mem>>
      %dma_start3A = arith.constant 4704 : i32
      %dma_start3A_180 = tpu.memref_slice %arg8[%dma_start3A] : memref<12544xf32, #tpu.memory_space<vmem>> -> memref<1568xf32, #tpu.memory_space<vmem>>
      %dma_start3A_181 = tpu.memref_slice %arg5[%add3A_67] : memref<802816xf32, #tpu.memory_space<hbm>> -> memref<1568xf32, #tpu.memory_space<hbm>>
      %dma_start3A_182 = tpu.memref_slice %arg5[%add3A_67] : memref<802816xf32, #tpu.memory_space<hbm>> -> memref<1568xf32, #tpu.memory_space<hbm>>
      %dma_start3A_183 = arith.constant 4704 : i32
      %dma_start3A_184 = tpu.memref_slice %arg8[%dma_start3A_183] : memref<12544xf32, #tpu.memory_space<vmem>> -> memref<1568xf32, #tpu.memory_space<vmem>>
      tpu.enqueue_dma source(%dma_start3A_184 : memref<1568xf32, #tpu.memory_space<vmem>>) target(%dma_start3A_182 : memref<1568xf32, #tpu.memory_space<hbm>>) target_semaphore(%run_scoped3A_179 : memref<!tpu.dma_semaphore, #tpu.memory_space<semaphore_mem>>)
      %dma_wait3A = arith.constant 4704 : i32
      %dma_wait3A_185 = tpu.memref_slice %arg8[%dma_wait3A] : memref<12544xf32, #tpu.memory_space<vmem>> -> memref<1568xf32, #tpu.memory_space<vmem>>
      %dma_wait3A_186 = tpu.memref_slice %arg5[%add3A_67] : memref<802816xf32, #tpu.memory_space<hbm>> -> memref<1568xf32, #tpu.memory_space<hbm>>
      %dma_wait3A_187 = tpu.memref_slice %arg5[%add3A_67] : memref<802816xf32, #tpu.memory_space<hbm>> -> memref<1568xf32, #tpu.memory_space<hbm>>
      %dma_wait3A_188 = arith.constant 4704 : i32
      %dma_wait3A_189 = tpu.memref_slice %arg8[%dma_wait3A_188] : memref<12544xf32, #tpu.memory_space<vmem>> -> memref<1568xf32, #tpu.memory_space<vmem>>
      tpu.wait_dma2 semaphore(%run_scoped3A_179 : memref<!tpu.dma_semaphore, #tpu.memory_space<semaphore_mem>>) src(%dma_wait3A_189 : memref<1568xf32, #tpu.memory_space<vmem>>) dst(%dma_wait3A_187 : memref<1568xf32, #tpu.memory_space<hbm>>)
      tpu.yield
    }) : () -> ()
    %mul3A_68 = arith.constant 8 : i32
    %mul3A_69 = arith.muli %select_n3A, %mul3A_68 : i32
    %add3A_70 = arith.constant 4 : i32
    %add3A_71 = arith.addi %mul3A_69, %add3A_70 : i32
    %mul3A_72 = arith.constant 50176 : i32
    %mul3A_73 = arith.muli %add3A_71, %mul3A_72 : i32
    %add3A_74 = arith.addi %mul3A_73, %add3A_39 : i32
    "tpu.region"() ({
      %run_scoped3A_179 = tpu.sem_alloc : memref<!tpu.dma_semaphore, #tpu.memory_space<semaphore_mem>>
      %dma_start3A = arith.constant 6272 : i32
      %dma_start3A_180 = tpu.memref_slice %arg8[%dma_start3A] : memref<12544xf32, #tpu.memory_space<vmem>> -> memref<1568xf32, #tpu.memory_space<vmem>>
      %dma_start3A_181 = tpu.memref_slice %arg5[%add3A_74] : memref<802816xf32, #tpu.memory_space<hbm>> -> memref<1568xf32, #tpu.memory_space<hbm>>
      %dma_start3A_182 = tpu.memref_slice %arg5[%add3A_74] : memref<802816xf32, #tpu.memory_space<hbm>> -> memref<1568xf32, #tpu.memory_space<hbm>>
      %dma_start3A_183 = arith.constant 6272 : i32
      %dma_start3A_184 = tpu.memref_slice %arg8[%dma_start3A_183] : memref<12544xf32, #tpu.memory_space<vmem>> -> memref<1568xf32, #tpu.memory_space<vmem>>
      tpu.enqueue_dma source(%dma_start3A_184 : memref<1568xf32, #tpu.memory_space<vmem>>) target(%dma_start3A_182 : memref<1568xf32, #tpu.memory_space<hbm>>) target_semaphore(%run_scoped3A_179 : memref<!tpu.dma_semaphore, #tpu.memory_space<semaphore_mem>>)
      %dma_wait3A = arith.constant 6272 : i32
      %dma_wait3A_185 = tpu.memref_slice %arg8[%dma_wait3A] : memref<12544xf32, #tpu.memory_space<vmem>> -> memref<1568xf32, #tpu.memory_space<vmem>>
      %dma_wait3A_186 = tpu.memref_slice %arg5[%add3A_74] : memref<802816xf32, #tpu.memory_space<hbm>> -> memref<1568xf32, #tpu.memory_space<hbm>>
      %dma_wait3A_187 = tpu.memref_slice %arg5[%add3A_74] : memref<802816xf32, #tpu.memory_space<hbm>> -> memref<1568xf32, #tpu.memory_space<hbm>>
      %dma_wait3A_188 = arith.constant 6272 : i32
      %dma_wait3A_189 = tpu.memref_slice %arg8[%dma_wait3A_188] : memref<12544xf32, #tpu.memory_space<vmem>> -> memref<1568xf32, #tpu.memory_space<vmem>>
      tpu.wait_dma2 semaphore(%run_scoped3A_179 : memref<!tpu.dma_semaphore, #tpu.memory_space<semaphore_mem>>) src(%dma_wait3A_189 : memref<1568xf32, #tpu.memory_space<vmem>>) dst(%dma_wait3A_187 : memref<1568xf32, #tpu.memory_space<hbm>>)
      tpu.yield
    }) : () -> ()
    %mul3A_75 = arith.constant 8 : i32
    %mul3A_76 = arith.muli %select_n3A, %mul3A_75 : i32
    %add3A_77 = arith.constant 5 : i32
    %add3A_78 = arith.addi %mul3A_76, %add3A_77 : i32
    %mul3A_79 = arith.constant 50176 : i32
    %mul3A_80 = arith.muli %add3A_78, %mul3A_79 : i32
    %add3A_81 = arith.addi %mul3A_80, %add3A_39 : i32
    "tpu.region"() ({
      %run_scoped3A_179 = tpu.sem_alloc : memref<!tpu.dma_semaphore, #tpu.memory_space<semaphore_mem>>
      %dma_start3A = arith.constant 7840 : i32
      %dma_start3A_180 = tpu.memref_slice %arg8[%dma_start3A] : memref<12544xf32, #tpu.memory_space<vmem>> -> memref<1568xf32, #tpu.memory_space<vmem>>
      %dma_start3A_181 = tpu.memref_slice %arg5[%add3A_81] : memref<802816xf32, #tpu.memory_space<hbm>> -> memref<1568xf32, #tpu.memory_space<hbm>>
      %dma_start3A_182 = tpu.memref_slice %arg5[%add3A_81] : memref<802816xf32, #tpu.memory_space<hbm>> -> memref<1568xf32, #tpu.memory_space<hbm>>
      %dma_start3A_183 = arith.constant 7840 : i32
      %dma_start3A_184 = tpu.memref_slice %arg8[%dma_start3A_183] : memref<12544xf32, #tpu.memory_space<vmem>> -> memref<1568xf32, #tpu.memory_space<vmem>>
      tpu.enqueue_dma source(%dma_start3A_184 : memref<1568xf32, #tpu.memory_space<vmem>>) target(%dma_start3A_182 : memref<1568xf32, #tpu.memory_space<hbm>>) target_semaphore(%run_scoped3A_179 : memref<!tpu.dma_semaphore, #tpu.memory_space<semaphore_mem>>)
      %dma_wait3A = arith.constant 7840 : i32
      %dma_wait3A_185 = tpu.memref_slice %arg8[%dma_wait3A] : memref<12544xf32, #tpu.memory_space<vmem>> -> memref<1568xf32, #tpu.memory_space<vmem>>
      %dma_wait3A_186 = tpu.memref_slice %arg5[%add3A_81] : memref<802816xf32, #tpu.memory_space<hbm>> -> memref<1568xf32, #tpu.memory_space<hbm>>
      %dma_wait3A_187 = tpu.memref_slice %arg5[%add3A_81] : memref<802816xf32, #tpu.memory_space<hbm>> -> memref<1568xf32, #tpu.memory_space<hbm>>
      %dma_wait3A_188 = arith.constant 7840 : i32
      %dma_wait3A_189 = tpu.memref_slice %arg8[%dma_wait3A_188] : memref<12544xf32, #tpu.memory_space<vmem>> -> memref<1568xf32, #tpu.memory_space<vmem>>
      tpu.wait_dma2 semaphore(%run_scoped3A_179 : memref<!tpu.dma_semaphore, #tpu.memory_space<semaphore_mem>>) src(%dma_wait3A_189 : memref<1568xf32, #tpu.memory_space<vmem>>) dst(%dma_wait3A_187 : memref<1568xf32, #tpu.memory_space<hbm>>)
      tpu.yield
    }) : () -> ()
    %mul3A_82 = arith.constant 8 : i32
    %mul3A_83 = arith.muli %select_n3A, %mul3A_82 : i32
    %add3A_84 = arith.constant 6 : i32
    %add3A_85 = arith.addi %mul3A_83, %add3A_84 : i32
    %mul3A_86 = arith.constant 50176 : i32
    %mul3A_87 = arith.muli %add3A_85, %mul3A_86 : i32
    %add3A_88 = arith.addi %mul3A_87, %add3A_39 : i32
    "tpu.region"() ({
      %run_scoped3A_179 = tpu.sem_alloc : memref<!tpu.dma_semaphore, #tpu.memory_space<semaphore_mem>>
      %dma_start3A = arith.constant 9408 : i32
      %dma_start3A_180 = tpu.memref_slice %arg8[%dma_start3A] : memref<12544xf32, #tpu.memory_space<vmem>> -> memref<1568xf32, #tpu.memory_space<vmem>>
      %dma_start3A_181 = tpu.memref_slice %arg5[%add3A_88] : memref<802816xf32, #tpu.memory_space<hbm>> -> memref<1568xf32, #tpu.memory_space<hbm>>
      %dma_start3A_182 = tpu.memref_slice %arg5[%add3A_88] : memref<802816xf32, #tpu.memory_space<hbm>> -> memref<1568xf32, #tpu.memory_space<hbm>>
      %dma_start3A_183 = arith.constant 9408 : i32
      %dma_start3A_184 = tpu.memref_slice %arg8[%dma_start3A_183] : memref<12544xf32, #tpu.memory_space<vmem>> -> memref<1568xf32, #tpu.memory_space<vmem>>
      tpu.enqueue_dma source(%dma_start3A_184 : memref<1568xf32, #tpu.memory_space<vmem>>) target(%dma_start3A_182 : memref<1568xf32, #tpu.memory_space<hbm>>) target_semaphore(%run_scoped3A_179 : memref<!tpu.dma_semaphore, #tpu.memory_space<semaphore_mem>>)
      %dma_wait3A = arith.constant 9408 : i32
      %dma_wait3A_185 = tpu.memref_slice %arg8[%dma_wait3A] : memref<12544xf32, #tpu.memory_space<vmem>> -> memref<1568xf32, #tpu.memory_space<vmem>>
      %dma_wait3A_186 = tpu.memref_slice %arg5[%add3A_88] : memref<802816xf32, #tpu.memory_space<hbm>> -> memref<1568xf32, #tpu.memory_space<hbm>>
      %dma_wait3A_187 = tpu.memref_slice %arg5[%add3A_88] : memref<802816xf32, #tpu.memory_space<hbm>> -> memref<1568xf32, #tpu.memory_space<hbm>>
      %dma_wait3A_188 = arith.constant 9408 : i32
      %dma_wait3A_189 = tpu.memref_slice %arg8[%dma_wait3A_188] : memref<12544xf32, #tpu.memory_space<vmem>> -> memref<1568xf32, #tpu.memory_space<vmem>>
      tpu.wait_dma2 semaphore(%run_scoped3A_179 : memref<!tpu.dma_semaphore, #tpu.memory_space<semaphore_mem>>) src(%dma_wait3A_189 : memref<1568xf32, #tpu.memory_space<vmem>>) dst(%dma_wait3A_187 : memref<1568xf32, #tpu.memory_space<hbm>>)
      tpu.yield
    }) : () -> ()
    %mul3A_89 = arith.constant 8 : i32
    %mul3A_90 = arith.muli %select_n3A, %mul3A_89 : i32
    %add3A_91 = arith.constant 7 : i32
    %add3A_92 = arith.addi %mul3A_90, %add3A_91 : i32
    %mul3A_93 = arith.constant 50176 : i32
    %mul3A_94 = arith.muli %add3A_92, %mul3A_93 : i32
    %add3A_95 = arith.addi %mul3A_94, %add3A_39 : i32
    "tpu.region"() ({
      %run_scoped3A_179 = tpu.sem_alloc : memref<!tpu.dma_semaphore, #tpu.memory_space<semaphore_mem>>
      %dma_start3A = arith.constant 10976 : i32
      %dma_start3A_180 = tpu.memref_slice %arg8[%dma_start3A] : memref<12544xf32, #tpu.memory_space<vmem>> -> memref<1568xf32, #tpu.memory_space<vmem>>
      %dma_start3A_181 = tpu.memref_slice %arg5[%add3A_95] : memref<802816xf32, #tpu.memory_space<hbm>> -> memref<1568xf32, #tpu.memory_space<hbm>>
      %dma_start3A_182 = tpu.memref_slice %arg5[%add3A_95] : memref<802816xf32, #tpu.memory_space<hbm>> -> memref<1568xf32, #tpu.memory_space<hbm>>
      %dma_start3A_183 = arith.constant 10976 : i32
      %dma_start3A_184 = tpu.memref_slice %arg8[%dma_start3A_183] : memref<12544xf32, #tpu.memory_space<vmem>> -> memref<1568xf32, #tpu.memory_space<vmem>>
      tpu.enqueue_dma source(%dma_start3A_184 : memref<1568xf32, #tpu.memory_space<vmem>>) target(%dma_start3A_182 : memref<1568xf32, #tpu.memory_space<hbm>>) target_semaphore(%run_scoped3A_179 : memref<!tpu.dma_semaphore, #tpu.memory_space<semaphore_mem>>)
      %dma_wait3A = arith.constant 10976 : i32
      %dma_wait3A_185 = tpu.memref_slice %arg8[%dma_wait3A] : memref<12544xf32, #tpu.memory_space<vmem>> -> memref<1568xf32, #tpu.memory_space<vmem>>
      %dma_wait3A_186 = tpu.memref_slice %arg5[%add3A_95] : memref<802816xf32, #tpu.memory_space<hbm>> -> memref<1568xf32, #tpu.memory_space<hbm>>
      %dma_wait3A_187 = tpu.memref_slice %arg5[%add3A_95] : memref<802816xf32, #tpu.memory_space<hbm>> -> memref<1568xf32, #tpu.memory_space<hbm>>
      %dma_wait3A_188 = arith.constant 10976 : i32
      %dma_wait3A_189 = tpu.memref_slice %arg8[%dma_wait3A_188] : memref<12544xf32, #tpu.memory_space<vmem>> -> memref<1568xf32, #tpu.memory_space<vmem>>
      tpu.wait_dma2 semaphore(%run_scoped3A_179 : memref<!tpu.dma_semaphore, #tpu.memory_space<semaphore_mem>>) src(%dma_wait3A_189 : memref<1568xf32, #tpu.memory_space<vmem>>) dst(%dma_wait3A_187 : memref<1568xf32, #tpu.memory_space<hbm>>)
      tpu.yield
    }) : () -> ()
    %run_scoped3A_96 = arith.constant 1 : i32
    "tpu.region"() ({
      %run_scoped3A_179 = tpu.sem_alloc : memref<!tpu.dma_semaphore, #tpu.memory_space<semaphore_mem>>
      %dma_start3A = arith.constant 0 : i32
      %dma_start3A_180 = arith.constant 0 : i32
      %dma_start3A_181 = tpu.memref_slice %arg3[%add3A, %run_scoped3A_96, %dma_start3A, %dma_start3A_180] : memref<32x2x9x1568xi32, #tpu.memory_space<hbm>> -> memref<1x1x9x1568xi32, #tpu.memory_space<hbm>>
      %dma_start3A_182 = tpu.memref_squeeze %dma_start3A_181 : memref<1x1x9x1568xi32, #tpu.memory_space<hbm>> -> memref<9x1568xi32, #tpu.memory_space<hbm>>
      %dma_start3A_183 = arith.constant 0 : i32
      %dma_start3A_184 = arith.constant 0 : i32
      %dma_start3A_185 = tpu.memref_slice %arg3[%add3A, %run_scoped3A_96, %dma_start3A_183, %dma_start3A_184] : memref<32x2x9x1568xi32, #tpu.memory_space<hbm>> -> memref<1x1x9x1568xi32, #tpu.memory_space<hbm>>
      %dma_start3A_186 = tpu.memref_squeeze %dma_start3A_185 : memref<1x1x9x1568xi32, #tpu.memory_space<hbm>> -> memref<9x1568xi32, #tpu.memory_space<hbm>>
      tpu.enqueue_dma source(%dma_start3A_186 : memref<9x1568xi32, #tpu.memory_space<hbm>>) target(%arg7 : memref<9x1568xi32, #tpu.memory_space<vmem>>) target_semaphore(%run_scoped3A_179 : memref<!tpu.dma_semaphore, #tpu.memory_space<semaphore_mem>>)
      %dma_wait3A = arith.constant 0 : i32
      %dma_wait3A_187 = arith.constant 0 : i32
      %dma_wait3A_188 = tpu.memref_slice %arg3[%add3A, %run_scoped3A_96, %dma_wait3A, %dma_wait3A_187] : memref<32x2x9x1568xi32, #tpu.memory_space<hbm>> -> memref<1x1x9x1568xi32, #tpu.memory_space<hbm>>
      %dma_wait3A_189 = tpu.memref_squeeze %dma_wait3A_188 : memref<1x1x9x1568xi32, #tpu.memory_space<hbm>> -> memref<9x1568xi32, #tpu.memory_space<hbm>>
      %dma_wait3A_190 = arith.constant 0 : i32
      %dma_wait3A_191 = arith.constant 0 : i32
      %dma_wait3A_192 = tpu.memref_slice %arg3[%add3A, %run_scoped3A_96, %dma_wait3A_190, %dma_wait3A_191] : memref<32x2x9x1568xi32, #tpu.memory_space<hbm>> -> memref<1x1x9x1568xi32, #tpu.memory_space<hbm>>
      %dma_wait3A_193 = tpu.memref_squeeze %dma_wait3A_192 : memref<1x1x9x1568xi32, #tpu.memory_space<hbm>> -> memref<9x1568xi32, #tpu.memory_space<hbm>>
      tpu.wait_dma2 semaphore(%run_scoped3A_179 : memref<!tpu.dma_semaphore, #tpu.memory_space<semaphore_mem>>) src(%dma_wait3A_193 : memref<9x1568xi32, #tpu.memory_space<hbm>>) dst(%arg7 : memref<9x1568xi32, #tpu.memory_space<vmem>>)
      tpu.yield
    }) : () -> ()
    %scan3A_97 = arith.constant 0 : i32
    %scan3A_98 = arith.constant 0 : i32
    %scan3A_99 = arith.constant 98 : i32
    %scan3A_100 = arith.addi %scan3A_98, %scan3A_99 : i32
    %scan3A_101 = arith.constant 1 : i32
    scf.for %scan3A_179 = %scan3A_98 to %scan3A_100 step %scan3A_101  : i32 {
      %mul3A_180 = arith.constant 16 : i32
      %mul3A_181 = arith.muli %scan3A_179, %mul3A_180 : i32
      %get3A = arith.constant 0 : i32
      %get3A_182 = arith.index_cast %get3A : i32 to index
      %get3A_183 = arith.index_cast %mul3A_181 : i32 to index
      %get3A_184 = tpu.vector_load %arg7[%get3A_182, %get3A_183] {strides = array<i32>} : memref<9x1568xi32, #tpu.memory_space<vmem>>, vector<16xi32>,
      %mul3A_185 = arith.constant 16 : i32
      %mul3A_186 = arith.muli %scan3A_179, %mul3A_185 : i32
      %get3A_187 = arith.constant 1 : i32
      %get3A_188 = arith.index_cast %get3A_187 : i32 to index
      %get3A_189 = arith.index_cast %mul3A_186 : i32 to index
      %get3A_190 = tpu.vector_load %arg7[%get3A_188, %get3A_189] {strides = array<i32>} : memref<9x1568xi32, #tpu.memory_space<vmem>>, vector<16xi32>,
      %mul3A_191 = arith.constant 16 : i32
      %mul3A_192 = arith.muli %scan3A_179, %mul3A_191 : i32
      %get3A_193 = arith.constant 2 : i32
      %get3A_194 = arith.index_cast %get3A_193 : i32 to index
      %get3A_195 = arith.index_cast %mul3A_192 : i32 to index
      %get3A_196 = tpu.vector_load %arg7[%get3A_194, %get3A_195] {strides = array<i32>} : memref<9x1568xi32, #tpu.memory_space<vmem>>, vector<16xi32>,
      %mul3A_197 = arith.constant 16 : i32
      %mul3A_198 = arith.muli %scan3A_179, %mul3A_197 : i32
      %get3A_199 = arith.constant 3 : i32
      %get3A_200 = arith.index_cast %get3A_199 : i32 to index
      %get3A_201 = arith.index_cast %mul3A_198 : i32 to index
      %get3A_202 = tpu.vector_load %arg7[%get3A_200, %get3A_201] {strides = array<i32>} : memref<9x1568xi32, #tpu.memory_space<vmem>>, vector<16xi32>,
      %mul3A_203 = arith.constant 16 : i32
      %mul3A_204 = arith.muli %scan3A_179, %mul3A_203 : i32
      %get3A_205 = arith.constant 4 : i32
      %get3A_206 = arith.index_cast %get3A_205 : i32 to index
      %get3A_207 = arith.index_cast %mul3A_204 : i32 to index
      %get3A_208 = tpu.vector_load %arg7[%get3A_206, %get3A_207] {strides = array<i32>} : memref<9x1568xi32, #tpu.memory_space<vmem>>, vector<16xi32>,
      %mul3A_209 = arith.constant 16 : i32
      %mul3A_210 = arith.muli %scan3A_179, %mul3A_209 : i32
      %get3A_211 = arith.constant 5 : i32
      %get3A_212 = arith.index_cast %get3A_211 : i32 to index
      %get3A_213 = arith.index_cast %mul3A_210 : i32 to index
      %get3A_214 = tpu.vector_load %arg7[%get3A_212, %get3A_213] {strides = array<i32>} : memref<9x1568xi32, #tpu.memory_space<vmem>>, vector<16xi32>,
      %mul3A_215 = arith.constant 16 : i32
      %mul3A_216 = arith.muli %scan3A_179, %mul3A_215 : i32
      %get3A_217 = arith.constant 6 : i32
      %get3A_218 = arith.index_cast %get3A_217 : i32 to index
      %get3A_219 = arith.index_cast %mul3A_216 : i32 to index
      %get3A_220 = tpu.vector_load %arg7[%get3A_218, %get3A_219] {strides = array<i32>} : memref<9x1568xi32, #tpu.memory_space<vmem>>, vector<16xi32>,
      %mul3A_221 = arith.constant 16 : i32
      %mul3A_222 = arith.muli %scan3A_179, %mul3A_221 : i32
      %get3A_223 = arith.constant 7 : i32
      %get3A_224 = arith.index_cast %get3A_223 : i32 to index
      %get3A_225 = arith.index_cast %mul3A_222 : i32 to index
      %get3A_226 = tpu.vector_load %arg7[%get3A_224, %get3A_225] {strides = array<i32>} : memref<9x1568xi32, #tpu.memory_space<vmem>>, vector<16xi32>,
      %mul3A_227 = arith.constant 16 : i32
      %mul3A_228 = arith.muli %scan3A_179, %mul3A_227 : i32
      %get3A_229 = arith.constant 8 : i32
      %get3A_230 = arith.index_cast %get3A_229 : i32 to index
      %get3A_231 = arith.index_cast %mul3A_228 : i32 to index
      %get3A_232 = tpu.vector_load %arg7[%get3A_230, %get3A_231] {strides = array<i32>} : memref<9x1568xi32, #tpu.memory_space<vmem>>, vector<16xi32>,
      %get3A_233 = arith.constant 0 : i32
      %get3A_234 = arith.index_cast %get3A_233 : i32 to index
      %get3A_235 = arith.constant 0 : index
      %get3A_236 = tpu.vector_load %arg9[%get3A_234, %get3A_235] {strides = array<i32>} : memref<8x16xf32, #tpu.memory_space<vmem>>, vector<16xf32>,
      %add3A_237 = arith.constant 0 : i32
      %add3A_238 = vector.broadcast %add3A_237 : i32 to vector<16xi32>
      %add3A_239 = arith.addi %get3A_184, %add3A_238 : vector<16xi32>
      %gather3A = tpu.vector_load_idx %arg6[%add3A_239] : memref<74304xf32, #tpu.memory_space<vmem>>[vector<16xi32>], vector<16xf32>,
      %add3A_240 = arith.addf %get3A_236, %gather3A : vector<16xf32>
      %add3A_241 = arith.constant 1032 : i32
      %add3A_242 = vector.broadcast %add3A_241 : i32 to vector<16xi32>
      %add3A_243 = arith.addi %get3A_190, %add3A_242 : vector<16xi32>
      %gather3A_244 = tpu.vector_load_idx %arg6[%add3A_243] : memref<74304xf32, #tpu.memory_space<vmem>>[vector<16xi32>], vector<16xf32>,
      %add3A_245 = arith.addf %add3A_240, %gather3A_244 : vector<16xf32>
      %add3A_246 = arith.constant 2064 : i32
      %add3A_247 = vector.broadcast %add3A_246 : i32 to vector<16xi32>
      %add3A_248 = arith.addi %get3A_196, %add3A_247 : vector<16xi32>
      %gather3A_249 = tpu.vector_load_idx %arg6[%add3A_248] : memref<74304xf32, #tpu.memory_space<vmem>>[vector<16xi32>], vector<16xf32>,
      %add3A_250 = arith.addf %add3A_245, %gather3A_249 : vector<16xf32>
      %add3A_251 = arith.constant 3096 : i32
      %add3A_252 = vector.broadcast %add3A_251 : i32 to vector<16xi32>
      %add3A_253 = arith.addi %get3A_202, %add3A_252 : vector<16xi32>
      %gather3A_254 = tpu.vector_load_idx %arg6[%add3A_253] : memref<74304xf32, #tpu.memory_space<vmem>>[vector<16xi32>], vector<16xf32>,
      %add3A_255 = arith.addf %add3A_250, %gather3A_254 : vector<16xf32>
      %add3A_256 = arith.constant 4128 : i32
      %add3A_257 = vector.broadcast %add3A_256 : i32 to vector<16xi32>
      %add3A_258 = arith.addi %get3A_208, %add3A_257 : vector<16xi32>
      %gather3A_259 = tpu.vector_load_idx %arg6[%add3A_258] : memref<74304xf32, #tpu.memory_space<vmem>>[vector<16xi32>], vector<16xf32>,
      %add3A_260 = arith.addf %add3A_255, %gather3A_259 : vector<16xf32>
      %add3A_261 = arith.constant 5160 : i32
      %add3A_262 = vector.broadcast %add3A_261 : i32 to vector<16xi32>
      %add3A_263 = arith.addi %get3A_214, %add3A_262 : vector<16xi32>
      %gather3A_264 = tpu.vector_load_idx %arg6[%add3A_263] : memref<74304xf32, #tpu.memory_space<vmem>>[vector<16xi32>], vector<16xf32>,
      %add3A_265 = arith.addf %add3A_260, %gather3A_264 : vector<16xf32>
      %add3A_266 = arith.constant 6192 : i32
      %add3A_267 = vector.broadcast %add3A_266 : i32 to vector<16xi32>
      %add3A_268 = arith.addi %get3A_220, %add3A_267 : vector<16xi32>
      %gather3A_269 = tpu.vector_load_idx %arg6[%add3A_268] : memref<74304xf32, #tpu.memory_space<vmem>>[vector<16xi32>], vector<16xf32>,
      %add3A_270 = arith.addf %add3A_265, %gather3A_269 : vector<16xf32>
      %add3A_271 = arith.constant 7224 : i32
      %add3A_272 = vector.broadcast %add3A_271 : i32 to vector<16xi32>
      %add3A_273 = arith.addi %get3A_226, %add3A_272 : vector<16xi32>
      %gather3A_274 = tpu.vector_load_idx %arg6[%add3A_273] : memref<74304xf32, #tpu.memory_space<vmem>>[vector<16xi32>], vector<16xf32>,
      %add3A_275 = arith.addf %add3A_270, %gather3A_274 : vector<16xf32>
      %add3A_276 = arith.constant 8256 : i32
      %add3A_277 = vector.broadcast %add3A_276 : i32 to vector<16xi32>
      %add3A_278 = arith.addi %get3A_232, %add3A_277 : vector<16xi32>
      %gather3A_279 = tpu.vector_load_idx %arg6[%add3A_278] : memref<74304xf32, #tpu.memory_space<vmem>>[vector<16xi32>], vector<16xf32>,
      %add3A_280 = arith.addf %add3A_275, %gather3A_279 : vector<16xf32>
      %max3A = arith.constant 0.000000e+00 : f32
      %max3A_281 = vector.broadcast %max3A : f32 to vector<16xf32>
      %max3A_282 = arith.maximumf %add3A_280, %max3A_281 : vector<16xf32>
      %mul3A_283 = arith.constant 16 : i32
      %mul3A_284 = arith.muli %scan3A_179, %mul3A_283 : i32
      %add3A_285 = arith.constant 0 : i32
      %add3A_286 = arith.addi %add3A_285, %mul3A_284 : i32
      %swap3A = arith.index_cast %add3A_286 : i32 to index
      %swap3A_287 = tpu.vector_load %arg8[%swap3A] {strides = array<i32>} : memref<12544xf32, #tpu.memory_space<vmem>>, vector<16xf32>,
      tpu.vector_store %arg8[%swap3A], %max3A_282 {strides = array<i32>} : memref<12544xf32, #tpu.memory_space<vmem>>, vector<16xf32>,
      %get3A_288 = arith.constant 1 : i32
      %get3A_289 = arith.index_cast %get3A_288 : i32 to index
      %get3A_290 = arith.constant 0 : index
      %get3A_291 = tpu.vector_load %arg9[%get3A_289, %get3A_290] {strides = array<i32>} : memref<8x16xf32, #tpu.memory_space<vmem>>, vector<16xf32>,
      %add3A_292 = arith.constant 9288 : i32
      %add3A_293 = vector.broadcast %add3A_292 : i32 to vector<16xi32>
      %add3A_294 = arith.addi %get3A_184, %add3A_293 : vector<16xi32>
      %gather3A_295 = tpu.vector_load_idx %arg6[%add3A_294] : memref<74304xf32, #tpu.memory_space<vmem>>[vector<16xi32>], vector<16xf32>,
      %add3A_296 = arith.addf %get3A_291, %gather3A_295 : vector<16xf32>
      %add3A_297 = arith.constant 10320 : i32
      %add3A_298 = vector.broadcast %add3A_297 : i32 to vector<16xi32>
      %add3A_299 = arith.addi %get3A_190, %add3A_298 : vector<16xi32>
      %gather3A_300 = tpu.vector_load_idx %arg6[%add3A_299] : memref<74304xf32, #tpu.memory_space<vmem>>[vector<16xi32>], vector<16xf32>,
      %add3A_301 = arith.addf %add3A_296, %gather3A_300 : vector<16xf32>
      %add3A_302 = arith.constant 11352 : i32
      %add3A_303 = vector.broadcast %add3A_302 : i32 to vector<16xi32>
      %add3A_304 = arith.addi %get3A_196, %add3A_303 : vector<16xi32>
      %gather3A_305 = tpu.vector_load_idx %arg6[%add3A_304] : memref<74304xf32, #tpu.memory_space<vmem>>[vector<16xi32>], vector<16xf32>,
      %add3A_306 = arith.addf %add3A_301, %gather3A_305 : vector<16xf32>
      %add3A_307 = arith.constant 12384 : i32
      %add3A_308 = vector.broadcast %add3A_307 : i32 to vector<16xi32>
      %add3A_309 = arith.addi %get3A_202, %add3A_308 : vector<16xi32>
      %gather3A_310 = tpu.vector_load_idx %arg6[%add3A_309] : memref<74304xf32, #tpu.memory_space<vmem>>[vector<16xi32>], vector<16xf32>,
      %add3A_311 = arith.addf %add3A_306, %gather3A_310 : vector<16xf32>
      %add3A_312 = arith.constant 13416 : i32
      %add3A_313 = vector.broadcast %add3A_312 : i32 to vector<16xi32>
      %add3A_314 = arith.addi %get3A_208, %add3A_313 : vector<16xi32>
      %gather3A_315 = tpu.vector_load_idx %arg6[%add3A_314] : memref<74304xf32, #tpu.memory_space<vmem>>[vector<16xi32>], vector<16xf32>,
      %add3A_316 = arith.addf %add3A_311, %gather3A_315 : vector<16xf32>
      %add3A_317 = arith.constant 14448 : i32
      %add3A_318 = vector.broadcast %add3A_317 : i32 to vector<16xi32>
      %add3A_319 = arith.addi %get3A_214, %add3A_318 : vector<16xi32>
      %gather3A_320 = tpu.vector_load_idx %arg6[%add3A_319] : memref<74304xf32, #tpu.memory_space<vmem>>[vector<16xi32>], vector<16xf32>,
      %add3A_321 = arith.addf %add3A_316, %gather3A_320 : vector<16xf32>
      %add3A_322 = arith.constant 15480 : i32
      %add3A_323 = vector.broadcast %add3A_322 : i32 to vector<16xi32>
      %add3A_324 = arith.addi %get3A_220, %add3A_323 : vector<16xi32>
      %gather3A_325 = tpu.vector_load_idx %arg6[%add3A_324] : memref<74304xf32, #tpu.memory_space<vmem>>[vector<16xi32>], vector<16xf32>,
      %add3A_326 = arith.addf %add3A_321, %gather3A_325 : vector<16xf32>
      %add3A_327 = arith.constant 16512 : i32
      %add3A_328 = vector.broadcast %add3A_327 : i32 to vector<16xi32>
      %add3A_329 = arith.addi %get3A_226, %add3A_328 : vector<16xi32>
      %gather3A_330 = tpu.vector_load_idx %arg6[%add3A_329] : memref<74304xf32, #tpu.memory_space<vmem>>[vector<16xi32>], vector<16xf32>,
      %add3A_331 = arith.addf %add3A_326, %gather3A_330 : vector<16xf32>
      %add3A_332 = arith.constant 17544 : i32
      %add3A_333 = vector.broadcast %add3A_332 : i32 to vector<16xi32>
      %add3A_334 = arith.addi %get3A_232, %add3A_333 : vector<16xi32>
      %gather3A_335 = tpu.vector_load_idx %arg6[%add3A_334] : memref<74304xf32, #tpu.memory_space<vmem>>[vector<16xi32>], vector<16xf32>,
      %add3A_336 = arith.addf %add3A_331, %gather3A_335 : vector<16xf32>
      %max3A_337 = arith.constant 0.000000e+00 : f32
      %max3A_338 = vector.broadcast %max3A_337 : f32 to vector<16xf32>
      %max3A_339 = arith.maximumf %add3A_336, %max3A_338 : vector<16xf32>
      %mul3A_340 = arith.constant 16 : i32
      %mul3A_341 = arith.muli %scan3A_179, %mul3A_340 : i32
      %add3A_342 = arith.constant 1568 : i32
      %add3A_343 = arith.addi %add3A_342, %mul3A_341 : i32
      %swap3A_344 = arith.index_cast %add3A_343 : i32 to index
      %swap3A_345 = tpu.vector_load %arg8[%swap3A_344] {strides = array<i32>} : memref<12544xf32, #tpu.memory_space<vmem>>, vector<16xf32>,
      tpu.vector_store %arg8[%swap3A_344], %max3A_339 {strides = array<i32>} : memref<12544xf32, #tpu.memory_space<vmem>>, vector<16xf32>,
      %get3A_346 = arith.constant 2 : i32
      %get3A_347 = arith.index_cast %get3A_346 : i32 to index
      %get3A_348 = arith.constant 0 : index
      %get3A_349 = tpu.vector_load %arg9[%get3A_347, %get3A_348] {strides = array<i32>} : memref<8x16xf32, #tpu.memory_space<vmem>>, vector<16xf32>,
      %add3A_350 = arith.constant 18576 : i32
      %add3A_351 = vector.broadcast %add3A_350 : i32 to vector<16xi32>
      %add3A_352 = arith.addi %get3A_184, %add3A_351 : vector<16xi32>
      %gather3A_353 = tpu.vector_load_idx %arg6[%add3A_352] : memref<74304xf32, #tpu.memory_space<vmem>>[vector<16xi32>], vector<16xf32>,
      %add3A_354 = arith.addf %get3A_349, %gather3A_353 : vector<16xf32>
      %add3A_355 = arith.constant 19608 : i32
      %add3A_356 = vector.broadcast %add3A_355 : i32 to vector<16xi32>
      %add3A_357 = arith.addi %get3A_190, %add3A_356 : vector<16xi32>
      %gather3A_358 = tpu.vector_load_idx %arg6[%add3A_357] : memref<74304xf32, #tpu.memory_space<vmem>>[vector<16xi32>], vector<16xf32>,
      %add3A_359 = arith.addf %add3A_354, %gather3A_358 : vector<16xf32>
      %add3A_360 = arith.constant 20640 : i32
      %add3A_361 = vector.broadcast %add3A_360 : i32 to vector<16xi32>
      %add3A_362 = arith.addi %get3A_196, %add3A_361 : vector<16xi32>
      %gather3A_363 = tpu.vector_load_idx %arg6[%add3A_362] : memref<74304xf32, #tpu.memory_space<vmem>>[vector<16xi32>], vector<16xf32>,
      %add3A_364 = arith.addf %add3A_359, %gather3A_363 : vector<16xf32>
      %add3A_365 = arith.constant 21672 : i32
      %add3A_366 = vector.broadcast %add3A_365 : i32 to vector<16xi32>
      %add3A_367 = arith.addi %get3A_202, %add3A_366 : vector<16xi32>
      %gather3A_368 = tpu.vector_load_idx %arg6[%add3A_367] : memref<74304xf32, #tpu.memory_space<vmem>>[vector<16xi32>], vector<16xf32>,
      %add3A_369 = arith.addf %add3A_364, %gather3A_368 : vector<16xf32>
      %add3A_370 = arith.constant 22704 : i32
      %add3A_371 = vector.broadcast %add3A_370 : i32 to vector<16xi32>
      %add3A_372 = arith.addi %get3A_208, %add3A_371 : vector<16xi32>
      %gather3A_373 = tpu.vector_load_idx %arg6[%add3A_372] : memref<74304xf32, #tpu.memory_space<vmem>>[vector<16xi32>], vector<16xf32>,
      %add3A_374 = arith.addf %add3A_369, %gather3A_373 : vector<16xf32>
      %add3A_375 = arith.constant 23736 : i32
      %add3A_376 = vector.broadcast %add3A_375 : i32 to vector<16xi32>
      %add3A_377 = arith.addi %get3A_214, %add3A_376 : vector<16xi32>
      %gather3A_378 = tpu.vector_load_idx %arg6[%add3A_377] : memref<74304xf32, #tpu.memory_space<vmem>>[vector<16xi32>], vector<16xf32>,
      %add3A_379 = arith.addf %add3A_374, %gather3A_378 : vector<16xf32>
      %add3A_380 = arith.constant 24768 : i32
      %add3A_381 = vector.broadcast %add3A_380 : i32 to vector<16xi32>
      %add3A_382 = arith.addi %get3A_220, %add3A_381 : vector<16xi32>
      %gather3A_383 = tpu.vector_load_idx %arg6[%add3A_382] : memref<74304xf32, #tpu.memory_space<vmem>>[vector<16xi32>], vector<16xf32>,
      %add3A_384 = arith.addf %add3A_379, %gather3A_383 : vector<16xf32>
      %add3A_385 = arith.constant 25800 : i32
      %add3A_386 = vector.broadcast %add3A_385 : i32 to vector<16xi32>
      %add3A_387 = arith.addi %get3A_226, %add3A_386 : vector<16xi32>
      %gather3A_388 = tpu.vector_load_idx %arg6[%add3A_387] : memref<74304xf32, #tpu.memory_space<vmem>>[vector<16xi32>], vector<16xf32>,
      %add3A_389 = arith.addf %add3A_384, %gather3A_388 : vector<16xf32>
      %add3A_390 = arith.constant 26832 : i32
      %add3A_391 = vector.broadcast %add3A_390 : i32 to vector<16xi32>
      %add3A_392 = arith.addi %get3A_232, %add3A_391 : vector<16xi32>
      %gather3A_393 = tpu.vector_load_idx %arg6[%add3A_392] : memref<74304xf32, #tpu.memory_space<vmem>>[vector<16xi32>], vector<16xf32>,
      %add3A_394 = arith.addf %add3A_389, %gather3A_393 : vector<16xf32>
      %max3A_395 = arith.constant 0.000000e+00 : f32
      %max3A_396 = vector.broadcast %max3A_395 : f32 to vector<16xf32>
      %max3A_397 = arith.maximumf %add3A_394, %max3A_396 : vector<16xf32>
      %mul3A_398 = arith.constant 16 : i32
      %mul3A_399 = arith.muli %scan3A_179, %mul3A_398 : i32
      %add3A_400 = arith.constant 3136 : i32
      %add3A_401 = arith.addi %add3A_400, %mul3A_399 : i32
      %swap3A_402 = arith.index_cast %add3A_401 : i32 to index
      %swap3A_403 = tpu.vector_load %arg8[%swap3A_402] {strides = array<i32>} : memref<12544xf32, #tpu.memory_space<vmem>>, vector<16xf32>,
      tpu.vector_store %arg8[%swap3A_402], %max3A_397 {strides = array<i32>} : memref<12544xf32, #tpu.memory_space<vmem>>, vector<16xf32>,
      %get3A_404 = arith.constant 3 : i32
      %get3A_405 = arith.index_cast %get3A_404 : i32 to index
      %get3A_406 = arith.constant 0 : index
      %get3A_407 = tpu.vector_load %arg9[%get3A_405, %get3A_406] {strides = array<i32>} : memref<8x16xf32, #tpu.memory_space<vmem>>, vector<16xf32>,
      %add3A_408 = arith.constant 27864 : i32
      %add3A_409 = vector.broadcast %add3A_408 : i32 to vector<16xi32>
      %add3A_410 = arith.addi %get3A_184, %add3A_409 : vector<16xi32>
      %gather3A_411 = tpu.vector_load_idx %arg6[%add3A_410] : memref<74304xf32, #tpu.memory_space<vmem>>[vector<16xi32>], vector<16xf32>,
      %add3A_412 = arith.addf %get3A_407, %gather3A_411 : vector<16xf32>
      %add3A_413 = arith.constant 28896 : i32
      %add3A_414 = vector.broadcast %add3A_413 : i32 to vector<16xi32>
      %add3A_415 = arith.addi %get3A_190, %add3A_414 : vector<16xi32>
      %gather3A_416 = tpu.vector_load_idx %arg6[%add3A_415] : memref<74304xf32, #tpu.memory_space<vmem>>[vector<16xi32>], vector<16xf32>,
      %add3A_417 = arith.addf %add3A_412, %gather3A_416 : vector<16xf32>
      %add3A_418 = arith.constant 29928 : i32
      %add3A_419 = vector.broadcast %add3A_418 : i32 to vector<16xi32>
      %add3A_420 = arith.addi %get3A_196, %add3A_419 : vector<16xi32>
      %gather3A_421 = tpu.vector_load_idx %arg6[%add3A_420] : memref<74304xf32, #tpu.memory_space<vmem>>[vector<16xi32>], vector<16xf32>,
      %add3A_422 = arith.addf %add3A_417, %gather3A_421 : vector<16xf32>
      %add3A_423 = arith.constant 30960 : i32
      %add3A_424 = vector.broadcast %add3A_423 : i32 to vector<16xi32>
      %add3A_425 = arith.addi %get3A_202, %add3A_424 : vector<16xi32>
      %gather3A_426 = tpu.vector_load_idx %arg6[%add3A_425] : memref<74304xf32, #tpu.memory_space<vmem>>[vector<16xi32>], vector<16xf32>,
      %add3A_427 = arith.addf %add3A_422, %gather3A_426 : vector<16xf32>
      %add3A_428 = arith.constant 31992 : i32
      %add3A_429 = vector.broadcast %add3A_428 : i32 to vector<16xi32>
      %add3A_430 = arith.addi %get3A_208, %add3A_429 : vector<16xi32>
      %gather3A_431 = tpu.vector_load_idx %arg6[%add3A_430] : memref<74304xf32, #tpu.memory_space<vmem>>[vector<16xi32>], vector<16xf32>,
      %add3A_432 = arith.addf %add3A_427, %gather3A_431 : vector<16xf32>
      %add3A_433 = arith.constant 33024 : i32
      %add3A_434 = vector.broadcast %add3A_433 : i32 to vector<16xi32>
      %add3A_435 = arith.addi %get3A_214, %add3A_434 : vector<16xi32>
      %gather3A_436 = tpu.vector_load_idx %arg6[%add3A_435] : memref<74304xf32, #tpu.memory_space<vmem>>[vector<16xi32>], vector<16xf32>,
      %add3A_437 = arith.addf %add3A_432, %gather3A_436 : vector<16xf32>
      %add3A_438 = arith.constant 34056 : i32
      %add3A_439 = vector.broadcast %add3A_438 : i32 to vector<16xi32>
      %add3A_440 = arith.addi %get3A_220, %add3A_439 : vector<16xi32>
      %gather3A_441 = tpu.vector_load_idx %arg6[%add3A_440] : memref<74304xf32, #tpu.memory_space<vmem>>[vector<16xi32>], vector<16xf32>,
      %add3A_442 = arith.addf %add3A_437, %gather3A_441 : vector<16xf32>
      %add3A_443 = arith.constant 35088 : i32
      %add3A_444 = vector.broadcast %add3A_443 : i32 to vector<16xi32>
      %add3A_445 = arith.addi %get3A_226, %add3A_444 : vector<16xi32>
      %gather3A_446 = tpu.vector_load_idx %arg6[%add3A_445] : memref<74304xf32, #tpu.memory_space<vmem>>[vector<16xi32>], vector<16xf32>,
      %add3A_447 = arith.addf %add3A_442, %gather3A_446 : vector<16xf32>
      %add3A_448 = arith.constant 36120 : i32
      %add3A_449 = vector.broadcast %add3A_448 : i32 to vector<16xi32>
      %add3A_450 = arith.addi %get3A_232, %add3A_449 : vector<16xi32>
      %gather3A_451 = tpu.vector_load_idx %arg6[%add3A_450] : memref<74304xf32, #tpu.memory_space<vmem>>[vector<16xi32>], vector<16xf32>,
      %add3A_452 = arith.addf %add3A_447, %gather3A_451 : vector<16xf32>
      %max3A_453 = arith.constant 0.000000e+00 : f32
      %max3A_454 = vector.broadcast %max3A_453 : f32 to vector<16xf32>
      %max3A_455 = arith.maximumf %add3A_452, %max3A_454 : vector<16xf32>
      %mul3A_456 = arith.constant 16 : i32
      %mul3A_457 = arith.muli %scan3A_179, %mul3A_456 : i32
      %add3A_458 = arith.constant 4704 : i32
      %add3A_459 = arith.addi %add3A_458, %mul3A_457 : i32
      %swap3A_460 = arith.index_cast %add3A_459 : i32 to index
      %swap3A_461 = tpu.vector_load %arg8[%swap3A_460] {strides = array<i32>} : memref<12544xf32, #tpu.memory_space<vmem>>, vector<16xf32>,
      tpu.vector_store %arg8[%swap3A_460], %max3A_455 {strides = array<i32>} : memref<12544xf32, #tpu.memory_space<vmem>>, vector<16xf32>,
      %get3A_462 = arith.constant 4 : i32
      %get3A_463 = arith.index_cast %get3A_462 : i32 to index
      %get3A_464 = arith.constant 0 : index
      %get3A_465 = tpu.vector_load %arg9[%get3A_463, %get3A_464] {strides = array<i32>} : memref<8x16xf32, #tpu.memory_space<vmem>>, vector<16xf32>,
      %add3A_466 = arith.constant 37152 : i32
      %add3A_467 = vector.broadcast %add3A_466 : i32 to vector<16xi32>
      %add3A_468 = arith.addi %get3A_184, %add3A_467 : vector<16xi32>
      %gather3A_469 = tpu.vector_load_idx %arg6[%add3A_468] : memref<74304xf32, #tpu.memory_space<vmem>>[vector<16xi32>], vector<16xf32>,
      %add3A_470 = arith.addf %get3A_465, %gather3A_469 : vector<16xf32>
      %add3A_471 = arith.constant 38184 : i32
      %add3A_472 = vector.broadcast %add3A_471 : i32 to vector<16xi32>
      %add3A_473 = arith.addi %get3A_190, %add3A_472 : vector<16xi32>
      %gather3A_474 = tpu.vector_load_idx %arg6[%add3A_473] : memref<74304xf32, #tpu.memory_space<vmem>>[vector<16xi32>], vector<16xf32>,
      %add3A_475 = arith.addf %add3A_470, %gather3A_474 : vector<16xf32>
      %add3A_476 = arith.constant 39216 : i32
      %add3A_477 = vector.broadcast %add3A_476 : i32 to vector<16xi32>
      %add3A_478 = arith.addi %get3A_196, %add3A_477 : vector<16xi32>
      %gather3A_479 = tpu.vector_load_idx %arg6[%add3A_478] : memref<74304xf32, #tpu.memory_space<vmem>>[vector<16xi32>], vector<16xf32>,
      %add3A_480 = arith.addf %add3A_475, %gather3A_479 : vector<16xf32>
      %add3A_481 = arith.constant 40248 : i32
      %add3A_482 = vector.broadcast %add3A_481 : i32 to vector<16xi32>
      %add3A_483 = arith.addi %get3A_202, %add3A_482 : vector<16xi32>
      %gather3A_484 = tpu.vector_load_idx %arg6[%add3A_483] : memref<74304xf32, #tpu.memory_space<vmem>>[vector<16xi32>], vector<16xf32>,
      %add3A_485 = arith.addf %add3A_480, %gather3A_484 : vector<16xf32>
      %add3A_486 = arith.constant 41280 : i32
      %add3A_487 = vector.broadcast %add3A_486 : i32 to vector<16xi32>
      %add3A_488 = arith.addi %get3A_208, %add3A_487 : vector<16xi32>
      %gather3A_489 = tpu.vector_load_idx %arg6[%add3A_488] : memref<74304xf32, #tpu.memory_space<vmem>>[vector<16xi32>], vector<16xf32>,
      %add3A_490 = arith.addf %add3A_485, %gather3A_489 : vector<16xf32>
      %add3A_491 = arith.constant 42312 : i32
      %add3A_492 = vector.broadcast %add3A_491 : i32 to vector<16xi32>
      %add3A_493 = arith.addi %get3A_214, %add3A_492 : vector<16xi32>
      %gather3A_494 = tpu.vector_load_idx %arg6[%add3A_493] : memref<74304xf32, #tpu.memory_space<vmem>>[vector<16xi32>], vector<16xf32>,
      %add3A_495 = arith.addf %add3A_490, %gather3A_494 : vector<16xf32>
      %add3A_496 = arith.constant 43344 : i32
      %add3A_497 = vector.broadcast %add3A_496 : i32 to vector<16xi32>
      %add3A_498 = arith.addi %get3A_220, %add3A_497 : vector<16xi32>
      %gather3A_499 = tpu.vector_load_idx %arg6[%add3A_498] : memref<74304xf32, #tpu.memory_space<vmem>>[vector<16xi32>], vector<16xf32>,
      %add3A_500 = arith.addf %add3A_495, %gather3A_499 : vector<16xf32>
      %add3A_501 = arith.constant 44376 : i32
      %add3A_502 = vector.broadcast %add3A_501 : i32 to vector<16xi32>
      %add3A_503 = arith.addi %get3A_226, %add3A_502 : vector<16xi32>
      %gather3A_504 = tpu.vector_load_idx %arg6[%add3A_503] : memref<74304xf32, #tpu.memory_space<vmem>>[vector<16xi32>], vector<16xf32>,
      %add3A_505 = arith.addf %add3A_500, %gather3A_504 : vector<16xf32>
      %add3A_506 = arith.constant 45408 : i32
      %add3A_507 = vector.broadcast %add3A_506 : i32 to vector<16xi32>
      %add3A_508 = arith.addi %get3A_232, %add3A_507 : vector<16xi32>
      %gather3A_509 = tpu.vector_load_idx %arg6[%add3A_508] : memref<74304xf32, #tpu.memory_space<vmem>>[vector<16xi32>], vector<16xf32>,
      %add3A_510 = arith.addf %add3A_505, %gather3A_509 : vector<16xf32>
      %max3A_511 = arith.constant 0.000000e+00 : f32
      %max3A_512 = vector.broadcast %max3A_511 : f32 to vector<16xf32>
      %max3A_513 = arith.maximumf %add3A_510, %max3A_512 : vector<16xf32>
      %mul3A_514 = arith.constant 16 : i32
      %mul3A_515 = arith.muli %scan3A_179, %mul3A_514 : i32
      %add3A_516 = arith.constant 6272 : i32
      %add3A_517 = arith.addi %add3A_516, %mul3A_515 : i32
      %swap3A_518 = arith.index_cast %add3A_517 : i32 to index
      %swap3A_519 = tpu.vector_load %arg8[%swap3A_518] {strides = array<i32>} : memref<12544xf32, #tpu.memory_space<vmem>>, vector<16xf32>,
      tpu.vector_store %arg8[%swap3A_518], %max3A_513 {strides = array<i32>} : memref<12544xf32, #tpu.memory_space<vmem>>, vector<16xf32>,
      %get3A_520 = arith.constant 5 : i32
      %get3A_521 = arith.index_cast %get3A_520 : i32 to index
      %get3A_522 = arith.constant 0 : index
      %get3A_523 = tpu.vector_load %arg9[%get3A_521, %get3A_522] {strides = array<i32>} : memref<8x16xf32, #tpu.memory_space<vmem>>, vector<16xf32>,
      %add3A_524 = arith.constant 46440 : i32
      %add3A_525 = vector.broadcast %add3A_524 : i32 to vector<16xi32>
      %add3A_526 = arith.addi %get3A_184, %add3A_525 : vector<16xi32>
      %gather3A_527 = tpu.vector_load_idx %arg6[%add3A_526] : memref<74304xf32, #tpu.memory_space<vmem>>[vector<16xi32>], vector<16xf32>,
      %add3A_528 = arith.addf %get3A_523, %gather3A_527 : vector<16xf32>
      %add3A_529 = arith.constant 47472 : i32
      %add3A_530 = vector.broadcast %add3A_529 : i32 to vector<16xi32>
      %add3A_531 = arith.addi %get3A_190, %add3A_530 : vector<16xi32>
      %gather3A_532 = tpu.vector_load_idx %arg6[%add3A_531] : memref<74304xf32, #tpu.memory_space<vmem>>[vector<16xi32>], vector<16xf32>,
      %add3A_533 = arith.addf %add3A_528, %gather3A_532 : vector<16xf32>
      %add3A_534 = arith.constant 48504 : i32
      %add3A_535 = vector.broadcast %add3A_534 : i32 to vector<16xi32>
      %add3A_536 = arith.addi %get3A_196, %add3A_535 : vector<16xi32>
      %gather3A_537 = tpu.vector_load_idx %arg6[%add3A_536] : memref<74304xf32, #tpu.memory_space<vmem>>[vector<16xi32>], vector<16xf32>,
      %add3A_538 = arith.addf %add3A_533, %gather3A_537 : vector<16xf32>
      %add3A_539 = arith.constant 49536 : i32
      %add3A_540 = vector.broadcast %add3A_539 : i32 to vector<16xi32>
      %add3A_541 = arith.addi %get3A_202, %add3A_540 : vector<16xi32>
      %gather3A_542 = tpu.vector_load_idx %arg6[%add3A_541] : memref<74304xf32, #tpu.memory_space<vmem>>[vector<16xi32>], vector<16xf32>,
      %add3A_543 = arith.addf %add3A_538, %gather3A_542 : vector<16xf32>
      %add3A_544 = arith.constant 50568 : i32
      %add3A_545 = vector.broadcast %add3A_544 : i32 to vector<16xi32>
      %add3A_546 = arith.addi %get3A_208, %add3A_545 : vector<16xi32>
      %gather3A_547 = tpu.vector_load_idx %arg6[%add3A_546] : memref<74304xf32, #tpu.memory_space<vmem>>[vector<16xi32>], vector<16xf32>,
      %add3A_548 = arith.addf %add3A_543, %gather3A_547 : vector<16xf32>
      %add3A_549 = arith.constant 51600 : i32
      %add3A_550 = vector.broadcast %add3A_549 : i32 to vector<16xi32>
      %add3A_551 = arith.addi %get3A_214, %add3A_550 : vector<16xi32>
      %gather3A_552 = tpu.vector_load_idx %arg6[%add3A_551] : memref<74304xf32, #tpu.memory_space<vmem>>[vector<16xi32>], vector<16xf32>,
      %add3A_553 = arith.addf %add3A_548, %gather3A_552 : vector<16xf32>
      %add3A_554 = arith.constant 52632 : i32
      %add3A_555 = vector.broadcast %add3A_554 : i32 to vector<16xi32>
      %add3A_556 = arith.addi %get3A_220, %add3A_555 : vector<16xi32>
      %gather3A_557 = tpu.vector_load_idx %arg6[%add3A_556] : memref<74304xf32, #tpu.memory_space<vmem>>[vector<16xi32>], vector<16xf32>,
      %add3A_558 = arith.addf %add3A_553, %gather3A_557 : vector<16xf32>
      %add3A_559 = arith.constant 53664 : i32
      %add3A_560 = vector.broadcast %add3A_559 : i32 to vector<16xi32>
      %add3A_561 = arith.addi %get3A_226, %add3A_560 : vector<16xi32>
      %gather3A_562 = tpu.vector_load_idx %arg6[%add3A_561] : memref<74304xf32, #tpu.memory_space<vmem>>[vector<16xi32>], vector<16xf32>,
      %add3A_563 = arith.addf %add3A_558, %gather3A_562 : vector<16xf32>
      %add3A_564 = arith.constant 54696 : i32
      %add3A_565 = vector.broadcast %add3A_564 : i32 to vector<16xi32>
      %add3A_566 = arith.addi %get3A_232, %add3A_565 : vector<16xi32>
      %gather3A_567 = tpu.vector_load_idx %arg6[%add3A_566] : memref<74304xf32, #tpu.memory_space<vmem>>[vector<16xi32>], vector<16xf32>,
      %add3A_568 = arith.addf %add3A_563, %gather3A_567 : vector<16xf32>
      %max3A_569 = arith.constant 0.000000e+00 : f32
      %max3A_570 = vector.broadcast %max3A_569 : f32 to vector<16xf32>
      %max3A_571 = arith.maximumf %add3A_568, %max3A_570 : vector<16xf32>
      %mul3A_572 = arith.constant 16 : i32
      %mul3A_573 = arith.muli %scan3A_179, %mul3A_572 : i32
      %add3A_574 = arith.constant 7840 : i32
      %add3A_575 = arith.addi %add3A_574, %mul3A_573 : i32
      %swap3A_576 = arith.index_cast %add3A_575 : i32 to index
      %swap3A_577 = tpu.vector_load %arg8[%swap3A_576] {strides = array<i32>} : memref<12544xf32, #tpu.memory_space<vmem>>, vector<16xf32>,
      tpu.vector_store %arg8[%swap3A_576], %max3A_571 {strides = array<i32>} : memref<12544xf32, #tpu.memory_space<vmem>>, vector<16xf32>,
      %get3A_578 = arith.constant 6 : i32
      %get3A_579 = arith.index_cast %get3A_578 : i32 to index
      %get3A_580 = arith.constant 0 : index
      %get3A_581 = tpu.vector_load %arg9[%get3A_579, %get3A_580] {strides = array<i32>} : memref<8x16xf32, #tpu.memory_space<vmem>>, vector<16xf32>,
      %add3A_582 = arith.constant 55728 : i32
      %add3A_583 = vector.broadcast %add3A_582 : i32 to vector<16xi32>
      %add3A_584 = arith.addi %get3A_184, %add3A_583 : vector<16xi32>
      %gather3A_585 = tpu.vector_load_idx %arg6[%add3A_584] : memref<74304xf32, #tpu.memory_space<vmem>>[vector<16xi32>], vector<16xf32>,
      %add3A_586 = arith.addf %get3A_581, %gather3A_585 : vector<16xf32>
      %add3A_587 = arith.constant 56760 : i32
      %add3A_588 = vector.broadcast %add3A_587 : i32 to vector<16xi32>
      %add3A_589 = arith.addi %get3A_190, %add3A_588 : vector<16xi32>
      %gather3A_590 = tpu.vector_load_idx %arg6[%add3A_589] : memref<74304xf32, #tpu.memory_space<vmem>>[vector<16xi32>], vector<16xf32>,
      %add3A_591 = arith.addf %add3A_586, %gather3A_590 : vector<16xf32>
      %add3A_592 = arith.constant 57792 : i32
      %add3A_593 = vector.broadcast %add3A_592 : i32 to vector<16xi32>
      %add3A_594 = arith.addi %get3A_196, %add3A_593 : vector<16xi32>
      %gather3A_595 = tpu.vector_load_idx %arg6[%add3A_594] : memref<74304xf32, #tpu.memory_space<vmem>>[vector<16xi32>], vector<16xf32>,
      %add3A_596 = arith.addf %add3A_591, %gather3A_595 : vector<16xf32>
      %add3A_597 = arith.constant 58824 : i32
      %add3A_598 = vector.broadcast %add3A_597 : i32 to vector<16xi32>
      %add3A_599 = arith.addi %get3A_202, %add3A_598 : vector<16xi32>
      %gather3A_600 = tpu.vector_load_idx %arg6[%add3A_599] : memref<74304xf32, #tpu.memory_space<vmem>>[vector<16xi32>], vector<16xf32>,
      %add3A_601 = arith.addf %add3A_596, %gather3A_600 : vector<16xf32>
      %add3A_602 = arith.constant 59856 : i32
      %add3A_603 = vector.broadcast %add3A_602 : i32 to vector<16xi32>
      %add3A_604 = arith.addi %get3A_208, %add3A_603 : vector<16xi32>
      %gather3A_605 = tpu.vector_load_idx %arg6[%add3A_604] : memref<74304xf32, #tpu.memory_space<vmem>>[vector<16xi32>], vector<16xf32>,
      %add3A_606 = arith.addf %add3A_601, %gather3A_605 : vector<16xf32>
      %add3A_607 = arith.constant 60888 : i32
      %add3A_608 = vector.broadcast %add3A_607 : i32 to vector<16xi32>
      %add3A_609 = arith.addi %get3A_214, %add3A_608 : vector<16xi32>
      %gather3A_610 = tpu.vector_load_idx %arg6[%add3A_609] : memref<74304xf32, #tpu.memory_space<vmem>>[vector<16xi32>], vector<16xf32>,
      %add3A_611 = arith.addf %add3A_606, %gather3A_610 : vector<16xf32>
      %add3A_612 = arith.constant 61920 : i32
      %add3A_613 = vector.broadcast %add3A_612 : i32 to vector<16xi32>
      %add3A_614 = arith.addi %get3A_220, %add3A_613 : vector<16xi32>
      %gather3A_615 = tpu.vector_load_idx %arg6[%add3A_614] : memref<74304xf32, #tpu.memory_space<vmem>>[vector<16xi32>], vector<16xf32>,
      %add3A_616 = arith.addf %add3A_611, %gather3A_615 : vector<16xf32>
      %add3A_617 = arith.constant 62952 : i32
      %add3A_618 = vector.broadcast %add3A_617 : i32 to vector<16xi32>
      %add3A_619 = arith.addi %get3A_226, %add3A_618 : vector<16xi32>
      %gather3A_620 = tpu.vector_load_idx %arg6[%add3A_619] : memref<74304xf32, #tpu.memory_space<vmem>>[vector<16xi32>], vector<16xf32>,
      %add3A_621 = arith.addf %add3A_616, %gather3A_620 : vector<16xf32>
      %add3A_622 = arith.constant 63984 : i32
      %add3A_623 = vector.broadcast %add3A_622 : i32 to vector<16xi32>
      %add3A_624 = arith.addi %get3A_232, %add3A_623 : vector<16xi32>
      %gather3A_625 = tpu.vector_load_idx %arg6[%add3A_624] : memref<74304xf32, #tpu.memory_space<vmem>>[vector<16xi32>], vector<16xf32>,
      %add3A_626 = arith.addf %add3A_621, %gather3A_625 : vector<16xf32>
      %max3A_627 = arith.constant 0.000000e+00 : f32
      %max3A_628 = vector.broadcast %max3A_627 : f32 to vector<16xf32>
      %max3A_629 = arith.maximumf %add3A_626, %max3A_628 : vector<16xf32>
      %mul3A_630 = arith.constant 16 : i32
      %mul3A_631 = arith.muli %scan3A_179, %mul3A_630 : i32
      %add3A_632 = arith.constant 9408 : i32
      %add3A_633 = arith.addi %add3A_632, %mul3A_631 : i32
      %swap3A_634 = arith.index_cast %add3A_633 : i32 to index
      %swap3A_635 = tpu.vector_load %arg8[%swap3A_634] {strides = array<i32>} : memref<12544xf32, #tpu.memory_space<vmem>>, vector<16xf32>,
      tpu.vector_store %arg8[%swap3A_634], %max3A_629 {strides = array<i32>} : memref<12544xf32, #tpu.memory_space<vmem>>, vector<16xf32>,
      %get3A_636 = arith.constant 7 : i32
      %get3A_637 = arith.index_cast %get3A_636 : i32 to index
      %get3A_638 = arith.constant 0 : index
      %get3A_639 = tpu.vector_load %arg9[%get3A_637, %get3A_638] {strides = array<i32>} : memref<8x16xf32, #tpu.memory_space<vmem>>, vector<16xf32>,
      %add3A_640 = arith.constant 65016 : i32
      %add3A_641 = vector.broadcast %add3A_640 : i32 to vector<16xi32>
      %add3A_642 = arith.addi %get3A_184, %add3A_641 : vector<16xi32>
      %gather3A_643 = tpu.vector_load_idx %arg6[%add3A_642] : memref<74304xf32, #tpu.memory_space<vmem>>[vector<16xi32>], vector<16xf32>,
      %add3A_644 = arith.addf %get3A_639, %gather3A_643 : vector<16xf32>
      %add3A_645 = arith.constant 66048 : i32
      %add3A_646 = vector.broadcast %add3A_645 : i32 to vector<16xi32>
      %add3A_647 = arith.addi %get3A_190, %add3A_646 : vector<16xi32>
      %gather3A_648 = tpu.vector_load_idx %arg6[%add3A_647] : memref<74304xf32, #tpu.memory_space<vmem>>[vector<16xi32>], vector<16xf32>,
      %add3A_649 = arith.addf %add3A_644, %gather3A_648 : vector<16xf32>
      %add3A_650 = arith.constant 67080 : i32
      %add3A_651 = vector.broadcast %add3A_650 : i32 to vector<16xi32>
      %add3A_652 = arith.addi %get3A_196, %add3A_651 : vector<16xi32>
      %gather3A_653 = tpu.vector_load_idx %arg6[%add3A_652] : memref<74304xf32, #tpu.memory_space<vmem>>[vector<16xi32>], vector<16xf32>,
      %add3A_654 = arith.addf %add3A_649, %gather3A_653 : vector<16xf32>
      %add3A_655 = arith.constant 68112 : i32
      %add3A_656 = vector.broadcast %add3A_655 : i32 to vector<16xi32>
      %add3A_657 = arith.addi %get3A_202, %add3A_656 : vector<16xi32>
      %gather3A_658 = tpu.vector_load_idx %arg6[%add3A_657] : memref<74304xf32, #tpu.memory_space<vmem>>[vector<16xi32>], vector<16xf32>,
      %add3A_659 = arith.addf %add3A_654, %gather3A_658 : vector<16xf32>
      %add3A_660 = arith.constant 69144 : i32
      %add3A_661 = vector.broadcast %add3A_660 : i32 to vector<16xi32>
      %add3A_662 = arith.addi %get3A_208, %add3A_661 : vector<16xi32>
      %gather3A_663 = tpu.vector_load_idx %arg6[%add3A_662] : memref<74304xf32, #tpu.memory_space<vmem>>[vector<16xi32>], vector<16xf32>,
      %add3A_664 = arith.addf %add3A_659, %gather3A_663 : vector<16xf32>
      %add3A_665 = arith.constant 70176 : i32
      %add3A_666 = vector.broadcast %add3A_665 : i32 to vector<16xi32>
      %add3A_667 = arith.addi %get3A_214, %add3A_666 : vector<16xi32>
      %gather3A_668 = tpu.vector_load_idx %arg6[%add3A_667] : memref<74304xf32, #tpu.memory_space<vmem>>[vector<16xi32>], vector<16xf32>,
      %add3A_669 = arith.addf %add3A_664, %gather3A_668 : vector<16xf32>
      %add3A_670 = arith.constant 71208 : i32
      %add3A_671 = vector.broadcast %add3A_670 : i32 to vector<16xi32>
      %add3A_672 = arith.addi %get3A_220, %add3A_671 : vector<16xi32>
      %gather3A_673 = tpu.vector_load_idx %arg6[%add3A_672] : memref<74304xf32, #tpu.memory_space<vmem>>[vector<16xi32>], vector<16xf32>,
      %add3A_674 = arith.addf %add3A_669, %gather3A_673 : vector<16xf32>
      %add3A_675 = arith.constant 72240 : i32
      %add3A_676 = vector.broadcast %add3A_675 : i32 to vector<16xi32>
      %add3A_677 = arith.addi %get3A_226, %add3A_676 : vector<16xi32>
      %gather3A_678 = tpu.vector_load_idx %arg6[%add3A_677] : memref<74304xf32, #tpu.memory_space<vmem>>[vector<16xi32>], vector<16xf32>,
      %add3A_679 = arith.addf %add3A_674, %gather3A_678 : vector<16xf32>
      %add3A_680 = arith.constant 73272 : i32
      %add3A_681 = vector.broadcast %add3A_680 : i32 to vector<16xi32>
      %add3A_682 = arith.addi %get3A_232, %add3A_681 : vector<16xi32>
      %gather3A_683 = tpu.vector_load_idx %arg6[%add3A_682] : memref<74304xf32, #tpu.memory_space<vmem>>[vector<16xi32>], vector<16xf32>,
      %add3A_684 = arith.addf %add3A_679, %gather3A_683 : vector<16xf32>
      %max3A_685 = arith.constant 0.000000e+00 : f32
      %max3A_686 = vector.broadcast %max3A_685 : f32 to vector<16xf32>
      %max3A_687 = arith.maximumf %add3A_684, %max3A_686 : vector<16xf32>
      %mul3A_688 = arith.constant 16 : i32
      %mul3A_689 = arith.muli %scan3A_179, %mul3A_688 : i32
      %add3A_690 = arith.constant 10976 : i32
      %add3A_691 = arith.addi %add3A_690, %mul3A_689 : i32
      %swap3A_692 = arith.index_cast %add3A_691 : i32 to index
      %swap3A_693 = tpu.vector_load %arg8[%swap3A_692] {strides = array<i32>} : memref<12544xf32, #tpu.memory_space<vmem>>, vector<16xf32>,
      tpu.vector_store %arg8[%swap3A_692], %max3A_687 {strides = array<i32>} : memref<12544xf32, #tpu.memory_space<vmem>>, vector<16xf32>,
    }
    %scan3A_102 = arith.constant 98 : i32
    %jit3A_103 = arith.constant 16 : i32
    %eq3A_104 = arith.constant 0 : i32
    %eq3A_105 = arith.cmpi eq, %jit3A_103, %eq3A_104 : i32
    %jit3A_106 = arith.constant 1 : i32
    %select_n3A_107 = arith.select %eq3A_105, %jit3A_106, %jit3A_103 : i32
    %rem3A_108 = arith.remsi %add3A, %select_n3A_107 : i32
    %ne3A_109 = arith.constant 0 : i32
    %ne3A_110 = arith.cmpi ne, %rem3A_108, %ne3A_109 : i32
    %lt3A_111 = arith.constant 0 : i32
    %lt3A_112 = arith.cmpi slt, %rem3A_108, %lt3A_111 : i32
    %lt3A_113 = arith.constant 0 : i32
    %lt3A_114 = arith.cmpi slt, %select_n3A_107, %lt3A_113 : i32
    %ne3A_115 = arith.xori %lt3A_112, %lt3A_114 : i1
    %and3A_116 = arith.andi %ne3A_115, %ne3A_110 : i1
    %add3A_117 = arith.addi %rem3A_108, %select_n3A_107 : i32
    %select_n3A_118 = arith.select %and3A_116, %add3A_117, %rem3A_108 : i32
    %mul3A_119 = arith.constant 3136 : i32
    %mul3A_120 = arith.muli %select_n3A_118, %mul3A_119 : i32
    %add3A_121 = arith.constant 1568 : i32
    %add3A_122 = arith.addi %mul3A_120, %add3A_121 : i32
    %mul3A_123 = arith.constant 8 : i32
    %mul3A_124 = arith.muli %select_n3A, %mul3A_123 : i32
    %add3A_125 = arith.constant 0 : i32
    %add3A_126 = arith.addi %mul3A_124, %add3A_125 : i32
    %mul3A_127 = arith.constant 50176 : i32
    %mul3A_128 = arith.muli %add3A_126, %mul3A_127 : i32
    %add3A_129 = arith.addi %mul3A_128, %add3A_122 : i32
    "tpu.region"() ({
      %run_scoped3A_179 = tpu.sem_alloc : memref<!tpu.dma_semaphore, #tpu.memory_space<semaphore_mem>>
      %dma_start3A = arith.constant 0 : i32
      %dma_start3A_180 = tpu.memref_slice %arg8[%dma_start3A] : memref<12544xf32, #tpu.memory_space<vmem>> -> memref<1568xf32, #tpu.memory_space<vmem>>
      %dma_start3A_181 = tpu.memref_slice %arg5[%add3A_129] : memref<802816xf32, #tpu.memory_space<hbm>> -> memref<1568xf32, #tpu.memory_space<hbm>>
      %dma_start3A_182 = tpu.memref_slice %arg5[%add3A_129] : memref<802816xf32, #tpu.memory_space<hbm>> -> memref<1568xf32, #tpu.memory_space<hbm>>
      %dma_start3A_183 = arith.constant 0 : i32
      %dma_start3A_184 = tpu.memref_slice %arg8[%dma_start3A_183] : memref<12544xf32, #tpu.memory_space<vmem>> -> memref<1568xf32, #tpu.memory_space<vmem>>
      tpu.enqueue_dma source(%dma_start3A_184 : memref<1568xf32, #tpu.memory_space<vmem>>) target(%dma_start3A_182 : memref<1568xf32, #tpu.memory_space<hbm>>) target_semaphore(%run_scoped3A_179 : memref<!tpu.dma_semaphore, #tpu.memory_space<semaphore_mem>>)
      %dma_wait3A = arith.constant 0 : i32
      %dma_wait3A_185 = tpu.memref_slice %arg8[%dma_wait3A] : memref<12544xf32, #tpu.memory_space<vmem>> -> memref<1568xf32, #tpu.memory_space<vmem>>
      %dma_wait3A_186 = tpu.memref_slice %arg5[%add3A_129] : memref<802816xf32, #tpu.memory_space<hbm>> -> memref<1568xf32, #tpu.memory_space<hbm>>
      %dma_wait3A_187 = tpu.memref_slice %arg5[%add3A_129] : memref<802816xf32, #tpu.memory_space<hbm>> -> memref<1568xf32, #tpu.memory_space<hbm>>
      %dma_wait3A_188 = arith.constant 0 : i32
      %dma_wait3A_189 = tpu.memref_slice %arg8[%dma_wait3A_188] : memref<12544xf32, #tpu.memory_space<vmem>> -> memref<1568xf32, #tpu.memory_space<vmem>>
      tpu.wait_dma2 semaphore(%run_scoped3A_179 : memref<!tpu.dma_semaphore, #tpu.memory_space<semaphore_mem>>) src(%dma_wait3A_189 : memref<1568xf32, #tpu.memory_space<vmem>>) dst(%dma_wait3A_187 : memref<1568xf32, #tpu.memory_space<hbm>>)
      tpu.yield
    }) : () -> ()
    %mul3A_130 = arith.constant 8 : i32
    %mul3A_131 = arith.muli %select_n3A, %mul3A_130 : i32
    %add3A_132 = arith.constant 1 : i32
    %add3A_133 = arith.addi %mul3A_131, %add3A_132 : i32
    %mul3A_134 = arith.constant 50176 : i32
    %mul3A_135 = arith.muli %add3A_133, %mul3A_134 : i32
    %add3A_136 = arith.addi %mul3A_135, %add3A_122 : i32
    "tpu.region"() ({
      %run_scoped3A_179 = tpu.sem_alloc : memref<!tpu.dma_semaphore, #tpu.memory_space<semaphore_mem>>
      %dma_start3A = arith.constant 1568 : i32
      %dma_start3A_180 = tpu.memref_slice %arg8[%dma_start3A] : memref<12544xf32, #tpu.memory_space<vmem>> -> memref<1568xf32, #tpu.memory_space<vmem>>
      %dma_start3A_181 = tpu.memref_slice %arg5[%add3A_136] : memref<802816xf32, #tpu.memory_space<hbm>> -> memref<1568xf32, #tpu.memory_space<hbm>>
      %dma_start3A_182 = tpu.memref_slice %arg5[%add3A_136] : memref<802816xf32, #tpu.memory_space<hbm>> -> memref<1568xf32, #tpu.memory_space<hbm>>
      %dma_start3A_183 = arith.constant 1568 : i32
      %dma_start3A_184 = tpu.memref_slice %arg8[%dma_start3A_183] : memref<12544xf32, #tpu.memory_space<vmem>> -> memref<1568xf32, #tpu.memory_space<vmem>>
      tpu.enqueue_dma source(%dma_start3A_184 : memref<1568xf32, #tpu.memory_space<vmem>>) target(%dma_start3A_182 : memref<1568xf32, #tpu.memory_space<hbm>>) target_semaphore(%run_scoped3A_179 : memref<!tpu.dma_semaphore, #tpu.memory_space<semaphore_mem>>)
      %dma_wait3A = arith.constant 1568 : i32
      %dma_wait3A_185 = tpu.memref_slice %arg8[%dma_wait3A] : memref<12544xf32, #tpu.memory_space<vmem>> -> memref<1568xf32, #tpu.memory_space<vmem>>
      %dma_wait3A_186 = tpu.memref_slice %arg5[%add3A_136] : memref<802816xf32, #tpu.memory_space<hbm>> -> memref<1568xf32, #tpu.memory_space<hbm>>
      %dma_wait3A_187 = tpu.memref_slice %arg5[%add3A_136] : memref<802816xf32, #tpu.memory_space<hbm>> -> memref<1568xf32, #tpu.memory_space<hbm>>
      %dma_wait3A_188 = arith.constant 1568 : i32
      %dma_wait3A_189 = tpu.memref_slice %arg8[%dma_wait3A_188] : memref<12544xf32, #tpu.memory_space<vmem>> -> memref<1568xf32, #tpu.memory_space<vmem>>
      tpu.wait_dma2 semaphore(%run_scoped3A_179 : memref<!tpu.dma_semaphore, #tpu.memory_space<semaphore_mem>>) src(%dma_wait3A_189 : memref<1568xf32, #tpu.memory_space<vmem>>) dst(%dma_wait3A_187 : memref<1568xf32, #tpu.memory_space<hbm>>)
      tpu.yield
    }) : () -> ()
    %mul3A_137 = arith.constant 8 : i32
    %mul3A_138 = arith.muli %select_n3A, %mul3A_137 : i32
    %add3A_139 = arith.constant 2 : i32
    %add3A_140 = arith.addi %mul3A_138, %add3A_139 : i32
    %mul3A_141 = arith.constant 50176 : i32
    %mul3A_142 = arith.muli %add3A_140, %mul3A_141 : i32
    %add3A_143 = arith.addi %mul3A_142, %add3A_122 : i32
    "tpu.region"() ({
      %run_scoped3A_179 = tpu.sem_alloc : memref<!tpu.dma_semaphore, #tpu.memory_space<semaphore_mem>>
      %dma_start3A = arith.constant 3136 : i32
      %dma_start3A_180 = tpu.memref_slice %arg8[%dma_start3A] : memref<12544xf32, #tpu.memory_space<vmem>> -> memref<1568xf32, #tpu.memory_space<vmem>>
      %dma_start3A_181 = tpu.memref_slice %arg5[%add3A_143] : memref<802816xf32, #tpu.memory_space<hbm>> -> memref<1568xf32, #tpu.memory_space<hbm>>
      %dma_start3A_182 = tpu.memref_slice %arg5[%add3A_143] : memref<802816xf32, #tpu.memory_space<hbm>> -> memref<1568xf32, #tpu.memory_space<hbm>>
      %dma_start3A_183 = arith.constant 3136 : i32
      %dma_start3A_184 = tpu.memref_slice %arg8[%dma_start3A_183] : memref<12544xf32, #tpu.memory_space<vmem>> -> memref<1568xf32, #tpu.memory_space<vmem>>
      tpu.enqueue_dma source(%dma_start3A_184 : memref<1568xf32, #tpu.memory_space<vmem>>) target(%dma_start3A_182 : memref<1568xf32, #tpu.memory_space<hbm>>) target_semaphore(%run_scoped3A_179 : memref<!tpu.dma_semaphore, #tpu.memory_space<semaphore_mem>>)
      %dma_wait3A = arith.constant 3136 : i32
      %dma_wait3A_185 = tpu.memref_slice %arg8[%dma_wait3A] : memref<12544xf32, #tpu.memory_space<vmem>> -> memref<1568xf32, #tpu.memory_space<vmem>>
      %dma_wait3A_186 = tpu.memref_slice %arg5[%add3A_143] : memref<802816xf32, #tpu.memory_space<hbm>> -> memref<1568xf32, #tpu.memory_space<hbm>>
      %dma_wait3A_187 = tpu.memref_slice %arg5[%add3A_143] : memref<802816xf32, #tpu.memory_space<hbm>> -> memref<1568xf32, #tpu.memory_space<hbm>>
      %dma_wait3A_188 = arith.constant 3136 : i32
      %dma_wait3A_189 = tpu.memref_slice %arg8[%dma_wait3A_188] : memref<12544xf32, #tpu.memory_space<vmem>> -> memref<1568xf32, #tpu.memory_space<vmem>>
      tpu.wait_dma2 semaphore(%run_scoped3A_179 : memref<!tpu.dma_semaphore, #tpu.memory_space<semaphore_mem>>) src(%dma_wait3A_189 : memref<1568xf32, #tpu.memory_space<vmem>>) dst(%dma_wait3A_187 : memref<1568xf32, #tpu.memory_space<hbm>>)
      tpu.yield
    }) : () -> ()
    %mul3A_144 = arith.constant 8 : i32
    %mul3A_145 = arith.muli %select_n3A, %mul3A_144 : i32
    %add3A_146 = arith.constant 3 : i32
    %add3A_147 = arith.addi %mul3A_145, %add3A_146 : i32
    %mul3A_148 = arith.constant 50176 : i32
    %mul3A_149 = arith.muli %add3A_147, %mul3A_148 : i32
    %add3A_150 = arith.addi %mul3A_149, %add3A_122 : i32
    "tpu.region"() ({
      %run_scoped3A_179 = tpu.sem_alloc : memref<!tpu.dma_semaphore, #tpu.memory_space<semaphore_mem>>
      %dma_start3A = arith.constant 4704 : i32
      %dma_start3A_180 = tpu.memref_slice %arg8[%dma_start3A] : memref<12544xf32, #tpu.memory_space<vmem>> -> memref<1568xf32, #tpu.memory_space<vmem>>
      %dma_start3A_181 = tpu.memref_slice %arg5[%add3A_150] : memref<802816xf32, #tpu.memory_space<hbm>> -> memref<1568xf32, #tpu.memory_space<hbm>>
      %dma_start3A_182 = tpu.memref_slice %arg5[%add3A_150] : memref<802816xf32, #tpu.memory_space<hbm>> -> memref<1568xf32, #tpu.memory_space<hbm>>
      %dma_start3A_183 = arith.constant 4704 : i32
      %dma_start3A_184 = tpu.memref_slice %arg8[%dma_start3A_183] : memref<12544xf32, #tpu.memory_space<vmem>> -> memref<1568xf32, #tpu.memory_space<vmem>>
      tpu.enqueue_dma source(%dma_start3A_184 : memref<1568xf32, #tpu.memory_space<vmem>>) target(%dma_start3A_182 : memref<1568xf32, #tpu.memory_space<hbm>>) target_semaphore(%run_scoped3A_179 : memref<!tpu.dma_semaphore, #tpu.memory_space<semaphore_mem>>)
      %dma_wait3A = arith.constant 4704 : i32
      %dma_wait3A_185 = tpu.memref_slice %arg8[%dma_wait3A] : memref<12544xf32, #tpu.memory_space<vmem>> -> memref<1568xf32, #tpu.memory_space<vmem>>
      %dma_wait3A_186 = tpu.memref_slice %arg5[%add3A_150] : memref<802816xf32, #tpu.memory_space<hbm>> -> memref<1568xf32, #tpu.memory_space<hbm>>
      %dma_wait3A_187 = tpu.memref_slice %arg5[%add3A_150] : memref<802816xf32, #tpu.memory_space<hbm>> -> memref<1568xf32, #tpu.memory_space<hbm>>
      %dma_wait3A_188 = arith.constant 4704 : i32
      %dma_wait3A_189 = tpu.memref_slice %arg8[%dma_wait3A_188] : memref<12544xf32, #tpu.memory_space<vmem>> -> memref<1568xf32, #tpu.memory_space<vmem>>
      tpu.wait_dma2 semaphore(%run_scoped3A_179 : memref<!tpu.dma_semaphore, #tpu.memory_space<semaphore_mem>>) src(%dma_wait3A_189 : memref<1568xf32, #tpu.memory_space<vmem>>) dst(%dma_wait3A_187 : memref<1568xf32, #tpu.memory_space<hbm>>)
      tpu.yield
    }) : () -> ()
    %mul3A_151 = arith.constant 8 : i32
    %mul3A_152 = arith.muli %select_n3A, %mul3A_151 : i32
    %add3A_153 = arith.constant 4 : i32
    %add3A_154 = arith.addi %mul3A_152, %add3A_153 : i32
    %mul3A_155 = arith.constant 50176 : i32
    %mul3A_156 = arith.muli %add3A_154, %mul3A_155 : i32
    %add3A_157 = arith.addi %mul3A_156, %add3A_122 : i32
    "tpu.region"() ({
      %run_scoped3A_179 = tpu.sem_alloc : memref<!tpu.dma_semaphore, #tpu.memory_space<semaphore_mem>>
      %dma_start3A = arith.constant 6272 : i32
      %dma_start3A_180 = tpu.memref_slice %arg8[%dma_start3A] : memref<12544xf32, #tpu.memory_space<vmem>> -> memref<1568xf32, #tpu.memory_space<vmem>>
      %dma_start3A_181 = tpu.memref_slice %arg5[%add3A_157] : memref<802816xf32, #tpu.memory_space<hbm>> -> memref<1568xf32, #tpu.memory_space<hbm>>
      %dma_start3A_182 = tpu.memref_slice %arg5[%add3A_157] : memref<802816xf32, #tpu.memory_space<hbm>> -> memref<1568xf32, #tpu.memory_space<hbm>>
      %dma_start3A_183 = arith.constant 6272 : i32
      %dma_start3A_184 = tpu.memref_slice %arg8[%dma_start3A_183] : memref<12544xf32, #tpu.memory_space<vmem>> -> memref<1568xf32, #tpu.memory_space<vmem>>
      tpu.enqueue_dma source(%dma_start3A_184 : memref<1568xf32, #tpu.memory_space<vmem>>) target(%dma_start3A_182 : memref<1568xf32, #tpu.memory_space<hbm>>) target_semaphore(%run_scoped3A_179 : memref<!tpu.dma_semaphore, #tpu.memory_space<semaphore_mem>>)
      %dma_wait3A = arith.constant 6272 : i32
      %dma_wait3A_185 = tpu.memref_slice %arg8[%dma_wait3A] : memref<12544xf32, #tpu.memory_space<vmem>> -> memref<1568xf32, #tpu.memory_space<vmem>>
      %dma_wait3A_186 = tpu.memref_slice %arg5[%add3A_157] : memref<802816xf32, #tpu.memory_space<hbm>> -> memref<1568xf32, #tpu.memory_space<hbm>>
      %dma_wait3A_187 = tpu.memref_slice %arg5[%add3A_157] : memref<802816xf32, #tpu.memory_space<hbm>> -> memref<1568xf32, #tpu.memory_space<hbm>>
      %dma_wait3A_188 = arith.constant 6272 : i32
      %dma_wait3A_189 = tpu.memref_slice %arg8[%dma_wait3A_188] : memref<12544xf32, #tpu.memory_space<vmem>> -> memref<1568xf32, #tpu.memory_space<vmem>>
      tpu.wait_dma2 semaphore(%run_scoped3A_179 : memref<!tpu.dma_semaphore, #tpu.memory_space<semaphore_mem>>) src(%dma_wait3A_189 : memref<1568xf32, #tpu.memory_space<vmem>>) dst(%dma_wait3A_187 : memref<1568xf32, #tpu.memory_space<hbm>>)
      tpu.yield
    }) : () -> ()
    %mul3A_158 = arith.constant 8 : i32
    %mul3A_159 = arith.muli %select_n3A, %mul3A_158 : i32
    %add3A_160 = arith.constant 5 : i32
    %add3A_161 = arith.addi %mul3A_159, %add3A_160 : i32
    %mul3A_162 = arith.constant 50176 : i32
    %mul3A_163 = arith.muli %add3A_161, %mul3A_162 : i32
    %add3A_164 = arith.addi %mul3A_163, %add3A_122 : i32
    "tpu.region"() ({
      %run_scoped3A_179 = tpu.sem_alloc : memref<!tpu.dma_semaphore, #tpu.memory_space<semaphore_mem>>
      %dma_start3A = arith.constant 7840 : i32
      %dma_start3A_180 = tpu.memref_slice %arg8[%dma_start3A] : memref<12544xf32, #tpu.memory_space<vmem>> -> memref<1568xf32, #tpu.memory_space<vmem>>
      %dma_start3A_181 = tpu.memref_slice %arg5[%add3A_164] : memref<802816xf32, #tpu.memory_space<hbm>> -> memref<1568xf32, #tpu.memory_space<hbm>>
      %dma_start3A_182 = tpu.memref_slice %arg5[%add3A_164] : memref<802816xf32, #tpu.memory_space<hbm>> -> memref<1568xf32, #tpu.memory_space<hbm>>
      %dma_start3A_183 = arith.constant 7840 : i32
      %dma_start3A_184 = tpu.memref_slice %arg8[%dma_start3A_183] : memref<12544xf32, #tpu.memory_space<vmem>> -> memref<1568xf32, #tpu.memory_space<vmem>>
      tpu.enqueue_dma source(%dma_start3A_184 : memref<1568xf32, #tpu.memory_space<vmem>>) target(%dma_start3A_182 : memref<1568xf32, #tpu.memory_space<hbm>>) target_semaphore(%run_scoped3A_179 : memref<!tpu.dma_semaphore, #tpu.memory_space<semaphore_mem>>)
      %dma_wait3A = arith.constant 7840 : i32
      %dma_wait3A_185 = tpu.memref_slice %arg8[%dma_wait3A] : memref<12544xf32, #tpu.memory_space<vmem>> -> memref<1568xf32, #tpu.memory_space<vmem>>
      %dma_wait3A_186 = tpu.memref_slice %arg5[%add3A_164] : memref<802816xf32, #tpu.memory_space<hbm>> -> memref<1568xf32, #tpu.memory_space<hbm>>
      %dma_wait3A_187 = tpu.memref_slice %arg5[%add3A_164] : memref<802816xf32, #tpu.memory_space<hbm>> -> memref<1568xf32, #tpu.memory_space<hbm>>
      %dma_wait3A_188 = arith.constant 7840 : i32
      %dma_wait3A_189 = tpu.memref_slice %arg8[%dma_wait3A_188] : memref<12544xf32, #tpu.memory_space<vmem>> -> memref<1568xf32, #tpu.memory_space<vmem>>
      tpu.wait_dma2 semaphore(%run_scoped3A_179 : memref<!tpu.dma_semaphore, #tpu.memory_space<semaphore_mem>>) src(%dma_wait3A_189 : memref<1568xf32, #tpu.memory_space<vmem>>) dst(%dma_wait3A_187 : memref<1568xf32, #tpu.memory_space<hbm>>)
      tpu.yield
    }) : () -> ()
    %mul3A_165 = arith.constant 8 : i32
    %mul3A_166 = arith.muli %select_n3A, %mul3A_165 : i32
    %add3A_167 = arith.constant 6 : i32
    %add3A_168 = arith.addi %mul3A_166, %add3A_167 : i32
    %mul3A_169 = arith.constant 50176 : i32
    %mul3A_170 = arith.muli %add3A_168, %mul3A_169 : i32
    %add3A_171 = arith.addi %mul3A_170, %add3A_122 : i32
    "tpu.region"() ({
      %run_scoped3A_179 = tpu.sem_alloc : memref<!tpu.dma_semaphore, #tpu.memory_space<semaphore_mem>>
      %dma_start3A = arith.constant 9408 : i32
      %dma_start3A_180 = tpu.memref_slice %arg8[%dma_start3A] : memref<12544xf32, #tpu.memory_space<vmem>> -> memref<1568xf32, #tpu.memory_space<vmem>>
      %dma_start3A_181 = tpu.memref_slice %arg5[%add3A_171] : memref<802816xf32, #tpu.memory_space<hbm>> -> memref<1568xf32, #tpu.memory_space<hbm>>
      %dma_start3A_182 = tpu.memref_slice %arg5[%add3A_171] : memref<802816xf32, #tpu.memory_space<hbm>> -> memref<1568xf32, #tpu.memory_space<hbm>>
      %dma_start3A_183 = arith.constant 9408 : i32
      %dma_start3A_184 = tpu.memref_slice %arg8[%dma_start3A_183] : memref<12544xf32, #tpu.memory_space<vmem>> -> memref<1568xf32, #tpu.memory_space<vmem>>
      tpu.enqueue_dma source(%dma_start3A_184 : memref<1568xf32, #tpu.memory_space<vmem>>) target(%dma_start3A_182 : memref<1568xf32, #tpu.memory_space<hbm>>) target_semaphore(%run_scoped3A_179 : memref<!tpu.dma_semaphore, #tpu.memory_space<semaphore_mem>>)
      %dma_wait3A = arith.constant 9408 : i32
      %dma_wait3A_185 = tpu.memref_slice %arg8[%dma_wait3A] : memref<12544xf32, #tpu.memory_space<vmem>> -> memref<1568xf32, #tpu.memory_space<vmem>>
      %dma_wait3A_186 = tpu.memref_slice %arg5[%add3A_171] : memref<802816xf32, #tpu.memory_space<hbm>> -> memref<1568xf32, #tpu.memory_space<hbm>>
      %dma_wait3A_187 = tpu.memref_slice %arg5[%add3A_171] : memref<802816xf32, #tpu.memory_space<hbm>> -> memref<1568xf32, #tpu.memory_space<hbm>>
      %dma_wait3A_188 = arith.constant 9408 : i32
      %dma_wait3A_189 = tpu.memref_slice %arg8[%dma_wait3A_188] : memref<12544xf32, #tpu.memory_space<vmem>> -> memref<1568xf32, #tpu.memory_space<vmem>>
      tpu.wait_dma2 semaphore(%run_scoped3A_179 : memref<!tpu.dma_semaphore, #tpu.memory_space<semaphore_mem>>) src(%dma_wait3A_189 : memref<1568xf32, #tpu.memory_space<vmem>>) dst(%dma_wait3A_187 : memref<1568xf32, #tpu.memory_space<hbm>>)
      tpu.yield
    }) : () -> ()
    %mul3A_172 = arith.constant 8 : i32
    %mul3A_173 = arith.muli %select_n3A, %mul3A_172 : i32
    %add3A_174 = arith.constant 7 : i32
    %add3A_175 = arith.addi %mul3A_173, %add3A_174 : i32
    %mul3A_176 = arith.constant 50176 : i32
    %mul3A_177 = arith.muli %add3A_175, %mul3A_176 : i32
    %add3A_178 = arith.addi %mul3A_177, %add3A_122 : i32
    "tpu.region"() ({
      %run_scoped3A_179 = tpu.sem_alloc : memref<!tpu.dma_semaphore, #tpu.memory_space<semaphore_mem>>
      %dma_start3A = arith.constant 10976 : i32
      %dma_start3A_180 = tpu.memref_slice %arg8[%dma_start3A] : memref<12544xf32, #tpu.memory_space<vmem>> -> memref<1568xf32, #tpu.memory_space<vmem>>
      %dma_start3A_181 = tpu.memref_slice %arg5[%add3A_178] : memref<802816xf32, #tpu.memory_space<hbm>> -> memref<1568xf32, #tpu.memory_space<hbm>>
      %dma_start3A_182 = tpu.memref_slice %arg5[%add3A_178] : memref<802816xf32, #tpu.memory_space<hbm>> -> memref<1568xf32, #tpu.memory_space<hbm>>
      %dma_start3A_183 = arith.constant 10976 : i32
      %dma_start3A_184 = tpu.memref_slice %arg8[%dma_start3A_183] : memref<12544xf32, #tpu.memory_space<vmem>> -> memref<1568xf32, #tpu.memory_space<vmem>>
      tpu.enqueue_dma source(%dma_start3A_184 : memref<1568xf32, #tpu.memory_space<vmem>>) target(%dma_start3A_182 : memref<1568xf32, #tpu.memory_space<hbm>>) target_semaphore(%run_scoped3A_179 : memref<!tpu.dma_semaphore, #tpu.memory_space<semaphore_mem>>)
      %dma_wait3A = arith.constant 10976 : i32
      %dma_wait3A_185 = tpu.memref_slice %arg8[%dma_wait3A] : memref<12544xf32, #tpu.memory_space<vmem>> -> memref<1568xf32, #tpu.memory_space<vmem>>
      %dma_wait3A_186 = tpu.memref_slice %arg5[%add3A_178] : memref<802816xf32, #tpu.memory_space<hbm>> -> memref<1568xf32, #tpu.memory_space<hbm>>
      %dma_wait3A_187 = tpu.memref_slice %arg5[%add3A_178] : memref<802816xf32, #tpu.memory_space<hbm>> -> memref<1568xf32, #tpu.memory_space<hbm>>
      %dma_wait3A_188 = arith.constant 10976 : i32
      %dma_wait3A_189 = tpu.memref_slice %arg8[%dma_wait3A_188] : memref<12544xf32, #tpu.memory_space<vmem>> -> memref<1568xf32, #tpu.memory_space<vmem>>
      tpu.wait_dma2 semaphore(%run_scoped3A_179 : memref<!tpu.dma_semaphore, #tpu.memory_space<semaphore_mem>>) src(%dma_wait3A_189 : memref<1568xf32, #tpu.memory_space<vmem>>) dst(%dma_wait3A_187 : memref<1568xf32, #tpu.memory_space<hbm>>)
      tpu.yield
    }) : () -> ()
    return
  }
}

#map = affine_map<(d0, d1) -> (0, 0)>
#map1 = affine_map<(d0, d1) -> (0)>
module attributes {stable_mosaic.version = 14 : i64} {
  func.func @_sc_gather(%arg0: i32, %arg1: i32, %arg2: memref<32768x256xf32, #tpu.memory_space<hbm>>, %arg3: memref<100352xi32, #tpu.memory_space<hbm>>, %arg4: memref<100352x256xf32, #tpu.memory_space<hbm>>, %arg5: memref<3136xi32, #tpu.memory_space<vmem>>, %arg6: memref<112x256xf32, #tpu.memory_space<vmem>>, %arg7: memref<112x256xf32, #tpu.memory_space<vmem>>, %arg8: memref<112x256xf32, #tpu.memory_space<vmem>>, %arg9: memref<112x256xf32, #tpu.memory_space<vmem>>, %arg10: memref<!tpu.dma_semaphore, #tpu.memory_space<semaphore_mem>>, %arg11: memref<!tpu.dma_semaphore, #tpu.memory_space<semaphore_mem>>, %arg12: memref<!tpu.dma_semaphore, #tpu.memory_space<semaphore_mem>>, %arg13: memref<!tpu.dma_semaphore, #tpu.memory_space<semaphore_mem>>) attributes {dimension_semantics = [#tpu.dimension_semantics<core_parallel>, #tpu.dimension_semantics<subcore_parallel>], iteration_bounds = array<i64: 2, 16>, scalar_prefetch = 0 : i64, scratch_operands = 9 : i64, tpu.core_type = #tpu.core_type<sc_vector_subcore>, window_params = [{transform_indices = #map}, {transform_indices = #map1}, {transform_indices = #map}]} {
    %mul3A = arith.constant 2 : i32
    %mul3A_0 = arith.muli %arg1, %mul3A : i32
    %add3A = arith.addi %mul3A_0, %arg0 : i32
    %mul3A_1 = arith.constant 3136 : i32
    %mul3A_2 = arith.muli %add3A, %mul3A_1 : i32
    "tpu.region"() ({
      %run_scoped3A = tpu.sem_alloc : memref<!tpu.dma_semaphore, #tpu.memory_space<semaphore_mem>>
      %dma_start3A_22 = tpu.memref_slice %arg3[%mul3A_2] : memref<100352xi32, #tpu.memory_space<hbm>> -> memref<3136xi32, #tpu.memory_space<hbm>>
      %dma_start3A_23 = tpu.memref_slice %arg3[%mul3A_2] : memref<100352xi32, #tpu.memory_space<hbm>> -> memref<3136xi32, #tpu.memory_space<hbm>>
      tpu.enqueue_dma source(%dma_start3A_23 : memref<3136xi32, #tpu.memory_space<hbm>>) target(%arg5 : memref<3136xi32, #tpu.memory_space<vmem>>) target_semaphore(%run_scoped3A : memref<!tpu.dma_semaphore, #tpu.memory_space<semaphore_mem>>)
      %dma_wait3A = tpu.memref_slice %arg3[%mul3A_2] : memref<100352xi32, #tpu.memory_space<hbm>> -> memref<3136xi32, #tpu.memory_space<hbm>>
      %dma_wait3A_24 = tpu.memref_slice %arg3[%mul3A_2] : memref<100352xi32, #tpu.memory_space<hbm>> -> memref<3136xi32, #tpu.memory_space<hbm>>
      tpu.wait_dma2 semaphore(%run_scoped3A : memref<!tpu.dma_semaphore, #tpu.memory_space<semaphore_mem>>) src(%dma_wait3A_24 : memref<3136xi32, #tpu.memory_space<hbm>>) dst(%arg5 : memref<3136xi32, #tpu.memory_space<vmem>>)
      tpu.yield
    }) : () -> ()
    %dma_start3A = arith.constant 0 : i32
    %dma_start3A_3 = tpu.memref_slice %arg5[%dma_start3A] : memref<3136xi32, #tpu.memory_space<vmem>> -> memref<112xi32, #tpu.memory_space<vmem>>
    %dma_start3A_4 = arith.constant 0 : i32
    %dma_start3A_5 = arith.constant 0 : i32
    %dma_start3A_6 = tpu.memref_slice %arg2[%dma_start3A_4, %dma_start3A_5] : memref<32768x256xf32, #tpu.memory_space<hbm>> -> memref<32768x256xf32, #tpu.memory_space<hbm>>
    tpu.enqueue_indirect_dma source(%dma_start3A_6 : memref<32768x256xf32, #tpu.memory_space<hbm>>) target(%arg6 : memref<112x256xf32, #tpu.memory_space<vmem>>) offsets(%dma_start3A_3 : memref<112xi32, #tpu.memory_space<vmem>>) semaphore(%arg10 : memref<!tpu.dma_semaphore, #tpu.memory_space<semaphore_mem>>)
    %dma_start3A_7 = arith.constant 112 : i32
    %dma_start3A_8 = tpu.memref_slice %arg5[%dma_start3A_7] : memref<3136xi32, #tpu.memory_space<vmem>> -> memref<112xi32, #tpu.memory_space<vmem>>
    %dma_start3A_9 = arith.constant 0 : i32
    %dma_start3A_10 = arith.constant 0 : i32
    %dma_start3A_11 = tpu.memref_slice %arg2[%dma_start3A_9, %dma_start3A_10] : memref<32768x256xf32, #tpu.memory_space<hbm>> -> memref<32768x256xf32, #tpu.memory_space<hbm>>
    tpu.enqueue_indirect_dma source(%dma_start3A_11 : memref<32768x256xf32, #tpu.memory_space<hbm>>) target(%arg7 : memref<112x256xf32, #tpu.memory_space<vmem>>) offsets(%dma_start3A_8 : memref<112xi32, #tpu.memory_space<vmem>>) semaphore(%arg11 : memref<!tpu.dma_semaphore, #tpu.memory_space<semaphore_mem>>)
    %dma_start3A_12 = arith.constant 224 : i32
    %dma_start3A_13 = tpu.memref_slice %arg5[%dma_start3A_12] : memref<3136xi32, #tpu.memory_space<vmem>> -> memref<112xi32, #tpu.memory_space<vmem>>
    %dma_start3A_14 = arith.constant 0 : i32
    %dma_start3A_15 = arith.constant 0 : i32
    %dma_start3A_16 = tpu.memref_slice %arg2[%dma_start3A_14, %dma_start3A_15] : memref<32768x256xf32, #tpu.memory_space<hbm>> -> memref<32768x256xf32, #tpu.memory_space<hbm>>
    tpu.enqueue_indirect_dma source(%dma_start3A_16 : memref<32768x256xf32, #tpu.memory_space<hbm>>) target(%arg8 : memref<112x256xf32, #tpu.memory_space<vmem>>) offsets(%dma_start3A_13 : memref<112xi32, #tpu.memory_space<vmem>>) semaphore(%arg12 : memref<!tpu.dma_semaphore, #tpu.memory_space<semaphore_mem>>)
    %scan3A = arith.constant 0 : i32
    %scan3A_17 = arith.constant 0 : i32
    %scan3A_18 = arith.constant 7 : i32
    %scan3A_19 = arith.addi %scan3A_17, %scan3A_18 : i32
    %scan3A_20 = arith.constant 1 : i32
    scf.for %scan3A_22 = %scan3A_17 to %scan3A_19 step %scan3A_20  : i32 {
      %mul3A_23 = arith.constant 4 : i32
      %mul3A_24 = arith.muli %mul3A_23, %scan3A_22 : i32
      %add3A_25 = arith.constant 0 : i32
      %add3A_26 = arith.addi %mul3A_24, %add3A_25 : i32
      %add3A_27 = arith.constant 4 : i32
      %add3A_28 = arith.addi %add3A_26, %add3A_27 : i32
      %sub3A = arith.constant 1 : i32
      %sub3A_29 = arith.subi %add3A_28, %sub3A : i32
      %lt3A = arith.constant 28 : i32
      %lt3A_30 = arith.cmpi slt, %sub3A_29, %lt3A : i32
      %convert_element_type3A = arith.extui %lt3A_30 : i1 to i32
      %cond3A = arith.constant 0 : i32
      %cond3A_31 = arith.cmpi ne, %convert_element_type3A, %cond3A : i32
      scf.if %cond3A_31 {
        %add3A_106 = arith.constant 4 : i32
        %add3A_107 = arith.addi %add3A_26, %add3A_106 : i32
        %sub3A_108 = arith.constant 1 : i32
        %sub3A_109 = arith.subi %add3A_107, %sub3A_108 : i32
        %mul3A_110 = arith.constant 112 : i32
        %mul3A_111 = arith.muli %sub3A_109, %mul3A_110 : i32
        %dma_start3A_112 = tpu.memref_slice %arg5[%mul3A_111] : memref<3136xi32, #tpu.memory_space<vmem>> -> memref<112xi32, #tpu.memory_space<vmem>>
        %dma_start3A_113 = arith.constant 0 : i32
        %dma_start3A_114 = arith.constant 0 : i32
        %dma_start3A_115 = tpu.memref_slice %arg2[%dma_start3A_113, %dma_start3A_114] : memref<32768x256xf32, #tpu.memory_space<hbm>> -> memref<32768x256xf32, #tpu.memory_space<hbm>>
        tpu.enqueue_indirect_dma source(%dma_start3A_115 : memref<32768x256xf32, #tpu.memory_space<hbm>>) target(%arg9 : memref<112x256xf32, #tpu.memory_space<vmem>>) offsets(%dma_start3A_112 : memref<112xi32, #tpu.memory_space<vmem>>) semaphore(%arg13 : memref<!tpu.dma_semaphore, #tpu.memory_space<semaphore_mem>>)
      } else {
      }
      %mul3A_32 = arith.constant 112 : i32
      %mul3A_33 = arith.muli %add3A_26, %mul3A_32 : i32
      %dma_wait3A = tpu.memref_slice %arg5[%mul3A_33] : memref<3136xi32, #tpu.memory_space<vmem>> -> memref<112xi32, #tpu.memory_space<vmem>>
      %dma_wait3A_34 = arith.constant 0 : i32
      %dma_wait3A_35 = arith.constant 0 : i32
      %dma_wait3A_36 = tpu.memref_slice %arg2[%dma_wait3A_34, %dma_wait3A_35] : memref<32768x256xf32, #tpu.memory_space<hbm>> -> memref<32768x256xf32, #tpu.memory_space<hbm>>
      tpu.wait_indirect_dma semaphore(%arg10 : memref<!tpu.dma_semaphore, #tpu.memory_space<semaphore_mem>>) src(%dma_wait3A_36 : memref<32768x256xf32, #tpu.memory_space<hbm>>) dst(%arg6 : memref<112x256xf32, #tpu.memory_space<vmem>>)
      %mul3A_37 = arith.constant 112 : i32
      %mul3A_38 = arith.muli %add3A_26, %mul3A_37 : i32
      %add3A_39 = arith.addi %mul3A_2, %mul3A_38 : i32
      "tpu.region"() ({
        %run_scoped3A = tpu.sem_alloc : memref<!tpu.dma_semaphore, #tpu.memory_space<semaphore_mem>>
        %dma_start3A_106 = arith.constant 0 : i32
        %dma_start3A_107 = tpu.memref_slice %arg4[%add3A_39, %dma_start3A_106] : memref<100352x256xf32, #tpu.memory_space<hbm>> -> memref<112x256xf32, #tpu.memory_space<hbm>>
        %dma_start3A_108 = arith.constant 0 : i32
        %dma_start3A_109 = tpu.memref_slice %arg4[%add3A_39, %dma_start3A_108] : memref<100352x256xf32, #tpu.memory_space<hbm>> -> memref<112x256xf32, #tpu.memory_space<hbm>>
        tpu.enqueue_dma source(%arg6 : memref<112x256xf32, #tpu.memory_space<vmem>>) target(%dma_start3A_109 : memref<112x256xf32, #tpu.memory_space<hbm>>) target_semaphore(%run_scoped3A : memref<!tpu.dma_semaphore, #tpu.memory_space<semaphore_mem>>)
        %dma_wait3A_110 = arith.constant 0 : i32
        %dma_wait3A_111 = tpu.memref_slice %arg4[%add3A_39, %dma_wait3A_110] : memref<100352x256xf32, #tpu.memory_space<hbm>> -> memref<112x256xf32, #tpu.memory_space<hbm>>
        %dma_wait3A_112 = arith.constant 0 : i32
        %dma_wait3A_113 = tpu.memref_slice %arg4[%add3A_39, %dma_wait3A_112] : memref<100352x256xf32, #tpu.memory_space<hbm>> -> memref<112x256xf32, #tpu.memory_space<hbm>>
        tpu.wait_dma2 semaphore(%run_scoped3A : memref<!tpu.dma_semaphore, #tpu.memory_space<semaphore_mem>>) src(%arg6 : memref<112x256xf32, #tpu.memory_space<vmem>>) dst(%dma_wait3A_113 : memref<112x256xf32, #tpu.memory_space<hbm>>)
        tpu.yield
      }) : () -> ()
      %mul3A_40 = arith.constant 4 : i32
      %mul3A_41 = arith.muli %mul3A_40, %scan3A_22 : i32
      %add3A_42 = arith.constant 1 : i32
      %add3A_43 = arith.addi %mul3A_41, %add3A_42 : i32
      %add3A_44 = arith.constant 4 : i32
      %add3A_45 = arith.addi %add3A_43, %add3A_44 : i32
      %sub3A_46 = arith.constant 1 : i32
      %sub3A_47 = arith.subi %add3A_45, %sub3A_46 : i32
      %lt3A_48 = arith.constant 28 : i32
      %lt3A_49 = arith.cmpi slt, %sub3A_47, %lt3A_48 : i32
      %convert_element_type3A_50 = arith.extui %lt3A_49 : i1 to i32
      %cond3A_51 = arith.constant 0 : i32
      %cond3A_52 = arith.cmpi ne, %convert_element_type3A_50, %cond3A_51 : i32
      scf.if %cond3A_52 {
        %add3A_106 = arith.constant 4 : i32
        %add3A_107 = arith.addi %add3A_43, %add3A_106 : i32
        %sub3A_108 = arith.constant 1 : i32
        %sub3A_109 = arith.subi %add3A_107, %sub3A_108 : i32
        %mul3A_110 = arith.constant 112 : i32
        %mul3A_111 = arith.muli %sub3A_109, %mul3A_110 : i32
        %dma_start3A_112 = tpu.memref_slice %arg5[%mul3A_111] : memref<3136xi32, #tpu.memory_space<vmem>> -> memref<112xi32, #tpu.memory_space<vmem>>
        %dma_start3A_113 = arith.constant 0 : i32
        %dma_start3A_114 = arith.constant 0 : i32
        %dma_start3A_115 = tpu.memref_slice %arg2[%dma_start3A_113, %dma_start3A_114] : memref<32768x256xf32, #tpu.memory_space<hbm>> -> memref<32768x256xf32, #tpu.memory_space<hbm>>
        tpu.enqueue_indirect_dma source(%dma_start3A_115 : memref<32768x256xf32, #tpu.memory_space<hbm>>) target(%arg6 : memref<112x256xf32, #tpu.memory_space<vmem>>) offsets(%dma_start3A_112 : memref<112xi32, #tpu.memory_space<vmem>>) semaphore(%arg10 : memref<!tpu.dma_semaphore, #tpu.memory_space<semaphore_mem>>)
      } else {
      }
      %mul3A_53 = arith.constant 112 : i32
      %mul3A_54 = arith.muli %add3A_43, %mul3A_53 : i32
      %dma_wait3A_55 = tpu.memref_slice %arg5[%mul3A_54] : memref<3136xi32, #tpu.memory_space<vmem>> -> memref<112xi32, #tpu.memory_space<vmem>>
      %dma_wait3A_56 = arith.constant 0 : i32
      %dma_wait3A_57 = arith.constant 0 : i32
      %dma_wait3A_58 = tpu.memref_slice %arg2[%dma_wait3A_56, %dma_wait3A_57] : memref<32768x256xf32, #tpu.memory_space<hbm>> -> memref<32768x256xf32, #tpu.memory_space<hbm>>
      tpu.wait_indirect_dma semaphore(%arg11 : memref<!tpu.dma_semaphore, #tpu.memory_space<semaphore_mem>>) src(%dma_wait3A_58 : memref<32768x256xf32, #tpu.memory_space<hbm>>) dst(%arg7 : memref<112x256xf32, #tpu.memory_space<vmem>>)
      %mul3A_59 = arith.constant 112 : i32
      %mul3A_60 = arith.muli %add3A_43, %mul3A_59 : i32
      %add3A_61 = arith.addi %mul3A_2, %mul3A_60 : i32
      "tpu.region"() ({
        %run_scoped3A = tpu.sem_alloc : memref<!tpu.dma_semaphore, #tpu.memory_space<semaphore_mem>>
        %dma_start3A_106 = arith.constant 0 : i32
        %dma_start3A_107 = tpu.memref_slice %arg4[%add3A_61, %dma_start3A_106] : memref<100352x256xf32, #tpu.memory_space<hbm>> -> memref<112x256xf32, #tpu.memory_space<hbm>>
        %dma_start3A_108 = arith.constant 0 : i32
        %dma_start3A_109 = tpu.memref_slice %arg4[%add3A_61, %dma_start3A_108] : memref<100352x256xf32, #tpu.memory_space<hbm>> -> memref<112x256xf32, #tpu.memory_space<hbm>>
        tpu.enqueue_dma source(%arg7 : memref<112x256xf32, #tpu.memory_space<vmem>>) target(%dma_start3A_109 : memref<112x256xf32, #tpu.memory_space<hbm>>) target_semaphore(%run_scoped3A : memref<!tpu.dma_semaphore, #tpu.memory_space<semaphore_mem>>)
        %dma_wait3A_110 = arith.constant 0 : i32
        %dma_wait3A_111 = tpu.memref_slice %arg4[%add3A_61, %dma_wait3A_110] : memref<100352x256xf32, #tpu.memory_space<hbm>> -> memref<112x256xf32, #tpu.memory_space<hbm>>
        %dma_wait3A_112 = arith.constant 0 : i32
        %dma_wait3A_113 = tpu.memref_slice %arg4[%add3A_61, %dma_wait3A_112] : memref<100352x256xf32, #tpu.memory_space<hbm>> -> memref<112x256xf32, #tpu.memory_space<hbm>>
        tpu.wait_dma2 semaphore(%run_scoped3A : memref<!tpu.dma_semaphore, #tpu.memory_space<semaphore_mem>>) src(%arg7 : memref<112x256xf32, #tpu.memory_space<vmem>>) dst(%dma_wait3A_113 : memref<112x256xf32, #tpu.memory_space<hbm>>)
        tpu.yield
      }) : () -> ()
      %mul3A_62 = arith.constant 4 : i32
      %mul3A_63 = arith.muli %mul3A_62, %scan3A_22 : i32
      %add3A_64 = arith.constant 2 : i32
      %add3A_65 = arith.addi %mul3A_63, %add3A_64 : i32
      %add3A_66 = arith.constant 4 : i32
      %add3A_67 = arith.addi %add3A_65, %add3A_66 : i32
      %sub3A_68 = arith.constant 1 : i32
      %sub3A_69 = arith.subi %add3A_67, %sub3A_68 : i32
      %lt3A_70 = arith.constant 28 : i32
      %lt3A_71 = arith.cmpi slt, %sub3A_69, %lt3A_70 : i32
      %convert_element_type3A_72 = arith.extui %lt3A_71 : i1 to i32
      %cond3A_73 = arith.constant 0 : i32
      %cond3A_74 = arith.cmpi ne, %convert_element_type3A_72, %cond3A_73 : i32
      scf.if %cond3A_74 {
        %add3A_106 = arith.constant 4 : i32
        %add3A_107 = arith.addi %add3A_65, %add3A_106 : i32
        %sub3A_108 = arith.constant 1 : i32
        %sub3A_109 = arith.subi %add3A_107, %sub3A_108 : i32
        %mul3A_110 = arith.constant 112 : i32
        %mul3A_111 = arith.muli %sub3A_109, %mul3A_110 : i32
        %dma_start3A_112 = tpu.memref_slice %arg5[%mul3A_111] : memref<3136xi32, #tpu.memory_space<vmem>> -> memref<112xi32, #tpu.memory_space<vmem>>
        %dma_start3A_113 = arith.constant 0 : i32
        %dma_start3A_114 = arith.constant 0 : i32
        %dma_start3A_115 = tpu.memref_slice %arg2[%dma_start3A_113, %dma_start3A_114] : memref<32768x256xf32, #tpu.memory_space<hbm>> -> memref<32768x256xf32, #tpu.memory_space<hbm>>
        tpu.enqueue_indirect_dma source(%dma_start3A_115 : memref<32768x256xf32, #tpu.memory_space<hbm>>) target(%arg7 : memref<112x256xf32, #tpu.memory_space<vmem>>) offsets(%dma_start3A_112 : memref<112xi32, #tpu.memory_space<vmem>>) semaphore(%arg11 : memref<!tpu.dma_semaphore, #tpu.memory_space<semaphore_mem>>)
      } else {
      }
      %mul3A_75 = arith.constant 112 : i32
      %mul3A_76 = arith.muli %add3A_65, %mul3A_75 : i32
      %dma_wait3A_77 = tpu.memref_slice %arg5[%mul3A_76] : memref<3136xi32, #tpu.memory_space<vmem>> -> memref<112xi32, #tpu.memory_space<vmem>>
      %dma_wait3A_78 = arith.constant 0 : i32
      %dma_wait3A_79 = arith.constant 0 : i32
      %dma_wait3A_80 = tpu.memref_slice %arg2[%dma_wait3A_78, %dma_wait3A_79] : memref<32768x256xf32, #tpu.memory_space<hbm>> -> memref<32768x256xf32, #tpu.memory_space<hbm>>
      tpu.wait_indirect_dma semaphore(%arg12 : memref<!tpu.dma_semaphore, #tpu.memory_space<semaphore_mem>>) src(%dma_wait3A_80 : memref<32768x256xf32, #tpu.memory_space<hbm>>) dst(%arg8 : memref<112x256xf32, #tpu.memory_space<vmem>>)
      %mul3A_81 = arith.constant 112 : i32
      %mul3A_82 = arith.muli %add3A_65, %mul3A_81 : i32
      %add3A_83 = arith.addi %mul3A_2, %mul3A_82 : i32
      "tpu.region"() ({
        %run_scoped3A = tpu.sem_alloc : memref<!tpu.dma_semaphore, #tpu.memory_space<semaphore_mem>>
        %dma_start3A_106 = arith.constant 0 : i32
        %dma_start3A_107 = tpu.memref_slice %arg4[%add3A_83, %dma_start3A_106] : memref<100352x256xf32, #tpu.memory_space<hbm>> -> memref<112x256xf32, #tpu.memory_space<hbm>>
        %dma_start3A_108 = arith.constant 0 : i32
        %dma_start3A_109 = tpu.memref_slice %arg4[%add3A_83, %dma_start3A_108] : memref<100352x256xf32, #tpu.memory_space<hbm>> -> memref<112x256xf32, #tpu.memory_space<hbm>>
        tpu.enqueue_dma source(%arg8 : memref<112x256xf32, #tpu.memory_space<vmem>>) target(%dma_start3A_109 : memref<112x256xf32, #tpu.memory_space<hbm>>) target_semaphore(%run_scoped3A : memref<!tpu.dma_semaphore, #tpu.memory_space<semaphore_mem>>)
        %dma_wait3A_110 = arith.constant 0 : i32
        %dma_wait3A_111 = tpu.memref_slice %arg4[%add3A_83, %dma_wait3A_110] : memref<100352x256xf32, #tpu.memory_space<hbm>> -> memref<112x256xf32, #tpu.memory_space<hbm>>
        %dma_wait3A_112 = arith.constant 0 : i32
        %dma_wait3A_113 = tpu.memref_slice %arg4[%add3A_83, %dma_wait3A_112] : memref<100352x256xf32, #tpu.memory_space<hbm>> -> memref<112x256xf32, #tpu.memory_space<hbm>>
        tpu.wait_dma2 semaphore(%run_scoped3A : memref<!tpu.dma_semaphore, #tpu.memory_space<semaphore_mem>>) src(%arg8 : memref<112x256xf32, #tpu.memory_space<vmem>>) dst(%dma_wait3A_113 : memref<112x256xf32, #tpu.memory_space<hbm>>)
        tpu.yield
      }) : () -> ()
      %mul3A_84 = arith.constant 4 : i32
      %mul3A_85 = arith.muli %mul3A_84, %scan3A_22 : i32
      %add3A_86 = arith.constant 3 : i32
      %add3A_87 = arith.addi %mul3A_85, %add3A_86 : i32
      %add3A_88 = arith.constant 4 : i32
      %add3A_89 = arith.addi %add3A_87, %add3A_88 : i32
      %sub3A_90 = arith.constant 1 : i32
      %sub3A_91 = arith.subi %add3A_89, %sub3A_90 : i32
      %lt3A_92 = arith.constant 28 : i32
      %lt3A_93 = arith.cmpi slt, %sub3A_91, %lt3A_92 : i32
      %convert_element_type3A_94 = arith.extui %lt3A_93 : i1 to i32
      %cond3A_95 = arith.constant 0 : i32
      %cond3A_96 = arith.cmpi ne, %convert_element_type3A_94, %cond3A_95 : i32
      scf.if %cond3A_96 {
        %add3A_106 = arith.constant 4 : i32
        %add3A_107 = arith.addi %add3A_87, %add3A_106 : i32
        %sub3A_108 = arith.constant 1 : i32
        %sub3A_109 = arith.subi %add3A_107, %sub3A_108 : i32
        %mul3A_110 = arith.constant 112 : i32
        %mul3A_111 = arith.muli %sub3A_109, %mul3A_110 : i32
        %dma_start3A_112 = tpu.memref_slice %arg5[%mul3A_111] : memref<3136xi32, #tpu.memory_space<vmem>> -> memref<112xi32, #tpu.memory_space<vmem>>
        %dma_start3A_113 = arith.constant 0 : i32
        %dma_start3A_114 = arith.constant 0 : i32
        %dma_start3A_115 = tpu.memref_slice %arg2[%dma_start3A_113, %dma_start3A_114] : memref<32768x256xf32, #tpu.memory_space<hbm>> -> memref<32768x256xf32, #tpu.memory_space<hbm>>
        tpu.enqueue_indirect_dma source(%dma_start3A_115 : memref<32768x256xf32, #tpu.memory_space<hbm>>) target(%arg8 : memref<112x256xf32, #tpu.memory_space<vmem>>) offsets(%dma_start3A_112 : memref<112xi32, #tpu.memory_space<vmem>>) semaphore(%arg12 : memref<!tpu.dma_semaphore, #tpu.memory_space<semaphore_mem>>)
      } else {
      }
      %mul3A_97 = arith.constant 112 : i32
      %mul3A_98 = arith.muli %add3A_87, %mul3A_97 : i32
      %dma_wait3A_99 = tpu.memref_slice %arg5[%mul3A_98] : memref<3136xi32, #tpu.memory_space<vmem>> -> memref<112xi32, #tpu.memory_space<vmem>>
      %dma_wait3A_100 = arith.constant 0 : i32
      %dma_wait3A_101 = arith.constant 0 : i32
      %dma_wait3A_102 = tpu.memref_slice %arg2[%dma_wait3A_100, %dma_wait3A_101] : memref<32768x256xf32, #tpu.memory_space<hbm>> -> memref<32768x256xf32, #tpu.memory_space<hbm>>
      tpu.wait_indirect_dma semaphore(%arg13 : memref<!tpu.dma_semaphore, #tpu.memory_space<semaphore_mem>>) src(%dma_wait3A_102 : memref<32768x256xf32, #tpu.memory_space<hbm>>) dst(%arg9 : memref<112x256xf32, #tpu.memory_space<vmem>>)
      %mul3A_103 = arith.constant 112 : i32
      %mul3A_104 = arith.muli %add3A_87, %mul3A_103 : i32
      %add3A_105 = arith.addi %mul3A_2, %mul3A_104 : i32
      "tpu.region"() ({
        %run_scoped3A = tpu.sem_alloc : memref<!tpu.dma_semaphore, #tpu.memory_space<semaphore_mem>>
        %dma_start3A_106 = arith.constant 0 : i32
        %dma_start3A_107 = tpu.memref_slice %arg4[%add3A_105, %dma_start3A_106] : memref<100352x256xf32, #tpu.memory_space<hbm>> -> memref<112x256xf32, #tpu.memory_space<hbm>>
        %dma_start3A_108 = arith.constant 0 : i32
        %dma_start3A_109 = tpu.memref_slice %arg4[%add3A_105, %dma_start3A_108] : memref<100352x256xf32, #tpu.memory_space<hbm>> -> memref<112x256xf32, #tpu.memory_space<hbm>>
        tpu.enqueue_dma source(%arg9 : memref<112x256xf32, #tpu.memory_space<vmem>>) target(%dma_start3A_109 : memref<112x256xf32, #tpu.memory_space<hbm>>) target_semaphore(%run_scoped3A : memref<!tpu.dma_semaphore, #tpu.memory_space<semaphore_mem>>)
        %dma_wait3A_110 = arith.constant 0 : i32
        %dma_wait3A_111 = tpu.memref_slice %arg4[%add3A_105, %dma_wait3A_110] : memref<100352x256xf32, #tpu.memory_space<hbm>> -> memref<112x256xf32, #tpu.memory_space<hbm>>
        %dma_wait3A_112 = arith.constant 0 : i32
        %dma_wait3A_113 = tpu.memref_slice %arg4[%add3A_105, %dma_wait3A_112] : memref<100352x256xf32, #tpu.memory_space<hbm>> -> memref<112x256xf32, #tpu.memory_space<hbm>>
        tpu.wait_dma2 semaphore(%run_scoped3A : memref<!tpu.dma_semaphore, #tpu.memory_space<semaphore_mem>>) src(%arg9 : memref<112x256xf32, #tpu.memory_space<vmem>>) dst(%dma_wait3A_113 : memref<112x256xf32, #tpu.memory_space<hbm>>)
        tpu.yield
      }) : () -> ()
    }
    %scan3A_21 = arith.constant 7 : i32
    return
  }
}

module attributes {stable_mosaic.version = 14 : i64} {
  func.func @_argmin_body(%arg0: i32, %arg1: memref<2048x1xf32, #tpu.memory_space<vmem>>, %arg2: memref<2048x256xf32, #tpu.memory_space<vmem>>, %arg3: memref<256x1024xf32, #tpu.memory_space<vmem>>, %arg4: memref<1x1024xf32, #tpu.memory_space<vmem>>, %arg5: memref<1x1x2048xi32, #tpu.memory_space<vmem>>) attributes {dimension_semantics = [#tpu.dimension_semantics<arbitrary>], iteration_bounds = array<i64: 49>, scalar_prefetch = 0 : i64, scratch_operands = 0 : i64, tpu.core_type = #tpu.core_type<tc>, window_params = [{transform_indices = @transform_0, window_bounds = array<i64: 2048, 1>}, {transform_indices = @transform_1, window_bounds = array<i64: 2048, 256>}, {pipeline_mode = #tpu.pipeline_mode<synchronous>, transform_indices = @transform_2, window_bounds = array<i64: 256, 1024>}, {pipeline_mode = #tpu.pipeline_mode<synchronous>, transform_indices = @transform_3, window_bounds = array<i64: 1, 1024>}, {transform_indices = @transform_4, window_bounds = array<i64: 1, 1, 2048>}]} {
    %get3A = arith.constant 0 : index
    %get3A_0 = arith.constant 0 : index
    %get3A_1 = vector.load %arg2[%get3A, %get3A_0] : memref<2048x256xf32, #tpu.memory_space<vmem>>, vector<2048x256xf32>
    %get3A_2 = arith.constant 0 : index
    %get3A_3 = arith.constant 0 : index
    %get3A_4 = vector.load %arg3[%get3A_2, %get3A_3] : memref<256x1024xf32, #tpu.memory_space<vmem>>, vector<256x1024xf32>
    %dot_general3A = arith.constant dense<0.000000e+00> : vector<2048x1024xf32>
    %dot_general3A_5 = tpu.matmul %get3A_1, %get3A_4, %dot_general3A {dimension_numbers = #tpu.dot_dimension_numbers<[1], [0], [0], [1], [0, 0, 1, 1], [], []>, transpose_lhs_hint = false} : vector<2048x256xf32>, vector<256x1024xf32>, vector<2048x1024xf32> -> vector<2048x1024xf32>
    %get3A_6 = arith.constant 0 : index
    %get3A_7 = arith.constant 0 : index
    %get3A_8 = vector.load %arg1[%get3A_6, %get3A_7] : memref<2048x1xf32, #tpu.memory_space<vmem>>, vector<2048x1xf32>
    %get3A_9 = arith.constant 0 : index
    %get3A_10 = arith.constant 0 : index
    %get3A_11 = vector.load %arg4[%get3A_9, %get3A_10] : memref<1x1024xf32, #tpu.memory_space<vmem>>, vector<1x1024xf32>
    %add3A = vector.broadcast %get3A_8 : vector<2048x1xf32> to vector<2048x1024xf32>
    %add3A_12 = vector.broadcast %get3A_11 : vector<1x1024xf32> to vector<2048x1024xf32>
    %add3A_13 = arith.addf %add3A, %add3A_12 : vector<2048x1024xf32>
    %mul3A = arith.constant 2.000000e+00 : f32
    %mul3A_14 = vector.broadcast %mul3A : f32 to vector<2048x1024xf32>
    %mul3A_15 = arith.mulf %mul3A_14, %dot_general3A_5 : vector<2048x1024xf32>
    %sub3A = arith.subf %add3A_13, %mul3A_15 : vector<2048x1024xf32>
    %sqrt3A = math.sqrt %sub3A : vector<2048x1024xf32>
    %reduce_min3A = arith.constant dense<0x7F800000> : vector<2048xf32>
    %reduce_min3A_16 = vector.multi_reduction <minimumf>, %sqrt3A, %reduce_min3A [1] : vector<2048x1024xf32> to vector<2048xf32>
    %broadcast_in_dim3A = vector.shape_cast %reduce_min3A_16 : vector<2048xf32> to vector<2048x1xf32>
    %iota3A = tpu.iota {dimensions = array<i32: 1>} : vector<2048x1024xi32>
    %le3A = vector.broadcast %broadcast_in_dim3A : vector<2048x1xf32> to vector<2048x1024xf32>
    %le3A_17 = arith.cmpf ole, %sqrt3A, %le3A : vector<2048x1024xf32>
    %jit3A = arith.constant 1024 : i32
    %broadcast_in_dim3A_18 = vector.broadcast %jit3A : i32 to vector<2048x1024xi32>
    %select_n3A = arith.select %le3A_17, %iota3A, %broadcast_in_dim3A_18 : vector<2048x1024xi1>, vector<2048x1024xi32>
    %reduce_min3A_19 = arith.constant dense<2147483647> : vector<2048xi32>
    %reduce_min3A_20 = vector.multi_reduction <minsi>, %select_n3A, %reduce_min3A_19 [1] : vector<2048x1024xi32> to vector<2048xi32>
    %swap3A = arith.constant 0 : index
    %swap3A_21 = arith.constant 0 : index
    %swap3A_22 = arith.constant 0 : index
    %swap3A_23 = vector.load %arg5[%swap3A, %swap3A_21, %swap3A_22] : memref<1x1x2048xi32, #tpu.memory_space<vmem>>, vector<1x1x2048xi32>
    %swap3A_24 = vector.shape_cast %swap3A_23 : vector<1x1x2048xi32> to vector<2048xi32>
    %swap3A_25 = vector.shape_cast %reduce_min3A_20 : vector<2048xi32> to vector<1x1x2048xi32>
    tpu.vector_store %arg5[%swap3A, %swap3A_21, %swap3A_22], %swap3A_25 {strides = array<i32>} : memref<1x1x2048xi32, #tpu.memory_space<vmem>>, vector<1x1x2048xi32>,
    return
  }
  func.func @transform_0(%arg0: i32) -> (i32, i32) {
    %c0_i32 = arith.constant 0 : i32
    %c0_i32_0 = arith.constant 0 : i32
    return %arg0, %c0_i32 : i32, i32
  }
  func.func @transform_1(%arg0: i32) -> (i32, i32) {
    %c0_i32 = arith.constant 0 : i32
    %c0_i32_0 = arith.constant 0 : i32
    return %arg0, %c0_i32 : i32, i32
  }
  func.func @transform_2(%arg0: i32) -> (i32, i32) {
    %c0_i32 = arith.constant 0 : i32
    %c0_i32_0 = arith.constant 0 : i32
    %c0_i32_1 = arith.constant 0 : i32
    return %c0_i32, %c0_i32_0 : i32, i32
  }
  func.func @transform_3(%arg0: i32) -> (i32, i32) {
    %c0_i32 = arith.constant 0 : i32
    %c0_i32_0 = arith.constant 0 : i32
    %c0_i32_1 = arith.constant 0 : i32
    return %c0_i32, %c0_i32_0 : i32, i32
  }
  func.func @transform_4(%arg0: i32) -> (i32, i32, i32) {
    %c0_i32 = arith.constant 0 : i32
    %c0_i32_0 = arith.constant 0 : i32
    %c0_i32_1 = arith.constant 0 : i32
    return %arg0, %c0_i32, %c0_i32_0 : i32, i32, i32
  }
}

module attributes {stable_mosaic.version = 14 : i64} {
  func.func @_dec_body(%arg0: i32, %arg1: memref<1x8x50176xf32, #tpu.memory_space<vmem>>, %arg2: memref<9x16x8xf32, #tpu.memory_space<vmem>>, %arg3: memref<16x1xf32, #tpu.memory_space<vmem>>, %arg4: memref<9x8x16xf32, #tpu.memory_space<vmem>>, %arg5: memref<8x1xf32, #tpu.memory_space<vmem>>, %arg6: memref<1x1x50176xf32, #tpu.memory_space<vmem>>) attributes {dimension_semantics = [#tpu.dimension_semantics<arbitrary>], iteration_bounds = array<i64: 2>, scalar_prefetch = 0 : i64, scratch_operands = 0 : i64, tpu.core_type = #tpu.core_type<tc>, window_params = [{transform_indices = @transform_0, window_bounds = array<i64: 1, 8, 50176>}, {pipeline_mode = #tpu.pipeline_mode<synchronous>, transform_indices = @transform_1, window_bounds = array<i64: 9, 16, 8>}, {pipeline_mode = #tpu.pipeline_mode<synchronous>, transform_indices = @transform_2, window_bounds = array<i64: 16, 1>}, {pipeline_mode = #tpu.pipeline_mode<synchronous>, transform_indices = @transform_3, window_bounds = array<i64: 9, 8, 16>}, {pipeline_mode = #tpu.pipeline_mode<synchronous>, transform_indices = @transform_4, window_bounds = array<i64: 8, 1>}, {transform_indices = @transform_5, window_bounds = array<i64: 1, 1, 50176>}]} {
    %get3A = arith.constant 0 : index
    %get3A_0 = arith.constant 0 : index
    %get3A_1 = arith.constant 0 : index
    %get3A_2 = vector.load %arg1[%get3A, %get3A_0, %get3A_1] : memref<1x8x50176xf32, #tpu.memory_space<vmem>>, vector<1x8x50176xf32>
    %get3A_3 = vector.shape_cast %get3A_2 : vector<1x8x50176xf32> to vector<8x50176xf32>
    %iota3A = tpu.iota {dimensions = array<i32: 1>} : vector<1x50176xi32>
    %jit3A = arith.constant 224 : i32
    %eq3A = arith.constant 0 : i32
    %eq3A_4 = arith.cmpi eq, %jit3A, %eq3A : i32
    %jit3A_5 = arith.constant 1 : i32
    %select_n3A = arith.select %eq3A_4, %jit3A_5, %jit3A : i32
    %rem3A = vector.broadcast %select_n3A : i32 to vector<1x50176xi32>
    %rem3A_6 = arith.remsi %iota3A, %rem3A : vector<1x50176xi32>
    %ne3A = arith.constant 0 : i32
    %ne3A_7 = vector.broadcast %ne3A : i32 to vector<1x50176xi32>
    %ne3A_8 = arith.cmpi ne, %rem3A_6, %ne3A_7 : vector<1x50176xi32>
    %lt3A = arith.constant 0 : i32
    %lt3A_9 = vector.broadcast %lt3A : i32 to vector<1x50176xi32>
    %lt3A_10 = arith.cmpi slt, %rem3A_6, %lt3A_9 : vector<1x50176xi32>
    %lt3A_11 = arith.constant 0 : i32
    %lt3A_12 = arith.cmpi slt, %select_n3A, %lt3A_11 : i32
    %ne3A_13 = vector.broadcast %lt3A_12 : i1 to vector<1x50176xi1>
    %ne3A_14 = vector.broadcast %ne3A_13 : vector<1x50176xi1> to vector<1x50176xi1>
    %ne3A_15 = arith.xori %lt3A_10, %ne3A_14 : vector<1x50176xi1>
    %and3A = arith.andi %ne3A_15, %ne3A_8 : vector<1x50176xi1>
    %add3A = vector.broadcast %select_n3A : i32 to vector<1x50176xi32>
    %add3A_16 = arith.addi %rem3A_6, %add3A : vector<1x50176xi32>
    %select_n3A_17 = arith.select %and3A, %add3A_16, %rem3A_6 : vector<1x50176xi1>, vector<1x50176xi32>
    %ge3A = arith.constant 0 : i32
    %ge3A_18 = vector.broadcast %ge3A : i32 to vector<1x50176xi32>
    %ge3A_19 = arith.cmpi sge, %iota3A, %ge3A_18 : vector<1x50176xi32>
    %ge3A_20 = arith.constant 224 : i32
    %ge3A_21 = vector.broadcast %ge3A_20 : i32 to vector<1x50176xi32>
    %ge3A_22 = arith.cmpi sge, %iota3A, %ge3A_21 : vector<1x50176xi32>
    %and3A_23 = arith.andi %ge3A_19, %ge3A_22 : vector<1x50176xi1>
    %ge3A_24 = arith.constant 1 : i32
    %ge3A_25 = vector.broadcast %ge3A_24 : i32 to vector<1x50176xi32>
    %ge3A_26 = arith.cmpi sge, %select_n3A_17, %ge3A_25 : vector<1x50176xi32>
    %and3A_27 = arith.andi %and3A_23, %ge3A_26 : vector<1x50176xi1>
    %jit3A_28 = arith.constant 1.000000e+00 : f32
    %jit3A_29 = arith.constant 0.000000e+00 : f32
    %broadcast_in_dim3A = vector.broadcast %jit3A_28 : f32 to vector<1x50176xf32>
    %broadcast_in_dim3A_30 = vector.broadcast %jit3A_29 : f32 to vector<1x50176xf32>
    %select_n3A_31 = arith.select %and3A_27, %broadcast_in_dim3A, %broadcast_in_dim3A_30 : vector<1x50176xi1>, vector<1x50176xf32>
    %ge3A_32 = arith.constant 0 : i32
    %ge3A_33 = vector.broadcast %ge3A_32 : i32 to vector<1x50176xi32>
    %ge3A_34 = arith.cmpi sge, %iota3A, %ge3A_33 : vector<1x50176xi32>
    %ge3A_35 = arith.constant 224 : i32
    %ge3A_36 = vector.broadcast %ge3A_35 : i32 to vector<1x50176xi32>
    %ge3A_37 = arith.cmpi sge, %iota3A, %ge3A_36 : vector<1x50176xi32>
    %and3A_38 = arith.andi %ge3A_34, %ge3A_37 : vector<1x50176xi1>
    %jit3A_39 = arith.constant 1.000000e+00 : f32
    %jit3A_40 = arith.constant 0.000000e+00 : f32
    %broadcast_in_dim3A_41 = vector.broadcast %jit3A_39 : f32 to vector<1x50176xf32>
    %broadcast_in_dim3A_42 = vector.broadcast %jit3A_40 : f32 to vector<1x50176xf32>
    %select_n3A_43 = arith.select %and3A_38, %broadcast_in_dim3A_41, %broadcast_in_dim3A_42 : vector<1x50176xi1>, vector<1x50176xf32>
    %ge3A_44 = arith.constant 0 : i32
    %ge3A_45 = vector.broadcast %ge3A_44 : i32 to vector<1x50176xi32>
    %ge3A_46 = arith.cmpi sge, %iota3A, %ge3A_45 : vector<1x50176xi32>
    %ge3A_47 = arith.constant 224 : i32
    %ge3A_48 = vector.broadcast %ge3A_47 : i32 to vector<1x50176xi32>
    %ge3A_49 = arith.cmpi sge, %iota3A, %ge3A_48 : vector<1x50176xi32>
    %and3A_50 = arith.andi %ge3A_46, %ge3A_49 : vector<1x50176xi1>
    %le3A = arith.constant 222 : i32
    %le3A_51 = vector.broadcast %le3A : i32 to vector<1x50176xi32>
    %le3A_52 = arith.cmpi sle, %select_n3A_17, %le3A_51 : vector<1x50176xi32>
    %and3A_53 = arith.andi %and3A_50, %le3A_52 : vector<1x50176xi1>
    %jit3A_54 = arith.constant 1.000000e+00 : f32
    %jit3A_55 = arith.constant 0.000000e+00 : f32
    %broadcast_in_dim3A_56 = vector.broadcast %jit3A_54 : f32 to vector<1x50176xf32>
    %broadcast_in_dim3A_57 = vector.broadcast %jit3A_55 : f32 to vector<1x50176xf32>
    %select_n3A_58 = arith.select %and3A_53, %broadcast_in_dim3A_56, %broadcast_in_dim3A_57 : vector<1x50176xi1>, vector<1x50176xf32>
    %ge3A_59 = arith.constant 0 : i32
    %ge3A_60 = vector.broadcast %ge3A_59 : i32 to vector<1x50176xi32>
    %ge3A_61 = arith.cmpi sge, %iota3A, %ge3A_60 : vector<1x50176xi32>
    %ge3A_62 = arith.constant 1 : i32
    %ge3A_63 = vector.broadcast %ge3A_62 : i32 to vector<1x50176xi32>
    %ge3A_64 = arith.cmpi sge, %select_n3A_17, %ge3A_63 : vector<1x50176xi32>
    %and3A_65 = arith.andi %ge3A_61, %ge3A_64 : vector<1x50176xi1>
    %jit3A_66 = arith.constant 1.000000e+00 : f32
    %jit3A_67 = arith.constant 0.000000e+00 : f32
    %broadcast_in_dim3A_68 = vector.broadcast %jit3A_66 : f32 to vector<1x50176xf32>
    %broadcast_in_dim3A_69 = vector.broadcast %jit3A_67 : f32 to vector<1x50176xf32>
    %select_n3A_70 = arith.select %and3A_65, %broadcast_in_dim3A_68, %broadcast_in_dim3A_69 : vector<1x50176xi1>, vector<1x50176xf32>
    %ge3A_71 = arith.constant 0 : i32
    %ge3A_72 = vector.broadcast %ge3A_71 : i32 to vector<1x50176xi32>
    %ge3A_73 = arith.cmpi sge, %iota3A, %ge3A_72 : vector<1x50176xi32>
    %jit3A_74 = arith.constant 1.000000e+00 : f32
    %jit3A_75 = arith.constant 0.000000e+00 : f32
    %broadcast_in_dim3A_76 = vector.broadcast %jit3A_74 : f32 to vector<1x50176xf32>
    %broadcast_in_dim3A_77 = vector.broadcast %jit3A_75 : f32 to vector<1x50176xf32>
    %select_n3A_78 = arith.select %ge3A_73, %broadcast_in_dim3A_76, %broadcast_in_dim3A_77 : vector<1x50176xi1>, vector<1x50176xf32>
    %ge3A_79 = arith.constant 0 : i32
    %ge3A_80 = vector.broadcast %ge3A_79 : i32 to vector<1x50176xi32>
    %ge3A_81 = arith.cmpi sge, %iota3A, %ge3A_80 : vector<1x50176xi32>
    %le3A_82 = arith.constant 222 : i32
    %le3A_83 = vector.broadcast %le3A_82 : i32 to vector<1x50176xi32>
    %le3A_84 = arith.cmpi sle, %select_n3A_17, %le3A_83 : vector<1x50176xi32>
    %and3A_85 = arith.andi %ge3A_81, %le3A_84 : vector<1x50176xi1>
    %jit3A_86 = arith.constant 1.000000e+00 : f32
    %jit3A_87 = arith.constant 0.000000e+00 : f32
    %broadcast_in_dim3A_88 = vector.broadcast %jit3A_86 : f32 to vector<1x50176xf32>
    %broadcast_in_dim3A_89 = vector.broadcast %jit3A_87 : f32 to vector<1x50176xf32>
    %select_n3A_90 = arith.select %and3A_85, %broadcast_in_dim3A_88, %broadcast_in_dim3A_89 : vector<1x50176xi1>, vector<1x50176xf32>
    %ge3A_91 = arith.constant 0 : i32
    %ge3A_92 = vector.broadcast %ge3A_91 : i32 to vector<1x50176xi32>
    %ge3A_93 = arith.cmpi sge, %iota3A, %ge3A_92 : vector<1x50176xi32>
    %lt3A_94 = arith.constant 49952 : i32
    %lt3A_95 = vector.broadcast %lt3A_94 : i32 to vector<1x50176xi32>
    %lt3A_96 = arith.cmpi slt, %iota3A, %lt3A_95 : vector<1x50176xi32>
    %and3A_97 = arith.andi %ge3A_93, %lt3A_96 : vector<1x50176xi1>
    %ge3A_98 = arith.constant 1 : i32
    %ge3A_99 = vector.broadcast %ge3A_98 : i32 to vector<1x50176xi32>
    %ge3A_100 = arith.cmpi sge, %select_n3A_17, %ge3A_99 : vector<1x50176xi32>
    %and3A_101 = arith.andi %and3A_97, %ge3A_100 : vector<1x50176xi1>
    %jit3A_102 = arith.constant 1.000000e+00 : f32
    %jit3A_103 = arith.constant 0.000000e+00 : f32
    %broadcast_in_dim3A_104 = vector.broadcast %jit3A_102 : f32 to vector<1x50176xf32>
    %broadcast_in_dim3A_105 = vector.broadcast %jit3A_103 : f32 to vector<1x50176xf32>
    %select_n3A_106 = arith.select %and3A_101, %broadcast_in_dim3A_104, %broadcast_in_dim3A_105 : vector<1x50176xi1>, vector<1x50176xf32>
    %ge3A_107 = arith.constant 0 : i32
    %ge3A_108 = vector.broadcast %ge3A_107 : i32 to vector<1x50176xi32>
    %ge3A_109 = arith.cmpi sge, %iota3A, %ge3A_108 : vector<1x50176xi32>
    %lt3A_110 = arith.constant 49952 : i32
    %lt3A_111 = vector.broadcast %lt3A_110 : i32 to vector<1x50176xi32>
    %lt3A_112 = arith.cmpi slt, %iota3A, %lt3A_111 : vector<1x50176xi32>
    %and3A_113 = arith.andi %ge3A_109, %lt3A_112 : vector<1x50176xi1>
    %jit3A_114 = arith.constant 1.000000e+00 : f32
    %jit3A_115 = arith.constant 0.000000e+00 : f32
    %broadcast_in_dim3A_116 = vector.broadcast %jit3A_114 : f32 to vector<1x50176xf32>
    %broadcast_in_dim3A_117 = vector.broadcast %jit3A_115 : f32 to vector<1x50176xf32>
    %select_n3A_118 = arith.select %and3A_113, %broadcast_in_dim3A_116, %broadcast_in_dim3A_117 : vector<1x50176xi1>, vector<1x50176xf32>
    %ge3A_119 = arith.constant 0 : i32
    %ge3A_120 = vector.broadcast %ge3A_119 : i32 to vector<1x50176xi32>
    %ge3A_121 = arith.cmpi sge, %iota3A, %ge3A_120 : vector<1x50176xi32>
    %lt3A_122 = arith.constant 49952 : i32
    %lt3A_123 = vector.broadcast %lt3A_122 : i32 to vector<1x50176xi32>
    %lt3A_124 = arith.cmpi slt, %iota3A, %lt3A_123 : vector<1x50176xi32>
    %and3A_125 = arith.andi %ge3A_121, %lt3A_124 : vector<1x50176xi1>
    %le3A_126 = arith.constant 222 : i32
    %le3A_127 = vector.broadcast %le3A_126 : i32 to vector<1x50176xi32>
    %le3A_128 = arith.cmpi sle, %select_n3A_17, %le3A_127 : vector<1x50176xi32>
    %and3A_129 = arith.andi %and3A_125, %le3A_128 : vector<1x50176xi1>
    %jit3A_130 = arith.constant 1.000000e+00 : f32
    %jit3A_131 = arith.constant 0.000000e+00 : f32
    %broadcast_in_dim3A_132 = vector.broadcast %jit3A_130 : f32 to vector<1x50176xf32>
    %broadcast_in_dim3A_133 = vector.broadcast %jit3A_131 : f32 to vector<1x50176xf32>
    %select_n3A_134 = arith.select %and3A_129, %broadcast_in_dim3A_132, %broadcast_in_dim3A_133 : vector<1x50176xi1>, vector<1x50176xf32>
    %get3A_135 = arith.constant 0 : index
    %get3A_136 = arith.constant 0 : index
    %get3A_137 = vector.load %arg3[%get3A_135, %get3A_136] : memref<16x1xf32, #tpu.memory_space<vmem>>, vector<16x1xf32>
    %broadcast_in_dim3A_138 = arith.constant 0.000000e+00 : f32
    %broadcast_in_dim3A_139 = vector.broadcast %broadcast_in_dim3A_138 : f32 to vector<16x50176xf32>
    %add3A_140 = vector.broadcast %get3A_137 : vector<16x1xf32> to vector<16x50176xf32>
    %add3A_141 = arith.addf %broadcast_in_dim3A_139, %add3A_140 : vector<16x50176xf32>
    %roll3A = arith.constant 225 : i32
    %roll3A_142 = tpu.dynamic_rotate %get3A_3 by %roll3A dim 1 : vector<8x50176xf32>, i32 -> vector<8x50176xf32>
    %get3A_143 = arith.constant 0 : index
    %get3A_144 = arith.constant 0 : index
    %get3A_145 = arith.constant 0 : index
    %get3A_146 = vector.load %arg2[%get3A_143, %get3A_144, %get3A_145] : memref<9x16x8xf32, #tpu.memory_space<vmem>>, vector<1x16x8xf32>
    %get3A_147 = vector.shape_cast %get3A_146 : vector<1x16x8xf32> to vector<16x8xf32>
    %dot_general3A = arith.constant dense<0.000000e+00> : vector<16x50176xf32>
    %dot_general3A_148 = tpu.matmul %get3A_147, %roll3A_142, %dot_general3A {dimension_numbers = #tpu.dot_dimension_numbers<[1], [0], [0], [1], [0, 0, 1, 1], [], []>, transpose_lhs_hint = false} : vector<16x8xf32>, vector<8x50176xf32>, vector<16x50176xf32> -> vector<16x50176xf32>
    %mul3A = vector.broadcast %select_n3A_31 : vector<1x50176xf32> to vector<16x50176xf32>
    %mul3A_149 = arith.mulf %dot_general3A_148, %mul3A : vector<16x50176xf32>
    %add3A_150 = arith.addf %add3A_141, %mul3A_149 : vector<16x50176xf32>
    %roll3A_151 = arith.constant 224 : i32
    %roll3A_152 = tpu.dynamic_rotate %get3A_3 by %roll3A_151 dim 1 : vector<8x50176xf32>, i32 -> vector<8x50176xf32>
    %get3A_153 = arith.constant 1 : index
    %get3A_154 = arith.constant 0 : index
    %get3A_155 = arith.constant 0 : index
    %get3A_156 = vector.load %arg2[%get3A_153, %get3A_154, %get3A_155] : memref<9x16x8xf32, #tpu.memory_space<vmem>>, vector<1x16x8xf32>
    %get3A_157 = vector.shape_cast %get3A_156 : vector<1x16x8xf32> to vector<16x8xf32>
    %dot_general3A_158 = arith.constant dense<0.000000e+00> : vector<16x50176xf32>
    %dot_general3A_159 = tpu.matmul %get3A_157, %roll3A_152, %dot_general3A_158 {dimension_numbers = #tpu.dot_dimension_numbers<[1], [0], [0], [1], [0, 0, 1, 1], [], []>, transpose_lhs_hint = false} : vector<16x8xf32>, vector<8x50176xf32>, vector<16x50176xf32> -> vector<16x50176xf32>
    %mul3A_160 = vector.broadcast %select_n3A_43 : vector<1x50176xf32> to vector<16x50176xf32>
    %mul3A_161 = arith.mulf %dot_general3A_159, %mul3A_160 : vector<16x50176xf32>
    %add3A_162 = arith.addf %add3A_150, %mul3A_161 : vector<16x50176xf32>
    %roll3A_163 = arith.constant 223 : i32
    %roll3A_164 = tpu.dynamic_rotate %get3A_3 by %roll3A_163 dim 1 : vector<8x50176xf32>, i32 -> vector<8x50176xf32>
    %get3A_165 = arith.constant 2 : index
    %get3A_166 = arith.constant 0 : index
    %get3A_167 = arith.constant 0 : index
    %get3A_168 = vector.load %arg2[%get3A_165, %get3A_166, %get3A_167] : memref<9x16x8xf32, #tpu.memory_space<vmem>>, vector<1x16x8xf32>
    %get3A_169 = vector.shape_cast %get3A_168 : vector<1x16x8xf32> to vector<16x8xf32>
    %dot_general3A_170 = arith.constant dense<0.000000e+00> : vector<16x50176xf32>
    %dot_general3A_171 = tpu.matmul %get3A_169, %roll3A_164, %dot_general3A_170 {dimension_numbers = #tpu.dot_dimension_numbers<[1], [0], [0], [1], [0, 0, 1, 1], [], []>, transpose_lhs_hint = false} : vector<16x8xf32>, vector<8x50176xf32>, vector<16x50176xf32> -> vector<16x50176xf32>
    %mul3A_172 = vector.broadcast %select_n3A_58 : vector<1x50176xf32> to vector<16x50176xf32>
    %mul3A_173 = arith.mulf %dot_general3A_171, %mul3A_172 : vector<16x50176xf32>
    %add3A_174 = arith.addf %add3A_162, %mul3A_173 : vector<16x50176xf32>
    %roll3A_175 = arith.constant 1 : i32
    %roll3A_176 = tpu.dynamic_rotate %get3A_3 by %roll3A_175 dim 1 : vector<8x50176xf32>, i32 -> vector<8x50176xf32>
    %get3A_177 = arith.constant 3 : index
    %get3A_178 = arith.constant 0 : index
    %get3A_179 = arith.constant 0 : index
    %get3A_180 = vector.load %arg2[%get3A_177, %get3A_178, %get3A_179] : memref<9x16x8xf32, #tpu.memory_space<vmem>>, vector<1x16x8xf32>
    %get3A_181 = vector.shape_cast %get3A_180 : vector<1x16x8xf32> to vector<16x8xf32>
    %dot_general3A_182 = arith.constant dense<0.000000e+00> : vector<16x50176xf32>
    %dot_general3A_183 = tpu.matmul %get3A_181, %roll3A_176, %dot_general3A_182 {dimension_numbers = #tpu.dot_dimension_numbers<[1], [0], [0], [1], [0, 0, 1, 1], [], []>, transpose_lhs_hint = false} : vector<16x8xf32>, vector<8x50176xf32>, vector<16x50176xf32> -> vector<16x50176xf32>
    %mul3A_184 = vector.broadcast %select_n3A_70 : vector<1x50176xf32> to vector<16x50176xf32>
    %mul3A_185 = arith.mulf %dot_general3A_183, %mul3A_184 : vector<16x50176xf32>
    %add3A_186 = arith.addf %add3A_174, %mul3A_185 : vector<16x50176xf32>
    %get3A_187 = arith.constant 4 : index
    %get3A_188 = arith.constant 0 : index
    %get3A_189 = arith.constant 0 : index
    %get3A_190 = vector.load %arg2[%get3A_187, %get3A_188, %get3A_189] : memref<9x16x8xf32, #tpu.memory_space<vmem>>, vector<1x16x8xf32>
    %get3A_191 = vector.shape_cast %get3A_190 : vector<1x16x8xf32> to vector<16x8xf32>
    %dot_general3A_192 = arith.constant dense<0.000000e+00> : vector<16x50176xf32>
    %dot_general3A_193 = tpu.matmul %get3A_191, %get3A_3, %dot_general3A_192 {dimension_numbers = #tpu.dot_dimension_numbers<[1], [0], [0], [1], [0, 0, 1, 1], [], []>, transpose_lhs_hint = false} : vector<16x8xf32>, vector<8x50176xf32>, vector<16x50176xf32> -> vector<16x50176xf32>
    %mul3A_194 = vector.broadcast %select_n3A_78 : vector<1x50176xf32> to vector<16x50176xf32>
    %mul3A_195 = arith.mulf %dot_general3A_193, %mul3A_194 : vector<16x50176xf32>
    %add3A_196 = arith.addf %add3A_186, %mul3A_195 : vector<16x50176xf32>
    %roll3A_197 = arith.constant 50175 : i32
    %roll3A_198 = tpu.dynamic_rotate %get3A_3 by %roll3A_197 dim 1 : vector<8x50176xf32>, i32 -> vector<8x50176xf32>
    %get3A_199 = arith.constant 5 : index
    %get3A_200 = arith.constant 0 : index
    %get3A_201 = arith.constant 0 : index
    %get3A_202 = vector.load %arg2[%get3A_199, %get3A_200, %get3A_201] : memref<9x16x8xf32, #tpu.memory_space<vmem>>, vector<1x16x8xf32>
    %get3A_203 = vector.shape_cast %get3A_202 : vector<1x16x8xf32> to vector<16x8xf32>
    %dot_general3A_204 = arith.constant dense<0.000000e+00> : vector<16x50176xf32>
    %dot_general3A_205 = tpu.matmul %get3A_203, %roll3A_198, %dot_general3A_204 {dimension_numbers = #tpu.dot_dimension_numbers<[1], [0], [0], [1], [0, 0, 1, 1], [], []>, transpose_lhs_hint = false} : vector<16x8xf32>, vector<8x50176xf32>, vector<16x50176xf32> -> vector<16x50176xf32>
    %mul3A_206 = vector.broadcast %select_n3A_90 : vector<1x50176xf32> to vector<16x50176xf32>
    %mul3A_207 = arith.mulf %dot_general3A_205, %mul3A_206 : vector<16x50176xf32>
    %add3A_208 = arith.addf %add3A_196, %mul3A_207 : vector<16x50176xf32>
    %roll3A_209 = arith.constant 49953 : i32
    %roll3A_210 = tpu.dynamic_rotate %get3A_3 by %roll3A_209 dim 1 : vector<8x50176xf32>, i32 -> vector<8x50176xf32>
    %get3A_211 = arith.constant 6 : index
    %get3A_212 = arith.constant 0 : index
    %get3A_213 = arith.constant 0 : index
    %get3A_214 = vector.load %arg2[%get3A_211, %get3A_212, %get3A_213] : memref<9x16x8xf32, #tpu.memory_space<vmem>>, vector<1x16x8xf32>
    %get3A_215 = vector.shape_cast %get3A_214 : vector<1x16x8xf32> to vector<16x8xf32>
    %dot_general3A_216 = arith.constant dense<0.000000e+00> : vector<16x50176xf32>
    %dot_general3A_217 = tpu.matmul %get3A_215, %roll3A_210, %dot_general3A_216 {dimension_numbers = #tpu.dot_dimension_numbers<[1], [0], [0], [1], [0, 0, 1, 1], [], []>, transpose_lhs_hint = false} : vector<16x8xf32>, vector<8x50176xf32>, vector<16x50176xf32> -> vector<16x50176xf32>
    %mul3A_218 = vector.broadcast %select_n3A_106 : vector<1x50176xf32> to vector<16x50176xf32>
    %mul3A_219 = arith.mulf %dot_general3A_217, %mul3A_218 : vector<16x50176xf32>
    %add3A_220 = arith.addf %add3A_208, %mul3A_219 : vector<16x50176xf32>
    %roll3A_221 = arith.constant 49952 : i32
    %roll3A_222 = tpu.dynamic_rotate %get3A_3 by %roll3A_221 dim 1 : vector<8x50176xf32>, i32 -> vector<8x50176xf32>
    %get3A_223 = arith.constant 7 : index
    %get3A_224 = arith.constant 0 : index
    %get3A_225 = arith.constant 0 : index
    %get3A_226 = vector.load %arg2[%get3A_223, %get3A_224, %get3A_225] : memref<9x16x8xf32, #tpu.memory_space<vmem>>, vector<1x16x8xf32>
    %get3A_227 = vector.shape_cast %get3A_226 : vector<1x16x8xf32> to vector<16x8xf32>
    %dot_general3A_228 = arith.constant dense<0.000000e+00> : vector<16x50176xf32>
    %dot_general3A_229 = tpu.matmul %get3A_227, %roll3A_222, %dot_general3A_228 {dimension_numbers = #tpu.dot_dimension_numbers<[1], [0], [0], [1], [0, 0, 1, 1], [], []>, transpose_lhs_hint = false} : vector<16x8xf32>, vector<8x50176xf32>, vector<16x50176xf32> -> vector<16x50176xf32>
    %mul3A_230 = vector.broadcast %select_n3A_118 : vector<1x50176xf32> to vector<16x50176xf32>
    %mul3A_231 = arith.mulf %dot_general3A_229, %mul3A_230 : vector<16x50176xf32>
    %add3A_232 = arith.addf %add3A_220, %mul3A_231 : vector<16x50176xf32>
    %roll3A_233 = arith.constant 49951 : i32
    %roll3A_234 = tpu.dynamic_rotate %get3A_3 by %roll3A_233 dim 1 : vector<8x50176xf32>, i32 -> vector<8x50176xf32>
    %get3A_235 = arith.constant 8 : index
    %get3A_236 = arith.constant 0 : index
    %get3A_237 = arith.constant 0 : index
    %get3A_238 = vector.load %arg2[%get3A_235, %get3A_236, %get3A_237] : memref<9x16x8xf32, #tpu.memory_space<vmem>>, vector<1x16x8xf32>
    %get3A_239 = vector.shape_cast %get3A_238 : vector<1x16x8xf32> to vector<16x8xf32>
    %dot_general3A_240 = arith.constant dense<0.000000e+00> : vector<16x50176xf32>
    %dot_general3A_241 = tpu.matmul %get3A_239, %roll3A_234, %dot_general3A_240 {dimension_numbers = #tpu.dot_dimension_numbers<[1], [0], [0], [1], [0, 0, 1, 1], [], []>, transpose_lhs_hint = false} : vector<16x8xf32>, vector<8x50176xf32>, vector<16x50176xf32> -> vector<16x50176xf32>
    %mul3A_242 = vector.broadcast %select_n3A_134 : vector<1x50176xf32> to vector<16x50176xf32>
    %mul3A_243 = arith.mulf %dot_general3A_241, %mul3A_242 : vector<16x50176xf32>
    %add3A_244 = arith.addf %add3A_232, %mul3A_243 : vector<16x50176xf32>
    %max3A = arith.constant 0.000000e+00 : f32
    %max3A_245 = vector.broadcast %max3A : f32 to vector<16x50176xf32>
    %max3A_246 = arith.maximumf %add3A_244, %max3A_245 : vector<16x50176xf32>
    %get3A_247 = arith.constant 0 : index
    %get3A_248 = arith.constant 0 : index
    %get3A_249 = vector.load %arg5[%get3A_247, %get3A_248] : memref<8x1xf32, #tpu.memory_space<vmem>>, vector<8x1xf32>
    %broadcast_in_dim3A_250 = arith.constant 0.000000e+00 : f32
    %broadcast_in_dim3A_251 = vector.broadcast %broadcast_in_dim3A_250 : f32 to vector<8x50176xf32>
    %add3A_252 = vector.broadcast %get3A_249 : vector<8x1xf32> to vector<8x50176xf32>
    %add3A_253 = arith.addf %broadcast_in_dim3A_251, %add3A_252 : vector<8x50176xf32>
    %roll3A_254 = arith.constant 225 : i32
    %roll3A_255 = tpu.dynamic_rotate %max3A_246 by %roll3A_254 dim 1 : vector<16x50176xf32>, i32 -> vector<16x50176xf32>
    %get3A_256 = arith.constant 0 : index
    %get3A_257 = arith.constant 0 : index
    %get3A_258 = arith.constant 0 : index
    %get3A_259 = vector.load %arg4[%get3A_256, %get3A_257, %get3A_258] : memref<9x8x16xf32, #tpu.memory_space<vmem>>, vector<1x8x16xf32>
    %get3A_260 = vector.shape_cast %get3A_259 : vector<1x8x16xf32> to vector<8x16xf32>
    %dot_general3A_261 = arith.constant dense<0.000000e+00> : vector<8x50176xf32>
    %dot_general3A_262 = tpu.matmul %get3A_260, %roll3A_255, %dot_general3A_261 {dimension_numbers = #tpu.dot_dimension_numbers<[1], [0], [0], [1], [0, 0, 1, 1], [], []>, transpose_lhs_hint = false} : vector<8x16xf32>, vector<16x50176xf32>, vector<8x50176xf32> -> vector<8x50176xf32>
    %mul3A_263 = vector.broadcast %select_n3A_31 : vector<1x50176xf32> to vector<8x50176xf32>
    %mul3A_264 = arith.mulf %dot_general3A_262, %mul3A_263 : vector<8x50176xf32>
    %add3A_265 = arith.addf %add3A_253, %mul3A_264 : vector<8x50176xf32>
    %roll3A_266 = arith.constant 224 : i32
    %roll3A_267 = tpu.dynamic_rotate %max3A_246 by %roll3A_266 dim 1 : vector<16x50176xf32>, i32 -> vector<16x50176xf32>
    %get3A_268 = arith.constant 1 : index
    %get3A_269 = arith.constant 0 : index
    %get3A_270 = arith.constant 0 : index
    %get3A_271 = vector.load %arg4[%get3A_268, %get3A_269, %get3A_270] : memref<9x8x16xf32, #tpu.memory_space<vmem>>, vector<1x8x16xf32>
    %get3A_272 = vector.shape_cast %get3A_271 : vector<1x8x16xf32> to vector<8x16xf32>
    %dot_general3A_273 = arith.constant dense<0.000000e+00> : vector<8x50176xf32>
    %dot_general3A_274 = tpu.matmul %get3A_272, %roll3A_267, %dot_general3A_273 {dimension_numbers = #tpu.dot_dimension_numbers<[1], [0], [0], [1], [0, 0, 1, 1], [], []>, transpose_lhs_hint = false} : vector<8x16xf32>, vector<16x50176xf32>, vector<8x50176xf32> -> vector<8x50176xf32>
    %mul3A_275 = vector.broadcast %select_n3A_43 : vector<1x50176xf32> to vector<8x50176xf32>
    %mul3A_276 = arith.mulf %dot_general3A_274, %mul3A_275 : vector<8x50176xf32>
    %add3A_277 = arith.addf %add3A_265, %mul3A_276 : vector<8x50176xf32>
    %roll3A_278 = arith.constant 223 : i32
    %roll3A_279 = tpu.dynamic_rotate %max3A_246 by %roll3A_278 dim 1 : vector<16x50176xf32>, i32 -> vector<16x50176xf32>
    %get3A_280 = arith.constant 2 : index
    %get3A_281 = arith.constant 0 : index
    %get3A_282 = arith.constant 0 : index
    %get3A_283 = vector.load %arg4[%get3A_280, %get3A_281, %get3A_282] : memref<9x8x16xf32, #tpu.memory_space<vmem>>, vector<1x8x16xf32>
    %get3A_284 = vector.shape_cast %get3A_283 : vector<1x8x16xf32> to vector<8x16xf32>
    %dot_general3A_285 = arith.constant dense<0.000000e+00> : vector<8x50176xf32>
    %dot_general3A_286 = tpu.matmul %get3A_284, %roll3A_279, %dot_general3A_285 {dimension_numbers = #tpu.dot_dimension_numbers<[1], [0], [0], [1], [0, 0, 1, 1], [], []>, transpose_lhs_hint = false} : vector<8x16xf32>, vector<16x50176xf32>, vector<8x50176xf32> -> vector<8x50176xf32>
    %mul3A_287 = vector.broadcast %select_n3A_58 : vector<1x50176xf32> to vector<8x50176xf32>
    %mul3A_288 = arith.mulf %dot_general3A_286, %mul3A_287 : vector<8x50176xf32>
    %add3A_289 = arith.addf %add3A_277, %mul3A_288 : vector<8x50176xf32>
    %roll3A_290 = arith.constant 1 : i32
    %roll3A_291 = tpu.dynamic_rotate %max3A_246 by %roll3A_290 dim 1 : vector<16x50176xf32>, i32 -> vector<16x50176xf32>
    %get3A_292 = arith.constant 3 : index
    %get3A_293 = arith.constant 0 : index
    %get3A_294 = arith.constant 0 : index
    %get3A_295 = vector.load %arg4[%get3A_292, %get3A_293, %get3A_294] : memref<9x8x16xf32, #tpu.memory_space<vmem>>, vector<1x8x16xf32>
    %get3A_296 = vector.shape_cast %get3A_295 : vector<1x8x16xf32> to vector<8x16xf32>
    %dot_general3A_297 = arith.constant dense<0.000000e+00> : vector<8x50176xf32>
    %dot_general3A_298 = tpu.matmul %get3A_296, %roll3A_291, %dot_general3A_297 {dimension_numbers = #tpu.dot_dimension_numbers<[1], [0], [0], [1], [0, 0, 1, 1], [], []>, transpose_lhs_hint = false} : vector<8x16xf32>, vector<16x50176xf32>, vector<8x50176xf32> -> vector<8x50176xf32>
    %mul3A_299 = vector.broadcast %select_n3A_70 : vector<1x50176xf32> to vector<8x50176xf32>
    %mul3A_300 = arith.mulf %dot_general3A_298, %mul3A_299 : vector<8x50176xf32>
    %add3A_301 = arith.addf %add3A_289, %mul3A_300 : vector<8x50176xf32>
    %get3A_302 = arith.constant 4 : index
    %get3A_303 = arith.constant 0 : index
    %get3A_304 = arith.constant 0 : index
    %get3A_305 = vector.load %arg4[%get3A_302, %get3A_303, %get3A_304] : memref<9x8x16xf32, #tpu.memory_space<vmem>>, vector<1x8x16xf32>
    %get3A_306 = vector.shape_cast %get3A_305 : vector<1x8x16xf32> to vector<8x16xf32>
    %dot_general3A_307 = arith.constant dense<0.000000e+00> : vector<8x50176xf32>
    %dot_general3A_308 = tpu.matmul %get3A_306, %max3A_246, %dot_general3A_307 {dimension_numbers = #tpu.dot_dimension_numbers<[1], [0], [0], [1], [0, 0, 1, 1], [], []>, transpose_lhs_hint = false} : vector<8x16xf32>, vector<16x50176xf32>, vector<8x50176xf32> -> vector<8x50176xf32>
    %mul3A_309 = vector.broadcast %select_n3A_78 : vector<1x50176xf32> to vector<8x50176xf32>
    %mul3A_310 = arith.mulf %dot_general3A_308, %mul3A_309 : vector<8x50176xf32>
    %add3A_311 = arith.addf %add3A_301, %mul3A_310 : vector<8x50176xf32>
    %roll3A_312 = arith.constant 50175 : i32
    %roll3A_313 = tpu.dynamic_rotate %max3A_246 by %roll3A_312 dim 1 : vector<16x50176xf32>, i32 -> vector<16x50176xf32>
    %get3A_314 = arith.constant 5 : index
    %get3A_315 = arith.constant 0 : index
    %get3A_316 = arith.constant 0 : index
    %get3A_317 = vector.load %arg4[%get3A_314, %get3A_315, %get3A_316] : memref<9x8x16xf32, #tpu.memory_space<vmem>>, vector<1x8x16xf32>
    %get3A_318 = vector.shape_cast %get3A_317 : vector<1x8x16xf32> to vector<8x16xf32>
    %dot_general3A_319 = arith.constant dense<0.000000e+00> : vector<8x50176xf32>
    %dot_general3A_320 = tpu.matmul %get3A_318, %roll3A_313, %dot_general3A_319 {dimension_numbers = #tpu.dot_dimension_numbers<[1], [0], [0], [1], [0, 0, 1, 1], [], []>, transpose_lhs_hint = false} : vector<8x16xf32>, vector<16x50176xf32>, vector<8x50176xf32> -> vector<8x50176xf32>
    %mul3A_321 = vector.broadcast %select_n3A_90 : vector<1x50176xf32> to vector<8x50176xf32>
    %mul3A_322 = arith.mulf %dot_general3A_320, %mul3A_321 : vector<8x50176xf32>
    %add3A_323 = arith.addf %add3A_311, %mul3A_322 : vector<8x50176xf32>
    %roll3A_324 = arith.constant 49953 : i32
    %roll3A_325 = tpu.dynamic_rotate %max3A_246 by %roll3A_324 dim 1 : vector<16x50176xf32>, i32 -> vector<16x50176xf32>
    %get3A_326 = arith.constant 6 : index
    %get3A_327 = arith.constant 0 : index
    %get3A_328 = arith.constant 0 : index
    %get3A_329 = vector.load %arg4[%get3A_326, %get3A_327, %get3A_328] : memref<9x8x16xf32, #tpu.memory_space<vmem>>, vector<1x8x16xf32>
    %get3A_330 = vector.shape_cast %get3A_329 : vector<1x8x16xf32> to vector<8x16xf32>
    %dot_general3A_331 = arith.constant dense<0.000000e+00> : vector<8x50176xf32>
    %dot_general3A_332 = tpu.matmul %get3A_330, %roll3A_325, %dot_general3A_331 {dimension_numbers = #tpu.dot_dimension_numbers<[1], [0], [0], [1], [0, 0, 1, 1], [], []>, transpose_lhs_hint = false} : vector<8x16xf32>, vector<16x50176xf32>, vector<8x50176xf32> -> vector<8x50176xf32>
    %mul3A_333 = vector.broadcast %select_n3A_106 : vector<1x50176xf32> to vector<8x50176xf32>
    %mul3A_334 = arith.mulf %dot_general3A_332, %mul3A_333 : vector<8x50176xf32>
    %add3A_335 = arith.addf %add3A_323, %mul3A_334 : vector<8x50176xf32>
    %roll3A_336 = arith.constant 49952 : i32
    %roll3A_337 = tpu.dynamic_rotate %max3A_246 by %roll3A_336 dim 1 : vector<16x50176xf32>, i32 -> vector<16x50176xf32>
    %get3A_338 = arith.constant 7 : index
    %get3A_339 = arith.constant 0 : index
    %get3A_340 = arith.constant 0 : index
    %get3A_341 = vector.load %arg4[%get3A_338, %get3A_339, %get3A_340] : memref<9x8x16xf32, #tpu.memory_space<vmem>>, vector<1x8x16xf32>
    %get3A_342 = vector.shape_cast %get3A_341 : vector<1x8x16xf32> to vector<8x16xf32>
    %dot_general3A_343 = arith.constant dense<0.000000e+00> : vector<8x50176xf32>
    %dot_general3A_344 = tpu.matmul %get3A_342, %roll3A_337, %dot_general3A_343 {dimension_numbers = #tpu.dot_dimension_numbers<[1], [0], [0], [1], [0, 0, 1, 1], [], []>, transpose_lhs_hint = false} : vector<8x16xf32>, vector<16x50176xf32>, vector<8x50176xf32> -> vector<8x50176xf32>
    %mul3A_345 = vector.broadcast %select_n3A_118 : vector<1x50176xf32> to vector<8x50176xf32>
    %mul3A_346 = arith.mulf %dot_general3A_344, %mul3A_345 : vector<8x50176xf32>
    %add3A_347 = arith.addf %add3A_335, %mul3A_346 : vector<8x50176xf32>
    %roll3A_348 = arith.constant 49951 : i32
    %roll3A_349 = tpu.dynamic_rotate %max3A_246 by %roll3A_348 dim 1 : vector<16x50176xf32>, i32 -> vector<16x50176xf32>
    %get3A_350 = arith.constant 8 : index
    %get3A_351 = arith.constant 0 : index
    %get3A_352 = arith.constant 0 : index
    %get3A_353 = vector.load %arg4[%get3A_350, %get3A_351, %get3A_352] : memref<9x8x16xf32, #tpu.memory_space<vmem>>, vector<1x8x16xf32>
    %get3A_354 = vector.shape_cast %get3A_353 : vector<1x8x16xf32> to vector<8x16xf32>
    %dot_general3A_355 = arith.constant dense<0.000000e+00> : vector<8x50176xf32>
    %dot_general3A_356 = tpu.matmul %get3A_354, %roll3A_349, %dot_general3A_355 {dimension_numbers = #tpu.dot_dimension_numbers<[1], [0], [0], [1], [0, 0, 1, 1], [], []>, transpose_lhs_hint = false} : vector<8x16xf32>, vector<16x50176xf32>, vector<8x50176xf32> -> vector<8x50176xf32>
    %mul3A_357 = vector.broadcast %select_n3A_134 : vector<1x50176xf32> to vector<8x50176xf32>
    %mul3A_358 = arith.mulf %dot_general3A_356, %mul3A_357 : vector<8x50176xf32>
    %add3A_359 = arith.addf %add3A_347, %mul3A_358 : vector<8x50176xf32>
    %logistic3A = arith.negf %add3A_359 : vector<8x50176xf32>
    %logistic3A_360 = math.exp %logistic3A : vector<8x50176xf32>
    %logistic3A_361 = arith.constant 1.000000e+00 : f32
    %logistic3A_362 = vector.broadcast %logistic3A_361 : f32 to vector<8x50176xf32>
    %logistic3A_363 = arith.addf %logistic3A_362, %logistic3A_360 : vector<8x50176xf32>
    %logistic3A_364 = arith.divf %logistic3A_362, %logistic3A_363 : vector<8x50176xf32>
    %slice3A = vector.extract_strided_slice %logistic3A_364 {offsets = [0, 0], sizes = [1, 50176], strides = [1, 1]} : vector<8x50176xf32> to vector<1x50176xf32>
    %swap3A = arith.constant 0 : index
    %swap3A_365 = arith.constant 0 : index
    %swap3A_366 = arith.constant 0 : index
    %swap3A_367 = vector.load %arg6[%swap3A, %swap3A_365, %swap3A_366] : memref<1x1x50176xf32, #tpu.memory_space<vmem>>, vector<1x1x50176xf32>
    %swap3A_368 = vector.shape_cast %swap3A_367 : vector<1x1x50176xf32> to vector<1x50176xf32>
    %swap3A_369 = vector.shape_cast %slice3A : vector<1x50176xf32> to vector<1x1x50176xf32>
    tpu.vector_store %arg6[%swap3A, %swap3A_365, %swap3A_366], %swap3A_369 {strides = array<i32>} : memref<1x1x50176xf32, #tpu.memory_space<vmem>>, vector<1x1x50176xf32>,
    return
  }
  func.func @transform_0(%arg0: i32) -> (i32, i32, i32) {
    %c0_i32 = arith.constant 0 : i32
    %c0_i32_0 = arith.constant 0 : i32
    %c0_i32_1 = arith.constant 0 : i32
    return %arg0, %c0_i32, %c0_i32_0 : i32, i32, i32
  }
  func.func @transform_1(%arg0: i32) -> (i32, i32, i32) {
    %c0_i32 = arith.constant 0 : i32
    %c0_i32_0 = arith.constant 0 : i32
    %c0_i32_1 = arith.constant 0 : i32
    %c0_i32_2 = arith.constant 0 : i32
    return %c0_i32, %c0_i32_0, %c0_i32_1 : i32, i32, i32
  }
  func.func @transform_2(%arg0: i32) -> (i32, i32) {
    %c0_i32 = arith.constant 0 : i32
    %c0_i32_0 = arith.constant 0 : i32
    %c0_i32_1 = arith.constant 0 : i32
    return %c0_i32, %c0_i32_0 : i32, i32
  }
  func.func @transform_3(%arg0: i32) -> (i32, i32, i32) {
    %c0_i32 = arith.constant 0 : i32
    %c0_i32_0 = arith.constant 0 : i32
    %c0_i32_1 = arith.constant 0 : i32
    %c0_i32_2 = arith.constant 0 : i32
    return %c0_i32, %c0_i32_0, %c0_i32_1 : i32, i32, i32
  }
  func.func @transform_4(%arg0: i32) -> (i32, i32) {
    %c0_i32 = arith.constant 0 : i32
    %c0_i32_0 = arith.constant 0 : i32
    %c0_i32_1 = arith.constant 0 : i32
    return %c0_i32, %c0_i32_0 : i32, i32
  }
  func.func @transform_5(%arg0: i32) -> (i32, i32, i32) {
    %c0_i32 = arith.constant 0 : i32
    %c0_i32_0 = arith.constant 0 : i32
    %c0_i32_1 = arith.constant 0 : i32
    return %arg0, %c0_i32, %c0_i32_0 : i32, i32, i32
  }
}

</mosaic_0001>

<sc_bundles>
// kernel: kernel.6.cloned.1.call-start
scs
__scs_entry_jumppad:
0x0: {  	(pc) =	sbr.rel $0x88, $3  }
0x1: {  	(tag) =	ssettag $0x0;
	lr =	simm.s32 $0x1  }
0x2: {  	[smem:$0x3F93] =	sst lr;
	_ =	strace $0xD0000000  }
0x3: {  	_ = 	snop  }
0x4: {  	_ = 	snop  }
0x5: {  	_ = 	snop  }
0x6: {  	_ = 	snop  }
0x7: {  	_ = 	snop  }
__scs_overlays_trampoline_lowered:
0x8: {  	[smem:$0x3FA2] =	sst s0  }
0x9: {  	[smem:$0x3FA3] =	sst s1  }
0xa: {  	[smem:$0x3FA4] =	sst s2  }
0xb: {  	[smem:$0x3FA5] =	sst s3  }
0xc: {  	[smem:$0x3FA6] =	sst s4  }
0xd: {  	[smem:$0x3FA7] =	sst s5  }
0xe: {  	[smem:$0x3FA8] =	sst s6  }
0xf: {  	[smem:$0x3FA9] =	sst s7  }
0x10: {  	[smem:$0x3FAA] =	sst s8  }
0x11: {  	[smem:$0x3FAB] =	sst s9;
	s0 =	simm.s32 @!p0 $0x0  }
0x12: {  	s1 =	sld [smem:$0x3F91];
	s0 =	simm.s32 @p0 $0x1  }
0x13: {  	[smem:$0x3FAC] =	sst s0;
	s0 =	simm.s32 @!p1 $0x0  }
0x14: {  	s2 =	sld [smem:$0x3F90];
	s0 =	simm.s32 @p1 $0x1  }
0x15: {  	[smem:$0x3FAD] =	sst s0;
	s0 =	simm.s32 @!p2 $0x0  }
0x16: {  	s3 =	sld [smem:$0x3FDB];
	s0 =	simm.s32 @p2 $0x1  }
0x17: {  	s4 =	simm.s32 $0x1BF5;
	[smem:$0x3FAF] =	sst s0  }
0x18: {  	s0 =	sld [smem:$0x3F92];
	_ =	swait.ge [sflag:s4], $0x0  }
0x19: {  	s7 =	sld [smem:$0x3F93]  }
0x1a: {  	s8 =	sadd.s32 $0xFFFFE003, lr  }
0x1b: {  	s9 =	sadd.s32 $0xFFFFFEF7, lr;
	s5 =	simm.s32 $0xFFFFFFFF;
	p2 =	slt.u32 s8, $0xFFFFF086  }
0x1c: {  	p1 =	slt.u32 s9, $0xF7A;
	s5 =	simm.s32 @!p2 $0x0  }
0x1d: {  	s5 =	simm.s32 @p1 $0x1;
	p0 =	seq.s32 s7, s2  }
0x1e: {  	s7 =	smul.u32 @!p0 $0xF7A, s2;
	p2 =	seq.s32 @!p0 s5, $0x0  }
0x1f: {  	s9 =	smul.u32 $0xF7A, s1;
	s8 =	simm.s32 @!p0 $0x1BF5;
	p2 =	por !p2, p0  }
0x20: {  	[sflag:s8] =	ssyncset.s32 @!p0 $0xFFFFF086;
	s6 =	sadd.s32 @!p0 s3, s7;
	s7 =	simm.s32 @!p0 $0x108  }
0x21: {  	s3 =	sadd.s32 s3, s9;
	s6 =	sadd.s32 @!p0 $0x88, s6;
	s7 =	simm.s32 @p2 $0x1082  }
0x22: {  	[simem:s7], [sflag:s8] =	dma.local @!p0 [hbm:s6], $0xF7A  }
0x23: {  	s9 =	sor.u32 $0xD0000000, s2;
	s6 =	simm.s32 $0x108;
	_ =	swait.ge @!p0 [sflag:s8], $0x0  }
0x24: {  	s3 =	sadd.s32 $0x88, s3;
	s6 =	simm.s32 @!p1 $0x1082;
	[sflag:s4] =	ssyncset.s32 $0xFFFFF086  }
0x25: {  	[simem:s6], [sflag:s4] =	dma.local [hbm:s3], $0xF7A  }
0x26: {  	[smem:$0x3F93] =	sst s1;
	(tag) =	ssettag s2;
	_ =	strace s9  }
0x27: {  	s1 =	sld [smem:$0x3FA3]  }
0x28: {  	s2 =	sld [smem:$0x3FA4]  }
0x29: {  	s4 =	sld [smem:$0x3FA6]  }
0x2a: {  	p0 =	seq.s32 s5, $0x0;
	s5 =	sld [smem:$0x3FA7]  }
0x2b: {  	s6 =	sld [smem:$0x3FA8]  }
0x2c: {  	s7 =	sld [smem:$0x3FA9]  }
0x2d: {  	s3 =	simm.s32 $0x108;
	s8 =	sld [smem:$0x3FAA]  }
0x2e: {  	s3 =	simm.s32 @!p0 $0x1082;
	s9 =	sld [smem:$0x3FAB]  }
0x2f: {  	lr =	sadd.s32 s0, s3;
	s0 =	sld [smem:$0x3FA2]  }
0x30: {  	s3 =	sld [smem:$0x3FA5]  }
0x31: {  	[smem:$0x3FAE] =	sst s10  }
0x32: {  	s10 =	sld [smem:$0x3FAC];
	_ =	sdelay $0x3  }
0x33: {  	p0 =	seq.s32 s10, $0x1;
	s10 =	sld [smem:$0x3FAE];
	_ =	sdelay $0x3  }
0x34: {  	[smem:$0x3FAE] =	sst s10  }
0x35: {  	s10 =	sld [smem:$0x3FAD];
	_ =	sdelay $0x3  }
0x36: {  	p1 =	seq.s32 s10, $0x1;
	s10 =	sld [smem:$0x3FAE];
	_ =	sdelay $0x3  }
0x37: {  	[smem:$0x3FAE] =	sst s10  }
0x38: {  	s10 =	sld [smem:$0x3FAF]  }
0x39: {  	_ = 	snop;
	(pc) =	sbr.ind lr, $3  }
0x3a: {  	_ = 	snop  }
0x3b: {  	_ = 	snop  }
0x3c: {  	p2 =	seq.s32 s10, $0x1;
	s10 =	sld [smem:$0x3FAE]  }
0x3d: {  	_ =	shalt  }
0x3e: {  	_ =	shalt  }
0x3f: {  	_ =	shalt  }
0x40: {  	_ =	shalt  }
0x41: {  	_ =	shalt  }
0x42: {  	_ =	shalt  }
0x43: {  	_ =	shalt  }
0x44: {  	_ =	shalt  }
0x45: {  	_ =	shalt  }
0x46: {  	_ =	shalt  }
0x47: {  	_ =	shalt  }
0x48: {  	_ =	shalt  }
0x49: {  	_ =	shalt  }
0x4a: {  	_ =	shalt  }
0x4b: {  	_ =	shalt  }
0x4c: {  	_ =	shalt  }
0x4d: {  	_ =	shalt  }
0x4e: {  	_ =	shalt  }
0x4f: {  	_ =	shalt  }
0x50: {  	_ =	shalt  }
0x51: {  	_ =	shalt  }
0x52: {  	_ =	shalt  }
0x53: {  	_ =	shalt  }
0x54: {  	_ =	shalt  }
0x55: {  	_ =	shalt  }
0x56: {  	_ =	shalt  }
0x57: {  	_ =	shalt  }
0x58: {  	_ =	shalt  }
0x59: {  	_ =	shalt  }
0x5a: {  	_ =	shalt  }
0x5b: {  	_ =	shalt  }
0x5c: {  	_ =	shalt  }
0x5d: {  	_ =	shalt  }
0x5e: {  	_ =	shalt  }
0x5f: {  	_ =	shalt  }
0x60: {  	_ =	shalt  }
0x61: {  	_ =	shalt  }
0x62: {  	_ =	shalt  }
0x63: {  	_ =	shalt  }
0x64: {  	_ =	shalt  }
0x65: {  	_ =	shalt  }
0x66: {  	_ =	shalt  }
0x67: {  	_ =	shalt  }
0x68: {  	_ =	shalt  }
0x69: {  	_ =	shalt  }
0x6a: {  	_ =	shalt  }
0x6b: {  	_ =	shalt  }
0x6c: {  	_ =	shalt  }
0x6d: {  	_ =	shalt  }
0x6e: {  	_ =	shalt  }
0x6f: {  	_ =	shalt  }
0x70: {  	_ =	shalt  }
0x71: {  	_ =	shalt  }
0x72: {  	_ =	shalt  }
0x73: {  	_ =	shalt  }
0x74: {  	_ =	shalt  }
0x75: {  	_ =	shalt  }
0x76: {  	_ =	shalt  }
0x77: {  	_ =	shalt  }
0x78: {  	_ =	shalt  }
0x79: {  	_ =	shalt  }
0x7a: {  	_ =	shalt  }
0x7b: {  	_ =	shalt  }
0x7c: {  	_ =	shalt  }
0x7d: {  	_ =	shalt  }
0x7e: {  	_ =	shalt  }
0x7f: {  	_ =	shalt  }
0x80: {  	_ =	shalt  }
0x81: {  	_ =	shalt  }
0x82: {  	_ =	shalt  }
0x83: {  	_ =	shalt  }
0x84: {  	_ =	shalt  }
0x85: {  	_ =	shalt  }
0x86: {  	_ =	shalt  }
0x87: {  	_ =	shalt  }
.Lfunc_end0:
.L_simem_size_0:
called_computation.2_lowered:
.L_overlay_start_0:
0x88: {  	s2 =	sld [smem:$0x3FD9]  }
0x89: {  	s3 =	sld [smem:$0x3FFE];
	_ =	sdelay $0x1  }
0x8a: {  	s1 =	srdreg.scid  }
0x8b: {  	s0 =	sand.u32 $0x1, s1  }
0x8c: {  	s15 =	sshll.u32 s0, $0xA;
	s2 =	sadd.s32 s3, s2  }
0x8d: {  	s2 =	sadd.s32 s2, s15  }
0x8e: {  	[smem:$0x3FBA] =	sst s2  }
0x8f: {  	_ = 	snop  }
0x90: {  	s2 =	sld [smem:$0x3FD0];
	_ =	sdelay $0x2  }
0x91: {  	s16 =	simm.s32 $0xC;
	s4 =	simm.s32 $0x10  }
0x92: {  	[smem:s4], [sflag:s16] =	dma.local [hbm:s2], $0x1  }
0x93: {  	_ =	swait.eq [sflag:s16], $0x1  }
0x94: {  	[sflag:s16] =	ssyncset.done $0x0  }
0x95: {  	[sflag:s16] =	ssyncadd.s32 $0xFFFFFFFF  }
0x96: {  	s17 =	sld [smem:$0x11];
	(tm) =	ssettm $0x1  }
0x97: {  	s18 =	sld [smem:$0x3FFB];
	_ =	sdelay $0x3  }
0x98: {  	_ =	strace s18  }
0x99: {  	s2 =	sld [smem:$0x3FFC];
	_ =	sdelay $0x3  }
0x9a: {  	_ =	strace s2  }
0x9b: {  	s2 =	sld [smem:$0x3FFD];
	_ =	sdelay $0x3  }
0x9c: {  	_ =	strace s2  }
0x9d: {  	_ =	strace $0x8FFFFFFF  }
0x9e: {  	s19 =	sld [smem:$0x3FDB];
	_ =	sdelay $0x1  }
0x9f: {  	s20 =	simm.s32 $_scs_section_size  }
0xa0: {  	s5 =	simm.s32 $_size__tile_overlayer_lowered;
	s6 =	simm.s32 $_tile_overlayer_lowered  }
0xa1: {  	s7 =	simm.s32 $0x1BFF;
	s21 =	sshll.u32 s6, $0x1;
	s4 =	sadd.s32 s20, s19  }
0xa2: {  	s22 =	simm.s32 $0x0;
	s5 =	sshll.u32 s5, $0x1;
	s6 =	sadd.s32 s21, s4  }
0xa3: {  	[timem:s22], [sflag:s7] =	dma.local [hbm:s6], s5  }
0xa4: {  	_ =	swait.ge [sflag:s7], s5  }
0xa5: {  	s5 =	ssub.s32 $0x0, s5;
	[sflag:s7] =	ssyncset.done $0x0  }
0xa6: {  	[sflag:s7] =	ssyncadd.s32 s5;
	_ =	sdelay $0x1  }
0xa7: {  	s23 =	simm.s32 $0x1B8B  }
0xa8: {  	_ =	swait.ge [sflag:s23], $0x1  }
0xa9: {  	[sflag:s23] =	ssyncset.done $0x0  }
0xaa: {  	[sflag:s23] =	ssyncadd.s32 $0xFFFFFFFF  }
0xab: {  	s5 =	sld [smem:$0x0]  }
0xac: {  	s6 =	sand.u32 $0xFFFFFFFE, s1  }
0xad: {  	p0 =	sne.s32 s1, s6  }
0xae: {  	s6 =	sshll.u32 @p0 s6, $0xE  }
0xaf: {  	s6 =	sadd.s32 @p0 $0x11B8D, s6;
	s7 =	sshll.u32 @p0 s5, $0x11  }
0xb0: {  	s6 =	sor.u32 @p0 s7, s6  }
0xb1: {  	[sflag:s6] =	ssyncadd.remote.s32 @p0 $0x1;
	_ =	sdelay $0x1  }
0xb2: {  	s6 =	simm.s32 @p0 $0x1B8D  }
0xb3: {  	_ =	swait.eq @p0 [sflag:s6], $0x1  }
0xb4: {  	[sflag:s6] =	ssyncadd.s32 @p0 $0xFFFFFFFF  }
0xb5: {  	s7 =	sshll.u32 @!p0 s1, $0xE  }
0xb6: {  	s7 =	sor.u32 @!p0 $0x4000, s7;
	s6 =	simm.s32 @!p0 $0x1B8D  }
0xb7: {  	s5 =	sshll.u32 @!p0 s5, $0x11;
	s7 =	sadd.s32 @!p0 $0x11B8D, s7;
	_ =	swait.eq @!p0 [sflag:s6], $0x1  }
0xb8: {  	s5 =	sor.u32 @!p0 s5, s7;
	[sflag:s6] =	ssyncadd.s32 @!p0 $0xFFFFFFFF  }
0xb9: {  	s25 =	simm.s32 $0x1B8E;
	s24 =	sld [smem:$0x3FFE];
	[sflag:s5] =	ssyncadd.remote.s32 @!p0 $0x1  }
0xba: {  	s26 =	simm.s32 $execute0_lowered;
	[smem:$0x3FD2] =	sst s25  }
0xbb: {  	s6 =	sshll.u32 s26, $0x1;
	_ =	strace $0x8000004F;
	[dreg:$0x1] =	wrdreg $0xFFFFFFFF  }
0xbc: {  	s28 =	simm.s32 $_size_execute0_lowered;
	s4 =	sadd.s32 s4, s6;
	[dreg:$0x0] =	wrdreg $0x0  }
0xbd: {  	s6 =	sshll.u32 s28, $0x1;
	[dreg:$0x2] =	wrdreg s4  }
0xbe: {  	[dreg:$0x3] =	wrdreg s6  }
0xbf: {  	[dreg:$0x4] =	wrdreg $0xC0  }
0xc0: {  	_ =	task [dreg:s22], $0x5FFFF  }
0xc1: {  	[dreg:$0x1] =	wrdreg $0xFFFFFFFF  }
0xc2: {  	[dreg:$0x0] =	wrdreg $0x60  }
0xc3: {  	[dreg:$0x2] =	wrdreg s24  }
0xc4: {  	[dreg:$0x3] =	wrdreg s17  }
0xc5: {  	[dreg:$0x4] =	wrdreg $0xA  }
0xc6: {  	_ =	task.clear_ibuf [dreg:s22], $0x5FFFF;
	_ =	strace $0x9000004F  }
0xc7: {  	s29 =	simm.s32 $0xA;
	_ =	strace $0x80000051  }
0xc8: {  	_ =	swait.ge [sflag:s29], $0x1  }
0xc9: {  	[sflag:s29] =	ssyncadd.s32 $0xFFFFFFFF  }
0xca: {  	_ =	strace $0x90000051  }
0xcb: {  	_ =	sfence  }
0xcc: {  	s30 =	sld [smem:$0x0];
	_ =	sdelay $0x2  }
0xcd: {  	s31 =	sshll.u32 s1, $0xD;
	s1 =	sshrl.u32 s1, $0x2  }
0xce: {  	s4 =	sand.u32 $0x4000, s31;
	s1 =	sadd.s32 s1, s30  }
0xcf: {  	s0 =	sor.u32 s4, s0;
	s1 =	sshll.u32 s1, $0x11  }
0xd0: {  	s0 =	sor.u32 s1, s0  }
0xd1: {  	s0 =	sadd.s32 $0x8F2B, s0  }
0xd2: {  	[sflag:s0] =	ssyncadd.remote.s32 $0x1  }
0xd3: {  	_ =	sfence.sel $0xFFFF  }
0xd4: {  	[dreg:$0x0] =	wrdreg $0xFFFFFFFF;
	(pc) =	sbr.abs _section_cstart, $3  }
0xd5: {  	[dreg:$0x1] =	wrdreg $0xFFFFFFFF  }
0xd6: {  	_ =	task.clear_ibuf [dreg:s22], $0x2FFFF;
	_ =	strace $0x9FFFFFFF  }
0xd7: {  	(tm) =	ssettm $0x7FFFFFFF  }
tec
execute0_lowered:
.L_overlay_start_1:
0x0: {  	(tag) =	ssettag $0x1  }
0x1: {  	s0 =	rddreg [dreg:$0x0]  }
0x2: {  	s1 =	srdreg.scid;
	s8 =	stileid.u32  }
0x3: {  	s4 =	rddreg [dreg:$0x1];
	s2 =	simm.s32 $0x0;
	s22 =	simm.s32 $0x7C80  }
0x4: {  	s10 =	simm.s32 $0xEC80;
	s23 =	simm.s32 $0x14C80;
	s28 =	simm.s32 $0x16C80  }
0x5: {  	s29 =	simm.s32 $0x17480;
	s30 =	simm.s32 $0x17C80;
	s31 =	simm.s32 $0x18480  }
0x6: {  	s9 =	simm.s32 $0x1AC80;
	s11 =	simm.s32 $0x1B480;
	s12 =	simm.s32 $0x1BC80  }
0x7: {  	s13 =	simm.s32 $0x1C480;
	s14 =	simm.s32 $0x1;
	s15 =	simm.s32 $0x2  }
0x8: {  	s16 =	simm.s32 $0x3;
	s17 =	simm.s32 $0x4;
	s1 =	sand.u32 $0x1, s1  }
0x9: {  	s3 =	sshll.u32 s8, $0x1;
	[smem:$0x7FF] =	sst s2;
	s8 =	smul.u32 $0x31000, s8  }
0xa: {  	s3 =	sor.u32 s1, s3;
	s6 =	ssub.s32 $0x2, s1;
	s1 =	smul.u32 $0x18800, s1  }
0xb: {  	s19 =	simm.s32 $0x0;
	_ =	strace $0x80000050;
	s5 =	smul.u32 $0xC40, s3  }
0xc: {  	s3 =	sadd.s32 $0x363A00, s0;
	s7 =	sshrl.u32 s6, $0x1;
	s26 =	sadd.s32 s8, s4  }
0xd: {  	s8 =	simm.s32 $0xC80;
	s4 =	simm.s32 $0x19C80;
	s24 =	ssub.s32 s6, s7  }
.Ltmp0:
0xe: {  	s6 =	sadd.s32 s1, s26;
	s7 =	simm.s32 $0x5;
	(pc) =	sbr.rel .LBB2_1-.Ltmp0, $4  }
0xf: {  	s26 =	simm.s32 $0x16480;
	s1 =	simm.s32 $0x18C80;
	s5 =	sshrl.u32 s5, $0x3  }
0x10: {  	v2 =	vlaneseq.u32;
	s25 =	smax.u32 s24, $0x1;
	s24 =	simm.s32 $0x15480;
	s0 =	sadd.s32 s5, s0  }
0x11: {  	vm0 =	vmmov $0xffff;
	v1 =	vshrl.u32 v2, $0x3;
	[dreg:$0x4] =	wrdreg s25;
	s25 =	simm.s32 $0x15C80;
	s0 =	sadd.s32 $0x360800, s0  }
0x12: {  	v0 =	vand.u32 $0x7, v2;
	v2 =	vor.u32 $0x8, v2;
	v1 =	vmul.u32 $0x8, v1;
	s5 =	simm.s32 $0x1A480;
	[dreg:$0x3] =	wrdreg s0;
	s0 =	simm.s32 $0x19480  }
.LBB2_9:
0x13: {  	s19 =	rddreg [dreg:$0x5]  }
0x14: {  	s18 =	rddreg [dreg:$0x4];
	s19 =	sadd.s32 $0x1, s19  }
0x15: {  	p0 =	sne.s32 s19, s18  }
.Ltmp1:
0x16: {  	_ = 	snop;
	(pc) =	sbr.rel @!p0 .LBB2_10-.Ltmp1, $1  }
0x17: {  	_ =	sdelay $0x3  }
.LBB2_1:
0x18: {  	[dreg:$0x5] =	wrdreg s19  }
0x19: {  	s18 =	rddreg [dreg:$0x3]  }
0x1a: {  	[tilespmem:s2], [sflag:$0x5] =	stream.linear.gather [hbm4b:s18+s2], $0xC40, $0x38;
	[tilespmem:$0x1CC80] =	vst v63  }
0x1b: {  	_ =	swait.ge [sflag:s7], $0xC40  }
0x1c: {  	[sflag:s7] =	ssyncset.done $0x0  }
0x1d: {  	[sflag:s7] =	ssyncadd.s32 $0xFFFFF3C0  }
0x1e: {  	v3 =	vld [tilespmem:$0x0];
	_ =	sdelay $0x4  }
0x1f: {  	v4 =	vshll.u32 v3, $0x1  }
0x20: {  	v3 =	vand.u32 $0x7, v3;
	v4 =	vand.u32 $0xFFFFFFF0, v4  }
0x21: {  	v3 =	vor.u32 v3, v4  }
0x22: {  	v4 =	vperm.xlane v3, v0;
	_ =	sdelay $0x1  }
0x23: {  	v3 =	vperm.xlane v3, v2;
	v4 =	vadd.s32 v1, v4;
	_ =	sdelay $0x1  }
0x24: {  	v3 =	vadd.s32 v1, v3;
	_ =	sdelay $0x2  }
0x25: {  	[tilespmem:s8], [sflag:$0x1] =	stream.indirect_vreg.gather [hbm4b:s3+s2], $0x80, v4, vm0, $0xb8;
	[tilespmem:$0x1CC80] =	vst v63  }
0x26: {  	s21 =	simm.s32 $0x1480  }
0x27: {  	[tilespmem:s21], [sflag:$0x1] =	stream.indirect_vreg.gather [hbm4b:s3+s2], $0x80, v3, vm0, $0xb8;
	[tilespmem:$0x1CC80] =	vst v63  }
0x28: {  	v3 =	vld [tilespmem:$0x10];
	_ =	sdelay $0x4  }
0x29: {  	v44 =	vshll.u32 v3, $0x1  }
0x2a: {  	v3 =	vand.u32 $0x7, v3;
	v4 =	vand.u32 $0xFFFFFFF0, v44  }
0x2b: {  	v3 =	vor.u32 v3, v4  }
0x2c: {  	v4 =	vperm.xlane v3, v0;
	_ =	sdelay $0x1  }
0x2d: {  	v3 =	vperm.xlane v3, v2;
	v4 =	vadd.s32 v1, v4;
	_ =	sdelay $0x1  }
0x2e: {  	v3 =	vadd.s32 v1, v3;
	_ =	sdelay $0x1  }
0x2f: {  	s19 =	simm.s32 $0x1C80  }
0x30: {  	[tilespmem:s19], [sflag:$0x1] =	stream.indirect_vreg.gather [hbm4b:s3+s2], $0x80, v4, vm0, $0xb8;
	[tilespmem:$0x1CC80] =	vst v63  }
0x31: {  	s20 =	simm.s32 $0x2480  }
0x32: {  	[tilespmem:s20], [sflag:$0x1] =	stream.indirect_vreg.gather [hbm4b:s3+s2], $0x80, v3, vm0, $0xb8;
	[tilespmem:$0x1CC80] =	vst v63  }
0x33: {  	v3 =	vld [tilespmem:$0x20];
	_ =	sdelay $0x4  }
0x34: {  	v45 =	vshll.u32 v3, $0x1  }
0x35: {  	v3 =	vand.u32 $0x7, v3;
	v4 =	vand.u32 $0xFFFFFFF0, v45  }
0x36: {  	v3 =	vor.u32 v3, v4  }
0x37: {  	v4 =	vperm.xlane v3, v0;
	_ =	sdelay $0x1  }
0x38: {  	v3 =	vperm.xlane v3, v2;
	v4 =	vadd.s32 v1, v4;
	_ =	sdelay $0x1  }
0x39: {  	v3 =	vadd.s32 v1, v3;
	_ =	sdelay $0x1  }
0x3a: {  	s21 =	simm.s32 $0x2C80  }
0x3b: {  	[tilespmem:s21], [sflag:$0x1] =	stream.indirect_vreg.gather [hbm4b:s3+s2], $0x80, v4, vm0, $0xb8;
	[tilespmem:$0x1CC80] =	vst v63  }
0x3c: {  	s19 =	simm.s32 $0x3480  }
0x3d: {  	[tilespmem:s19], [sflag:$0x1] =	stream.indirect_vreg.gather [hbm4b:s3+s2], $0x80, v3, vm0, $0xb8;
	[tilespmem:$0x1CC80] =	vst v63  }
0x3e: {  	v3 =	vld [tilespmem:$0x30];
	_ =	sdelay $0x4  }
0x3f: {  	v46 =	vshll.u32 v3, $0x1  }
0x40: {  	v3 =	vand.u32 $0x7, v3;
	v4 =	vand.u32 $0xFFFFFFF0, v46  }
0x41: {  	v3 =	vor.u32 v3, v4  }
0x42: {  	v4 =	vperm.xlane v3, v0;
	_ =	sdelay $0x1  }
0x43: {  	v3 =	vperm.xlane v3, v2;
	v4 =	vadd.s32 v1, v4;
	_ =	sdelay $0x1  }
0x44: {  	v3 =	vadd.s32 v1, v3;
	_ =	sdelay $0x1  }
0x45: {  	s20 =	simm.s32 $0x3C80  }
0x46: {  	[tilespmem:s20], [sflag:$0x1] =	stream.indirect_vreg.gather [hbm4b:s3+s2], $0x80, v4, vm0, $0xb8;
	[tilespmem:$0x1CC80] =	vst v63  }
0x47: {  	s21 =	simm.s32 $0x4480  }
0x48: {  	[tilespmem:s21], [sflag:$0x1] =	stream.indirect_vreg.gather [hbm4b:s3+s2], $0x80, v3, vm0, $0xb8;
	[tilespmem:$0x1CC80] =	vst v63  }
0x49: {  	v3 =	vld [tilespmem:$0x40];
	_ =	sdelay $0x4  }
0x4a: {  	v47 =	vshll.u32 v3, $0x1  }
0x4b: {  	v3 =	vand.u32 $0x7, v3;
	v4 =	vand.u32 $0xFFFFFFF0, v47  }
0x4c: {  	v3 =	vor.u32 v3, v4  }
0x4d: {  	v4 =	vperm.xlane v3, v0;
	_ =	sdelay $0x1  }
0x4e: {  	v3 =	vperm.xlane v3, v2;
	v4 =	vadd.s32 v1, v4;
	_ =	sdelay $0x1  }
0x4f: {  	v3 =	vadd.s32 v1, v3;
	_ =	sdelay $0x1  }
0x50: {  	s19 =	simm.s32 $0x4C80  }
0x51: {  	[tilespmem:s19], [sflag:$0x1] =	stream.indirect_vreg.gather [hbm4b:s3+s2], $0x80, v4, vm0, $0xb8;
	[tilespmem:$0x1CC80] =	vst v63  }
0x52: {  	s20 =	simm.s32 $0x5480  }
0x53: {  	[tilespmem:s20], [sflag:$0x1] =	stream.indirect_vreg.gather [hbm4b:s3+s2], $0x80, v3, vm0, $0xb8;
	[tilespmem:$0x1CC80] =	vst v63  }
0x54: {  	v3 =	vld [tilespmem:$0x50];
	_ =	sdelay $0x4  }
0x55: {  	v48 =	vshll.u32 v3, $0x1  }
0x56: {  	v3 =	vand.u32 $0x7, v3;
	v4 =	vand.u32 $0xFFFFFFF0, v48  }
0x57: {  	v3 =	vor.u32 v3, v4  }
0x58: {  	v4 =	vperm.xlane v3, v0;
	_ =	sdelay $0x1  }
0x59: {  	v3 =	vperm.xlane v3, v2;
	v4 =	vadd.s32 v1, v4;
	_ =	sdelay $0x1  }
0x5a: {  	v3 =	vadd.s32 v1, v3;
	_ =	sdelay $0x1  }
0x5b: {  	s21 =	simm.s32 $0x5C80  }
0x5c: {  	[tilespmem:s21], [sflag:$0x1] =	stream.indirect_vreg.gather [hbm4b:s3+s2], $0x80, v4, vm0, $0xb8;
	[tilespmem:$0x1CC80] =	vst v63  }
0x5d: {  	s19 =	simm.s32 $0x6480  }
0x5e: {  	[tilespmem:s19], [sflag:$0x1] =	stream.indirect_vreg.gather [hbm4b:s3+s2], $0x80, v3, vm0, $0xb8;
	[tilespmem:$0x1CC80] =	vst v63  }
0x5f: {  	v3 =	vld [tilespmem:$0x60];
	_ =	sdelay $0x4  }
0x60: {  	v49 =	vshll.u32 v3, $0x1  }
0x61: {  	v3 =	vand.u32 $0x7, v3;
	v4 =	vand.u32 $0xFFFFFFF0, v49  }
0x62: {  	v3 =	vor.u32 v3, v4  }
0x63: {  	v4 =	vperm.xlane v3, v0;
	_ =	sdelay $0x1  }
0x64: {  	v3 =	vperm.xlane v3, v2;
	v4 =	vadd.s32 v1, v4;
	_ =	sdelay $0x1  }
0x65: {  	v3 =	vadd.s32 v1, v3;
	_ =	sdelay $0x1  }
0x66: {  	s20 =	simm.s32 $0x6C80  }
0x67: {  	[tilespmem:s20], [sflag:$0x1] =	stream.indirect_vreg.gather [hbm4b:s3+s2], $0x80, v4, vm0, $0xb8;
	[tilespmem:$0x1CC80] =	vst v63  }
0x68: {  	s21 =	simm.s32 $0x7480  }
0x69: {  	[tilespmem:s21], [sflag:$0x1] =	stream.indirect_vreg.gather [hbm4b:s3+s2], $0x80, v3, vm0, $0xb8;
	[tilespmem:$0x1CC80] =	vst v63  }
0x6a: {  	v3 =	vld [tilespmem:$0x70];
	_ =	sdelay $0x4  }
0x6b: {  	v50 =	vshll.u32 v3, $0x1  }
0x6c: {  	v3 =	vand.u32 $0x7, v3;
	v4 =	vand.u32 $0xFFFFFFF0, v50  }
0x6d: {  	v3 =	vor.u32 v3, v4  }
0x6e: {  	v4 =	vperm.xlane v3, v0;
	_ =	sdelay $0x1  }
0x6f: {  	v3 =	vperm.xlane v3, v2;
	v4 =	vadd.s32 v1, v4;
	_ =	sdelay $0x1  }
0x70: {  	v3 =	vadd.s32 v1, v3;
	_ =	sdelay $0x2  }
0x71: {  	[tilespmem:s22], [sflag:$0x2] =	stream.indirect_vreg.gather [hbm4b:s3+s2], $0x80, v4, vm0, $0xb8;
	[tilespmem:$0x1CC80] =	vst v63  }
0x72: {  	s19 =	simm.s32 $0x8480  }
0x73: {  	[tilespmem:s19], [sflag:$0x2] =	stream.indirect_vreg.gather [hbm4b:s3+s2], $0x80, v3, vm0, $0xb8;
	[tilespmem:$0x1CC80] =	vst v63  }
0x74: {  	v3 =	vld [tilespmem:$0x80];
	_ =	sdelay $0x4  }
0x75: {  	v51 =	vshll.u32 v3, $0x1  }
0x76: {  	v3 =	vand.u32 $0x7, v3;
	v4 =	vand.u32 $0xFFFFFFF0, v51  }
0x77: {  	v3 =	vor.u32 v3, v4  }
0x78: {  	v4 =	vperm.xlane v3, v0;
	_ =	sdelay $0x1  }
0x79: {  	v3 =	vperm.xlane v3, v2;
	v4 =	vadd.s32 v1, v4;
	_ =	sdelay $0x1  }
0x7a: {  	v3 =	vadd.s32 v1, v3;
	_ =	sdelay $0x1  }
0x7b: {  	s20 =	simm.s32 $0x8C80  }
0x7c: {  	[tilespmem:s20], [sflag:$0x2] =	stream.indirect_vreg.gather [hbm4b:s3+s2], $0x80, v4, vm0, $0xb8;
	[tilespmem:$0x1CC80] =	vst v63  }
0x7d: {  	s21 =	simm.s32 $0x9480  }
0x7e: {  	[tilespmem:s21], [sflag:$0x2] =	stream.indirect_vreg.gather [hbm4b:s3+s2], $0x80, v3, vm0, $0xb8;
	[tilespmem:$0x1CC80] =	vst v63  }
0x7f: {  	v3 =	vld [tilespmem:$0x90];
	_ =	sdelay $0x4  }
0x80: {  	v52 =	vshll.u32 v3, $0x1  }
0x81: {  	v3 =	vand.u32 $0x7, v3;
	v4 =	vand.u32 $0xFFFFFFF0, v52  }
0x82: {  	v3 =	vor.u32 v3, v4  }
0x83: {  	v4 =	vperm.xlane v3, v0;
	_ =	sdelay $0x1  }
0x84: {  	v3 =	vperm.xlane v3, v2;
	v4 =	vadd.s32 v1, v4;
	_ =	sdelay $0x1  }
0x85: {  	v3 =	vadd.s32 v1, v3;
	_ =	sdelay $0x1  }
0x86: {  	s19 =	simm.s32 $0x9C80  }
0x87: {  	[tilespmem:s19], [sflag:$0x2] =	stream.indirect_vreg.gather [hbm4b:s3+s2], $0x80, v4, vm0, $0xb8;
	[tilespmem:$0x1CC80] =	vst v63  }
0x88: {  	s20 =	simm.s32 $0xA480  }
0x89: {  	[tilespmem:s20], [sflag:$0x2] =	stream.indirect_vreg.gather [hbm4b:s3+s2], $0x80, v3, vm0, $0xb8;
	[tilespmem:$0x1CC80] =	vst v63  }
0x8a: {  	v3 =	vld [tilespmem:$0xA0];
	_ =	sdelay $0x4  }
0x8b: {  	v53 =	vshll.u32 v3, $0x1  }
0x8c: {  	v3 =	vand.u32 $0x7, v3;
	v4 =	vand.u32 $0xFFFFFFF0, v53  }
0x8d: {  	v3 =	vor.u32 v3, v4  }
0x8e: {  	v4 =	vperm.xlane v3, v0;
	_ =	sdelay $0x1  }
0x8f: {  	v3 =	vperm.xlane v3, v2;
	v4 =	vadd.s32 v1, v4;
	_ =	sdelay $0x1  }
0x90: {  	v3 =	vadd.s32 v1, v3;
	_ =	sdelay $0x1  }
0x91: {  	s21 =	simm.s32 $0xAC80  }
0x92: {  	[tilespmem:s21], [sflag:$0x2] =	stream.indirect_vreg.gather [hbm4b:s3+s2], $0x80, v4, vm0, $0xb8;
	[tilespmem:$0x1CC80] =	vst v63  }
0x93: {  	s19 =	simm.s32 $0xB480  }
0x94: {  	[tilespmem:s19], [sflag:$0x2] =	stream.indirect_vreg.gather [hbm4b:s3+s2], $0x80, v3, vm0, $0xb8;
	[tilespmem:$0x1CC80] =	vst v63  }
0x95: {  	v3 =	vld [tilespmem:$0xB0];
	_ =	sdelay $0x4  }
0x96: {  	v54 =	vshll.u32 v3, $0x1  }
0x97: {  	v3 =	vand.u32 $0x7, v3;
	v4 =	vand.u32 $0xFFFFFFF0, v54  }
0x98: {  	v3 =	vor.u32 v3, v4  }
0x99: {  	v4 =	vperm.xlane v3, v0;
	_ =	sdelay $0x1  }
0x9a: {  	v3 =	vperm.xlane v3, v2;
	v4 =	vadd.s32 v1, v4;
	_ =	sdelay $0x1  }
0x9b: {  	v3 =	vadd.s32 v1, v3;
	_ =	sdelay $0x1  }
0x9c: {  	s20 =	simm.s32 $0xBC80  }
0x9d: {  	[tilespmem:s20], [sflag:$0x2] =	stream.indirect_vreg.gather [hbm4b:s3+s2], $0x80, v4, vm0, $0xb8;
	[tilespmem:$0x1CC80] =	vst v63  }
0x9e: {  	s21 =	simm.s32 $0xC480  }
0x9f: {  	[tilespmem:s21], [sflag:$0x2] =	stream.indirect_vreg.gather [hbm4b:s3+s2], $0x80, v3, vm0, $0xb8;
	[tilespmem:$0x1CC80] =	vst v63  }
0xa0: {  	v3 =	vld [tilespmem:$0xC0];
	_ =	sdelay $0x4  }
0xa1: {  	v55 =	vshll.u32 v3, $0x1  }
0xa2: {  	v3 =	vand.u32 $0x7, v3;
	v4 =	vand.u32 $0xFFFFFFF0, v55  }
0xa3: {  	v3 =	vor.u32 v3, v4  }
0xa4: {  	v4 =	vperm.xlane v3, v0;
	_ =	sdelay $0x1  }
0xa5: {  	v3 =	vperm.xlane v3, v2;
	v4 =	vadd.s32 v1, v4;
	_ =	sdelay $0x1  }
0xa6: {  	v3 =	vadd.s32 v1, v3;
	_ =	sdelay $0x1  }
0xa7: {  	s19 =	simm.s32 $0xCC80  }
0xa8: {  	[tilespmem:s19], [sflag:$0x2] =	stream.indirect_vreg.gather [hbm4b:s3+s2], $0x80, v4, vm0, $0xb8;
	[tilespmem:$0x1CC80] =	vst v63  }
0xa9: {  	s20 =	simm.s32 $0xD480  }
0xaa: {  	[tilespmem:s20], [sflag:$0x2] =	stream.indirect_vreg.gather [hbm4b:s3+s2], $0x80, v3, vm0, $0xb8;
	[tilespmem:$0x1CC80] =	vst v63  }
0xab: {  	v3 =	vld [tilespmem:$0xD0];
	_ =	sdelay $0x4  }
0xac: {  	v56 =	vshll.u32 v3, $0x1  }
0xad: {  	v3 =	vand.u32 $0x7, v3;
	v4 =	vand.u32 $0xFFFFFFF0, v56  }
0xae: {  	v3 =	vor.u32 v3, v4  }
0xaf: {  	v4 =	vperm.xlane v3, v0;
	_ =	sdelay $0x1  }
0xb0: {  	v3 =	vperm.xlane v3, v2;
	v4 =	vadd.s32 v1, v4;
	_ =	sdelay $0x1  }
0xb1: {  	v3 =	vadd.s32 v1, v3;
	_ =	sdelay $0x1  }
0xb2: {  	s21 =	simm.s32 $0xDC80  }
0xb3: {  	[tilespmem:s21], [sflag:$0x2] =	stream.indirect_vreg.gather [hbm4b:s3+s2], $0x80, v4, vm0, $0xb8;
	[tilespmem:$0x1CC80] =	vst v63  }
0xb4: {  	s19 =	simm.s32 $0xE480  }
0xb5: {  	[tilespmem:s19], [sflag:$0x2] =	stream.indirect_vreg.gather [hbm4b:s3+s2], $0x80, v3, vm0, $0xb8;
	[tilespmem:$0x1CC80] =	vst v63  }
0xb6: {  	v3 =	vld [tilespmem:$0xE0];
	_ =	sdelay $0x4  }
0xb7: {  	v57 =	vshll.u32 v3, $0x1  }
0xb8: {  	v3 =	vand.u32 $0x7, v3;
	v4 =	vand.u32 $0xFFFFFFF0, v57  }
0xb9: {  	v3 =	vor.u32 v3, v4  }
0xba: {  	v4 =	vperm.xlane v3, v0;
	_ =	sdelay $0x1  }
0xbb: {  	v3 =	vperm.xlane v3, v2;
	v4 =	vadd.s32 v1, v4;
	_ =	sdelay $0x1  }
0xbc: {  	v3 =	vadd.s32 v1, v3;
	_ =	sdelay $0x2  }
0xbd: {  	[tilespmem:s10], [sflag:$0x3] =	stream.indirect_vreg.gather [hbm4b:s3+s2], $0x80, v4, vm0, $0xb8;
	[tilespmem:$0x1CC80] =	vst v63  }
0xbe: {  	s20 =	simm.s32 $0xF480  }
0xbf: {  	[tilespmem:s20], [sflag:$0x3] =	stream.indirect_vreg.gather [hbm4b:s3+s2], $0x80, v3, vm0, $0xb8;
	[tilespmem:$0x1CC80] =	vst v63  }
0xc0: {  	v3 =	vld [tilespmem:$0xF0];
	_ =	sdelay $0x4  }
0xc1: {  	v58 =	vshll.u32 v3, $0x1  }
0xc2: {  	v3 =	vand.u32 $0x7, v3;
	v4 =	vand.u32 $0xFFFFFFF0, v58  }
0xc3: {  	v3 =	vor.u32 v3, v4  }
0xc4: {  	v4 =	vperm.xlane v3, v0;
	_ =	sdelay $0x1  }
0xc5: {  	v3 =	vperm.xlane v3, v2;
	v4 =	vadd.s32 v1, v4;
	_ =	sdelay $0x1  }
0xc6: {  	v3 =	vadd.s32 v1, v3;
	_ =	sdelay $0x1  }
0xc7: {  	s21 =	simm.s32 $0xFC80  }
0xc8: {  	[tilespmem:s21], [sflag:$0x3] =	stream.indirect_vreg.gather [hbm4b:s3+s2], $0x80, v4, vm0, $0xb8;
	[tilespmem:$0x1CC80] =	vst v63  }
0xc9: {  	s19 =	simm.s32 $0x10480  }
0xca: {  	[tilespmem:s19], [sflag:$0x3] =	stream.indirect_vreg.gather [hbm4b:s3+s2], $0x80, v3, vm0, $0xb8;
	[tilespmem:$0x1CC80] =	vst v63  }
0xcb: {  	v3 =	vld [tilespmem:$0x100];
	_ =	sdelay $0x4  }
0xcc: {  	v59 =	vshll.u32 v3, $0x1  }
0xcd: {  	v3 =	vand.u32 $0x7, v3;
	v4 =	vand.u32 $0xFFFFFFF0, v59  }
0xce: {  	v3 =	vor.u32 v3, v4  }
0xcf: {  	v4 =	vperm.xlane v3, v0;
	_ =	sdelay $0x1  }
0xd0: {  	v3 =	vperm.xlane v3, v2;
	v4 =	vadd.s32 v1, v4;
	_ =	sdelay $0x1  }
0xd1: {  	v3 =	vadd.s32 v1, v3;
	_ =	sdelay $0x1  }
0xd2: {  	s20 =	simm.s32 $0x10C80  }
0xd3: {  	[tilespmem:s20], [sflag:$0x3] =	stream.indirect_vreg.gather [hbm4b:s3+s2], $0x80, v4, vm0, $0xb8;
	[tilespmem:$0x1CC80] =	vst v63  }
0xd4: {  	s21 =	simm.s32 $0x11480  }
0xd5: {  	[tilespmem:s21], [sflag:$0x3] =	stream.indirect_vreg.gather [hbm4b:s3+s2], $0x80, v3, vm0, $0xb8;
	[tilespmem:$0x1CC80] =	vst v63  }
0xd6: {  	v3 =	vld [tilespmem:$0x110];
	_ =	sdelay $0x4  }
0xd7: {  	v60 =	vshll.u32 v3, $0x1  }
0xd8: {  	v3 =	vand.u32 $0x7, v3;
	v4 =	vand.u32 $0xFFFFFFF0, v60  }
0xd9: {  	v3 =	vor.u32 v3, v4  }
0xda: {  	v4 =	vperm.xlane v3, v0;
	_ =	sdelay $0x1  }
0xdb: {  	v3 =	vperm.xlane v3, v2;
	v4 =	vadd.s32 v1, v4;
	_ =	sdelay $0x1  }
0xdc: {  	v3 =	vadd.s32 v1, v3;
	_ =	sdelay $0x1  }
0xdd: {  	s19 =	simm.s32 $0x11C80  }
0xde: {  	[tilespmem:s19], [sflag:$0x3] =	stream.indirect_vreg.gather [hbm4b:s3+s2], $0x80, v4, vm0, $0xb8;
	[tilespmem:$0x1CC80] =	vst v63  }
0xdf: {  	s20 =	simm.s32 $0x12480  }
0xe0: {  	[tilespmem:s20], [sflag:$0x3] =	stream.indirect_vreg.gather [hbm4b:s3+s2], $0x80, v3, vm0, $0xb8;
	[tilespmem:$0x1CC80] =	vst v63  }
0xe1: {  	v3 =	vld [tilespmem:$0x120];
	_ =	sdelay $0x4  }
0xe2: {  	v61 =	vshll.u32 v3, $0x1  }
0xe3: {  	v3 =	vand.u32 $0x7, v3;
	v4 =	vand.u32 $0xFFFFFFF0, v61  }
0xe4: {  	v3 =	vor.u32 v3, v4  }
0xe5: {  	v4 =	vperm.xlane v3, v0;
	_ =	sdelay $0x1  }
0xe6: {  	v3 =	vperm.xlane v3, v2;
	v4 =	vadd.s32 v1, v4;
	_ =	sdelay $0x1  }
0xe7: {  	v3 =	vadd.s32 v1, v3;
	_ =	sdelay $0x1  }
0xe8: {  	s21 =	simm.s32 $0x12C80  }
0xe9: {  	[tilespmem:s21], [sflag:$0x3] =	stream.indirect_vreg.gather [hbm4b:s3+s2], $0x80, v4, vm0, $0xb8;
	[tilespmem:$0x1CC80] =	vst v63  }
0xea: {  	s19 =	simm.s32 $0x13480  }
0xeb: {  	[tilespmem:s19], [sflag:$0x3] =	stream.indirect_vreg.gather [hbm4b:s3+s2], $0x80, v3, vm0, $0xb8;
	[tilespmem:$0x1CC80] =	vst v63  }
0xec: {  	v3 =	vld [tilespmem:$0x130];
	_ =	sdelay $0x4  }
0xed: {  	v62 =	vshll.u32 v3, $0x1  }
0xee: {  	v3 =	vand.u32 $0x7, v3;
	v4 =	vand.u32 $0xFFFFFFF0, v62  }
0xef: {  	v3 =	vor.u32 v3, v4  }
0xf0: {  	v4 =	vperm.xlane v3, v0;
	_ =	sdelay $0x1  }
0xf1: {  	v3 =	vperm.xlane v3, v2;
	v4 =	vadd.s32 v1, v4;
	_ =	sdelay $0x1  }
0xf2: {  	v3 =	vadd.s32 v1, v3;
	_ =	sdelay $0x1  }
0xf3: {  	s20 =	simm.s32 $0x13C80  }
0xf4: {  	[tilespmem:s20], [sflag:$0x3] =	stream.indirect_vreg.gather [hbm4b:s3+s2], $0x80, v4, vm0, $0xb8;
	[tilespmem:$0x1CC80] =	vst v63  }
0xf5: {  	s21 =	simm.s32 $0x14480  }
0xf6: {  	[tilespmem:s21], [sflag:$0x3] =	stream.indirect_vreg.gather [hbm4b:s3+s2], $0x80, v3, vm0, $0xb8;
	[tilespmem:$0x1CC80] =	vst v63  }
0xf7: {  	v3 =	vld [tilespmem:$0x140];
	_ =	sdelay $0x4  }
0xf8: {  	v63 =	vshll.u32 v3, $0x1  }
0xf9: {  	v3 =	vand.u32 $0x7, v3;
	v4 =	vand.u32 $0xFFFFFFF0, v63  }
0xfa: {  	v3 =	vor.u32 v3, v4  }
0xfb: {  	v4 =	vperm.xlane v3, v0;
	_ =	sdelay $0x1  }
0xfc: {  	v3 =	vperm.xlane v3, v2;
	v4 =	vadd.s32 v1, v4;
	_ =	sdelay $0x1  }
0xfd: {  	v3 =	vadd.s32 v1, v3  }
.Ltmp2:
0xfe: {  	_ = 	snop;
	(pc) =	sbr.rel .LBB2_2-.Ltmp2, $4  }
0xff: {  	_ = 	snop  }
0x100: {  	[tilespmem:s23], [sflag:$0x3] =	stream.indirect_vreg.gather [hbm4b:s3+s2], $0x80, v4, vm0, $0xb8;
	[tilespmem:$0x1CC80] =	vst v63  }
0x101: {  	s18 =	simm.s32 $0x180;
	s19 =	simm.s32 $0x0  }
0x102: {  	[tilespmem:s24], [sflag:$0x3] =	stream.indirect_vreg.gather [hbm4b:s3+s2], $0x80, v3, vm0, $0xb8;
	[tilespmem:$0x1CC80] =	vst v63  }
.LBB2_8:
0x103: {  	_ =	swait.ge [sflag:s17], $0x7000;
	s19 =	sadd.s32 $0x3800, s19  }
0x104: {  	[sflag:s17] =	ssyncset.done $0x0;
	p0 =	sne.s32 s19, $0x18800  }
.Ltmp3:
0x105: {  	s20 =	sadd.s32 $0x2A00, s20;
	[sflag:s17] =	ssyncadd.s32 $0xFFFF9000;
	(pc) =	sbr.rel @!p0 .LBB2_9-.Ltmp3, $4  }
0x106: {  	[hbm4b:s20+s2] =	stream.linear.scatter [tilespmem:s25], [sflag:$0x5], $0x7000, $0x38;
	[tilespmem:$0x1CC80] =	vst v63  }
0x107: {  	_ =	swait.ge [sflag:s7], $0x7000  }
0x108: {  	[sflag:s7] =	ssyncset.done $0x0  }
0x109: {  	s18 =	sadd.s32 $0x1C0, s18;
	[sflag:s7] =	ssyncadd.s32 $0xFFFF9000  }
.LBB2_2:
0x10a: {  	v3 =	vld [tilespmem:s18+$0xFFFFFFD0];
	_ =	sdelay $0x4  }
0x10b: {  	v4 =	vshll.u32 v3, $0x1  }
0x10c: {  	v3 =	vand.u32 $0x7, v3;
	v4 =	vand.u32 $0xFFFFFFF0, v4  }
0x10d: {  	v3 =	vor.u32 v3, v4  }
0x10e: {  	v4 =	vperm.xlane v3, v0;
	_ =	sdelay $0x1  }
0x10f: {  	v3 =	vperm.xlane v3, v2;
	v4 =	vadd.s32 v1, v4;
	_ =	sdelay $0x1  }
0x110: {  	v3 =	vadd.s32 v1, v3;
	_ =	sdelay $0x2  }
0x111: {  	[tilespmem:s25], [sflag:$0x4] =	stream.indirect_vreg.gather [hbm4b:s3+s2], $0x80, v4, vm0, $0xb8;
	[tilespmem:$0x1CC80] =	vst v63  }
0x112: {  	_ = 	snop  }
0x113: {  	[tilespmem:s26], [sflag:$0x4] =	stream.indirect_vreg.gather [hbm4b:s3+s2], $0x80, v3, vm0, $0xb8;
	[tilespmem:$0x1CC80] =	vst v63  }
0x114: {  	v3 =	vld [tilespmem:s18+$0xFFFFFFE0];
	_ =	sdelay $0x4  }
0x115: {  	v58 =	vshll.u32 v3, $0x1  }
0x116: {  	v3 =	vand.u32 $0x7, v3;
	v4 =	vand.u32 $0xFFFFFFF0, v58  }
0x117: {  	v3 =	vor.u32 v3, v4  }
0x118: {  	v4 =	vperm.xlane v3, v0;
	_ =	sdelay $0x1  }
0x119: {  	v3 =	vperm.xlane v3, v2;
	v4 =	vadd.s32 v1, v4;
	_ =	sdelay $0x1  }
0x11a: {  	v3 =	vadd.s32 v1, v3;
	_ =	sdelay $0x2  }
0x11b: {  	[tilespmem:s28], [sflag:$0x4] =	stream.indirect_vreg.gather [hbm4b:s3+s2], $0x80, v4, vm0, $0xb8;
	[tilespmem:$0x1CC80] =	vst v63  }
0x11c: {  	_ = 	snop  }
0x11d: {  	[tilespmem:s29], [sflag:$0x4] =	stream.indirect_vreg.gather [hbm4b:s3+s2], $0x80, v3, vm0, $0xb8;
	[tilespmem:$0x1CC80] =	vst v63  }
0x11e: {  	v3 =	vld [tilespmem:s18+$0xFFFFFFF0];
	_ =	sdelay $0x4  }
0x11f: {  	v59 =	vshll.u32 v3, $0x1  }
0x120: {  	v3 =	vand.u32 $0x7, v3;
	v4 =	vand.u32 $0xFFFFFFF0, v59  }
0x121: {  	v3 =	vor.u32 v3, v4  }
0x122: {  	v4 =	vperm.xlane v3, v0;
	_ =	sdelay $0x1  }
0x123: {  	v3 =	vperm.xlane v3, v2;
	v4 =	vadd.s32 v1, v4;
	_ =	sdelay $0x1  }
0x124: {  	v3 =	vadd.s32 v1, v3;
	_ =	sdelay $0x2  }
0x125: {  	[tilespmem:s30], [sflag:$0x4] =	stream.indirect_vreg.gather [hbm4b:s3+s2], $0x80, v4, vm0, $0xb8;
	[tilespmem:$0x1CC80] =	vst v63  }
0x126: {  	_ = 	snop  }
0x127: {  	[tilespmem:s31], [sflag:$0x4] =	stream.indirect_vreg.gather [hbm4b:s3+s2], $0x80, v3, vm0, $0xb8;
	[tilespmem:$0x1CC80] =	vst v63  }
0x128: {  	v3 =	vld [tilespmem:s18+$0x0];
	_ =	sdelay $0x4  }
0x129: {  	v60 =	vshll.u32 v3, $0x1  }
0x12a: {  	v3 =	vand.u32 $0x7, v3;
	v4 =	vand.u32 $0xFFFFFFF0, v60  }
0x12b: {  	v3 =	vor.u32 v3, v4  }
0x12c: {  	v4 =	vperm.xlane v3, v0;
	_ =	sdelay $0x1  }
0x12d: {  	v3 =	vperm.xlane v3, v2;
	v4 =	vadd.s32 v1, v4;
	_ =	sdelay $0x1  }
0x12e: {  	v3 =	vadd.s32 v1, v3;
	_ =	sdelay $0x2  }
0x12f: {  	[tilespmem:s1], [sflag:$0x4] =	stream.indirect_vreg.gather [hbm4b:s3+s2], $0x80, v4, vm0, $0xb8;
	[tilespmem:$0x1CC80] =	vst v63  }
0x130: {  	_ = 	snop  }
0x131: {  	[tilespmem:s0], [sflag:$0x4] =	stream.indirect_vreg.gather [hbm4b:s3+s2], $0x80, v3, vm0, $0xb8;
	[tilespmem:$0x1CC80] =	vst v63  }
0x132: {  	v3 =	vld [tilespmem:s18+$0x10];
	_ =	sdelay $0x4  }
0x133: {  	v61 =	vshll.u32 v3, $0x1  }
0x134: {  	v3 =	vand.u32 $0x7, v3;
	v4 =	vand.u32 $0xFFFFFFF0, v61  }
0x135: {  	v3 =	vor.u32 v3, v4  }
0x136: {  	v4 =	vperm.xlane v3, v0;
	_ =	sdelay $0x1  }
0x137: {  	v3 =	vperm.xlane v3, v2;
	v4 =	vadd.s32 v1, v4;
	_ =	sdelay $0x1  }
0x138: {  	v3 =	vadd.s32 v1, v3;
	_ =	sdelay $0x2  }
0x139: {  	[tilespmem:s4], [sflag:$0x4] =	stream.indirect_vreg.gather [hbm4b:s3+s2], $0x80, v4, vm0, $0xb8;
	[tilespmem:$0x1CC80] =	vst v63  }
0x13a: {  	_ = 	snop  }
0x13b: {  	[tilespmem:s5], [sflag:$0x4] =	stream.indirect_vreg.gather [hbm4b:s3+s2], $0x80, v3, vm0, $0xb8;
	[tilespmem:$0x1CC80] =	vst v63  }
0x13c: {  	v3 =	vld [tilespmem:s18+$0x20];
	_ =	sdelay $0x4  }
0x13d: {  	v62 =	vshll.u32 v3, $0x1  }
0x13e: {  	v3 =	vand.u32 $0x7, v3;
	v4 =	vand.u32 $0xFFFFFFF0, v62  }
0x13f: {  	v3 =	vor.u32 v3, v4  }
0x140: {  	v4 =	vperm.xlane v3, v0;
	_ =	sdelay $0x1  }
0x141: {  	v3 =	vperm.xlane v3, v2;
	v4 =	vadd.s32 v1, v4;
	_ =	sdelay $0x1  }
0x142: {  	v3 =	vadd.s32 v1, v3;
	_ =	sdelay $0x2  }
0x143: {  	[tilespmem:s9], [sflag:$0x4] =	stream.indirect_vreg.gather [hbm4b:s3+s2], $0x80, v4, vm0, $0xb8;
	[tilespmem:$0x1CC80] =	vst v63  }
0x144: {  	_ = 	snop  }
0x145: {  	[tilespmem:s11], [sflag:$0x4] =	stream.indirect_vreg.gather [hbm4b:s3+s2], $0x80, v3, vm0, $0xb8;
	[tilespmem:$0x1CC80] =	vst v63  }
0x146: {  	v3 =	vld [tilespmem:s18+$0x30];
	_ =	sdelay $0x4  }
0x147: {  	v63 =	vshll.u32 v3, $0x1  }
0x148: {  	v3 =	vand.u32 $0x7, v3;
	v4 =	vand.u32 $0xFFFFFFF0, v63  }
0x149: {  	v3 =	vor.u32 v3, v4  }
0x14a: {  	v4 =	vperm.xlane v3, v0;
	_ =	sdelay $0x1  }
0x14b: {  	v3 =	vperm.xlane v3, v2;
	v4 =	vadd.s32 v1, v4;
	_ =	sdelay $0x1  }
0x14c: {  	v3 =	vadd.s32 v1, v3;
	_ =	sdelay $0x2  }
0x14d: {  	[tilespmem:s12], [sflag:$0x4] =	stream.indirect_vreg.gather [hbm4b:s3+s2], $0x80, v4, vm0, $0xb8;
	[tilespmem:$0x1CC80] =	vst v63  }
0x14e: {  	_ = 	snop  }
0x14f: {  	[tilespmem:s13], [sflag:$0x4] =	stream.indirect_vreg.gather [hbm4b:s3+s2], $0x80, v3, vm0, $0xb8;
	[tilespmem:$0x1CC80] =	vst v63  }
0x150: {  	_ =	swait.ge [sflag:s14], $0x7000  }
0x151: {  	p0 =	seq.s32 s19, $0x15000;
	[sflag:s14] =	ssyncset.done $0x0  }
.Ltmp4:
0x152: {  	s20 =	sadd.s32 s19, s6;
	[sflag:s14] =	ssyncadd.s32 $0xFFFF9000;
	(pc) =	sbr.rel @p0 .LBB2_4-.Ltmp4, $4  }
0x153: {  	[hbm4b:s20+s2] =	stream.linear.scatter [tilespmem:s8], [sflag:$0x5], $0x7000, $0x38;
	[tilespmem:$0x1CC80] =	vst v63  }
0x154: {  	_ =	swait.ge [sflag:s7], $0x7000  }
0x155: {  	[sflag:s7] =	ssyncset.done $0x0  }
0x156: {  	[sflag:s7] =	ssyncadd.s32 $0xFFFF9000  }
0x157: {  	v3 =	vld [tilespmem:s18+$0x40];
	_ =	sdelay $0x4  }
0x158: {  	v4 =	vshll.u32 v3, $0x1  }
0x159: {  	v3 =	vand.u32 $0x7, v3;
	v4 =	vand.u32 $0xFFFFFFF0, v4  }
0x15a: {  	v3 =	vor.u32 v3, v4  }
0x15b: {  	v4 =	vperm.xlane v3, v0;
	_ =	sdelay $0x1  }
0x15c: {  	v3 =	vperm.xlane v3, v2;
	v4 =	vadd.s32 v1, v4;
	_ =	sdelay $0x1  }
0x15d: {  	v3 =	vadd.s32 v1, v3;
	_ =	sdelay $0x2  }
0x15e: {  	[tilespmem:s8], [sflag:$0x1] =	stream.indirect_vreg.gather [hbm4b:s3+s2], $0x80, v4, vm0, $0xb8;
	[tilespmem:$0x1CC80] =	vst v63  }
0x15f: {  	s21 =	simm.s32 $0x1480  }
0x160: {  	[tilespmem:s21], [sflag:$0x1] =	stream.indirect_vreg.gather [hbm4b:s3+s2], $0x80, v3, vm0, $0xb8;
	[tilespmem:$0x1CC80] =	vst v63  }
0x161: {  	v3 =	vld [tilespmem:s18+$0x50];
	_ =	sdelay $0x4  }
0x162: {  	v58 =	vshll.u32 v3, $0x1  }
0x163: {  	v3 =	vand.u32 $0x7, v3;
	v4 =	vand.u32 $0xFFFFFFF0, v58  }
0x164: {  	v3 =	vor.u32 v3, v4  }
0x165: {  	v4 =	vperm.xlane v3, v0;
	_ =	sdelay $0x1  }
0x166: {  	v3 =	vperm.xlane v3, v2;
	v4 =	vadd.s32 v1, v4;
	_ =	sdelay $0x1  }
0x167: {  	v3 =	vadd.s32 v1, v3;
	_ =	sdelay $0x1  }
0x168: {  	s21 =	simm.s32 $0x1C80  }
0x169: {  	[tilespmem:s21], [sflag:$0x1] =	stream.indirect_vreg.gather [hbm4b:s3+s2], $0x80, v4, vm0, $0xb8;
	[tilespmem:$0x1CC80] =	vst v63  }
0x16a: {  	s21 =	simm.s32 $0x2480  }
0x16b: {  	[tilespmem:s21], [sflag:$0x1] =	stream.indirect_vreg.gather [hbm4b:s3+s2], $0x80, v3, vm0, $0xb8;
	[tilespmem:$0x1CC80] =	vst v63  }
0x16c: {  	v3 =	vld [tilespmem:s18+$0x60];
	_ =	sdelay $0x4  }
0x16d: {  	v59 =	vshll.u32 v3, $0x1  }
0x16e: {  	v3 =	vand.u32 $0x7, v3;
	v4 =	vand.u32 $0xFFFFFFF0, v59  }
0x16f: {  	v3 =	vor.u32 v3, v4  }
0x170: {  	v4 =	vperm.xlane v3, v0;
	_ =	sdelay $0x1  }
0x171: {  	v3 =	vperm.xlane v3, v2;
	v4 =	vadd.s32 v1, v4;
	_ =	sdelay $0x1  }
0x172: {  	v3 =	vadd.s32 v1, v3;
	_ =	sdelay $0x1  }
0x173: {  	s21 =	simm.s32 $0x2C80  }
0x174: {  	[tilespmem:s21], [sflag:$0x1] =	stream.indirect_vreg.gather [hbm4b:s3+s2], $0x80, v4, vm0, $0xb8;
	[tilespmem:$0x1CC80] =	vst v63  }
0x175: {  	s21 =	simm.s32 $0x3480  }
0x176: {  	[tilespmem:s21], [sflag:$0x1] =	stream.indirect_vreg.gather [hbm4b:s3+s2], $0x80, v3, vm0, $0xb8;
	[tilespmem:$0x1CC80] =	vst v63  }
0x177: {  	v3 =	vld [tilespmem:s18+$0x70];
	_ =	sdelay $0x4  }
0x178: {  	v60 =	vshll.u32 v3, $0x1  }
0x179: {  	v3 =	vand.u32 $0x7, v3;
	v4 =	vand.u32 $0xFFFFFFF0, v60  }
0x17a: {  	v3 =	vor.u32 v3, v4  }
0x17b: {  	v4 =	vperm.xlane v3, v0;
	_ =	sdelay $0x1  }
0x17c: {  	v3 =	vperm.xlane v3, v2;
	v4 =	vadd.s32 v1, v4;
	_ =	sdelay $0x1  }
0x17d: {  	v3 =	vadd.s32 v1, v3;
	_ =	sdelay $0x1  }
0x17e: {  	s21 =	simm.s32 $0x3C80  }
0x17f: {  	[tilespmem:s21], [sflag:$0x1] =	stream.indirect_vreg.gather [hbm4b:s3+s2], $0x80, v4, vm0, $0xb8;
	[tilespmem:$0x1CC80] =	vst v63  }
0x180: {  	s21 =	simm.s32 $0x4480  }
0x181: {  	[tilespmem:s21], [sflag:$0x1] =	stream.indirect_vreg.gather [hbm4b:s3+s2], $0x80, v3, vm0, $0xb8;
	[tilespmem:$0x1CC80] =	vst v63  }
0x182: {  	v3 =	vld [tilespmem:s18+$0x80];
	_ =	sdelay $0x4  }
0x183: {  	v61 =	vshll.u32 v3, $0x1  }
0x184: {  	v3 =	vand.u32 $0x7, v3;
	v4 =	vand.u32 $0xFFFFFFF0, v61  }
0x185: {  	v3 =	vor.u32 v3, v4  }
0x186: {  	v4 =	vperm.xlane v3, v0;
	_ =	sdelay $0x1  }
0x187: {  	v3 =	vperm.xlane v3, v2;
	v4 =	vadd.s32 v1, v4;
	_ =	sdelay $0x1  }
0x188: {  	v3 =	vadd.s32 v1, v3;
	_ =	sdelay $0x1  }
0x189: {  	s21 =	simm.s32 $0x4C80  }
0x18a: {  	[tilespmem:s21], [sflag:$0x1] =	stream.indirect_vreg.gather [hbm4b:s3+s2], $0x80, v4, vm0, $0xb8;
	[tilespmem:$0x1CC80] =	vst v63  }
0x18b: {  	s21 =	simm.s32 $0x5480  }
0x18c: {  	[tilespmem:s21], [sflag:$0x1] =	stream.indirect_vreg.gather [hbm4b:s3+s2], $0x80, v3, vm0, $0xb8;
	[tilespmem:$0x1CC80] =	vst v63  }
0x18d: {  	v3 =	vld [tilespmem:s18+$0x90];
	_ =	sdelay $0x4  }
0x18e: {  	v62 =	vshll.u32 v3, $0x1  }
0x18f: {  	v3 =	vand.u32 $0x7, v3;
	v4 =	vand.u32 $0xFFFFFFF0, v62  }
0x190: {  	v3 =	vor.u32 v3, v4  }
0x191: {  	v4 =	vperm.xlane v3, v0;
	_ =	sdelay $0x1  }
0x192: {  	v3 =	vperm.xlane v3, v2;
	v4 =	vadd.s32 v1, v4;
	_ =	sdelay $0x1  }
0x193: {  	v3 =	vadd.s32 v1, v3;
	_ =	sdelay $0x1  }
0x194: {  	s21 =	simm.s32 $0x5C80  }
0x195: {  	[tilespmem:s21], [sflag:$0x1] =	stream.indirect_vreg.gather [hbm4b:s3+s2], $0x80, v4, vm0, $0xb8;
	[tilespmem:$0x1CC80] =	vst v63  }
0x196: {  	s21 =	simm.s32 $0x6480  }
0x197: {  	[tilespmem:s21], [sflag:$0x1] =	stream.indirect_vreg.gather [hbm4b:s3+s2], $0x80, v3, vm0, $0xb8;
	[tilespmem:$0x1CC80] =	vst v63  }
0x198: {  	v3 =	vld [tilespmem:s18+$0xA0];
	_ =	sdelay $0x4  }
0x199: {  	v63 =	vshll.u32 v3, $0x1  }
0x19a: {  	v3 =	vand.u32 $0x7, v3;
	v4 =	vand.u32 $0xFFFFFFF0, v63  }
0x19b: {  	v3 =	vor.u32 v3, v4  }
0x19c: {  	v4 =	vperm.xlane v3, v0;
	_ =	sdelay $0x1  }
0x19d: {  	v3 =	vperm.xlane v3, v2;
	v4 =	vadd.s32 v1, v4;
	_ =	sdelay $0x1  }
0x19e: {  	v3 =	vadd.s32 v1, v3;
	_ =	sdelay $0x1  }
0x19f: {  	s21 =	simm.s32 $0x6C80  }
0x1a0: {  	[tilespmem:s21], [sflag:$0x1] =	stream.indirect_vreg.gather [hbm4b:s3+s2], $0x80, v4, vm0, $0xb8;
	[tilespmem:$0x1CC80] =	vst v63  }
0x1a1: {  	s21 =	simm.s32 $0x7480  }
0x1a2: {  	[tilespmem:s21], [sflag:$0x1] =	stream.indirect_vreg.gather [hbm4b:s3+s2], $0x80, v3, vm0, $0xb8;
	[tilespmem:$0x1CC80] =	vst v63  }
.LBB2_4:
0x1a3: {  	_ =	swait.ge [sflag:s15], $0x7000  }
0x1a4: {  	[sflag:s15] =	ssyncset.done $0x0  }
.Ltmp5:
0x1a5: {  	s21 =	sadd.s32 $0xE00, s20;
	[sflag:s15] =	ssyncadd.s32 $0xFFFF9000;
	(pc) =	sbr.rel @p0 .LBB2_6-.Ltmp5, $4  }
0x1a6: {  	[hbm4b:s21+s2] =	stream.linear.scatter [tilespmem:s22], [sflag:$0x5], $0x7000, $0x38;
	[tilespmem:$0x1CC80] =	vst v63  }
0x1a7: {  	_ =	swait.ge [sflag:s7], $0x7000  }
0x1a8: {  	[sflag:s7] =	ssyncset.done $0x0  }
0x1a9: {  	[sflag:s7] =	ssyncadd.s32 $0xFFFF9000  }
0x1aa: {  	v3 =	vld [tilespmem:s18+$0xB0];
	_ =	sdelay $0x4  }
0x1ab: {  	v4 =	vshll.u32 v3, $0x1  }
0x1ac: {  	v3 =	vand.u32 $0x7, v3;
	v4 =	vand.u32 $0xFFFFFFF0, v4  }
0x1ad: {  	v3 =	vor.u32 v3, v4  }
0x1ae: {  	v4 =	vperm.xlane v3, v0;
	_ =	sdelay $0x1  }
0x1af: {  	v3 =	vperm.xlane v3, v2;
	v4 =	vadd.s32 v1, v4;
	_ =	sdelay $0x1  }
0x1b0: {  	v3 =	vadd.s32 v1, v3;
	_ =	sdelay $0x2  }
0x1b1: {  	[tilespmem:s22], [sflag:$0x2] =	stream.indirect_vreg.gather [hbm4b:s3+s2], $0x80, v4, vm0, $0xb8;
	[tilespmem:$0x1CC80] =	vst v63  }
0x1b2: {  	s21 =	simm.s32 $0x8480  }
0x1b3: {  	[tilespmem:s21], [sflag:$0x2] =	stream.indirect_vreg.gather [hbm4b:s3+s2], $0x80, v3, vm0, $0xb8;
	[tilespmem:$0x1CC80] =	vst v63  }
0x1b4: {  	v3 =	vld [tilespmem:s18+$0xC0];
	_ =	sdelay $0x4  }
0x1b5: {  	v58 =	vshll.u32 v3, $0x1  }
0x1b6: {  	v3 =	vand.u32 $0x7, v3;
	v4 =	vand.u32 $0xFFFFFFF0, v58  }
0x1b7: {  	v3 =	vor.u32 v3, v4  }
0x1b8: {  	v4 =	vperm.xlane v3, v0;
	_ =	sdelay $0x1  }
0x1b9: {  	v3 =	vperm.xlane v3, v2;
	v4 =	vadd.s32 v1, v4;
	_ =	sdelay $0x1  }
0x1ba: {  	v3 =	vadd.s32 v1, v3;
	_ =	sdelay $0x1  }
0x1bb: {  	s21 =	simm.s32 $0x8C80  }
0x1bc: {  	[tilespmem:s21], [sflag:$0x2] =	stream.indirect_vreg.gather [hbm4b:s3+s2], $0x80, v4, vm0, $0xb8;
	[tilespmem:$0x1CC80] =	vst v63  }
0x1bd: {  	s21 =	simm.s32 $0x9480  }
0x1be: {  	[tilespmem:s21], [sflag:$0x2] =	stream.indirect_vreg.gather [hbm4b:s3+s2], $0x80, v3, vm0, $0xb8;
	[tilespmem:$0x1CC80] =	vst v63  }
0x1bf: {  	v3 =	vld [tilespmem:s18+$0xD0];
	_ =	sdelay $0x4  }
0x1c0: {  	v59 =	vshll.u32 v3, $0x1  }
0x1c1: {  	v3 =	vand.u32 $0x7, v3;
	v4 =	vand.u32 $0xFFFFFFF0, v59  }
0x1c2: {  	v3 =	vor.u32 v3, v4  }
0x1c3: {  	v4 =	vperm.xlane v3, v0;
	_ =	sdelay $0x1  }
0x1c4: {  	v3 =	vperm.xlane v3, v2;
	v4 =	vadd.s32 v1, v4;
	_ =	sdelay $0x1  }
0x1c5: {  	v3 =	vadd.s32 v1, v3;
	_ =	sdelay $0x1  }
0x1c6: {  	s21 =	simm.s32 $0x9C80  }
0x1c7: {  	[tilespmem:s21], [sflag:$0x2] =	stream.indirect_vreg.gather [hbm4b:s3+s2], $0x80, v4, vm0, $0xb8;
	[tilespmem:$0x1CC80] =	vst v63  }
0x1c8: {  	s21 =	simm.s32 $0xA480  }
0x1c9: {  	[tilespmem:s21], [sflag:$0x2] =	stream.indirect_vreg.gather [hbm4b:s3+s2], $0x80, v3, vm0, $0xb8;
	[tilespmem:$0x1CC80] =	vst v63  }
0x1ca: {  	v3 =	vld [tilespmem:s18+$0xE0];
	_ =	sdelay $0x4  }
0x1cb: {  	v60 =	vshll.u32 v3, $0x1  }
0x1cc: {  	v3 =	vand.u32 $0x7, v3;
	v4 =	vand.u32 $0xFFFFFFF0, v60  }
0x1cd: {  	v3 =	vor.u32 v3, v4  }
0x1ce: {  	v4 =	vperm.xlane v3, v0;
	_ =	sdelay $0x1  }
0x1cf: {  	v3 =	vperm.xlane v3, v2;
	v4 =	vadd.s32 v1, v4;
	_ =	sdelay $0x1  }
0x1d0: {  	v3 =	vadd.s32 v1, v3;
	_ =	sdelay $0x1  }
0x1d1: {  	s21 =	simm.s32 $0xAC80  }
0x1d2: {  	[tilespmem:s21], [sflag:$0x2] =	stream.indirect_vreg.gather [hbm4b:s3+s2], $0x80, v4, vm0, $0xb8;
	[tilespmem:$0x1CC80] =	vst v63  }
0x1d3: {  	s21 =	simm.s32 $0xB480  }
0x1d4: {  	[tilespmem:s21], [sflag:$0x2] =	stream.indirect_vreg.gather [hbm4b:s3+s2], $0x80, v3, vm0, $0xb8;
	[tilespmem:$0x1CC80] =	vst v63  }
0x1d5: {  	v3 =	vld [tilespmem:s18+$0xF0];
	_ =	sdelay $0x4  }
0x1d6: {  	v61 =	vshll.u32 v3, $0x1  }
0x1d7: {  	v3 =	vand.u32 $0x7, v3;
	v4 =	vand.u32 $0xFFFFFFF0, v61  }
0x1d8: {  	v3 =	vor.u32 v3, v4  }
0x1d9: {  	v4 =	vperm.xlane v3, v0;
	_ =	sdelay $0x1  }
0x1da: {  	v3 =	vperm.xlane v3, v2;
	v4 =	vadd.s32 v1, v4;
	_ =	sdelay $0x1  }
0x1db: {  	v3 =	vadd.s32 v1, v3;
	_ =	sdelay $0x1  }
0x1dc: {  	s21 =	simm.s32 $0xBC80  }
0x1dd: {  	[tilespmem:s21], [sflag:$0x2] =	stream.indirect_vreg.gather [hbm4b:s3+s2], $0x80, v4, vm0, $0xb8;
	[tilespmem:$0x1CC80] =	vst v63  }
0x1de: {  	s21 =	simm.s32 $0xC480  }
0x1df: {  	[tilespmem:s21], [sflag:$0x2] =	stream.indirect_vreg.gather [hbm4b:s3+s2], $0x80, v3, vm0, $0xb8;
	[tilespmem:$0x1CC80] =	vst v63  }
0x1e0: {  	v3 =	vld [tilespmem:s18+$0x100];
	_ =	sdelay $0x4  }
0x1e1: {  	v62 =	vshll.u32 v3, $0x1  }
0x1e2: {  	v3 =	vand.u32 $0x7, v3;
	v4 =	vand.u32 $0xFFFFFFF0, v62  }
0x1e3: {  	v3 =	vor.u32 v3, v4  }
0x1e4: {  	v4 =	vperm.xlane v3, v0;
	_ =	sdelay $0x1  }
0x1e5: {  	v3 =	vperm.xlane v3, v2;
	v4 =	vadd.s32 v1, v4;
	_ =	sdelay $0x1  }
0x1e6: {  	v3 =	vadd.s32 v1, v3;
	_ =	sdelay $0x1  }
0x1e7: {  	s21 =	simm.s32 $0xCC80  }
0x1e8: {  	[tilespmem:s21], [sflag:$0x2] =	stream.indirect_vreg.gather [hbm4b:s3+s2], $0x80, v4, vm0, $0xb8;
	[tilespmem:$0x1CC80] =	vst v63  }
0x1e9: {  	s21 =	simm.s32 $0xD480  }
0x1ea: {  	[tilespmem:s21], [sflag:$0x2] =	stream.indirect_vreg.gather [hbm4b:s3+s2], $0x80, v3, vm0, $0xb8;
	[tilespmem:$0x1CC80] =	vst v63  }
0x1eb: {  	v3 =	vld [tilespmem:s18+$0x110];
	_ =	sdelay $0x4  }
0x1ec: {  	v63 =	vshll.u32 v3, $0x1  }
0x1ed: {  	v3 =	vand.u32 $0x7, v3;
	v4 =	vand.u32 $0xFFFFFFF0, v63  }
0x1ee: {  	v3 =	vor.u32 v3, v4  }
0x1ef: {  	v4 =	vperm.xlane v3, v0;
	_ =	sdelay $0x1  }
0x1f0: {  	v3 =	vperm.xlane v3, v2;
	v4 =	vadd.s32 v1, v4;
	_ =	sdelay $0x1  }
0x1f1: {  	v3 =	vadd.s32 v1, v3;
	_ =	sdelay $0x1  }
0x1f2: {  	s21 =	simm.s32 $0xDC80  }
0x1f3: {  	[tilespmem:s21], [sflag:$0x2] =	stream.indirect_vreg.gather [hbm4b:s3+s2], $0x80, v4, vm0, $0xb8;
	[tilespmem:$0x1CC80] =	vst v63  }
0x1f4: {  	s21 =	simm.s32 $0xE480  }
0x1f5: {  	[tilespmem:s21], [sflag:$0x2] =	stream.indirect_vreg.gather [hbm4b:s3+s2], $0x80, v3, vm0, $0xb8;
	[tilespmem:$0x1CC80] =	vst v63  }
.LBB2_6:
0x1f6: {  	_ =	swait.ge [sflag:s16], $0x7000  }
0x1f7: {  	[sflag:s16] =	ssyncset.done $0x0  }
.Ltmp6:
0x1f8: {  	s21 =	sadd.s32 $0x1C00, s20;
	[sflag:s16] =	ssyncadd.s32 $0xFFFF9000;
	(pc) =	sbr.rel @p0 .LBB2_8-.Ltmp6, $4  }
0x1f9: {  	[hbm4b:s21+s2] =	stream.linear.scatter [tilespmem:s10], [sflag:$0x5], $0x7000, $0x38;
	[tilespmem:$0x1CC80] =	vst v63  }
0x1fa: {  	_ =	swait.ge [sflag:s7], $0x7000  }
0x1fb: {  	[sflag:s7] =	ssyncset.done $0x0  }
0x1fc: {  	[sflag:s7] =	ssyncadd.s32 $0xFFFF9000  }
0x1fd: {  	v3 =	vld [tilespmem:s18+$0x120];
	_ =	sdelay $0x4  }
0x1fe: {  	v4 =	vshll.u32 v3, $0x1  }
0x1ff: {  	v3 =	vand.u32 $0x7, v3;
	v4 =	vand.u32 $0xFFFFFFF0, v4  }
0x200: {  	v3 =	vor.u32 v3, v4  }
0x201: {  	v4 =	vperm.xlane v3, v0;
	_ =	sdelay $0x1  }
0x202: {  	v3 =	vperm.xlane v3, v2;
	v4 =	vadd.s32 v1, v4;
	_ =	sdelay $0x1  }
0x203: {  	v3 =	vadd.s32 v1, v3;
	_ =	sdelay $0x2  }
0x204: {  	[tilespmem:s10], [sflag:$0x3] =	stream.indirect_vreg.gather [hbm4b:s3+s2], $0x80, v4, vm0, $0xb8;
	[tilespmem:$0x1CC80] =	vst v63  }
0x205: {  	s21 =	simm.s32 $0xF480  }
0x206: {  	[tilespmem:s21], [sflag:$0x3] =	stream.indirect_vreg.gather [hbm4b:s3+s2], $0x80, v3, vm0, $0xb8;
	[tilespmem:$0x1CC80] =	vst v63  }
0x207: {  	v3 =	vld [tilespmem:s18+$0x130];
	_ =	sdelay $0x4  }
0x208: {  	v58 =	vshll.u32 v3, $0x1  }
0x209: {  	v3 =	vand.u32 $0x7, v3;
	v4 =	vand.u32 $0xFFFFFFF0, v58  }
0x20a: {  	v3 =	vor.u32 v3, v4  }
0x20b: {  	v4 =	vperm.xlane v3, v0;
	_ =	sdelay $0x1  }
0x20c: {  	v3 =	vperm.xlane v3, v2;
	v4 =	vadd.s32 v1, v4;
	_ =	sdelay $0x1  }
0x20d: {  	v3 =	vadd.s32 v1, v3;
	_ =	sdelay $0x1  }
0x20e: {  	s21 =	simm.s32 $0xFC80  }
0x20f: {  	[tilespmem:s21], [sflag:$0x3] =	stream.indirect_vreg.gather [hbm4b:s3+s2], $0x80, v4, vm0, $0xb8;
	[tilespmem:$0x1CC80] =	vst v63  }
0x210: {  	s21 =	simm.s32 $0x10480  }
0x211: {  	[tilespmem:s21], [sflag:$0x3] =	stream.indirect_vreg.gather [hbm4b:s3+s2], $0x80, v3, vm0, $0xb8;
	[tilespmem:$0x1CC80] =	vst v63  }
0x212: {  	v3 =	vld [tilespmem:s18+$0x140];
	_ =	sdelay $0x4  }
0x213: {  	v59 =	vshll.u32 v3, $0x1  }
0x214: {  	v3 =	vand.u32 $0x7, v3;
	v4 =	vand.u32 $0xFFFFFFF0, v59  }
0x215: {  	v3 =	vor.u32 v3, v4  }
0x216: {  	v4 =	vperm.xlane v3, v0;
	_ =	sdelay $0x1  }
0x217: {  	v3 =	vperm.xlane v3, v2;
	v4 =	vadd.s32 v1, v4;
	_ =	sdelay $0x1  }
0x218: {  	v3 =	vadd.s32 v1, v3;
	_ =	sdelay $0x1  }
0x219: {  	s21 =	simm.s32 $0x10C80  }
0x21a: {  	[tilespmem:s21], [sflag:$0x3] =	stream.indirect_vreg.gather [hbm4b:s3+s2], $0x80, v4, vm0, $0xb8;
	[tilespmem:$0x1CC80] =	vst v63  }
0x21b: {  	s21 =	simm.s32 $0x11480  }
0x21c: {  	[tilespmem:s21], [sflag:$0x3] =	stream.indirect_vreg.gather [hbm4b:s3+s2], $0x80, v3, vm0, $0xb8;
	[tilespmem:$0x1CC80] =	vst v63  }
0x21d: {  	v3 =	vld [tilespmem:s18+$0x150];
	_ =	sdelay $0x4  }
0x21e: {  	v60 =	vshll.u32 v3, $0x1  }
0x21f: {  	v3 =	vand.u32 $0x7, v3;
	v4 =	vand.u32 $0xFFFFFFF0, v60  }
0x220: {  	v3 =	vor.u32 v3, v4  }
0x221: {  	v4 =	vperm.xlane v3, v0;
	_ =	sdelay $0x1  }
0x222: {  	v3 =	vperm.xlane v3, v2;
	v4 =	vadd.s32 v1, v4;
	_ =	sdelay $0x1  }
0x223: {  	v3 =	vadd.s32 v1, v3;
	_ =	sdelay $0x1  }
0x224: {  	s21 =	simm.s32 $0x11C80  }
0x225: {  	[tilespmem:s21], [sflag:$0x3] =	stream.indirect_vreg.gather [hbm4b:s3+s2], $0x80, v4, vm0, $0xb8;
	[tilespmem:$0x1CC80] =	vst v63  }
0x226: {  	s21 =	simm.s32 $0x12480  }
0x227: {  	[tilespmem:s21], [sflag:$0x3] =	stream.indirect_vreg.gather [hbm4b:s3+s2], $0x80, v3, vm0, $0xb8;
	[tilespmem:$0x1CC80] =	vst v63  }
0x228: {  	v3 =	vld [tilespmem:s18+$0x160];
	_ =	sdelay $0x4  }
0x229: {  	v61 =	vshll.u32 v3, $0x1  }
0x22a: {  	v3 =	vand.u32 $0x7, v3;
	v4 =	vand.u32 $0xFFFFFFF0, v61  }
0x22b: {  	v3 =	vor.u32 v3, v4  }
0x22c: {  	v4 =	vperm.xlane v3, v0;
	_ =	sdelay $0x1  }
0x22d: {  	v3 =	vperm.xlane v3, v2;
	v4 =	vadd.s32 v1, v4;
	_ =	sdelay $0x1  }
0x22e: {  	v3 =	vadd.s32 v1, v3;
	_ =	sdelay $0x1  }
0x22f: {  	s21 =	simm.s32 $0x12C80  }
0x230: {  	[tilespmem:s21], [sflag:$0x3] =	stream.indirect_vreg.gather [hbm4b:s3+s2], $0x80, v4, vm0, $0xb8;
	[tilespmem:$0x1CC80] =	vst v63  }
0x231: {  	s21 =	simm.s32 $0x13480  }
0x232: {  	[tilespmem:s21], [sflag:$0x3] =	stream.indirect_vreg.gather [hbm4b:s3+s2], $0x80, v3, vm0, $0xb8;
	[tilespmem:$0x1CC80] =	vst v63  }
0x233: {  	v3 =	vld [tilespmem:s18+$0x170];
	_ =	sdelay $0x4  }
0x234: {  	v62 =	vshll.u32 v3, $0x1  }
0x235: {  	v3 =	vand.u32 $0x7, v3;
	v4 =	vand.u32 $0xFFFFFFF0, v62  }
0x236: {  	v3 =	vor.u32 v3, v4  }
0x237: {  	v4 =	vperm.xlane v3, v0;
	_ =	sdelay $0x1  }
0x238: {  	v3 =	vperm.xlane v3, v2;
	v4 =	vadd.s32 v1, v4;
	_ =	sdelay $0x1  }
0x239: {  	v3 =	vadd.s32 v1, v3;
	_ =	sdelay $0x1  }
0x23a: {  	s21 =	simm.s32 $0x13C80  }
0x23b: {  	[tilespmem:s21], [sflag:$0x3] =	stream.indirect_vreg.gather [hbm4b:s3+s2], $0x80, v4, vm0, $0xb8;
	[tilespmem:$0x1CC80] =	vst v63  }
0x23c: {  	s21 =	simm.s32 $0x14480  }
0x23d: {  	[tilespmem:s21], [sflag:$0x3] =	stream.indirect_vreg.gather [hbm4b:s3+s2], $0x80, v3, vm0, $0xb8;
	[tilespmem:$0x1CC80] =	vst v63  }
0x23e: {  	v3 =	vld [tilespmem:s18+$0x180];
	_ =	sdelay $0x4  }
0x23f: {  	v63 =	vshll.u32 v3, $0x1  }
0x240: {  	v3 =	vand.u32 $0x7, v3;
	v4 =	vand.u32 $0xFFFFFFF0, v63  }
0x241: {  	v3 =	vor.u32 v3, v4  }
0x242: {  	v4 =	vperm.xlane v3, v0;
	_ =	sdelay $0x1  }
0x243: {  	v3 =	vperm.xlane v3, v2;
	v4 =	vadd.s32 v1, v4;
	_ =	sdelay $0x1  }
0x244: {  	v3 =	vadd.s32 v1, v3  }
.Ltmp7:
0x245: {  	_ = 	snop;
	(pc) =	sbr.rel .LBB2_8-.Ltmp7, $4  }
0x246: {  	_ = 	snop  }
0x247: {  	[tilespmem:s23], [sflag:$0x3] =	stream.indirect_vreg.gather [hbm4b:s3+s2], $0x80, v4, vm0, $0xb8;
	[tilespmem:$0x1CC80] =	vst v63  }
0x248: {  	_ = 	snop  }
0x249: {  	[tilespmem:s24], [sflag:$0x3] =	stream.indirect_vreg.gather [hbm4b:s3+s2], $0x80, v3, vm0, $0xb8;
	[tilespmem:$0x1CC80] =	vst v63  }
.LBB2_10:
0x24a: {  	_ =	sfence.sel $0x180000  }
0x24b: {  	[bflag:$0x0] =	sbarrier.arrive $0xFFFF  }
0x24c: {  	_ =	strace $0x90000050  }
0x24d: {  	s0 =	stileid.u32;
	[bflag:$0x2] =	sbarrier.arrive $0xFFFF  }
0x24e: {  	p0 =	sne.s32 s0, $0x0;
	s0 =	rddreg [dreg:$0x2]  }
0x24f: {  	s0 =	sadd.s32 @!p0 $0x100000, s0  }
0x250: {  	[sflag:s0] =	ssyncadd.tile.s32 @!p0 $0x1;
	_ =	shalt  }
.Lfunc_end2:
_tile_overlayer_lowered:
.L_overlay_start_2:
0x251: {  	(tag) =	ssettag $0x2  }
0x252: {  	s0 =	rddreg [dreg:$0x0];
	s2 =	stileid.u32  }
0x253: {  	s1 =	rddreg [dreg:$0x1];
	p0 =	sne.s32 s2, $0x0  }
0x254: {  	s3 =	rddreg [dreg:$0x2];
	[bflag:$0x3] =	sbarrier.arrive $0xFFFF;
	s2 =	simm.s32 @!p0 $0x1C05  }
0x255: {  	[timem:s3], [sflag:s2] =	dma.local @!p0 [hbm:s0], s1  }
0x256: {  	s0 =	simm.s32 @!p0 $0x5  }
0x257: {  	_ =	swait.ge @!p0 [sflag:s0], s1  }
0x258: {  	s1 =	ssub.s32 @!p0 $0x0, s1;
	[sflag:s0] =	ssyncset.done @!p0 $0x0  }
0x259: {  	[sflag:s0] =	ssyncadd.s32 @!p0 s1  }
0x25a: {  	[bflag:$0x3] =	sbarrier.arrive $0xFFFF  }
0x25b: {  	_ =	shalt  }

// kernel: kernel.9.cloned.1.call-start
scs
__scs_entry_jumppad:
0x0: {  	(pc) =	sbr.rel $0x88, $3  }
0x1: {  	(tag) =	ssettag $0x0;
	lr =	simm.s32 $0x1  }
0x2: {  	[smem:$0x3F93] =	sst lr;
	_ =	strace $0xD0000000  }
0x3: {  	_ = 	snop  }
0x4: {  	_ = 	snop  }
0x5: {  	_ = 	snop  }
0x6: {  	_ = 	snop  }
0x7: {  	_ = 	snop  }
__scs_overlays_trampoline_lowered:
0x8: {  	[smem:$0x3FA2] =	sst s0  }
0x9: {  	[smem:$0x3FA3] =	sst s1  }
0xa: {  	[smem:$0x3FA4] =	sst s2  }
0xb: {  	[smem:$0x3FA5] =	sst s3  }
0xc: {  	[smem:$0x3FA6] =	sst s4  }
0xd: {  	[smem:$0x3FA7] =	sst s5  }
0xe: {  	[smem:$0x3FA8] =	sst s6  }
0xf: {  	[smem:$0x3FA9] =	sst s7  }
0x10: {  	[smem:$0x3FAA] =	sst s8  }
0x11: {  	[smem:$0x3FAB] =	sst s9;
	s0 =	simm.s32 @!p0 $0x0  }
0x12: {  	s1 =	sld [smem:$0x3F91];
	s0 =	simm.s32 @p0 $0x1  }
0x13: {  	[smem:$0x3FAC] =	sst s0;
	s0 =	simm.s32 @!p1 $0x0  }
0x14: {  	s2 =	sld [smem:$0x3F90];
	s0 =	simm.s32 @p1 $0x1  }
0x15: {  	[smem:$0x3FAD] =	sst s0;
	s0 =	simm.s32 @!p2 $0x0  }
0x16: {  	s3 =	sld [smem:$0x3FDB];
	s0 =	simm.s32 @p2 $0x1  }
0x17: {  	s4 =	simm.s32 $0x1BF5;
	[smem:$0x3FAF] =	sst s0  }
0x18: {  	s0 =	sld [smem:$0x3F92];
	_ =	swait.ge [sflag:s4], $0x0  }
0x19: {  	s7 =	sld [smem:$0x3F93]  }
0x1a: {  	s8 =	sadd.s32 $0xFFFFE003, lr  }
0x1b: {  	s9 =	sadd.s32 $0xFFFFFEF7, lr;
	s5 =	simm.s32 $0xFFFFFFFF;
	p2 =	slt.u32 s8, $0xFFFFF086  }
0x1c: {  	p1 =	slt.u32 s9, $0xF7A;
	s5 =	simm.s32 @!p2 $0x0  }
0x1d: {  	s5 =	simm.s32 @p1 $0x1;
	p0 =	seq.s32 s7, s2  }
0x1e: {  	s7 =	smul.u32 @!p0 $0xF7A, s2;
	p2 =	seq.s32 @!p0 s5, $0x0  }
0x1f: {  	s9 =	smul.u32 $0xF7A, s1;
	s8 =	simm.s32 @!p0 $0x1BF5;
	p2 =	por !p2, p0  }
0x20: {  	[sflag:s8] =	ssyncset.s32 @!p0 $0xFFFFF086;
	s6 =	sadd.s32 @!p0 s3, s7;
	s7 =	simm.s32 @!p0 $0x108  }
0x21: {  	s3 =	sadd.s32 s3, s9;
	s6 =	sadd.s32 @!p0 $0x88, s6;
	s7 =	simm.s32 @p2 $0x1082  }
0x22: {  	[simem:s7], [sflag:s8] =	dma.local @!p0 [hbm:s6], $0xF7A  }
0x23: {  	s9 =	sor.u32 $0xD0000000, s2;
	s6 =	simm.s32 $0x108;
	_ =	swait.ge @!p0 [sflag:s8], $0x0  }
0x24: {  	s3 =	sadd.s32 $0x88, s3;
	s6 =	simm.s32 @!p1 $0x1082;
	[sflag:s4] =	ssyncset.s32 $0xFFFFF086  }
0x25: {  	[simem:s6], [sflag:s4] =	dma.local [hbm:s3], $0xF7A  }
0x26: {  	[smem:$0x3F93] =	sst s1;
	(tag) =	ssettag s2;
	_ =	strace s9  }
0x27: {  	s1 =	sld [smem:$0x3FA3]  }
0x28: {  	s2 =	sld [smem:$0x3FA4]  }
0x29: {  	s4 =	sld [smem:$0x3FA6]  }
0x2a: {  	p0 =	seq.s32 s5, $0x0;
	s5 =	sld [smem:$0x3FA7]  }
0x2b: {  	s6 =	sld [smem:$0x3FA8]  }
0x2c: {  	s7 =	sld [smem:$0x3FA9]  }
0x2d: {  	s3 =	simm.s32 $0x108;
	s8 =	sld [smem:$0x3FAA]  }
0x2e: {  	s3 =	simm.s32 @!p0 $0x1082;
	s9 =	sld [smem:$0x3FAB]  }
0x2f: {  	lr =	sadd.s32 s0, s3;
	s0 =	sld [smem:$0x3FA2]  }
0x30: {  	s3 =	sld [smem:$0x3FA5]  }
0x31: {  	[smem:$0x3FAE] =	sst s10  }
0x32: {  	s10 =	sld [smem:$0x3FAC];
	_ =	sdelay $0x3  }
0x33: {  	p0 =	seq.s32 s10, $0x1;
	s10 =	sld [smem:$0x3FAE];
	_ =	sdelay $0x3  }
0x34: {  	[smem:$0x3FAE] =	sst s10  }
0x35: {  	s10 =	sld [smem:$0x3FAD];
	_ =	sdelay $0x3  }
0x36: {  	p1 =	seq.s32 s10, $0x1;
	s10 =	sld [smem:$0x3FAE];
	_ =	sdelay $0x3  }
0x37: {  	[smem:$0x3FAE] =	sst s10  }
0x38: {  	s10 =	sld [smem:$0x3FAF]  }
0x39: {  	_ = 	snop;
	(pc) =	sbr.ind lr, $3  }
0x3a: {  	_ = 	snop  }
0x3b: {  	_ = 	snop  }
0x3c: {  	p2 =	seq.s32 s10, $0x1;
	s10 =	sld [smem:$0x3FAE]  }
0x3d: {  	_ =	shalt  }
0x3e: {  	_ =	shalt  }
0x3f: {  	_ =	shalt  }
0x40: {  	_ =	shalt  }
0x41: {  	_ =	shalt  }
0x42: {  	_ =	shalt  }
0x43: {  	_ =	shalt  }
0x44: {  	_ =	shalt  }
0x45: {  	_ =	shalt  }
0x46: {  	_ =	shalt  }
0x47: {  	_ =	shalt  }
0x48: {  	_ =	shalt  }
0x49: {  	_ =	shalt  }
0x4a: {  	_ =	shalt  }
0x4b: {  	_ =	shalt  }
0x4c: {  	_ =	shalt  }
0x4d: {  	_ =	shalt  }
0x4e: {  	_ =	shalt  }
0x4f: {  	_ =	shalt  }
0x50: {  	_ =	shalt  }
0x51: {  	_ =	shalt  }
0x52: {  	_ =	shalt  }
0x53: {  	_ =	shalt  }
0x54: {  	_ =	shalt  }
0x55: {  	_ =	shalt  }
0x56: {  	_ =	shalt  }
0x57: {  	_ =	shalt  }
0x58: {  	_ =	shalt  }
0x59: {  	_ =	shalt  }
0x5a: {  	_ =	shalt  }
0x5b: {  	_ =	shalt  }
0x5c: {  	_ =	shalt  }
0x5d: {  	_ =	shalt  }
0x5e: {  	_ =	shalt  }
0x5f: {  	_ =	shalt  }
0x60: {  	_ =	shalt  }
0x61: {  	_ =	shalt  }
0x62: {  	_ =	shalt  }
0x63: {  	_ =	shalt  }
0x64: {  	_ =	shalt  }
0x65: {  	_ =	shalt  }
0x66: {  	_ =	shalt  }
0x67: {  	_ =	shalt  }
0x68: {  	_ =	shalt  }
0x69: {  	_ =	shalt  }
0x6a: {  	_ =	shalt  }
0x6b: {  	_ =	shalt  }
0x6c: {  	_ =	shalt  }
0x6d: {  	_ =	shalt  }
0x6e: {  	_ =	shalt  }
0x6f: {  	_ =	shalt  }
0x70: {  	_ =	shalt  }
0x71: {  	_ =	shalt  }
0x72: {  	_ =	shalt  }
0x73: {  	_ =	shalt  }
0x74: {  	_ =	shalt  }
0x75: {  	_ =	shalt  }
0x76: {  	_ =	shalt  }
0x77: {  	_ =	shalt  }
0x78: {  	_ =	shalt  }
0x79: {  	_ =	shalt  }
0x7a: {  	_ =	shalt  }
0x7b: {  	_ =	shalt  }
0x7c: {  	_ =	shalt  }
0x7d: {  	_ =	shalt  }
0x7e: {  	_ =	shalt  }
0x7f: {  	_ =	shalt  }
0x80: {  	_ =	shalt  }
0x81: {  	_ =	shalt  }
0x82: {  	_ =	shalt  }
0x83: {  	_ =	shalt  }
0x84: {  	_ =	shalt  }
0x85: {  	_ =	shalt  }
0x86: {  	_ =	shalt  }
0x87: {  	_ =	shalt  }
.Lfunc_end0:
.L_simem_size_0:
called_computation.3_lowered:
.L_overlay_start_0:
0x88: {  	s2 =	sld [smem:$0x3FD9]  }
0x89: {  	s3 =	sld [smem:$0x3FFE];
	_ =	sdelay $0x1  }
0x8a: {  	s1 =	srdreg.scid  }
0x8b: {  	s0 =	sand.u32 $0x1, s1  }
0x8c: {  	s16 =	sshll.u32 s0, $0xA;
	s2 =	sadd.s32 s3, s2  }
0x8d: {  	s2 =	sadd.s32 s2, s16  }
0x8e: {  	[smem:$0x3FBA] =	sst s2  }
0x8f: {  	_ = 	snop  }
0x90: {  	(tm) =	ssettm $0x1  }
0x91: {  	s17 =	sld [smem:$0x3FFB];
	_ =	sdelay $0x3  }
0x92: {  	_ =	strace s17  }
0x93: {  	s2 =	sld [smem:$0x3FFC];
	_ =	sdelay $0x3  }
0x94: {  	_ =	strace s2  }
0x95: {  	s2 =	sld [smem:$0x3FFD];
	_ =	sdelay $0x3  }
0x96: {  	_ =	strace s2  }
0x97: {  	_ =	strace $0x8FFFFFFF  }
0x98: {  	s18 =	sld [smem:$0x3FDB];
	_ =	sdelay $0x1  }
0x99: {  	s19 =	simm.s32 $_scs_section_size  }
0x9a: {  	s4 =	simm.s32 $_size__tile_overlayer_lowered;
	s5 =	simm.s32 $_tile_overlayer_lowered  }
0x9b: {  	s22 =	simm.s32 $0x1BFF;
	s21 =	sshll.u32 s5, $0x1;
	s2 =	sadd.s32 s19, s18  }
0x9c: {  	s6 =	simm.s32 $0x0;
	s20 =	sshll.u32 s4, $0x1;
	s4 =	sadd.s32 s21, s2  }
0x9d: {  	[timem:s6], [sflag:s22] =	dma.local [hbm:s4], s20  }
0x9e: {  	_ =	swait.ge [sflag:s22], s20  }
0x9f: {  	s3 =	ssub.s32 $0x0, s20;
	[sflag:s22] =	ssyncset.done $0x0  }
0xa0: {  	[sflag:s22] =	ssyncadd.s32 s3;
	_ =	sdelay $0x1  }
0xa1: {  	s23 =	simm.s32 $0x1B8B  }
0xa2: {  	_ =	swait.ge [sflag:s23], $0x1  }
0xa3: {  	[sflag:s23] =	ssyncset.done $0x0  }
0xa4: {  	s25 =	simm.s32 $0x1B8E;
	s24 =	sld [smem:$0x3FFE];
	[sflag:s23] =	ssyncadd.s32 $0xFFFFFFFF  }
0xa5: {  	s26 =	simm.s32 $execute0_lowered;
	[smem:$0x3FD2] =	sst s25  }
0xa6: {  	s4 =	sshll.u32 s26, $0x1;
	_ =	strace $0x80000049;
	[dreg:$0x1] =	wrdreg $0xFFFFFFFF  }
0xa7: {  	s28 =	simm.s32 $_size_execute0_lowered;
	s2 =	sadd.s32 s2, s4;
	[dreg:$0x0] =	wrdreg $0x0  }
0xa8: {  	s4 =	sshll.u32 s28, $0x1;
	[dreg:$0x2] =	wrdreg s2  }
0xa9: {  	[dreg:$0x3] =	wrdreg s4  }
0xaa: {  	[dreg:$0x4] =	wrdreg $0xC0  }
0xab: {  	_ =	task [dreg:s6], $0x5FFFF  }
0xac: {  	[dreg:$0x1] =	wrdreg $0xFFFFFFFF  }
0xad: {  	[dreg:$0x0] =	wrdreg $0x60  }
0xae: {  	[dreg:$0x2] =	wrdreg s24  }
0xaf: {  	[dreg:$0x3] =	wrdreg $0xB  }
0xb0: {  	_ =	task.clear_ibuf [dreg:s6], $0x4FFFF;
	_ =	strace $0x90000049  }
0xb1: {  	s29 =	simm.s32 $0xB;
	_ =	strace $0x8000004B  }
0xb2: {  	_ =	swait.ge [sflag:s29], $0x1  }
0xb3: {  	[sflag:s29] =	ssyncadd.s32 $0xFFFFFFFF  }
0xb4: {  	_ =	strace $0x9000004B  }
0xb5: {  	_ =	sfence  }
0xb6: {  	s30 =	sld [smem:$0x0];
	_ =	sdelay $0x2  }
0xb7: {  	s31 =	sshll.u32 s1, $0xD;
	s1 =	sshrl.u32 s1, $0x2  }
0xb8: {  	s3 =	sand.u32 $0x4000, s31;
	s1 =	sadd.s32 s1, s30  }
0xb9: {  	s0 =	sor.u32 s3, s0;
	s1 =	sshll.u32 s1, $0x11  }
0xba: {  	s0 =	sor.u32 s1, s0  }
0xbb: {  	s0 =	sadd.s32 $0x8F2B, s0  }
0xbc: {  	[sflag:s0] =	ssyncadd.remote.s32 $0x1  }
0xbd: {  	_ =	sfence.sel $0xFFFF  }
0xbe: {  	[dreg:$0x0] =	wrdreg $0xFFFFFFFF;
	(pc) =	sbr.abs _section_cstart, $3  }
0xbf: {  	[dreg:$0x1] =	wrdreg $0xFFFFFFFF  }
0xc0: {  	_ =	task.clear_ibuf [dreg:s6], $0x2FFFF;
	_ =	strace $0x9FFFFFFF  }
0xc1: {  	(tm) =	ssettm $0x7FFFFFFF  }
tec
execute0_lowered:
.L_overlay_start_1:
0x0: {  	(tag) =	ssettag $0x1  }
0x1: {  	s0 =	rddreg [dreg:$0x0]  }
0x2: {  	s1 =	srdreg.scid;
	s5 =	stileid.u32;
	s2 =	simm.s32 $0x0  }
0x3: {  	s29 =	simm.s32 $0x190A0;
	s30 =	simm.s32 $0x196C0;
	s31 =	simm.s32 $0x19CE0  }
0x4: {  	s1 =	sand.u32 $0x1, s1;
	s3 =	sshll.u32 s5, $0x1;
	[smem:$0x7FF] =	sst s2  }
0x5: {  	s6 =	sadd.s32 $0x311800, s0;
	s5 =	sshrl.u32 s5, $0x3;
	s14 =	sadd.s32 $0x347E00, s0  }
0x6: {  	s3 =	sor.u32 s1, s3;
	_ =	strace $0x8000004A;
	[dreg:$0x2] =	wrdreg s6  }
0x7: {  	s1 =	ssub.s32 $0x2, s1;
	s5 =	smul.u32 $0x62000, s5;
	[dreg:$0x3] =	wrdreg s14  }
0x8: {  	s4 =	smul.u32 $0xD000, s3;
	s3 =	sand.u32 $0xF, s3;
	s15 =	sshrl.u32 s1, $0x1  }
0x9: {  	s3 =	smul.u32 $0xC40, s3;
	s1 =	ssub.s32 s1, s15;
	s7 =	sadd.s32 $0xC400, s5  }
0xa: {  	s19 =	sadd.s32 $0x18800, s5;
	s9 =	sadd.s32 $0x24C00, s5;
	s11 =	sadd.s32 $0x31000, s5  }
0xb: {  	s26 =	sadd.s32 $0x3D400, s5;
	s20 =	sadd.s32 $0x49800, s5;
	s4 =	sshrl.u32 s4, $0x3  }
0xc: {  	s21 =	sadd.s32 $0x55C00, s5;
	s4 =	sadd.s32 s4, s0;
	s0 =	sadd.s32 $0x348000, s0  }
0xd: {  	s16 =	sadd.s32 s5, s3;
	s17 =	sadd.s32 s7, s3;
	s22 =	sadd.s32 s19, s3  }
0xe: {  	s10 =	sadd.s32 s9, s3;
	s24 =	sadd.s32 s11, s3;
	s28 =	sadd.s32 s26, s3  }
0xf: {  	s12 =	sadd.s32 s20, s3;
	s13 =	sadd.s32 s21, s3;
	s3 =	sadd.s32 $0x620, s3  }
0x10: {  	s8 =	sadd.s32 $0x313E00, s4;
	s6 =	sshrl.u32 s16, $0x3;
	s18 =	sshrl.u32 s17, $0x3  }
0x11: {  	s23 =	sshrl.u32 s10, $0x3;
	s25 =	sshrl.u32 s24, $0x3;
	s12 =	sshrl.u32 s12, $0x3  }
0x12: {  	s14 =	sshrl.u32 s13, $0x3;
	s5 =	sadd.s32 s5, s3;
	s15 =	sadd.s32 s7, s3  }
0x13: {  	[dreg:$0x4] =	wrdreg s8;
	s6 =	sadd.s32 s0, s6;
	s13 =	sadd.s32 s0, s14  }
0x14: {  	s14 =	sadd.s32 $0x314B00, s4;
	s16 =	sshrl.u32 s5, $0x3;
	s17 =	sshrl.u32 s15, $0x3  }
0x15: {  	[dreg:$0x5] =	wrdreg s6;
	s6 =	sadd.s32 s0, s18;
	s15 =	sadd.s32 s0, s16  }
0x16: {  	s16 =	sadd.s32 s0, s17;
	s18 =	sadd.s32 s19, s3;
	s19 =	sadd.s32 s9, s3  }
0x17: {  	[dreg:$0x6] =	wrdreg s6;
	s6 =	sshrl.u32 s22, $0x3;
	s4 =	sshrl.u32 s18, $0x3  }
0x18: {  	s22 =	sadd.s32 s11, s3;
	s6 =	sadd.s32 s0, s6;
	s17 =	sadd.s32 s0, s4  }
0x19: {  	s24 =	sshrl.u32 s22, $0x3;
	[dreg:$0x7] =	wrdreg s6;
	s6 =	sadd.s32 s0, s23  }
0x1a: {  	s23 =	sshrl.u32 s19, $0x3;
	s19 =	sadd.s32 s0, s24;
	s24 =	simm.s32 $0x1  }
0x1b: {  	[dreg:$0x8] =	wrdreg s6;
	s6 =	sadd.s32 s0, s25;
	s18 =	sadd.s32 s0, s23  }
0x1c: {  	s25 =	sadd.s32 s26, s3;
	s26 =	sadd.s32 s20, s3;
	s3 =	sadd.s32 s21, s3  }
0x1d: {  	s23 =	smax.u32 s1, $0x1;
	s1 =	simm.s32 $0x1AF40;
	[dreg:$0x9] =	wrdreg s6  }
0x1e: {  	s6 =	sshrl.u32 s28, $0x3;
	s4 =	sshrl.u32 s25, $0x3;
	s28 =	sshrl.u32 s26, $0x3  }
0x1f: {  	s3 =	sshrl.u32 s3, $0x3;
	s25 =	simm.s32 $0x1B560;
	s6 =	sadd.s32 s0, s6  }
0x20: {  	s20 =	sadd.s32 s0, s4;
	s21 =	sadd.s32 s0, s28;
	s22 =	sadd.s32 s0, s3  }
0x21: {  	s3 =	simm.s32 $0x1A920;
	[dreg:$0xa] =	wrdreg s6;
	s6 =	sadd.s32 s0, s12  }
0x22: {  	s4 =	simm.s32 $0x0;
	s0 =	simm.s32 $0x1A300;
	[dreg:$0xb] =	wrdreg s6  }
.LBB2_1:
0x23: {  	s5 =	rddreg [dreg:$0x2]  }
0x24: {  	[tilespmem:s2], [sflag:$0x1] =	stream.linear.gather [hbm4b:s5+s2], $0x12280, $0x38;
	[tilespmem:$0x1BF80] =	vst v63  }
0x25: {  	_ =	swait.ge [sflag:s24], $0x12280  }
0x26: {  	[sflag:s24] =	ssyncset.done $0x0  }
0x27: {  	s6 =	simm.s32 $0x1BB80;
	s9 =	rddreg [dreg:$0x3];
	[sflag:s24] =	ssyncadd.s32 $0xFFFEDD80  }
0x28: {  	[tilespmem:s6], [sflag:$0x1] =	stream.linear.gather [hbm4b:s9+s2], $0x400, $0x38;
	[tilespmem:$0x1BF80] =	vst v63  }
0x29: {  	_ =	swait.ge [sflag:s24], $0x400  }
0x2a: {  	[sflag:s24] =	ssyncset.done $0x0  }
0x2b: {  	s11 =	simm.s32 $0x12280;
	s10 =	rddreg [dreg:$0x4];
	[sflag:s24] =	ssyncadd.s32 $0xFFFFFC00  }
0x2c: {  	[tilespmem:s11], [sflag:$0x1] =	stream.linear.gather [hbm4b:s10+s2], $0x6800, $0x38;
	[tilespmem:$0x1BF80] =	vst v63  }
0x2d: {  	_ =	swait.ge [sflag:s24], $0x6800  }
0x2e: {  	s12 =	sand.u32 $0x70, s2;
	s26 =	sand.u32 $0x3C00, s2;
	[sflag:s24] =	ssyncset.done $0x0  }
0x2f: {  	s5 =	sor.u32 s12, s26;
	[sflag:s24] =	ssyncadd.s32 $0xFFFF9800  }
0x30: {  	s6 =	sadd.s32 $0x12280, s5;
	v7 =	vld [tilespmem:s5+$0x12280]  }
0x31: {  	v8 =	vld [tilespmem:s6+$0x80];
	_ =	sdelay $0x1  }
0x32: {  	v5 =	vld [tilespmem:s6+$0x100];
	_ =	sdelay $0x1  }
0x33: {  	v2 =	vld [tilespmem:s6+$0x180]  }
0x34: {  	v3 =	vld [tilespmem:s6+$0x200];
	v4 =	vadd.s32 $0x408, v8  }
0x35: {  	v1 =	vld [tilespmem:s6+$0x280]  }
0x36: {  	v10 =	vld [tilespmem:$0x1BB80];
	v6 =	vadd.s32 $0x810, v5  }
0x37: {  	v9 =	vld.idx.msk [tilespmem:v7+s2+$0x0], $0xffff  }
0x38: {  	v0 =	vld [tilespmem:s6+$0x300];
	v11 =	vadd.s32 $0xC18, v2  }
0x39: {  	v12 =	vld.idx.msk [tilespmem:v4+s2+$0x0], $0xffff  }
0x3a: {  	v13 =	vadd.s32 $0x1020, v3;
	v4 =	vld [tilespmem:s6+$0x380]  }
0x3b: {  	v14 =	vld.idx.msk [tilespmem:v6+s2+$0x0], $0xffff  }
0x3c: {  	v15 =	vadd.s32 $0x1428, v1;
	v6 =	vld [tilespmem:s5+$0x15680];
	v9 =	vadd.f32 v9, v10  }
0x3d: {  	v57 =	vld.idx.msk [tilespmem:v11+s2+$0x0], $0xffff  }
0x3e: {  	v58 =	vadd.s32 $0x1830, v0;
	v9 =	vadd.f32 v12, v9  }
0x3f: {  	v59 =	vld.idx.msk [tilespmem:v13+s2+$0x0], $0xffff  }
0x40: {  	v60 =	vadd.s32 $0x1C38, v4;
	v9 =	vadd.f32 v14, v9  }
0x41: {  	v61 =	vld.idx.msk [tilespmem:v15+s2+$0x0], $0xffff  }
0x42: {  	v62 =	vadd.s32 $0x2040, v6;
	v9 =	vadd.f32 v57, v9  }
0x43: {  	v63 =	vld.idx.msk [tilespmem:v58+s2+$0x0], $0xffff  }
0x44: {  	v9 =	vadd.f32 v59, v9  }
0x45: {  	v16 =	vld.idx.msk [tilespmem:v60+s2+$0x0], $0xffff  }
0x46: {  	v9 =	vadd.f32 v61, v9  }
0x47: {  	v17 =	vld.idx.msk [tilespmem:v62+s2+$0x0], $0xffff  }
0x48: {  	v9 =	vadd.f32 v63, v9;
	_ =	sdelay $0x1  }
0x49: {  	v9 =	vadd.f32 v16, v9  }
0x4a: {  	v18 =	vadd.s32 $0x2448, v7  }
0x4b: {  	v9 =	vadd.f32 v17, v9;
	_ =	sdelay $0x1  }
0x4c: {  	v19 =	vadd.s32 $0x2850, v8;
	v9 =	vmax.f32 v9, $0.0e+00  }
0x4d: {  	[tilespmem:s3+$0xFFFFE160] =	vst v9  }
0x4e: {  	v20 =	vadd.s32 $0x2C58, v5;
	v10 =	vld.idx.msk [tilespmem:v18+s2+$0x0], $0xffff  }
0x4f: {  	v21 =	vld [tilespmem:$0x1BC00]  }
0x50: {  	v22 =	vadd.s32 $0x3060, v2  }
0x51: {  	v11 =	vld.idx.msk [tilespmem:v19+s2+$0x0], $0xffff  }
0x52: {  	v23 =	vadd.s32 $0x3468, v3  }
0x53: {  	v9 =	vld.idx.msk [tilespmem:v20+s2+$0x0], $0xffff  }
0x54: {  	v24 =	vadd.s32 $0x3870, v1;
	v10 =	vadd.f32 v10, v21  }
0x55: {  	v25 =	vld.idx.msk [tilespmem:v22+s2+$0x0], $0xffff  }
0x56: {  	v26 =	vadd.s32 $0x3C78, v0;
	v10 =	vadd.f32 v11, v10  }
0x57: {  	v27 =	vld.idx.msk [tilespmem:v23+s2+$0x0], $0xffff  }
0x58: {  	v28 =	vadd.s32 $0x4080, v4;
	v9 =	vadd.f32 v9, v10  }
0x59: {  	v29 =	vld.idx.msk [tilespmem:v24+s2+$0x0], $0xffff  }
0x5a: {  	v30 =	vadd.s32 $0x4488, v6;
	v9 =	vadd.f32 v25, v9  }
0x5b: {  	v31 =	vld.idx.msk [tilespmem:v26+s2+$0x0], $0xffff  }
0x5c: {  	v9 =	vadd.f32 v27, v9  }
0x5d: {  	v32 =	vld.idx.msk [tilespmem:v28+s2+$0x0], $0xffff  }
0x5e: {  	v9 =	vadd.f32 v29, v9  }
0x5f: {  	v33 =	vld.idx.msk [tilespmem:v30+s2+$0x0], $0xffff  }
0x60: {  	v9 =	vadd.f32 v31, v9;
	_ =	sdelay $0x1  }
0x61: {  	v9 =	vadd.f32 v32, v9  }
0x62: {  	v34 =	vadd.s32 $0x4890, v7  }
0x63: {  	v9 =	vadd.f32 v33, v9;
	_ =	sdelay $0x1  }
0x64: {  	v35 =	vadd.s32 $0x4C98, v8;
	v9 =	vmax.f32 v9, $0.0e+00  }
0x65: {  	[tilespmem:s3+$0xFFFFE780] =	vst v9  }
0x66: {  	v36 =	vadd.s32 $0x50A0, v5;
	v11 =	vld.idx.msk [tilespmem:v34+s2+$0x0], $0xffff  }
0x67: {  	v37 =	vld [tilespmem:$0x1BC80]  }
0x68: {  	v38 =	vadd.s32 $0x54A8, v2  }
0x69: {  	v10 =	vld.idx.msk [tilespmem:v35+s2+$0x0], $0xffff  }
0x6a: {  	v39 =	vadd.s32 $0x58B0, v3  }
0x6b: {  	v9 =	vld.idx.msk [tilespmem:v36+s2+$0x0], $0xffff  }
0x6c: {  	v40 =	vadd.s32 $0x5CB8, v1;
	v11 =	vadd.f32 v11, v37  }
0x6d: {  	v41 =	vld.idx.msk [tilespmem:v38+s2+$0x0], $0xffff  }
0x6e: {  	v42 =	vadd.s32 $0x60C0, v0;
	v10 =	vadd.f32 v10, v11  }
0x6f: {  	v43 =	vld.idx.msk [tilespmem:v39+s2+$0x0], $0xffff  }
0x70: {  	v44 =	vadd.s32 $0x64C8, v4;
	v9 =	vadd.f32 v9, v10  }
0x71: {  	v45 =	vld.idx.msk [tilespmem:v40+s2+$0x0], $0xffff  }
0x72: {  	v46 =	vadd.s32 $0x68D0, v6;
	v9 =	vadd.f32 v41, v9  }
0x73: {  	v47 =	vld.idx.msk [tilespmem:v42+s2+$0x0], $0xffff  }
0x74: {  	v9 =	vadd.f32 v43, v9  }
0x75: {  	v48 =	vld.idx.msk [tilespmem:v44+s2+$0x0], $0xffff  }
0x76: {  	v9 =	vadd.f32 v45, v9  }
0x77: {  	v49 =	vld.idx.msk [tilespmem:v46+s2+$0x0], $0xffff  }
0x78: {  	v9 =	vadd.f32 v47, v9;
	_ =	sdelay $0x1  }
0x79: {  	v9 =	vadd.f32 v48, v9  }
0x7a: {  	v50 =	vadd.s32 $0x6CD8, v7  }
0x7b: {  	v9 =	vadd.f32 v49, v9;
	_ =	sdelay $0x1  }
0x7c: {  	v51 =	vadd.s32 $0x70E0, v8;
	v9 =	vmax.f32 v9, $0.0e+00  }
0x7d: {  	[tilespmem:s3+$0xFFFFEDA0] =	vst v9  }
0x7e: {  	v52 =	vadd.s32 $0x74E8, v5;
	v11 =	vld.idx.msk [tilespmem:v50+s2+$0x0], $0xffff  }
0x7f: {  	v53 =	vld [tilespmem:$0x1BD00]  }
0x80: {  	v54 =	vadd.s32 $0x78F0, v2  }
0x81: {  	v10 =	vld.idx.msk [tilespmem:v51+s2+$0x0], $0xffff  }
0x82: {  	v55 =	vadd.s32 $0x7CF8, v3  }
0x83: {  	v9 =	vld.idx.msk [tilespmem:v52+s2+$0x0], $0xffff  }
0x84: {  	v56 =	vadd.s32 $0x8100, v1;
	v11 =	vadd.f32 v11, v53  }
0x85: {  	v57 =	vld.idx.msk [tilespmem:v54+s2+$0x0], $0xffff  }
0x86: {  	v58 =	vadd.s32 $0x8508, v0;
	v10 =	vadd.f32 v10, v11  }
0x87: {  	v59 =	vld.idx.msk [tilespmem:v55+s2+$0x0], $0xffff  }
0x88: {  	v60 =	vadd.s32 $0x8910, v4;
	v9 =	vadd.f32 v9, v10  }
0x89: {  	v61 =	vld.idx.msk [tilespmem:v56+s2+$0x0], $0xffff  }
0x8a: {  	v62 =	vadd.s32 $0x8D18, v6;
	v9 =	vadd.f32 v57, v9  }
0x8b: {  	v63 =	vld.idx.msk [tilespmem:v58+s2+$0x0], $0xffff  }
0x8c: {  	v9 =	vadd.f32 v59, v9  }
0x8d: {  	v13 =	vld.idx.msk [tilespmem:v60+s2+$0x0], $0xffff  }
0x8e: {  	v9 =	vadd.f32 v61, v9  }
0x8f: {  	v14 =	vld.idx.msk [tilespmem:v62+s2+$0x0], $0xffff  }
0x90: {  	v9 =	vadd.f32 v63, v9;
	_ =	sdelay $0x1  }
0x91: {  	v9 =	vadd.f32 v13, v9  }
0x92: {  	v15 =	vadd.s32 $0x9120, v7  }
0x93: {  	v9 =	vadd.f32 v14, v9;
	_ =	sdelay $0x1  }
0x94: {  	v16 =	vadd.s32 $0x9528, v8;
	v9 =	vmax.f32 v9, $0.0e+00  }
0x95: {  	[tilespmem:s3+$0xFFFFF3C0] =	vst v9  }
0x96: {  	v17 =	vadd.s32 $0x9930, v5;
	v11 =	vld.idx.msk [tilespmem:v15+s2+$0x0], $0xffff  }
0x97: {  	v18 =	vld [tilespmem:$0x1BD80]  }
0x98: {  	v19 =	vadd.s32 $0x9D38, v2  }
0x99: {  	v10 =	vld.idx.msk [tilespmem:v16+s2+$0x0], $0xffff  }
0x9a: {  	v20 =	vadd.s32 $0xA140, v3  }
0x9b: {  	v9 =	vld.idx.msk [tilespmem:v17+s2+$0x0], $0xffff  }
0x9c: {  	v21 =	vadd.s32 $0xA548, v1;
	v11 =	vadd.f32 v11, v18  }
0x9d: {  	v22 =	vld.idx.msk [tilespmem:v19+s2+$0x0], $0xffff  }
0x9e: {  	v23 =	vadd.s32 $0xA950, v0;
	v10 =	vadd.f32 v10, v11  }
0x9f: {  	v24 =	vld.idx.msk [tilespmem:v20+s2+$0x0], $0xffff  }
0xa0: {  	v25 =	vadd.s32 $0xAD58, v4;
	v9 =	vadd.f32 v9, v10  }
0xa1: {  	v26 =	vld.idx.msk [tilespmem:v21+s2+$0x0], $0xffff  }
0xa2: {  	v27 =	vadd.s32 $0xB160, v6;
	v9 =	vadd.f32 v22, v9  }
0xa3: {  	v28 =	vld.idx.msk [tilespmem:v23+s2+$0x0], $0xffff  }
0xa4: {  	v9 =	vadd.f32 v24, v9  }
0xa5: {  	v29 =	vld.idx.msk [tilespmem:v25+s2+$0x0], $0xffff  }
0xa6: {  	v9 =	vadd.f32 v26, v9  }
0xa7: {  	v30 =	vld.idx.msk [tilespmem:v27+s2+$0x0], $0xffff  }
0xa8: {  	v9 =	vadd.f32 v28, v9;
	_ =	sdelay $0x1  }
0xa9: {  	v9 =	vadd.f32 v29, v9  }
0xaa: {  	v31 =	vadd.s32 $0xB568, v7  }
0xab: {  	v9 =	vadd.f32 v30, v9;
	_ =	sdelay $0x1  }
0xac: {  	s28 =	sand.u32 $0x7F0, s2;
	v32 =	vadd.s32 $0xB970, v8;
	v9 =	vmax.f32 v9, $0.0e+00  }
0xad: {  	[tilespmem:s28+$0x1A300] =	vst v9  }
0xae: {  	v33 =	vadd.s32 $0xBD78, v5;
	v11 =	vld.idx.msk [tilespmem:v31+s2+$0x0], $0xffff  }
0xaf: {  	v34 =	vld [tilespmem:$0x1BE00]  }
0xb0: {  	v35 =	vadd.s32 $0xC180, v2  }
0xb1: {  	v10 =	vld.idx.msk [tilespmem:v32+s2+$0x0], $0xffff  }
0xb2: {  	v36 =	vadd.s32 $0xC588, v3  }
0xb3: {  	v9 =	vld.idx.msk [tilespmem:v33+s2+$0x0], $0xffff  }
0xb4: {  	v37 =	vadd.s32 $0xC990, v1;
	v11 =	vadd.f32 v11, v34  }
0xb5: {  	v38 =	vld.idx.msk [tilespmem:v35+s2+$0x0], $0xffff  }
0xb6: {  	v39 =	vadd.s32 $0xCD98, v0;
	v10 =	vadd.f32 v10, v11  }
0xb7: {  	v40 =	vld.idx.msk [tilespmem:v36+s2+$0x0], $0xffff  }
0xb8: {  	v41 =	vadd.s32 $0xD1A0, v4;
	v9 =	vadd.f32 v9, v10  }
0xb9: {  	v42 =	vld.idx.msk [tilespmem:v37+s2+$0x0], $0xffff  }
0xba: {  	v43 =	vadd.s32 $0xD5A8, v6;
	v9 =	vadd.f32 v38, v9  }
0xbb: {  	v44 =	vld.idx.msk [tilespmem:v39+s2+$0x0], $0xffff  }
0xbc: {  	v9 =	vadd.f32 v40, v9  }
0xbd: {  	v45 =	vld.idx.msk [tilespmem:v41+s2+$0x0], $0xffff  }
0xbe: {  	v9 =	vadd.f32 v42, v9  }
0xbf: {  	v46 =	vld.idx.msk [tilespmem:v43+s2+$0x0], $0xffff  }
0xc0: {  	v9 =	vadd.f32 v44, v9;
	_ =	sdelay $0x1  }
0xc1: {  	v9 =	vadd.f32 v45, v9  }
0xc2: {  	v47 =	vadd.s32 $0xD9B0, v7  }
0xc3: {  	v9 =	vadd.f32 v46, v9;
	_ =	sdelay $0x1  }
0xc4: {  	v48 =	vadd.s32 $0xDDB8, v8;
	v9 =	vmax.f32 v9, $0.0e+00  }
0xc5: {  	[tilespmem:s3+$0x0] =	vst v9  }
0xc6: {  	v49 =	vadd.s32 $0xE1C0, v5;
	v11 =	vld.idx.msk [tilespmem:v47+s2+$0x0], $0xffff  }
0xc7: {  	v50 =	vld [tilespmem:$0x1BE80]  }
0xc8: {  	v51 =	vadd.s32 $0xE5C8, v2  }
0xc9: {  	v10 =	vld.idx.msk [tilespmem:v48+s2+$0x0], $0xffff  }
0xca: {  	v52 =	vadd.s32 $0xE9D0, v3  }
0xcb: {  	v9 =	vld.idx.msk [tilespmem:v49+s2+$0x0], $0xffff  }
0xcc: {  	v53 =	vadd.s32 $0xEDD8, v1;
	v11 =	vadd.f32 v11, v50  }
0xcd: {  	v54 =	vld.idx.msk [tilespmem:v51+s2+$0x0], $0xffff  }
0xce: {  	v55 =	vadd.s32 $0xF1E0, v0;
	v10 =	vadd.f32 v10, v11  }
0xcf: {  	v56 =	vld.idx.msk [tilespmem:v52+s2+$0x0], $0xffff  }
0xd0: {  	v57 =	vadd.s32 $0xF5E8, v4;
	v9 =	vadd.f32 v9, v10  }
0xd1: {  	v58 =	vld.idx.msk [tilespmem:v53+s2+$0x0], $0xffff  }
0xd2: {  	v59 =	vadd.s32 $0xF9F0, v6;
	v9 =	vadd.f32 v54, v9  }
0xd3: {  	v60 =	vld.idx.msk [tilespmem:v55+s2+$0x0], $0xffff  }
0xd4: {  	v9 =	vadd.f32 v56, v9  }
0xd5: {  	v61 =	vld.idx.msk [tilespmem:v57+s2+$0x0], $0xffff  }
0xd6: {  	v9 =	vadd.f32 v58, v9  }
0xd7: {  	v62 =	vld.idx.msk [tilespmem:v59+s2+$0x0], $0xffff  }
0xd8: {  	v9 =	vadd.f32 v60, v9;
	_ =	sdelay $0x1  }
0xd9: {  	v9 =	vadd.f32 v61, v9;
	_ =	sdelay $0x1  }
0xda: {  	v7 =	vadd.s32 $0xFDF8, v7;
	v9 =	vadd.f32 v62, v9;
	_ =	sdelay $0x1  }
0xdb: {  	v8 =	vadd.s32 $0x10200, v8;
	v9 =	vmax.f32 v9, $0.0e+00  }
0xdc: {  	[tilespmem:s3+$0x620] =	vst v9  }
0xdd: {  	v5 =	vadd.s32 $0x10608, v5;
	v9 =	vld [tilespmem:$0x1BF00]  }
0xde: {  	v7 =	vld.idx.msk [tilespmem:v7+s2+$0x0], $0xffff  }
0xdf: {  	v2 =	vadd.s32 $0x10A10, v2  }
0xe0: {  	v8 =	vld.idx.msk [tilespmem:v8+s2+$0x0], $0xffff  }
0xe1: {  	v3 =	vadd.s32 $0x10E18, v3  }
0xe2: {  	v5 =	vld.idx.msk [tilespmem:v5+s2+$0x0], $0xffff  }
0xe3: {  	v1 =	vadd.s32 $0x11220, v1;
	v7 =	vadd.f32 v7, v9  }
0xe4: {  	v2 =	vld.idx.msk [tilespmem:v2+s2+$0x0], $0xffff  }
0xe5: {  	v7 =	vadd.f32 v8, v7  }
0xe6: {  	v0 =	vadd.s32 $0x11628, v0;
	v3 =	vld.idx.msk [tilespmem:v3+s2+$0x0], $0xffff  }
0xe7: {  	v6 =	vadd.s32 $0x11E38, v6;
	v5 =	vadd.f32 v5, v7  }
0xe8: {  	v4 =	vadd.s32 $0x11A30, v4;
	v63 =	vld.idx.msk [tilespmem:v1+s2+$0x0], $0xffff  }
0xe9: {  	v1 =	vadd.f32 v2, v5;
	_ =	sdelay $0x1  }
0xea: {  	v0 =	vld.idx.msk [tilespmem:v0+s2+$0x0], $0xffff;
	v3 =	vadd.f32 v3, v1  }
0xeb: {  	s8 =	simm.s32 $0x1A920;
	s9 =	simm.s32 $0x80;
	s6 =	simm.s32 $0x10;
	v2 =	vld.idx.msk [tilespmem:v6+s2+$0x0], $0xffff  }
0xec: {  	s10 =	simm.s32 $0x20;
	s5 =	simm.s32 $0x1A930;
	s7 =	sand.u32 $0x70, s6;
	v1 =	vld.idx.msk [tilespmem:v4+s2+$0x0], $0xffff;
	v3 =	vadd.f32 v63, v3  }
.LBB2_2:
0xed: {  	s12 =	sand.u32 $0x70, s10  }
0xee: {  	s28 =	sand.u32 $0x3C00, s9;
	s11 =	smov.u32 s10;
	s26 =	sadd.s32 $0x10, s10  }
0xef: {  	p0 =	sne.s32 s10, $0x610;
	s10 =	sor.u32 s7, s28;
	v0 =	vadd.f32 v0, v3;
	s7 =	smov.u32 s12  }
0xf0: {  	s12 =	sadd.s32 $0x12280, s10  }
0xf1: {  	v0 =	vadd.f32 v1, v0;
	_ =	sdelay $0x1  }
0xf2: {  	v0 =	vadd.f32 v2, v0;
	_ =	sdelay $0x1  }
0xf3: {  	v0 =	vmax.f32 v0, $0.0e+00  }
0xf4: {  	[tilespmem:s8+$0xC40] =	vst v0;
	s8 =	smov.u32 s5  }
0xf5: {  	v1 =	vld [tilespmem:s10+$0x12280]  }
0xf6: {  	v2 =	vld [tilespmem:s12+$0x80];
	_ =	sdelay $0x1  }
0xf7: {  	v3 =	vld [tilespmem:s12+$0x100]  }
0xf8: {  	v0 =	vld [tilespmem:s12+$0x300]  }
0xf9: {  	v4 =	vld [tilespmem:s12+$0x180]  }
0xfa: {  	v7 =	vadd.s32 $0x408, v2  }
0xfb: {  	v6 =	vld [tilespmem:s12+$0x200]  }
0xfc: {  	v5 =	vld [tilespmem:s12+$0x280];
	v8 =	vadd.s32 $0x810, v3  }
0xfd: {  	v9 =	vld.idx.msk [tilespmem:v1+s2+$0x0], $0xffff;
	v10 =	vadd.s32 $0x1830, v0  }
0xfe: {  	v11 =	vld [tilespmem:$0x1BB80];
	v12 =	vadd.s32 $0xC18, v4  }
0xff: {  	v13 =	vld.idx.msk [tilespmem:v7+s2+$0x0], $0xffff  }
0x100: {  	v7 =	vld [tilespmem:s12+$0x380];
	v14 =	vadd.s32 $0x1020, v6  }
0x101: {  	v15 =	vld.idx.msk [tilespmem:v8+s2+$0x0], $0xffff;
	v16 =	vadd.s32 $0x1428, v5  }
0x102: {  	v8 =	vld [tilespmem:s10+$0x15680]  }
0x103: {  	v9 =	vadd.f32 v9, v11;
	v11 =	vld.idx.msk [tilespmem:v12+s2+$0x0], $0xffff;
	_ =	sdelay $0x1  }
0x104: {  	v9 =	vadd.f32 v13, v9;
	v12 =	vld.idx.msk [tilespmem:v14+s2+$0x0], $0xffff;
	v13 =	vadd.s32 $0x1C38, v7;
	_ =	sdelay $0x1  }
0x105: {  	v9 =	vadd.f32 v15, v9;
	v14 =	vld.idx.msk [tilespmem:v16+s2+$0x0], $0xffff;
	v15 =	vadd.s32 $0x2040, v8;
	_ =	sdelay $0x1  }
0x106: {  	v9 =	vadd.f32 v11, v9;
	v10 =	vld.idx.msk [tilespmem:v10+s2+$0x0], $0xffff;
	_ =	sdelay $0x1  }
0x107: {  	v9 =	vadd.f32 v12, v9;
	v11 =	vld.idx.msk [tilespmem:v13+s2+$0x0], $0xffff;
	_ =	sdelay $0x1  }
0x108: {  	v9 =	vadd.f32 v14, v9;
	v12 =	vld.idx.msk [tilespmem:v15+s2+$0x0], $0xffff;
	_ =	sdelay $0x1  }
0x109: {  	v9 =	vadd.f32 v10, v9;
	_ =	sdelay $0x1  }
0x10a: {  	v9 =	vadd.f32 v11, v9  }
0x10b: {  	v10 =	vadd.s32 $0x2448, v1  }
0x10c: {  	v9 =	vadd.f32 v12, v9  }
0x10d: {  	v11 =	vadd.s32 $0x2850, v2  }
0x10e: {  	v9 =	vmax.f32 v9, $0.0e+00  }
0x10f: {  	[tilespmem:s5+$0xFFFFE160] =	vst v9;
	v9 =	vadd.s32 $0x2C58, v3  }
0x110: {  	v10 =	vld.idx.msk [tilespmem:v10+s2+$0x0], $0xffff  }
0x111: {  	v13 =	vadd.s32 $0x3060, v4;
	v12 =	vld [tilespmem:$0x1BC00]  }
0x112: {  	v11 =	vld.idx.msk [tilespmem:v11+s2+$0x0], $0xffff  }
0x113: {  	v14 =	vadd.s32 $0x3468, v6  }
0x114: {  	v9 =	vld.idx.msk [tilespmem:v9+s2+$0x0], $0xffff  }
0x115: {  	v15 =	vadd.s32 $0x3870, v5  }
0x116: {  	v10 =	vadd.f32 v10, v12;
	v12 =	vld.idx.msk [tilespmem:v13+s2+$0x0], $0xffff  }
0x117: {  	v13 =	vadd.s32 $0x3C78, v0  }
0x118: {  	v10 =	vadd.f32 v11, v10;
	v11 =	vld.idx.msk [tilespmem:v14+s2+$0x0], $0xffff  }
0x119: {  	v14 =	vadd.s32 $0x4080, v7  }
0x11a: {  	v9 =	vadd.f32 v9, v10;
	v10 =	vld.idx.msk [tilespmem:v15+s2+$0x0], $0xffff  }
0x11b: {  	v15 =	vadd.s32 $0x4488, v8  }
0x11c: {  	v9 =	vadd.f32 v12, v9;
	v12 =	vld.idx.msk [tilespmem:v13+s2+$0x0], $0xffff;
	_ =	sdelay $0x1  }
0x11d: {  	v9 =	vadd.f32 v11, v9;
	v11 =	vld.idx.msk [tilespmem:v14+s2+$0x0], $0xffff;
	_ =	sdelay $0x1  }
0x11e: {  	v9 =	vadd.f32 v10, v9;
	v10 =	vld.idx.msk [tilespmem:v15+s2+$0x0], $0xffff;
	_ =	sdelay $0x1  }
0x11f: {  	v9 =	vadd.f32 v12, v9;
	_ =	sdelay $0x1  }
0x120: {  	v9 =	vadd.f32 v11, v9  }
0x121: {  	v11 =	vadd.s32 $0x4890, v1  }
0x122: {  	v9 =	vadd.f32 v10, v9  }
0x123: {  	v10 =	vadd.s32 $0x4C98, v2  }
0x124: {  	v9 =	vmax.f32 v9, $0.0e+00  }
0x125: {  	[tilespmem:s5+$0xFFFFE780] =	vst v9;
	v9 =	vadd.s32 $0x50A0, v3  }
0x126: {  	v11 =	vld.idx.msk [tilespmem:v11+s2+$0x0], $0xffff  }
0x127: {  	v13 =	vadd.s32 $0x54A8, v4;
	v12 =	vld [tilespmem:$0x1BC80]  }
0x128: {  	v10 =	vld.idx.msk [tilespmem:v10+s2+$0x0], $0xffff  }
0x129: {  	v14 =	vadd.s32 $0x58B0, v6  }
0x12a: {  	v9 =	vld.idx.msk [tilespmem:v9+s2+$0x0], $0xffff  }
0x12b: {  	v15 =	vadd.s32 $0x5CB8, v5  }
0x12c: {  	v11 =	vadd.f32 v11, v12;
	v12 =	vld.idx.msk [tilespmem:v13+s2+$0x0], $0xffff  }
0x12d: {  	v13 =	vadd.s32 $0x60C0, v0  }
0x12e: {  	v10 =	vadd.f32 v10, v11;
	v11 =	vld.idx.msk [tilespmem:v14+s2+$0x0], $0xffff  }
0x12f: {  	v14 =	vadd.s32 $0x64C8, v7  }
0x130: {  	v9 =	vadd.f32 v9, v10;
	v10 =	vld.idx.msk [tilespmem:v15+s2+$0x0], $0xffff  }
0x131: {  	v15 =	vadd.s32 $0x68D0, v8  }
0x132: {  	v9 =	vadd.f32 v12, v9;
	v12 =	vld.idx.msk [tilespmem:v13+s2+$0x0], $0xffff;
	_ =	sdelay $0x1  }
0x133: {  	v9 =	vadd.f32 v11, v9;
	v11 =	vld.idx.msk [tilespmem:v14+s2+$0x0], $0xffff;
	_ =	sdelay $0x1  }
0x134: {  	v9 =	vadd.f32 v10, v9;
	v10 =	vld.idx.msk [tilespmem:v15+s2+$0x0], $0xffff;
	_ =	sdelay $0x1  }
0x135: {  	v9 =	vadd.f32 v12, v9;
	_ =	sdelay $0x1  }
0x136: {  	v9 =	vadd.f32 v11, v9  }
0x137: {  	v11 =	vadd.s32 $0x6CD8, v1  }
0x138: {  	v9 =	vadd.f32 v10, v9  }
0x139: {  	v10 =	vadd.s32 $0x70E0, v2  }
0x13a: {  	v9 =	vmax.f32 v9, $0.0e+00  }
0x13b: {  	[tilespmem:s5+$0xFFFFEDA0] =	vst v9;
	v9 =	vadd.s32 $0x74E8, v3  }
0x13c: {  	v11 =	vld.idx.msk [tilespmem:v11+s2+$0x0], $0xffff  }
0x13d: {  	v13 =	vadd.s32 $0x78F0, v4;
	v12 =	vld [tilespmem:$0x1BD00]  }
0x13e: {  	v10 =	vld.idx.msk [tilespmem:v10+s2+$0x0], $0xffff  }
0x13f: {  	v14 =	vadd.s32 $0x7CF8, v6  }
0x140: {  	v9 =	vld.idx.msk [tilespmem:v9+s2+$0x0], $0xffff  }
0x141: {  	v15 =	vadd.s32 $0x8100, v5  }
0x142: {  	v11 =	vadd.f32 v11, v12;
	v12 =	vld.idx.msk [tilespmem:v13+s2+$0x0], $0xffff  }
0x143: {  	v13 =	vadd.s32 $0x8508, v0  }
0x144: {  	v10 =	vadd.f32 v10, v11;
	v11 =	vld.idx.msk [tilespmem:v14+s2+$0x0], $0xffff  }
0x145: {  	v14 =	vadd.s32 $0x8910, v7  }
0x146: {  	v9 =	vadd.f32 v9, v10;
	v10 =	vld.idx.msk [tilespmem:v15+s2+$0x0], $0xffff  }
0x147: {  	v15 =	vadd.s32 $0x8D18, v8  }
0x148: {  	v9 =	vadd.f32 v12, v9;
	v12 =	vld.idx.msk [tilespmem:v13+s2+$0x0], $0xffff;
	_ =	sdelay $0x1  }
0x149: {  	v9 =	vadd.f32 v11, v9;
	v11 =	vld.idx.msk [tilespmem:v14+s2+$0x0], $0xffff;
	_ =	sdelay $0x1  }
0x14a: {  	v9 =	vadd.f32 v10, v9;
	v10 =	vld.idx.msk [tilespmem:v15+s2+$0x0], $0xffff;
	_ =	sdelay $0x1  }
0x14b: {  	v9 =	vadd.f32 v12, v9;
	_ =	sdelay $0x1  }
0x14c: {  	v9 =	vadd.f32 v11, v9  }
0x14d: {  	v11 =	vadd.s32 $0x9120, v1  }
0x14e: {  	v9 =	vadd.f32 v10, v9  }
0x14f: {  	v10 =	vadd.s32 $0x9528, v2  }
0x150: {  	v9 =	vmax.f32 v9, $0.0e+00  }
0x151: {  	[tilespmem:s5+$0xFFFFF3C0] =	vst v9;
	v9 =	vadd.s32 $0x9930, v3  }
0x152: {  	v11 =	vld.idx.msk [tilespmem:v11+s2+$0x0], $0xffff  }
0x153: {  	v13 =	vadd.s32 $0x9D38, v4;
	v12 =	vld [tilespmem:$0x1BD80]  }
0x154: {  	v10 =	vld.idx.msk [tilespmem:v10+s2+$0x0], $0xffff  }
0x155: {  	v14 =	vadd.s32 $0xA140, v6  }
0x156: {  	v9 =	vld.idx.msk [tilespmem:v9+s2+$0x0], $0xffff  }
0x157: {  	v15 =	vadd.s32 $0xA548, v5  }
0x158: {  	v11 =	vadd.f32 v11, v12;
	v12 =	vld.idx.msk [tilespmem:v13+s2+$0x0], $0xffff  }
0x159: {  	v13 =	vadd.s32 $0xA950, v0  }
0x15a: {  	v10 =	vadd.f32 v10, v11;
	v11 =	vld.idx.msk [tilespmem:v14+s2+$0x0], $0xffff  }
0x15b: {  	v14 =	vadd.s32 $0xAD58, v7  }
0x15c: {  	v9 =	vadd.f32 v9, v10;
	v10 =	vld.idx.msk [tilespmem:v15+s2+$0x0], $0xffff  }
0x15d: {  	v15 =	vadd.s32 $0xB160, v8  }
0x15e: {  	v9 =	vadd.f32 v12, v9;
	v12 =	vld.idx.msk [tilespmem:v13+s2+$0x0], $0xffff;
	_ =	sdelay $0x1  }
0x15f: {  	v9 =	vadd.f32 v11, v9;
	v11 =	vld.idx.msk [tilespmem:v14+s2+$0x0], $0xffff;
	_ =	sdelay $0x1  }
0x160: {  	v9 =	vadd.f32 v10, v9;
	v10 =	vld.idx.msk [tilespmem:v15+s2+$0x0], $0xffff;
	_ =	sdelay $0x1  }
0x161: {  	v9 =	vadd.f32 v12, v9;
	_ =	sdelay $0x1  }
0x162: {  	v9 =	vadd.f32 v11, v9  }
0x163: {  	v11 =	vadd.s32 $0xB568, v1  }
0x164: {  	v9 =	vadd.f32 v10, v9  }
0x165: {  	v10 =	vadd.s32 $0xB970, v2  }
0x166: {  	s10 =	sand.u32 $0x7F0, s6;
	s6 =	smov.u32 s11;
	v12 =	vadd.s32 $0xBD78, v3;
	v9 =	vmax.f32 v9, $0.0e+00  }
0x167: {  	[tilespmem:s10+$0x1A300] =	vst v9;
	v9 =	vadd.s32 $0xC180, v4  }
0x168: {  	v13 =	vadd.s32 $0xC588, v6;
	v11 =	vld.idx.msk [tilespmem:v11+s2+$0x0], $0xffff  }
0x169: {  	v15 =	vadd.s32 $0xC990, v5;
	v14 =	vld [tilespmem:$0x1BE00]  }
0x16a: {  	v16 =	vadd.s32 $0xCD98, v0;
	v10 =	vld.idx.msk [tilespmem:v10+s2+$0x0], $0xffff  }
0x16b: {  	v17 =	vadd.s32 $0xD1A0, v7;
	v12 =	vld.idx.msk [tilespmem:v12+s2+$0x0], $0xffff  }
0x16c: {  	v18 =	vadd.s32 $0xD5A8, v8;
	v9 =	vld.idx.msk [tilespmem:v9+s2+$0x0], $0xffff  }
0x16d: {  	v13 =	vld.idx.msk [tilespmem:v13+s2+$0x0], $0xffff  }
0x16e: {  	v11 =	vadd.f32 v11, v14;
	v14 =	vld.idx.msk [tilespmem:v15+s2+$0x0], $0xffff  }
0x16f: {  	v15 =	vld.idx.msk [tilespmem:v16+s2+$0x0], $0xffff  }
0x170: {  	v10 =	vadd.f32 v10, v11;
	v11 =	vld.idx.msk [tilespmem:v17+s2+$0x0], $0xffff  }
0x171: {  	v16 =	vld.idx.msk [tilespmem:v18+s2+$0x0], $0xffff  }
0x172: {  	v10 =	vadd.f32 v12, v10;
	_ =	sdelay $0x1  }
0x173: {  	v9 =	vadd.f32 v9, v10;
	_ =	sdelay $0x1  }
0x174: {  	v9 =	vadd.f32 v13, v9;
	_ =	sdelay $0x1  }
0x175: {  	v9 =	vadd.f32 v14, v9;
	_ =	sdelay $0x1  }
0x176: {  	v9 =	vadd.f32 v15, v9;
	_ =	sdelay $0x1  }
0x177: {  	v9 =	vadd.f32 v11, v9  }
0x178: {  	v10 =	vadd.s32 $0xD9B0, v1  }
0x179: {  	v9 =	vadd.f32 v16, v9  }
0x17a: {  	v11 =	vadd.s32 $0xDDB8, v2  }
0x17b: {  	v12 =	vadd.s32 $0xE1C0, v3;
	v9 =	vmax.f32 v9, $0.0e+00  }
0x17c: {  	[tilespmem:s5+$0x0] =	vst v9;
	v9 =	vadd.s32 $0xE5C8, v4  }
0x17d: {  	v13 =	vadd.s32 $0xE9D0, v6;
	v10 =	vld.idx.msk [tilespmem:v10+s2+$0x0], $0xffff  }
0x17e: {  	v15 =	vadd.s32 $0xEDD8, v5;
	v14 =	vld [tilespmem:$0x1BE80]  }
0x17f: {  	v16 =	vadd.s32 $0xF1E0, v0;
	v11 =	vld.idx.msk [tilespmem:v11+s2+$0x0], $0xffff  }
0x180: {  	v17 =	vadd.s32 $0xF5E8, v7;
	v12 =	vld.idx.msk [tilespmem:v12+s2+$0x0], $0xffff  }
0x181: {  	v18 =	vadd.s32 $0xF9F0, v8;
	v9 =	vld.idx.msk [tilespmem:v9+s2+$0x0], $0xffff  }
0x182: {  	v13 =	vld.idx.msk [tilespmem:v13+s2+$0x0], $0xffff  }
0x183: {  	v10 =	vadd.f32 v10, v14;
	v14 =	vld.idx.msk [tilespmem:v15+s2+$0x0], $0xffff  }
0x184: {  	v15 =	vld.idx.msk [tilespmem:v16+s2+$0x0], $0xffff  }
0x185: {  	v10 =	vadd.f32 v11, v10;
	v11 =	vld.idx.msk [tilespmem:v17+s2+$0x0], $0xffff  }
0x186: {  	v16 =	vld.idx.msk [tilespmem:v18+s2+$0x0], $0xffff  }
0x187: {  	v10 =	vadd.f32 v12, v10;
	_ =	sdelay $0x1  }
0x188: {  	v9 =	vadd.f32 v9, v10;
	_ =	sdelay $0x1  }
0x189: {  	v9 =	vadd.f32 v13, v9;
	_ =	sdelay $0x1  }
0x18a: {  	v9 =	vadd.f32 v14, v9;
	_ =	sdelay $0x1  }
0x18b: {  	v9 =	vadd.f32 v15, v9;
	_ =	sdelay $0x1  }
0x18c: {  	v9 =	vadd.f32 v11, v9;
	_ =	sdelay $0x1  }
0x18d: {  	v1 =	vadd.s32 $0xFDF8, v1;
	v9 =	vadd.f32 v16, v9  }
0x18e: {  	v2 =	vadd.s32 $0x10200, v2  }
0x18f: {  	v3 =	vadd.s32 $0x10608, v3;
	v9 =	vmax.f32 v9, $0.0e+00  }
0x190: {  	v4 =	vadd.s32 $0x10A10, v4;
	[tilespmem:s5+$0x620] =	vst v9  }
0x191: {  	v6 =	vadd.s32 $0x10E18, v6;
	v9 =	vld [tilespmem:$0x1BF00]  }
0x192: {  	v5 =	vadd.s32 $0x11220, v5;
	v1 =	vld.idx.msk [tilespmem:v1+s2+$0x0], $0xffff  }
0x193: {  	v0 =	vadd.s32 $0x11628, v0;
	v2 =	vld.idx.msk [tilespmem:v2+s2+$0x0], $0xffff  }
0x194: {  	v7 =	vadd.s32 $0x11A30, v7;
	v3 =	vld.idx.msk [tilespmem:v3+s2+$0x0], $0xffff  }
0x195: {  	v8 =	vadd.s32 $0x11E38, v8;
	v4 =	vld.idx.msk [tilespmem:v4+s2+$0x0], $0xffff  }
0x196: {  	v6 =	vld.idx.msk [tilespmem:v6+s2+$0x0], $0xffff  }
0x197: {  	v5 =	vld.idx.msk [tilespmem:v5+s2+$0x0], $0xffff  }
0x198: {  	v9 =	vadd.f32 v1, v9;
	v0 =	vld.idx.msk [tilespmem:v0+s2+$0x0], $0xffff  }
0x199: {  	v1 =	vld.idx.msk [tilespmem:v7+s2+$0x0], $0xffff  }
0x19a: {  	v7 =	vadd.f32 v2, v9;
	v2 =	vld.idx.msk [tilespmem:v8+s2+$0x0], $0xffff;
	_ =	sdelay $0x1  }
0x19b: {  	v3 =	vadd.f32 v3, v7;
	_ =	sdelay $0x1  }
.Ltmp0:
0x19c: {  	v3 =	vadd.f32 v4, v3;
	(pc) =	sbr.rel @p0 .LBB2_2-.Ltmp0, $3  }
0x19d: {  	_ = 	snop  }
0x19e: {  	v3 =	vadd.f32 v6, v3;
	_ =	sdelay $0x1  }
0x19f: {  	s9 =	sadd.s32 $0x80, s9;
	s10 =	smov.u32 s26;
	s5 =	sadd.s32 $0x10, s5;
	v3 =	vadd.f32 v5, v3  }
0x1a0: {  	_ = 	snop  }
0x1a1: {  	v0 =	vadd.f32 v0, v3;
	_ =	sdelay $0x1  }
0x1a2: {  	v0 =	vadd.f32 v1, v0;
	_ =	sdelay $0x1  }
0x1a3: {  	v0 =	vadd.f32 v2, v0;
	_ =	sdelay $0x1  }
0x1a4: {  	s9 =	sand.u32 $0x3C00, s9;
	v0 =	vmax.f32 v0, $0.0e+00  }
0x1a5: {  	s7 =	sor.u32 s7, s9;
	[tilespmem:s8+$0xC40] =	vst v0  }
0x1a6: {  	s11 =	sadd.s32 $0x12280, s7;
	v7 =	vld [tilespmem:s7+$0x12280]  }
0x1a7: {  	v8 =	vld [tilespmem:s11+$0x80];
	_ =	sdelay $0x1  }
0x1a8: {  	v6 =	vld [tilespmem:s11+$0x100];
	_ =	sdelay $0x1  }
0x1a9: {  	v2 =	vld [tilespmem:s11+$0x180]  }
0x1aa: {  	v3 =	vld [tilespmem:s11+$0x200];
	v4 =	vadd.s32 $0x408, v8  }
0x1ab: {  	v0 =	vld [tilespmem:s11+$0x280]  }
0x1ac: {  	v10 =	vld [tilespmem:$0x1BB80];
	v5 =	vadd.s32 $0x810, v6  }
0x1ad: {  	v9 =	vld.idx.msk [tilespmem:v7+s2+$0x0], $0xffff  }
0x1ae: {  	v1 =	vld [tilespmem:s11+$0x300];
	v11 =	vadd.s32 $0xC18, v2  }
0x1af: {  	v12 =	vld.idx.msk [tilespmem:v4+s2+$0x0], $0xffff  }
0x1b0: {  	v13 =	vadd.s32 $0x1020, v3;
	v4 =	vld [tilespmem:s11+$0x380]  }
0x1b1: {  	v14 =	vld.idx.msk [tilespmem:v5+s2+$0x0], $0xffff  }
0x1b2: {  	v15 =	vadd.s32 $0x1428, v0;
	v5 =	vld [tilespmem:s7+$0x15680];
	v9 =	vadd.f32 v9, v10  }
0x1b3: {  	v41 =	vld.idx.msk [tilespmem:v11+s2+$0x0], $0xffff  }
0x1b4: {  	v42 =	vadd.s32 $0x1830, v1;
	v9 =	vadd.f32 v12, v9  }
0x1b5: {  	v43 =	vld.idx.msk [tilespmem:v13+s2+$0x0], $0xffff  }
0x1b6: {  	v44 =	vadd.s32 $0x1C38, v4;
	v9 =	vadd.f32 v14, v9  }
0x1b7: {  	v45 =	vld.idx.msk [tilespmem:v15+s2+$0x0], $0xffff  }
0x1b8: {  	v46 =	vadd.s32 $0x2040, v5;
	v9 =	vadd.f32 v41, v9  }
0x1b9: {  	v47 =	vld.idx.msk [tilespmem:v42+s2+$0x0], $0xffff  }
0x1ba: {  	v9 =	vadd.f32 v43, v9  }
0x1bb: {  	v48 =	vld.idx.msk [tilespmem:v44+s2+$0x0], $0xffff  }
0x1bc: {  	v9 =	vadd.f32 v45, v9  }
0x1bd: {  	v49 =	vld.idx.msk [tilespmem:v46+s2+$0x0], $0xffff  }
0x1be: {  	v9 =	vadd.f32 v47, v9;
	_ =	sdelay $0x1  }
0x1bf: {  	v9 =	vadd.f32 v48, v9  }
0x1c0: {  	v50 =	vadd.s32 $0x2448, v7  }
0x1c1: {  	v9 =	vadd.f32 v49, v9;
	_ =	sdelay $0x1  }
0x1c2: {  	v51 =	vadd.s32 $0x2850, v8;
	v9 =	vmax.f32 v9, $0.0e+00  }
0x1c3: {  	[tilespmem:s5+$0xFFFFE160] =	vst v9  }
0x1c4: {  	v52 =	vadd.s32 $0x2C58, v6;
	v10 =	vld.idx.msk [tilespmem:v50+s2+$0x0], $0xffff  }
0x1c5: {  	v53 =	vld [tilespmem:$0x1BC00]  }
0x1c6: {  	v54 =	vadd.s32 $0x3060, v2  }
0x1c7: {  	v11 =	vld.idx.msk [tilespmem:v51+s2+$0x0], $0xffff  }
0x1c8: {  	v55 =	vadd.s32 $0x3468, v3  }
0x1c9: {  	v9 =	vld.idx.msk [tilespmem:v52+s2+$0x0], $0xffff  }
0x1ca: {  	v56 =	vadd.s32 $0x3870, v0;
	v10 =	vadd.f32 v10, v53  }
0x1cb: {  	v57 =	vld.idx.msk [tilespmem:v54+s2+$0x0], $0xffff  }
0x1cc: {  	v58 =	vadd.s32 $0x3C78, v1;
	v10 =	vadd.f32 v11, v10  }
0x1cd: {  	v59 =	vld.idx.msk [tilespmem:v55+s2+$0x0], $0xffff  }
0x1ce: {  	v60 =	vadd.s32 $0x4080, v4;
	v9 =	vadd.f32 v9, v10  }
0x1cf: {  	v61 =	vld.idx.msk [tilespmem:v56+s2+$0x0], $0xffff  }
0x1d0: {  	v62 =	vadd.s32 $0x4488, v5;
	v9 =	vadd.f32 v57, v9  }
0x1d1: {  	v63 =	vld.idx.msk [tilespmem:v58+s2+$0x0], $0xffff  }
0x1d2: {  	v9 =	vadd.f32 v59, v9  }
0x1d3: {  	v16 =	vld.idx.msk [tilespmem:v60+s2+$0x0], $0xffff  }
0x1d4: {  	v9 =	vadd.f32 v61, v9  }
0x1d5: {  	v17 =	vld.idx.msk [tilespmem:v62+s2+$0x0], $0xffff  }
0x1d6: {  	v9 =	vadd.f32 v63, v9;
	_ =	sdelay $0x1  }
0x1d7: {  	v9 =	vadd.f32 v16, v9  }
0x1d8: {  	v18 =	vadd.s32 $0x4890, v7  }
0x1d9: {  	v9 =	vadd.f32 v17, v9;
	_ =	sdelay $0x1  }
0x1da: {  	v19 =	vadd.s32 $0x4C98, v8;
	v9 =	vmax.f32 v9, $0.0e+00  }
0x1db: {  	[tilespmem:s5+$0xFFFFE780] =	vst v9  }
0x1dc: {  	v20 =	vadd.s32 $0x50A0, v6;
	v11 =	vld.idx.msk [tilespmem:v18+s2+$0x0], $0xffff  }
0x1dd: {  	v21 =	vld [tilespmem:$0x1BC80]  }
0x1de: {  	v22 =	vadd.s32 $0x54A8, v2  }
0x1df: {  	v10 =	vld.idx.msk [tilespmem:v19+s2+$0x0], $0xffff  }
0x1e0: {  	v23 =	vadd.s32 $0x58B0, v3  }
0x1e1: {  	v9 =	vld.idx.msk [tilespmem:v20+s2+$0x0], $0xffff  }
0x1e2: {  	v24 =	vadd.s32 $0x5CB8, v0;
	v11 =	vadd.f32 v11, v21  }
0x1e3: {  	v25 =	vld.idx.msk [tilespmem:v22+s2+$0x0], $0xffff  }
0x1e4: {  	v26 =	vadd.s32 $0x60C0, v1;
	v10 =	vadd.f32 v10, v11  }
0x1e5: {  	v27 =	vld.idx.msk [tilespmem:v23+s2+$0x0], $0xffff  }
0x1e6: {  	v28 =	vadd.s32 $0x64C8, v4;
	v9 =	vadd.f32 v9, v10  }
0x1e7: {  	v29 =	vld.idx.msk [tilespmem:v24+s2+$0x0], $0xffff  }
0x1e8: {  	v30 =	vadd.s32 $0x68D0, v5;
	v9 =	vadd.f32 v25, v9  }
0x1e9: {  	v31 =	vld.idx.msk [tilespmem:v26+s2+$0x0], $0xffff  }
0x1ea: {  	v9 =	vadd.f32 v27, v9  }
0x1eb: {  	v32 =	vld.idx.msk [tilespmem:v28+s2+$0x0], $0xffff  }
0x1ec: {  	v9 =	vadd.f32 v29, v9  }
0x1ed: {  	v33 =	vld.idx.msk [tilespmem:v30+s2+$0x0], $0xffff  }
0x1ee: {  	v9 =	vadd.f32 v31, v9;
	_ =	sdelay $0x1  }
0x1ef: {  	v9 =	vadd.f32 v32, v9  }
0x1f0: {  	v34 =	vadd.s32 $0x6CD8, v7  }
0x1f1: {  	v9 =	vadd.f32 v33, v9;
	_ =	sdelay $0x1  }
0x1f2: {  	v35 =	vadd.s32 $0x70E0, v8;
	v9 =	vmax.f32 v9, $0.0e+00  }
0x1f3: {  	[tilespmem:s5+$0xFFFFEDA0] =	vst v9  }
0x1f4: {  	v36 =	vadd.s32 $0x74E8, v6;
	v11 =	vld.idx.msk [tilespmem:v34+s2+$0x0], $0xffff  }
0x1f5: {  	v37 =	vld [tilespmem:$0x1BD00]  }
0x1f6: {  	v38 =	vadd.s32 $0x78F0, v2  }
0x1f7: {  	v10 =	vld.idx.msk [tilespmem:v35+s2+$0x0], $0xffff  }
0x1f8: {  	v39 =	vadd.s32 $0x7CF8, v3  }
0x1f9: {  	v9 =	vld.idx.msk [tilespmem:v36+s2+$0x0], $0xffff  }
0x1fa: {  	v40 =	vadd.s32 $0x8100, v0;
	v11 =	vadd.f32 v11, v37  }
0x1fb: {  	v41 =	vld.idx.msk [tilespmem:v38+s2+$0x0], $0xffff  }
0x1fc: {  	v42 =	vadd.s32 $0x8508, v1;
	v10 =	vadd.f32 v10, v11  }
0x1fd: {  	v43 =	vld.idx.msk [tilespmem:v39+s2+$0x0], $0xffff  }
0x1fe: {  	v44 =	vadd.s32 $0x8910, v4;
	v9 =	vadd.f32 v9, v10  }
0x1ff: {  	v45 =	vld.idx.msk [tilespmem:v40+s2+$0x0], $0xffff  }
0x200: {  	v46 =	vadd.s32 $0x8D18, v5;
	v9 =	vadd.f32 v41, v9  }
0x201: {  	v47 =	vld.idx.msk [tilespmem:v42+s2+$0x0], $0xffff  }
0x202: {  	v9 =	vadd.f32 v43, v9  }
0x203: {  	v48 =	vld.idx.msk [tilespmem:v44+s2+$0x0], $0xffff  }
0x204: {  	v9 =	vadd.f32 v45, v9  }
0x205: {  	v49 =	vld.idx.msk [tilespmem:v46+s2+$0x0], $0xffff  }
0x206: {  	v9 =	vadd.f32 v47, v9;
	_ =	sdelay $0x1  }
0x207: {  	v9 =	vadd.f32 v48, v9  }
0x208: {  	v50 =	vadd.s32 $0x9120, v7  }
0x209: {  	v9 =	vadd.f32 v49, v9;
	_ =	sdelay $0x1  }
0x20a: {  	v51 =	vadd.s32 $0x9528, v8;
	v9 =	vmax.f32 v9, $0.0e+00  }
0x20b: {  	[tilespmem:s5+$0xFFFFF3C0] =	vst v9  }
0x20c: {  	v52 =	vadd.s32 $0x9930, v6;
	v11 =	vld.idx.msk [tilespmem:v50+s2+$0x0], $0xffff  }
0x20d: {  	v53 =	vld [tilespmem:$0x1BD80]  }
0x20e: {  	v54 =	vadd.s32 $0x9D38, v2  }
0x20f: {  	v10 =	vld.idx.msk [tilespmem:v51+s2+$0x0], $0xffff  }
0x210: {  	v55 =	vadd.s32 $0xA140, v3  }
0x211: {  	v9 =	vld.idx.msk [tilespmem:v52+s2+$0x0], $0xffff  }
0x212: {  	v56 =	vadd.s32 $0xA548, v0;
	v11 =	vadd.f32 v11, v53  }
0x213: {  	v57 =	vld.idx.msk [tilespmem:v54+s2+$0x0], $0xffff  }
0x214: {  	v58 =	vadd.s32 $0xA950, v1;
	v10 =	vadd.f32 v10, v11  }
0x215: {  	v59 =	vld.idx.msk [tilespmem:v55+s2+$0x0], $0xffff  }
0x216: {  	v60 =	vadd.s32 $0xAD58, v4;
	v9 =	vadd.f32 v9, v10  }
0x217: {  	v61 =	vld.idx.msk [tilespmem:v56+s2+$0x0], $0xffff  }
0x218: {  	v62 =	vadd.s32 $0xB160, v5;
	v9 =	vadd.f32 v57, v9  }
0x219: {  	v63 =	vld.idx.msk [tilespmem:v58+s2+$0x0], $0xffff  }
0x21a: {  	v9 =	vadd.f32 v59, v9  }
0x21b: {  	v14 =	vld.idx.msk [tilespmem:v60+s2+$0x0], $0xffff  }
0x21c: {  	v9 =	vadd.f32 v61, v9  }
0x21d: {  	v16 =	vld.idx.msk [tilespmem:v62+s2+$0x0], $0xffff  }
0x21e: {  	v9 =	vadd.f32 v63, v9;
	_ =	sdelay $0x1  }
0x21f: {  	v9 =	vadd.f32 v14, v9  }
0x220: {  	v17 =	vadd.s32 $0xB568, v7  }
0x221: {  	v9 =	vadd.f32 v16, v9;
	_ =	sdelay $0x1  }
0x222: {  	s6 =	sand.u32 $0x7F0, s6;
	v18 =	vadd.s32 $0xB970, v8;
	v9 =	vmax.f32 v9, $0.0e+00  }
0x223: {  	[tilespmem:s6+$0x1A300] =	vst v9  }
0x224: {  	v19 =	vadd.s32 $0xBD78, v6;
	v11 =	vld.idx.msk [tilespmem:v17+s2+$0x0], $0xffff  }
0x225: {  	v20 =	vld [tilespmem:$0x1BE00]  }
0x226: {  	v21 =	vadd.s32 $0xC180, v2  }
0x227: {  	v10 =	vld.idx.msk [tilespmem:v18+s2+$0x0], $0xffff  }
0x228: {  	v22 =	vadd.s32 $0xC588, v3  }
0x229: {  	v9 =	vld.idx.msk [tilespmem:v19+s2+$0x0], $0xffff  }
0x22a: {  	v23 =	vadd.s32 $0xC990, v0;
	v11 =	vadd.f32 v11, v20  }
0x22b: {  	v24 =	vld.idx.msk [tilespmem:v21+s2+$0x0], $0xffff  }
0x22c: {  	v25 =	vadd.s32 $0xCD98, v1;
	v10 =	vadd.f32 v10, v11  }
0x22d: {  	v26 =	vld.idx.msk [tilespmem:v22+s2+$0x0], $0xffff  }
0x22e: {  	v27 =	vadd.s32 $0xD1A0, v4;
	v9 =	vadd.f32 v9, v10  }
0x22f: {  	v28 =	vld.idx.msk [tilespmem:v23+s2+$0x0], $0xffff  }
0x230: {  	v29 =	vadd.s32 $0xD5A8, v5;
	v9 =	vadd.f32 v24, v9  }
0x231: {  	v30 =	vld.idx.msk [tilespmem:v25+s2+$0x0], $0xffff  }
0x232: {  	v9 =	vadd.f32 v26, v9  }
0x233: {  	v31 =	vld.idx.msk [tilespmem:v27+s2+$0x0], $0xffff  }
0x234: {  	v9 =	vadd.f32 v28, v9  }
0x235: {  	v32 =	vld.idx.msk [tilespmem:v29+s2+$0x0], $0xffff  }
0x236: {  	v9 =	vadd.f32 v30, v9;
	_ =	sdelay $0x1  }
0x237: {  	v9 =	vadd.f32 v31, v9  }
0x238: {  	v33 =	vadd.s32 $0xD9B0, v7  }
0x239: {  	v9 =	vadd.f32 v32, v9;
	_ =	sdelay $0x1  }
0x23a: {  	v34 =	vadd.s32 $0xDDB8, v8;
	v9 =	vmax.f32 v9, $0.0e+00  }
0x23b: {  	[tilespmem:s5+$0x0] =	vst v9  }
0x23c: {  	v35 =	vadd.s32 $0xE1C0, v6;
	v11 =	vld.idx.msk [tilespmem:v33+s2+$0x0], $0xffff  }
0x23d: {  	v36 =	vld [tilespmem:$0x1BE80]  }
0x23e: {  	v37 =	vadd.s32 $0xE5C8, v2  }
0x23f: {  	v10 =	vld.idx.msk [tilespmem:v34+s2+$0x0], $0xffff  }
0x240: {  	v38 =	vadd.s32 $0xE9D0, v3  }
0x241: {  	v9 =	vld.idx.msk [tilespmem:v35+s2+$0x0], $0xffff  }
0x242: {  	v39 =	vadd.s32 $0xEDD8, v0;
	v11 =	vadd.f32 v11, v36  }
0x243: {  	v40 =	vld.idx.msk [tilespmem:v37+s2+$0x0], $0xffff  }
0x244: {  	v41 =	vadd.s32 $0xF1E0, v1;
	v10 =	vadd.f32 v10, v11  }
0x245: {  	v42 =	vld.idx.msk [tilespmem:v38+s2+$0x0], $0xffff  }
0x246: {  	v43 =	vadd.s32 $0xF5E8, v4;
	v9 =	vadd.f32 v9, v10  }
0x247: {  	v44 =	vld.idx.msk [tilespmem:v39+s2+$0x0], $0xffff  }
0x248: {  	v45 =	vadd.s32 $0xF9F0, v5;
	v9 =	vadd.f32 v40, v9  }
0x249: {  	v46 =	vld.idx.msk [tilespmem:v41+s2+$0x0], $0xffff  }
0x24a: {  	v9 =	vadd.f32 v42, v9  }
0x24b: {  	v47 =	vld.idx.msk [tilespmem:v43+s2+$0x0], $0xffff  }
0x24c: {  	v9 =	vadd.f32 v44, v9  }
0x24d: {  	v48 =	vld.idx.msk [tilespmem:v45+s2+$0x0], $0xffff  }
0x24e: {  	v9 =	vadd.f32 v46, v9;
	_ =	sdelay $0x1  }
0x24f: {  	v9 =	vadd.f32 v47, v9;
	_ =	sdelay $0x1  }
0x250: {  	v7 =	vadd.s32 $0xFDF8, v7;
	v9 =	vadd.f32 v48, v9;
	_ =	sdelay $0x1  }
0x251: {  	v8 =	vadd.s32 $0x10200, v8;
	v9 =	vmax.f32 v9, $0.0e+00  }
0x252: {  	[tilespmem:s5+$0x620] =	vst v9  }
0x253: {  	v6 =	vadd.s32 $0x10608, v6;
	v9 =	vld [tilespmem:$0x1BF00]  }
0x254: {  	v7 =	vld.idx.msk [tilespmem:v7+s2+$0x0], $0xffff  }
0x255: {  	v2 =	vadd.s32 $0x10A10, v2  }
0x256: {  	v8 =	vld.idx.msk [tilespmem:v8+s2+$0x0], $0xffff  }
0x257: {  	v3 =	vadd.s32 $0x10E18, v3  }
0x258: {  	v6 =	vld.idx.msk [tilespmem:v6+s2+$0x0], $0xffff  }
0x259: {  	v0 =	vadd.s32 $0x11220, v0;
	v7 =	vadd.f32 v7, v9  }
0x25a: {  	v2 =	vld.idx.msk [tilespmem:v2+s2+$0x0], $0xffff  }
0x25b: {  	v1 =	vadd.s32 $0x11628, v1;
	v7 =	vadd.f32 v8, v7  }
0x25c: {  	v3 =	vld.idx.msk [tilespmem:v3+s2+$0x0], $0xffff  }
0x25d: {  	v4 =	vadd.s32 $0x11A30, v4;
	v6 =	vadd.f32 v6, v7  }
0x25e: {  	v0 =	vld.idx.msk [tilespmem:v0+s2+$0x0], $0xffff  }
0x25f: {  	v5 =	vadd.s32 $0x11E38, v5;
	v2 =	vadd.f32 v2, v6  }
0x260: {  	v1 =	vld.idx.msk [tilespmem:v1+s2+$0x0], $0xffff  }
0x261: {  	v2 =	vadd.f32 v3, v2  }
0x262: {  	v3 =	vld.idx.msk [tilespmem:v4+s2+$0x0], $0xffff  }
0x263: {  	v0 =	vadd.f32 v0, v2  }
0x264: {  	v2 =	vld.idx.msk [tilespmem:v5+s2+$0x0], $0xffff  }
0x265: {  	v0 =	vadd.f32 v1, v0;
	_ =	sdelay $0x1  }
0x266: {  	v0 =	vadd.f32 v3, v0;
	_ =	sdelay $0x1  }
0x267: {  	v0 =	vadd.f32 v2, v0;
	_ =	sdelay $0x1  }
0x268: {  	v0 =	vmax.f32 v0, $0.0e+00  }
0x269: {  	s12 =	rddreg [dreg:$0x5];
	s26 =	simm.s32 $0x18A80;
	s6 =	simm.s32 $0x0;
	[tilespmem:s5+$0xC40] =	vst v0  }
0x26a: {  	[hbm4b:s12+s6] =	stream.linear.scatter [tilespmem:s26], [sflag:$0x1], $0x620, $0x38;
	[tilespmem:$0x1BF80] =	vst v63  }
0x26b: {  	_ =	swait.ge [sflag:s24], $0x620  }
0x26c: {  	[sflag:s24] =	ssyncset.done $0x0  }
0x26d: {  	s28 =	rddreg [dreg:$0x6];
	[sflag:s24] =	ssyncadd.s32 $0xFFFFF9E0  }
0x26e: {  	[hbm4b:s28+s6] =	stream.linear.scatter [tilespmem:s29], [sflag:$0x1], $0x620, $0x38;
	[tilespmem:$0x1BF80] =	vst v63  }
0x26f: {  	_ =	swait.ge [sflag:s24], $0x620  }
0x270: {  	[sflag:s24] =	ssyncset.done $0x0  }
0x271: {  	s7 =	rddreg [dreg:$0x7];
	[sflag:s24] =	ssyncadd.s32 $0xFFFFF9E0  }
0x272: {  	[hbm4b:s7+s6] =	stream.linear.scatter [tilespmem:s30], [sflag:$0x1], $0x620, $0x38;
	[tilespmem:$0x1BF80] =	vst v63  }
0x273: {  	_ =	swait.ge [sflag:s24], $0x620  }
0x274: {  	[sflag:s24] =	ssyncset.done $0x0  }
0x275: {  	s8 =	rddreg [dreg:$0x8];
	[sflag:s24] =	ssyncadd.s32 $0xFFFFF9E0  }
0x276: {  	[hbm4b:s8+s6] =	stream.linear.scatter [tilespmem:s31], [sflag:$0x1], $0x620, $0x38;
	[tilespmem:$0x1BF80] =	vst v63  }
0x277: {  	_ =	swait.ge [sflag:s24], $0x620  }
0x278: {  	[sflag:s24] =	ssyncset.done $0x0  }
0x279: {  	s9 =	rddreg [dreg:$0x9];
	[sflag:s24] =	ssyncadd.s32 $0xFFFFF9E0  }
0x27a: {  	[hbm4b:s9+s6] =	stream.linear.scatter [tilespmem:s0], [sflag:$0x1], $0x620, $0x38;
	[tilespmem:$0x1BF80] =	vst v63  }
0x27b: {  	_ =	swait.ge [sflag:s24], $0x620  }
0x27c: {  	[sflag:s24] =	ssyncset.done $0x0  }
0x27d: {  	s5 =	simm.s32 $0x1A920;
	s10 =	rddreg [dreg:$0xa];
	[sflag:s24] =	ssyncadd.s32 $0xFFFFF9E0  }
0x27e: {  	[hbm4b:s10+s6] =	stream.linear.scatter [tilespmem:s5], [sflag:$0x1], $0x620, $0x38;
	[tilespmem:$0x1BF80] =	vst v63  }
0x27f: {  	_ =	swait.ge [sflag:s24], $0x620  }
0x280: {  	[sflag:s24] =	ssyncset.done $0x0  }
0x281: {  	s11 =	rddreg [dreg:$0xb];
	[sflag:s24] =	ssyncadd.s32 $0xFFFFF9E0  }
0x282: {  	[hbm4b:s11+s6] =	stream.linear.scatter [tilespmem:s1], [sflag:$0x1], $0x620, $0x38;
	[tilespmem:$0x1BF80] =	vst v63  }
0x283: {  	_ =	swait.ge [sflag:s24], $0x620  }
0x284: {  	[sflag:s24] =	ssyncset.done $0x0  }
0x285: {  	[sflag:s24] =	ssyncadd.s32 $0xFFFFF9E0  }
0x286: {  	[hbm4b:s13+s6] =	stream.linear.scatter [tilespmem:s25], [sflag:$0x1], $0x620, $0x38;
	[tilespmem:$0x1BF80] =	vst v63  }
0x287: {  	_ =	swait.ge [sflag:s24], $0x620  }
0x288: {  	[sflag:s24] =	ssyncset.done $0x0  }
0x289: {  	s12 =	simm.s32 $0x12280;
	[sflag:s24] =	ssyncadd.s32 $0xFFFFF9E0  }
0x28a: {  	[tilespmem:s12], [sflag:$0x1] =	stream.linear.gather [hbm4b:s14+s6], $0x6800, $0x38;
	[tilespmem:$0x1BF80] =	vst v63  }
0x28b: {  	_ =	swait.ge [sflag:s24], $0x6800  }
0x28c: {  	s26 =	sand.u32 $0x70, s6;
	s28 =	sand.u32 $0x3C00, s6;
	[sflag:s24] =	ssyncset.done $0x0  }
0x28d: {  	s7 =	sor.u32 s26, s28;
	[sflag:s24] =	ssyncadd.s32 $0xFFFF9800  }
0x28e: {  	s8 =	sadd.s32 $0x12280, s7;
	v7 =	vld [tilespmem:s7+$0x12280]  }
0x28f: {  	v8 =	vld [tilespmem:s8+$0x80];
	_ =	sdelay $0x1  }
0x290: {  	v5 =	vld [tilespmem:s8+$0x100];
	_ =	sdelay $0x1  }
0x291: {  	v2 =	vld [tilespmem:s8+$0x180]  }
0x292: {  	v3 =	vld [tilespmem:s8+$0x200];
	v4 =	vadd.s32 $0x408, v8  }
0x293: {  	v1 =	vld [tilespmem:s8+$0x280]  }
0x294: {  	v51 =	vld [tilespmem:$0x1BB80];
	v49 =	vadd.s32 $0x810, v5  }
0x295: {  	v50 =	vld.idx.msk [tilespmem:v7+s2+$0x0], $0xffff  }
0x296: {  	v0 =	vld [tilespmem:s8+$0x300];
	v52 =	vadd.s32 $0xC18, v2  }
0x297: {  	v53 =	vld.idx.msk [tilespmem:v4+s2+$0x0], $0xffff  }
0x298: {  	v54 =	vadd.s32 $0x1020, v3;
	v4 =	vld [tilespmem:s8+$0x380]  }
0x299: {  	v55 =	vld.idx.msk [tilespmem:v49+s2+$0x0], $0xffff  }
0x29a: {  	v6 =	vld [tilespmem:s7+$0x15680];
	v56 =	vadd.s32 $0x1428, v1;
	v9 =	vadd.f32 v50, v51  }
0x29b: {  	v57 =	vld.idx.msk [tilespmem:v52+s2+$0x0], $0xffff  }
0x29c: {  	v58 =	vadd.s32 $0x1830, v0;
	v9 =	vadd.f32 v53, v9  }
0x29d: {  	v59 =	vld.idx.msk [tilespmem:v54+s2+$0x0], $0xffff  }
0x29e: {  	v60 =	vadd.s32 $0x1C38, v4;
	v9 =	vadd.f32 v55, v9  }
0x29f: {  	v61 =	vld.idx.msk [tilespmem:v56+s2+$0x0], $0xffff  }
0x2a0: {  	v62 =	vadd.s32 $0x2040, v6;
	v9 =	vadd.f32 v57, v9  }
0x2a1: {  	v63 =	vld.idx.msk [tilespmem:v58+s2+$0x0], $0xffff  }
0x2a2: {  	v9 =	vadd.f32 v59, v9  }
0x2a3: {  	v16 =	vld.idx.msk [tilespmem:v60+s2+$0x0], $0xffff  }
0x2a4: {  	v9 =	vadd.f32 v61, v9  }
0x2a5: {  	v17 =	vld.idx.msk [tilespmem:v62+s2+$0x0], $0xffff  }
0x2a6: {  	v9 =	vadd.f32 v63, v9;
	_ =	sdelay $0x1  }
0x2a7: {  	v9 =	vadd.f32 v16, v9  }
0x2a8: {  	v18 =	vadd.s32 $0x2448, v7  }
0x2a9: {  	v9 =	vadd.f32 v17, v9;
	_ =	sdelay $0x1  }
0x2aa: {  	v19 =	vadd.s32 $0x2850, v8;
	v9 =	vmax.f32 v9, $0.0e+00  }
0x2ab: {  	[tilespmem:s5+$0xFFFFE160] =	vst v9  }
0x2ac: {  	v20 =	vadd.s32 $0x2C58, v5;
	v10 =	vld.idx.msk [tilespmem:v18+s2+$0x0], $0xffff  }
0x2ad: {  	v21 =	vld [tilespmem:$0x1BC00]  }
0x2ae: {  	v22 =	vadd.s32 $0x3060, v2  }
0x2af: {  	v11 =	vld.idx.msk [tilespmem:v19+s2+$0x0], $0xffff  }
0x2b0: {  	v23 =	vadd.s32 $0x3468, v3  }
0x2b1: {  	v9 =	vld.idx.msk [tilespmem:v20+s2+$0x0], $0xffff  }
0x2b2: {  	v24 =	vadd.s32 $0x3870, v1;
	v10 =	vadd.f32 v10, v21  }
0x2b3: {  	v25 =	vld.idx.msk [tilespmem:v22+s2+$0x0], $0xffff  }
0x2b4: {  	v26 =	vadd.s32 $0x3C78, v0;
	v10 =	vadd.f32 v11, v10  }
0x2b5: {  	v27 =	vld.idx.msk [tilespmem:v23+s2+$0x0], $0xffff  }
0x2b6: {  	v28 =	vadd.s32 $0x4080, v4;
	v9 =	vadd.f32 v9, v10  }
0x2b7: {  	v29 =	vld.idx.msk [tilespmem:v24+s2+$0x0], $0xffff  }
0x2b8: {  	v30 =	vadd.s32 $0x4488, v6;
	v9 =	vadd.f32 v25, v9  }
0x2b9: {  	v31 =	vld.idx.msk [tilespmem:v26+s2+$0x0], $0xffff  }
0x2ba: {  	v9 =	vadd.f32 v27, v9  }
0x2bb: {  	v32 =	vld.idx.msk [tilespmem:v28+s2+$0x0], $0xffff  }
0x2bc: {  	v9 =	vadd.f32 v29, v9  }
0x2bd: {  	v33 =	vld.idx.msk [tilespmem:v30+s2+$0x0], $0xffff  }
0x2be: {  	v9 =	vadd.f32 v31, v9;
	_ =	sdelay $0x1  }
0x2bf: {  	v9 =	vadd.f32 v32, v9  }
0x2c0: {  	v34 =	vadd.s32 $0x4890, v7  }
0x2c1: {  	v9 =	vadd.f32 v33, v9;
	_ =	sdelay $0x1  }
0x2c2: {  	v35 =	vadd.s32 $0x4C98, v8;
	v9 =	vmax.f32 v9, $0.0e+00  }
0x2c3: {  	[tilespmem:s5+$0xFFFFE780] =	vst v9  }
0x2c4: {  	v36 =	vadd.s32 $0x50A0, v5;
	v11 =	vld.idx.msk [tilespmem:v34+s2+$0x0], $0xffff  }
0x2c5: {  	v37 =	vld [tilespmem:$0x1BC80]  }
0x2c6: {  	v38 =	vadd.s32 $0x54A8, v2  }
0x2c7: {  	v10 =	vld.idx.msk [tilespmem:v35+s2+$0x0], $0xffff  }
0x2c8: {  	v39 =	vadd.s32 $0x58B0, v3  }
0x2c9: {  	v9 =	vld.idx.msk [tilespmem:v36+s2+$0x0], $0xffff  }
0x2ca: {  	v40 =	vadd.s32 $0x5CB8, v1;
	v11 =	vadd.f32 v11, v37  }
0x2cb: {  	v41 =	vld.idx.msk [tilespmem:v38+s2+$0x0], $0xffff  }
0x2cc: {  	v42 =	vadd.s32 $0x60C0, v0;
	v10 =	vadd.f32 v10, v11  }
0x2cd: {  	v43 =	vld.idx.msk [tilespmem:v39+s2+$0x0], $0xffff  }
0x2ce: {  	v44 =	vadd.s32 $0x64C8, v4;
	v9 =	vadd.f32 v9, v10  }
0x2cf: {  	v45 =	vld.idx.msk [tilespmem:v40+s2+$0x0], $0xffff  }
0x2d0: {  	v46 =	vadd.s32 $0x68D0, v6;
	v9 =	vadd.f32 v41, v9  }
0x2d1: {  	v47 =	vld.idx.msk [tilespmem:v42+s2+$0x0], $0xffff  }
0x2d2: {  	v9 =	vadd.f32 v43, v9  }
0x2d3: {  	v48 =	vld.idx.msk [tilespmem:v44+s2+$0x0], $0xffff  }
0x2d4: {  	v9 =	vadd.f32 v45, v9  }
0x2d5: {  	v49 =	vld.idx.msk [tilespmem:v46+s2+$0x0], $0xffff  }
0x2d6: {  	v9 =	vadd.f32 v47, v9;
	_ =	sdelay $0x1  }
0x2d7: {  	v9 =	vadd.f32 v48, v9  }
0x2d8: {  	v50 =	vadd.s32 $0x6CD8, v7  }
0x2d9: {  	v9 =	vadd.f32 v49, v9;
	_ =	sdelay $0x1  }
0x2da: {  	v51 =	vadd.s32 $0x70E0, v8;
	v9 =	vmax.f32 v9, $0.0e+00  }
0x2db: {  	[tilespmem:s5+$0xFFFFEDA0] =	vst v9  }
0x2dc: {  	v52 =	vadd.s32 $0x74E8, v5;
	v11 =	vld.idx.msk [tilespmem:v50+s2+$0x0], $0xffff  }
0x2dd: {  	v53 =	vld [tilespmem:$0x1BD00]  }
0x2de: {  	v54 =	vadd.s32 $0x78F0, v2  }
0x2df: {  	v10 =	vld.idx.msk [tilespmem:v51+s2+$0x0], $0xffff  }
0x2e0: {  	v55 =	vadd.s32 $0x7CF8, v3  }
0x2e1: {  	v9 =	vld.idx.msk [tilespmem:v52+s2+$0x0], $0xffff  }
0x2e2: {  	v56 =	vadd.s32 $0x8100, v1;
	v11 =	vadd.f32 v11, v53  }
0x2e3: {  	v57 =	vld.idx.msk [tilespmem:v54+s2+$0x0], $0xffff  }
0x2e4: {  	v58 =	vadd.s32 $0x8508, v0;
	v10 =	vadd.f32 v10, v11  }
0x2e5: {  	v59 =	vld.idx.msk [tilespmem:v55+s2+$0x0], $0xffff  }
0x2e6: {  	v60 =	vadd.s32 $0x8910, v4;
	v9 =	vadd.f32 v9, v10  }
0x2e7: {  	v61 =	vld.idx.msk [tilespmem:v56+s2+$0x0], $0xffff  }
0x2e8: {  	v62 =	vadd.s32 $0x8D18, v6;
	v9 =	vadd.f32 v57, v9  }
0x2e9: {  	v63 =	vld.idx.msk [tilespmem:v58+s2+$0x0], $0xffff  }
0x2ea: {  	v9 =	vadd.f32 v59, v9  }
0x2eb: {  	v13 =	vld.idx.msk [tilespmem:v60+s2+$0x0], $0xffff  }
0x2ec: {  	v9 =	vadd.f32 v61, v9  }
0x2ed: {  	v14 =	vld.idx.msk [tilespmem:v62+s2+$0x0], $0xffff  }
0x2ee: {  	v9 =	vadd.f32 v63, v9;
	_ =	sdelay $0x1  }
0x2ef: {  	v9 =	vadd.f32 v13, v9  }
0x2f0: {  	v15 =	vadd.s32 $0x9120, v7  }
0x2f1: {  	v9 =	vadd.f32 v14, v9;
	_ =	sdelay $0x1  }
0x2f2: {  	v16 =	vadd.s32 $0x9528, v8;
	v9 =	vmax.f32 v9, $0.0e+00  }
0x2f3: {  	[tilespmem:s5+$0xFFFFF3C0] =	vst v9  }
0x2f4: {  	v17 =	vadd.s32 $0x9930, v5;
	v11 =	vld.idx.msk [tilespmem:v15+s2+$0x0], $0xffff  }
0x2f5: {  	v18 =	vld [tilespmem:$0x1BD80]  }
0x2f6: {  	v19 =	vadd.s32 $0x9D38, v2  }
0x2f7: {  	v10 =	vld.idx.msk [tilespmem:v16+s2+$0x0], $0xffff  }
0x2f8: {  	v20 =	vadd.s32 $0xA140, v3  }
0x2f9: {  	v9 =	vld.idx.msk [tilespmem:v17+s2+$0x0], $0xffff  }
0x2fa: {  	v21 =	vadd.s32 $0xA548, v1;
	v11 =	vadd.f32 v11, v18  }
0x2fb: {  	v22 =	vld.idx.msk [tilespmem:v19+s2+$0x0], $0xffff  }
0x2fc: {  	v23 =	vadd.s32 $0xA950, v0;
	v10 =	vadd.f32 v10, v11  }
0x2fd: {  	v24 =	vld.idx.msk [tilespmem:v20+s2+$0x0], $0xffff  }
0x2fe: {  	v25 =	vadd.s32 $0xAD58, v4;
	v9 =	vadd.f32 v9, v10  }
0x2ff: {  	v26 =	vld.idx.msk [tilespmem:v21+s2+$0x0], $0xffff  }
0x300: {  	v27 =	vadd.s32 $0xB160, v6;
	v9 =	vadd.f32 v22, v9  }
0x301: {  	v28 =	vld.idx.msk [tilespmem:v23+s2+$0x0], $0xffff  }
0x302: {  	v9 =	vadd.f32 v24, v9  }
0x303: {  	v29 =	vld.idx.msk [tilespmem:v25+s2+$0x0], $0xffff  }
0x304: {  	v9 =	vadd.f32 v26, v9  }
0x305: {  	v30 =	vld.idx.msk [tilespmem:v27+s2+$0x0], $0xffff  }
0x306: {  	v9 =	vadd.f32 v28, v9;
	_ =	sdelay $0x1  }
0x307: {  	v9 =	vadd.f32 v29, v9  }
0x308: {  	v31 =	vadd.s32 $0xB568, v7  }
0x309: {  	v9 =	vadd.f32 v30, v9;
	_ =	sdelay $0x1  }
0x30a: {  	s6 =	sand.u32 $0x7F0, s6;
	v32 =	vadd.s32 $0xB970, v8;
	v9 =	vmax.f32 v9, $0.0e+00  }
0x30b: {  	[tilespmem:s6+$0x1A300] =	vst v9  }
0x30c: {  	v33 =	vadd.s32 $0xBD78, v5;
	v11 =	vld.idx.msk [tilespmem:v31+s2+$0x0], $0xffff  }
0x30d: {  	v34 =	vld [tilespmem:$0x1BE00]  }
0x30e: {  	v35 =	vadd.s32 $0xC180, v2  }
0x30f: {  	v10 =	vld.idx.msk [tilespmem:v32+s2+$0x0], $0xffff  }
0x310: {  	v36 =	vadd.s32 $0xC588, v3  }
0x311: {  	v9 =	vld.idx.msk [tilespmem:v33+s2+$0x0], $0xffff  }
0x312: {  	v37 =	vadd.s32 $0xC990, v1;
	v11 =	vadd.f32 v11, v34  }
0x313: {  	v38 =	vld.idx.msk [tilespmem:v35+s2+$0x0], $0xffff  }
0x314: {  	v39 =	vadd.s32 $0xCD98, v0;
	v10 =	vadd.f32 v10, v11  }
0x315: {  	v40 =	vld.idx.msk [tilespmem:v36+s2+$0x0], $0xffff  }
0x316: {  	v41 =	vadd.s32 $0xD1A0, v4;
	v9 =	vadd.f32 v9, v10  }
0x317: {  	v42 =	vld.idx.msk [tilespmem:v37+s2+$0x0], $0xffff  }
0x318: {  	v43 =	vadd.s32 $0xD5A8, v6;
	v9 =	vadd.f32 v38, v9  }
0x319: {  	v44 =	vld.idx.msk [tilespmem:v39+s2+$0x0], $0xffff  }
0x31a: {  	v9 =	vadd.f32 v40, v9  }
0x31b: {  	v45 =	vld.idx.msk [tilespmem:v41+s2+$0x0], $0xffff  }
0x31c: {  	v9 =	vadd.f32 v42, v9  }
0x31d: {  	v46 =	vld.idx.msk [tilespmem:v43+s2+$0x0], $0xffff  }
0x31e: {  	v9 =	vadd.f32 v44, v9;
	_ =	sdelay $0x1  }
0x31f: {  	v9 =	vadd.f32 v45, v9  }
0x320: {  	v47 =	vadd.s32 $0xD9B0, v7  }
0x321: {  	v9 =	vadd.f32 v46, v9;
	_ =	sdelay $0x1  }
0x322: {  	v48 =	vadd.s32 $0xDDB8, v8;
	v9 =	vmax.f32 v9, $0.0e+00  }
0x323: {  	[tilespmem:s5+$0x0] =	vst v9  }
0x324: {  	v49 =	vadd.s32 $0xE1C0, v5;
	v11 =	vld.idx.msk [tilespmem:v47+s2+$0x0], $0xffff  }
0x325: {  	v50 =	vld [tilespmem:$0x1BE80]  }
0x326: {  	v51 =	vadd.s32 $0xE5C8, v2  }
0x327: {  	v10 =	vld.idx.msk [tilespmem:v48+s2+$0x0], $0xffff  }
0x328: {  	v52 =	vadd.s32 $0xE9D0, v3  }
0x329: {  	v9 =	vld.idx.msk [tilespmem:v49+s2+$0x0], $0xffff  }
0x32a: {  	v53 =	vadd.s32 $0xEDD8, v1;
	v11 =	vadd.f32 v11, v50  }
0x32b: {  	v54 =	vld.idx.msk [tilespmem:v51+s2+$0x0], $0xffff  }
0x32c: {  	v55 =	vadd.s32 $0xF1E0, v0;
	v10 =	vadd.f32 v10, v11  }
0x32d: {  	v56 =	vld.idx.msk [tilespmem:v52+s2+$0x0], $0xffff  }
0x32e: {  	v57 =	vadd.s32 $0xF5E8, v4;
	v9 =	vadd.f32 v9, v10  }
0x32f: {  	v58 =	vld.idx.msk [tilespmem:v53+s2+$0x0], $0xffff  }
0x330: {  	v59 =	vadd.s32 $0xF9F0, v6;
	v9 =	vadd.f32 v54, v9  }
0x331: {  	v60 =	vld.idx.msk [tilespmem:v55+s2+$0x0], $0xffff  }
0x332: {  	v9 =	vadd.f32 v56, v9  }
0x333: {  	v61 =	vld.idx.msk [tilespmem:v57+s2+$0x0], $0xffff  }
0x334: {  	v9 =	vadd.f32 v58, v9  }
0x335: {  	v62 =	vld.idx.msk [tilespmem:v59+s2+$0x0], $0xffff  }
0x336: {  	v9 =	vadd.f32 v60, v9;
	_ =	sdelay $0x1  }
0x337: {  	v9 =	vadd.f32 v61, v9;
	_ =	sdelay $0x1  }
0x338: {  	v7 =	vadd.s32 $0xFDF8, v7;
	v9 =	vadd.f32 v62, v9;
	_ =	sdelay $0x1  }
0x339: {  	v8 =	vadd.s32 $0x10200, v8;
	v9 =	vmax.f32 v9, $0.0e+00  }
0x33a: {  	[tilespmem:s5+$0x620] =	vst v9  }
0x33b: {  	v5 =	vadd.s32 $0x10608, v5;
	v9 =	vld [tilespmem:$0x1BF00]  }
0x33c: {  	v7 =	vld.idx.msk [tilespmem:v7+s2+$0x0], $0xffff  }
0x33d: {  	v2 =	vadd.s32 $0x10A10, v2  }
0x33e: {  	v8 =	vld.idx.msk [tilespmem:v8+s2+$0x0], $0xffff  }
0x33f: {  	v3 =	vadd.s32 $0x10E18, v3  }
0x340: {  	v5 =	vld.idx.msk [tilespmem:v5+s2+$0x0], $0xffff  }
0x341: {  	v1 =	vadd.s32 $0x11220, v1;
	v7 =	vadd.f32 v7, v9  }
0x342: {  	v2 =	vld.idx.msk [tilespmem:v2+s2+$0x0], $0xffff  }
0x343: {  	v7 =	vadd.f32 v8, v7  }
0x344: {  	v0 =	vadd.s32 $0x11628, v0;
	v3 =	vld.idx.msk [tilespmem:v3+s2+$0x0], $0xffff  }
0x345: {  	v4 =	vadd.s32 $0x11A30, v4;
	v5 =	vadd.f32 v5, v7  }
0x346: {  	v6 =	vadd.s32 $0x11E38, v6;
	v63 =	vld.idx.msk [tilespmem:v1+s2+$0x0], $0xffff  }
0x347: {  	v2 =	vadd.f32 v2, v5;
	_ =	sdelay $0x1  }
0x348: {  	v1 =	vld.idx.msk [tilespmem:v0+s2+$0x0], $0xffff;
	v3 =	vadd.f32 v3, v2  }
0x349: {  	s26 =	simm.s32 $0x20;
	s7 =	simm.s32 $0x10;
	v0 =	vld.idx.msk [tilespmem:v4+s2+$0x0], $0xffff  }
0x34a: {  	s9 =	simm.s32 $0x80;
	s8 =	sand.u32 $0x70, s7;
	s6 =	simm.s32 $0x1A930;
	v2 =	vld.idx.msk [tilespmem:v6+s2+$0x0], $0xffff;
	v3 =	vadd.f32 v63, v3  }
.LBB2_4:
0x34b: {  	s12 =	sand.u32 $0x70, s26  }
0x34c: {  	s28 =	sand.u32 $0x3C00, s9;
	s11 =	smov.u32 s26;
	s10 =	sadd.s32 $0x10, s26  }
0x34d: {  	p0 =	sne.s32 s26, $0x610;
	s26 =	sor.u32 s8, s28;
	v1 =	vadd.f32 v1, v3;
	s8 =	smov.u32 s12  }
0x34e: {  	s12 =	sadd.s32 $0x12280, s26  }
0x34f: {  	v0 =	vadd.f32 v0, v1;
	_ =	sdelay $0x1  }
0x350: {  	v0 =	vadd.f32 v2, v0;
	_ =	sdelay $0x1  }
0x351: {  	v0 =	vmax.f32 v0, $0.0e+00  }
0x352: {  	[tilespmem:s5+$0xC40] =	vst v0;
	s5 =	smov.u32 s6  }
0x353: {  	v1 =	vld [tilespmem:s26+$0x12280]  }
0x354: {  	v2 =	vld [tilespmem:s12+$0x80];
	_ =	sdelay $0x1  }
0x355: {  	v3 =	vld [tilespmem:s12+$0x100]  }
0x356: {  	v0 =	vld [tilespmem:s12+$0x300]  }
0x357: {  	v4 =	vld [tilespmem:s12+$0x180]  }
0x358: {  	v7 =	vadd.s32 $0x408, v2  }
0x359: {  	v6 =	vld [tilespmem:s12+$0x200]  }
0x35a: {  	v5 =	vld [tilespmem:s12+$0x280];
	v8 =	vadd.s32 $0x810, v3  }
0x35b: {  	v9 =	vld.idx.msk [tilespmem:v1+s2+$0x0], $0xffff;
	v10 =	vadd.s32 $0x1830, v0  }
0x35c: {  	v11 =	vld [tilespmem:$0x1BB80];
	v12 =	vadd.s32 $0xC18, v4  }
0x35d: {  	v13 =	vld.idx.msk [tilespmem:v7+s2+$0x0], $0xffff  }
0x35e: {  	v7 =	vld [tilespmem:s12+$0x380];
	v14 =	vadd.s32 $0x1020, v6  }
0x35f: {  	v15 =	vld.idx.msk [tilespmem:v8+s2+$0x0], $0xffff;
	v16 =	vadd.s32 $0x1428, v5  }
0x360: {  	v8 =	vld [tilespmem:s26+$0x15680]  }
0x361: {  	v9 =	vadd.f32 v9, v11;
	v11 =	vld.idx.msk [tilespmem:v12+s2+$0x0], $0xffff;
	_ =	sdelay $0x1  }
0x362: {  	v9 =	vadd.f32 v13, v9;
	v12 =	vld.idx.msk [tilespmem:v14+s2+$0x0], $0xffff;
	v13 =	vadd.s32 $0x1C38, v7;
	_ =	sdelay $0x1  }
0x363: {  	v9 =	vadd.f32 v15, v9;
	v14 =	vld.idx.msk [tilespmem:v16+s2+$0x0], $0xffff;
	v15 =	vadd.s32 $0x2040, v8;
	_ =	sdelay $0x1  }
0x364: {  	v9 =	vadd.f32 v11, v9;
	v10 =	vld.idx.msk [tilespmem:v10+s2+$0x0], $0xffff;
	_ =	sdelay $0x1  }
0x365: {  	v9 =	vadd.f32 v12, v9;
	v11 =	vld.idx.msk [tilespmem:v13+s2+$0x0], $0xffff;
	_ =	sdelay $0x1  }
0x366: {  	v9 =	vadd.f32 v14, v9;
	v12 =	vld.idx.msk [tilespmem:v15+s2+$0x0], $0xffff;
	_ =	sdelay $0x1  }
0x367: {  	v9 =	vadd.f32 v10, v9;
	_ =	sdelay $0x1  }
0x368: {  	v9 =	vadd.f32 v11, v9  }
0x369: {  	v10 =	vadd.s32 $0x2448, v1  }
0x36a: {  	v9 =	vadd.f32 v12, v9  }
0x36b: {  	v11 =	vadd.s32 $0x2850, v2  }
0x36c: {  	v9 =	vmax.f32 v9, $0.0e+00  }
0x36d: {  	[tilespmem:s6+$0xFFFFE160] =	vst v9;
	v9 =	vadd.s32 $0x2C58, v3  }
0x36e: {  	v10 =	vld.idx.msk [tilespmem:v10+s2+$0x0], $0xffff  }
0x36f: {  	v13 =	vadd.s32 $0x3060, v4;
	v12 =	vld [tilespmem:$0x1BC00]  }
0x370: {  	v11 =	vld.idx.msk [tilespmem:v11+s2+$0x0], $0xffff  }
0x371: {  	v14 =	vadd.s32 $0x3468, v6  }
0x372: {  	v9 =	vld.idx.msk [tilespmem:v9+s2+$0x0], $0xffff  }
0x373: {  	v15 =	vadd.s32 $0x3870, v5  }
0x374: {  	v10 =	vadd.f32 v10, v12;
	v12 =	vld.idx.msk [tilespmem:v13+s2+$0x0], $0xffff  }
0x375: {  	v13 =	vadd.s32 $0x3C78, v0  }
0x376: {  	v10 =	vadd.f32 v11, v10;
	v11 =	vld.idx.msk [tilespmem:v14+s2+$0x0], $0xffff  }
0x377: {  	v14 =	vadd.s32 $0x4080, v7  }
0x378: {  	v9 =	vadd.f32 v9, v10;
	v10 =	vld.idx.msk [tilespmem:v15+s2+$0x0], $0xffff  }
0x379: {  	v15 =	vadd.s32 $0x4488, v8  }
0x37a: {  	v9 =	vadd.f32 v12, v9;
	v12 =	vld.idx.msk [tilespmem:v13+s2+$0x0], $0xffff;
	_ =	sdelay $0x1  }
0x37b: {  	v9 =	vadd.f32 v11, v9;
	v11 =	vld.idx.msk [tilespmem:v14+s2+$0x0], $0xffff;
	_ =	sdelay $0x1  }
0x37c: {  	v9 =	vadd.f32 v10, v9;
	v10 =	vld.idx.msk [tilespmem:v15+s2+$0x0], $0xffff;
	_ =	sdelay $0x1  }
0x37d: {  	v9 =	vadd.f32 v12, v9;
	_ =	sdelay $0x1  }
0x37e: {  	v9 =	vadd.f32 v11, v9  }
0x37f: {  	v11 =	vadd.s32 $0x4890, v1  }
0x380: {  	v9 =	vadd.f32 v10, v9  }
0x381: {  	v10 =	vadd.s32 $0x4C98, v2  }
0x382: {  	v9 =	vmax.f32 v9, $0.0e+00  }
0x383: {  	[tilespmem:s6+$0xFFFFE780] =	vst v9;
	v9 =	vadd.s32 $0x50A0, v3  }
0x384: {  	v11 =	vld.idx.msk [tilespmem:v11+s2+$0x0], $0xffff  }
0x385: {  	v13 =	vadd.s32 $0x54A8, v4;
	v12 =	vld [tilespmem:$0x1BC80]  }
0x386: {  	v10 =	vld.idx.msk [tilespmem:v10+s2+$0x0], $0xffff  }
0x387: {  	v14 =	vadd.s32 $0x58B0, v6  }
0x388: {  	v9 =	vld.idx.msk [tilespmem:v9+s2+$0x0], $0xffff  }
0x389: {  	v15 =	vadd.s32 $0x5CB8, v5  }
0x38a: {  	v11 =	vadd.f32 v11, v12;
	v12 =	vld.idx.msk [tilespmem:v13+s2+$0x0], $0xffff  }
0x38b: {  	v13 =	vadd.s32 $0x60C0, v0  }
0x38c: {  	v10 =	vadd.f32 v10, v11;
	v11 =	vld.idx.msk [tilespmem:v14+s2+$0x0], $0xffff  }
0x38d: {  	v14 =	vadd.s32 $0x64C8, v7  }
0x38e: {  	v9 =	vadd.f32 v9, v10;
	v10 =	vld.idx.msk [tilespmem:v15+s2+$0x0], $0xffff  }
0x38f: {  	v15 =	vadd.s32 $0x68D0, v8  }
0x390: {  	v9 =	vadd.f32 v12, v9;
	v12 =	vld.idx.msk [tilespmem:v13+s2+$0x0], $0xffff;
	_ =	sdelay $0x1  }
0x391: {  	v9 =	vadd.f32 v11, v9;
	v11 =	vld.idx.msk [tilespmem:v14+s2+$0x0], $0xffff;
	_ =	sdelay $0x1  }
0x392: {  	v9 =	vadd.f32 v10, v9;
	v10 =	vld.idx.msk [tilespmem:v15+s2+$0x0], $0xffff;
	_ =	sdelay $0x1  }
0x393: {  	v9 =	vadd.f32 v12, v9;
	_ =	sdelay $0x1  }
0x394: {  	v9 =	vadd.f32 v11, v9  }
0x395: {  	v11 =	vadd.s32 $0x6CD8, v1  }
0x396: {  	v9 =	vadd.f32 v10, v9  }
0x397: {  	v10 =	vadd.s32 $0x70E0, v2  }
0x398: {  	v9 =	vmax.f32 v9, $0.0e+00  }
0x399: {  	[tilespmem:s6+$0xFFFFEDA0] =	vst v9;
	v9 =	vadd.s32 $0x74E8, v3  }
0x39a: {  	v11 =	vld.idx.msk [tilespmem:v11+s2+$0x0], $0xffff  }
0x39b: {  	v13 =	vadd.s32 $0x78F0, v4;
	v12 =	vld [tilespmem:$0x1BD00]  }
0x39c: {  	v10 =	vld.idx.msk [tilespmem:v10+s2+$0x0], $0xffff  }
0x39d: {  	v14 =	vadd.s32 $0x7CF8, v6  }
0x39e: {  	v9 =	vld.idx.msk [tilespmem:v9+s2+$0x0], $0xffff  }
0x39f: {  	v15 =	vadd.s32 $0x8100, v5  }
0x3a0: {  	v11 =	vadd.f32 v11, v12;
	v12 =	vld.idx.msk [tilespmem:v13+s2+$0x0], $0xffff  }
0x3a1: {  	v13 =	vadd.s32 $0x8508, v0  }
0x3a2: {  	v10 =	vadd.f32 v10, v11;
	v11 =	vld.idx.msk [tilespmem:v14+s2+$0x0], $0xffff  }
0x3a3: {  	v14 =	vadd.s32 $0x8910, v7  }
0x3a4: {  	v9 =	vadd.f32 v9, v10;
	v10 =	vld.idx.msk [tilespmem:v15+s2+$0x0], $0xffff  }
0x3a5: {  	v15 =	vadd.s32 $0x8D18, v8  }
0x3a6: {  	v9 =	vadd.f32 v12, v9;
	v12 =	vld.idx.msk [tilespmem:v13+s2+$0x0], $0xffff;
	_ =	sdelay $0x1  }
0x3a7: {  	v9 =	vadd.f32 v11, v9;
	v11 =	vld.idx.msk [tilespmem:v14+s2+$0x0], $0xffff;
	_ =	sdelay $0x1  }
0x3a8: {  	v9 =	vadd.f32 v10, v9;
	v10 =	vld.idx.msk [tilespmem:v15+s2+$0x0], $0xffff;
	_ =	sdelay $0x1  }
0x3a9: {  	v9 =	vadd.f32 v12, v9;
	_ =	sdelay $0x1  }
0x3aa: {  	v9 =	vadd.f32 v11, v9  }
0x3ab: {  	v11 =	vadd.s32 $0x9120, v1  }
0x3ac: {  	v9 =	vadd.f32 v10, v9  }
0x3ad: {  	v10 =	vadd.s32 $0x9528, v2  }
0x3ae: {  	v9 =	vmax.f32 v9, $0.0e+00  }
0x3af: {  	[tilespmem:s6+$0xFFFFF3C0] =	vst v9;
	v9 =	vadd.s32 $0x9930, v3  }
0x3b0: {  	v11 =	vld.idx.msk [tilespmem:v11+s2+$0x0], $0xffff  }
0x3b1: {  	v13 =	vadd.s32 $0x9D38, v4;
	v12 =	vld [tilespmem:$0x1BD80]  }
0x3b2: {  	v10 =	vld.idx.msk [tilespmem:v10+s2+$0x0], $0xffff  }
0x3b3: {  	v14 =	vadd.s32 $0xA140, v6  }
0x3b4: {  	v9 =	vld.idx.msk [tilespmem:v9+s2+$0x0], $0xffff  }
0x3b5: {  	v15 =	vadd.s32 $0xA548, v5  }
0x3b6: {  	v11 =	vadd.f32 v11, v12;
	v12 =	vld.idx.msk [tilespmem:v13+s2+$0x0], $0xffff  }
0x3b7: {  	v13 =	vadd.s32 $0xA950, v0  }
0x3b8: {  	v10 =	vadd.f32 v10, v11;
	v11 =	vld.idx.msk [tilespmem:v14+s2+$0x0], $0xffff  }
0x3b9: {  	v14 =	vadd.s32 $0xAD58, v7  }
0x3ba: {  	v9 =	vadd.f32 v9, v10;
	v10 =	vld.idx.msk [tilespmem:v15+s2+$0x0], $0xffff  }
0x3bb: {  	v15 =	vadd.s32 $0xB160, v8  }
0x3bc: {  	v9 =	vadd.f32 v12, v9;
	v12 =	vld.idx.msk [tilespmem:v13+s2+$0x0], $0xffff;
	_ =	sdelay $0x1  }
0x3bd: {  	v9 =	vadd.f32 v11, v9;
	v11 =	vld.idx.msk [tilespmem:v14+s2+$0x0], $0xffff;
	_ =	sdelay $0x1  }
0x3be: {  	v9 =	vadd.f32 v10, v9;
	v10 =	vld.idx.msk [tilespmem:v15+s2+$0x0], $0xffff;
	_ =	sdelay $0x1  }
0x3bf: {  	v9 =	vadd.f32 v12, v9;
	_ =	sdelay $0x1  }
0x3c0: {  	v9 =	vadd.f32 v11, v9  }
0x3c1: {  	v11 =	vadd.s32 $0xB568, v1  }
0x3c2: {  	v9 =	vadd.f32 v10, v9  }
0x3c3: {  	v10 =	vadd.s32 $0xB970, v2  }
0x3c4: {  	s12 =	sand.u32 $0x7F0, s7;
	s7 =	smov.u32 s11;
	v12 =	vadd.s32 $0xBD78, v3;
	v9 =	vmax.f32 v9, $0.0e+00  }
0x3c5: {  	[tilespmem:s12+$0x1A300] =	vst v9;
	v9 =	vadd.s32 $0xC180, v4  }
0x3c6: {  	v13 =	vadd.s32 $0xC588, v6;
	v11 =	vld.idx.msk [tilespmem:v11+s2+$0x0], $0xffff  }
0x3c7: {  	v15 =	vadd.s32 $0xC990, v5;
	v14 =	vld [tilespmem:$0x1BE00]  }
0x3c8: {  	v16 =	vadd.s32 $0xCD98, v0;
	v10 =	vld.idx.msk [tilespmem:v10+s2+$0x0], $0xffff  }
0x3c9: {  	v17 =	vadd.s32 $0xD1A0, v7;
	v12 =	vld.idx.msk [tilespmem:v12+s2+$0x0], $0xffff  }
0x3ca: {  	v18 =	vadd.s32 $0xD5A8, v8;
	v9 =	vld.idx.msk [tilespmem:v9+s2+$0x0], $0xffff  }
0x3cb: {  	v13 =	vld.idx.msk [tilespmem:v13+s2+$0x0], $0xffff  }
0x3cc: {  	v11 =	vadd.f32 v11, v14;
	v14 =	vld.idx.msk [tilespmem:v15+s2+$0x0], $0xffff  }
0x3cd: {  	v15 =	vld.idx.msk [tilespmem:v16+s2+$0x0], $0xffff  }
0x3ce: {  	v10 =	vadd.f32 v10, v11;
	v11 =	vld.idx.msk [tilespmem:v17+s2+$0x0], $0xffff  }
0x3cf: {  	v16 =	vld.idx.msk [tilespmem:v18+s2+$0x0], $0xffff  }
0x3d0: {  	v10 =	vadd.f32 v12, v10;
	_ =	sdelay $0x1  }
0x3d1: {  	v9 =	vadd.f32 v9, v10;
	_ =	sdelay $0x1  }
0x3d2: {  	v9 =	vadd.f32 v13, v9;
	_ =	sdelay $0x1  }
0x3d3: {  	v9 =	vadd.f32 v14, v9;
	_ =	sdelay $0x1  }
0x3d4: {  	v9 =	vadd.f32 v15, v9;
	_ =	sdelay $0x1  }
0x3d5: {  	v9 =	vadd.f32 v11, v9  }
0x3d6: {  	v10 =	vadd.s32 $0xD9B0, v1  }
0x3d7: {  	v9 =	vadd.f32 v16, v9  }
0x3d8: {  	v11 =	vadd.s32 $0xDDB8, v2  }
0x3d9: {  	v12 =	vadd.s32 $0xE1C0, v3;
	v9 =	vmax.f32 v9, $0.0e+00  }
0x3da: {  	[tilespmem:s6+$0x0] =	vst v9;
	v9 =	vadd.s32 $0xE5C8, v4  }
0x3db: {  	v13 =	vadd.s32 $0xE9D0, v6;
	v10 =	vld.idx.msk [tilespmem:v10+s2+$0x0], $0xffff  }
0x3dc: {  	v15 =	vadd.s32 $0xEDD8, v5;
	v14 =	vld [tilespmem:$0x1BE80]  }
0x3dd: {  	v16 =	vadd.s32 $0xF1E0, v0;
	v11 =	vld.idx.msk [tilespmem:v11+s2+$0x0], $0xffff  }
0x3de: {  	v17 =	vadd.s32 $0xF5E8, v7;
	v12 =	vld.idx.msk [tilespmem:v12+s2+$0x0], $0xffff  }
0x3df: {  	v18 =	vadd.s32 $0xF9F0, v8;
	v9 =	vld.idx.msk [tilespmem:v9+s2+$0x0], $0xffff  }
0x3e0: {  	v13 =	vld.idx.msk [tilespmem:v13+s2+$0x0], $0xffff  }
0x3e1: {  	v10 =	vadd.f32 v10, v14;
	v14 =	vld.idx.msk [tilespmem:v15+s2+$0x0], $0xffff  }
0x3e2: {  	v15 =	vld.idx.msk [tilespmem:v16+s2+$0x0], $0xffff  }
0x3e3: {  	v10 =	vadd.f32 v11, v10;
	v11 =	vld.idx.msk [tilespmem:v17+s2+$0x0], $0xffff  }
0x3e4: {  	v16 =	vld.idx.msk [tilespmem:v18+s2+$0x0], $0xffff  }
0x3e5: {  	v10 =	vadd.f32 v12, v10;
	_ =	sdelay $0x1  }
0x3e6: {  	v9 =	vadd.f32 v9, v10;
	_ =	sdelay $0x1  }
0x3e7: {  	v9 =	vadd.f32 v13, v9;
	_ =	sdelay $0x1  }
0x3e8: {  	v9 =	vadd.f32 v14, v9;
	_ =	sdelay $0x1  }
0x3e9: {  	v9 =	vadd.f32 v15, v9;
	_ =	sdelay $0x1  }
0x3ea: {  	v9 =	vadd.f32 v11, v9;
	_ =	sdelay $0x1  }
0x3eb: {  	v1 =	vadd.s32 $0xFDF8, v1;
	v9 =	vadd.f32 v16, v9  }
0x3ec: {  	v2 =	vadd.s32 $0x10200, v2  }
0x3ed: {  	v3 =	vadd.s32 $0x10608, v3;
	v9 =	vmax.f32 v9, $0.0e+00  }
0x3ee: {  	v4 =	vadd.s32 $0x10A10, v4;
	[tilespmem:s6+$0x620] =	vst v9  }
0x3ef: {  	v6 =	vadd.s32 $0x10E18, v6;
	v9 =	vld [tilespmem:$0x1BF00]  }
0x3f0: {  	v5 =	vadd.s32 $0x11220, v5;
	v1 =	vld.idx.msk [tilespmem:v1+s2+$0x0], $0xffff  }
0x3f1: {  	v0 =	vadd.s32 $0x11628, v0;
	v2 =	vld.idx.msk [tilespmem:v2+s2+$0x0], $0xffff  }
0x3f2: {  	v7 =	vadd.s32 $0x11A30, v7;
	v3 =	vld.idx.msk [tilespmem:v3+s2+$0x0], $0xffff  }
0x3f3: {  	v8 =	vadd.s32 $0x11E38, v8;
	v4 =	vld.idx.msk [tilespmem:v4+s2+$0x0], $0xffff  }
0x3f4: {  	v6 =	vld.idx.msk [tilespmem:v6+s2+$0x0], $0xffff  }
0x3f5: {  	v5 =	vld.idx.msk [tilespmem:v5+s2+$0x0], $0xffff  }
0x3f6: {  	v9 =	vadd.f32 v1, v9;
	v1 =	vld.idx.msk [tilespmem:v0+s2+$0x0], $0xffff  }
0x3f7: {  	v0 =	vld.idx.msk [tilespmem:v7+s2+$0x0], $0xffff  }
0x3f8: {  	v7 =	vadd.f32 v2, v9;
	v2 =	vld.idx.msk [tilespmem:v8+s2+$0x0], $0xffff;
	_ =	sdelay $0x1  }
0x3f9: {  	v3 =	vadd.f32 v3, v7;
	_ =	sdelay $0x1  }
.Ltmp1:
0x3fa: {  	v3 =	vadd.f32 v4, v3;
	(pc) =	sbr.rel @p0 .LBB2_4-.Ltmp1, $3  }
0x3fb: {  	_ = 	snop  }
0x3fc: {  	v3 =	vadd.f32 v6, v3;
	_ =	sdelay $0x1  }
0x3fd: {  	s9 =	sadd.s32 $0x80, s9;
	s26 =	smov.u32 s10;
	s6 =	sadd.s32 $0x10, s6;
	v3 =	vadd.f32 v5, v3  }
0x3fe: {  	_ = 	snop  }
0x3ff: {  	v1 =	vadd.f32 v1, v3;
	_ =	sdelay $0x1  }
0x400: {  	v0 =	vadd.f32 v0, v1;
	_ =	sdelay $0x1  }
0x401: {  	v0 =	vadd.f32 v2, v0;
	_ =	sdelay $0x1  }
0x402: {  	s9 =	sand.u32 $0x3C00, s9;
	v0 =	vmax.f32 v0, $0.0e+00  }
0x403: {  	s8 =	sor.u32 s8, s9;
	[tilespmem:s5+$0xC40] =	vst v0  }
0x404: {  	s12 =	sadd.s32 $0x12280, s8;
	v7 =	vld [tilespmem:s8+$0x12280]  }
0x405: {  	v8 =	vld [tilespmem:s12+$0x80];
	_ =	sdelay $0x1  }
0x406: {  	v6 =	vld [tilespmem:s12+$0x100];
	_ =	sdelay $0x1  }
0x407: {  	v2 =	vld [tilespmem:s12+$0x180]  }
0x408: {  	v3 =	vld [tilespmem:s12+$0x200];
	v4 =	vadd.s32 $0x408, v8  }
0x409: {  	v0 =	vld [tilespmem:s12+$0x280]  }
0x40a: {  	v10 =	vld [tilespmem:$0x1BB80];
	v5 =	vadd.s32 $0x810, v6  }
0x40b: {  	v9 =	vld.idx.msk [tilespmem:v7+s2+$0x0], $0xffff  }
0x40c: {  	v1 =	vld [tilespmem:s12+$0x300];
	v11 =	vadd.s32 $0xC18, v2  }
0x40d: {  	v12 =	vld.idx.msk [tilespmem:v4+s2+$0x0], $0xffff  }
0x40e: {  	v13 =	vadd.s32 $0x1020, v3;
	v4 =	vld [tilespmem:s12+$0x380]  }
0x40f: {  	v14 =	vld.idx.msk [tilespmem:v5+s2+$0x0], $0xffff  }
0x410: {  	v15 =	vadd.s32 $0x1428, v0;
	v5 =	vld [tilespmem:s8+$0x15680];
	v9 =	vadd.f32 v9, v10  }
0x411: {  	v49 =	vld.idx.msk [tilespmem:v11+s2+$0x0], $0xffff  }
0x412: {  	v50 =	vadd.s32 $0x1830, v1;
	v9 =	vadd.f32 v12, v9  }
0x413: {  	v51 =	vld.idx.msk [tilespmem:v13+s2+$0x0], $0xffff  }
0x414: {  	v52 =	vadd.s32 $0x1C38, v4;
	v9 =	vadd.f32 v14, v9  }
0x415: {  	v53 =	vld.idx.msk [tilespmem:v15+s2+$0x0], $0xffff  }
0x416: {  	v54 =	vadd.s32 $0x2040, v5;
	v9 =	vadd.f32 v49, v9  }
0x417: {  	v55 =	vld.idx.msk [tilespmem:v50+s2+$0x0], $0xffff  }
0x418: {  	v9 =	vadd.f32 v51, v9  }
0x419: {  	v56 =	vld.idx.msk [tilespmem:v52+s2+$0x0], $0xffff  }
0x41a: {  	v9 =	vadd.f32 v53, v9  }
0x41b: {  	v57 =	vld.idx.msk [tilespmem:v54+s2+$0x0], $0xffff  }
0x41c: {  	v9 =	vadd.f32 v55, v9;
	_ =	sdelay $0x1  }
0x41d: {  	v9 =	vadd.f32 v56, v9  }
0x41e: {  	v58 =	vadd.s32 $0x2448, v7  }
0x41f: {  	v9 =	vadd.f32 v57, v9;
	_ =	sdelay $0x1  }
0x420: {  	v59 =	vadd.s32 $0x2850, v8;
	v9 =	vmax.f32 v9, $0.0e+00  }
0x421: {  	[tilespmem:s6+$0xFFFFE160] =	vst v9  }
0x422: {  	v60 =	vadd.s32 $0x2C58, v6;
	v10 =	vld.idx.msk [tilespmem:v58+s2+$0x0], $0xffff  }
0x423: {  	v61 =	vld [tilespmem:$0x1BC00]  }
0x424: {  	v62 =	vadd.s32 $0x3060, v2  }
0x425: {  	v11 =	vld.idx.msk [tilespmem:v59+s2+$0x0], $0xffff  }
0x426: {  	v63 =	vadd.s32 $0x3468, v3  }
0x427: {  	v9 =	vld.idx.msk [tilespmem:v60+s2+$0x0], $0xffff  }
0x428: {  	v18 =	vadd.s32 $0x3870, v0;
	v10 =	vadd.f32 v10, v61  }
0x429: {  	v19 =	vld.idx.msk [tilespmem:v62+s2+$0x0], $0xffff  }
0x42a: {  	v20 =	vadd.s32 $0x3C78, v1;
	v10 =	vadd.f32 v11, v10  }
0x42b: {  	v21 =	vld.idx.msk [tilespmem:v63+s2+$0x0], $0xffff  }
0x42c: {  	v22 =	vadd.s32 $0x4080, v4;
	v9 =	vadd.f32 v9, v10  }
0x42d: {  	v23 =	vld.idx.msk [tilespmem:v18+s2+$0x0], $0xffff  }
0x42e: {  	v24 =	vadd.s32 $0x4488, v5;
	v9 =	vadd.f32 v19, v9  }
0x42f: {  	v25 =	vld.idx.msk [tilespmem:v20+s2+$0x0], $0xffff  }
0x430: {  	v9 =	vadd.f32 v21, v9  }
0x431: {  	v26 =	vld.idx.msk [tilespmem:v22+s2+$0x0], $0xffff  }
0x432: {  	v9 =	vadd.f32 v23, v9  }
0x433: {  	v27 =	vld.idx.msk [tilespmem:v24+s2+$0x0], $0xffff  }
0x434: {  	v9 =	vadd.f32 v25, v9;
	_ =	sdelay $0x1  }
0x435: {  	v9 =	vadd.f32 v26, v9  }
0x436: {  	v28 =	vadd.s32 $0x4890, v7  }
0x437: {  	v9 =	vadd.f32 v27, v9;
	_ =	sdelay $0x1  }
0x438: {  	v29 =	vadd.s32 $0x4C98, v8;
	v9 =	vmax.f32 v9, $0.0e+00  }
0x439: {  	[tilespmem:s6+$0xFFFFE780] =	vst v9  }
0x43a: {  	v30 =	vadd.s32 $0x50A0, v6;
	v11 =	vld.idx.msk [tilespmem:v28+s2+$0x0], $0xffff  }
0x43b: {  	v31 =	vld [tilespmem:$0x1BC80]  }
0x43c: {  	v32 =	vadd.s32 $0x54A8, v2  }
0x43d: {  	v10 =	vld.idx.msk [tilespmem:v29+s2+$0x0], $0xffff  }
0x43e: {  	v33 =	vadd.s32 $0x58B0, v3  }
0x43f: {  	v9 =	vld.idx.msk [tilespmem:v30+s2+$0x0], $0xffff  }
0x440: {  	v34 =	vadd.s32 $0x5CB8, v0;
	v11 =	vadd.f32 v11, v31  }
0x441: {  	v35 =	vld.idx.msk [tilespmem:v32+s2+$0x0], $0xffff  }
0x442: {  	v36 =	vadd.s32 $0x60C0, v1;
	v10 =	vadd.f32 v10, v11  }
0x443: {  	v37 =	vld.idx.msk [tilespmem:v33+s2+$0x0], $0xffff  }
0x444: {  	v38 =	vadd.s32 $0x64C8, v4;
	v9 =	vadd.f32 v9, v10  }
0x445: {  	v39 =	vld.idx.msk [tilespmem:v34+s2+$0x0], $0xffff  }
0x446: {  	v40 =	vadd.s32 $0x68D0, v5;
	v9 =	vadd.f32 v35, v9  }
0x447: {  	v41 =	vld.idx.msk [tilespmem:v36+s2+$0x0], $0xffff  }
0x448: {  	v9 =	vadd.f32 v37, v9  }
0x449: {  	v42 =	vld.idx.msk [tilespmem:v38+s2+$0x0], $0xffff  }
0x44a: {  	v9 =	vadd.f32 v39, v9  }
0x44b: {  	v43 =	vld.idx.msk [tilespmem:v40+s2+$0x0], $0xffff  }
0x44c: {  	v9 =	vadd.f32 v41, v9;
	_ =	sdelay $0x1  }
0x44d: {  	v9 =	vadd.f32 v42, v9  }
0x44e: {  	v44 =	vadd.s32 $0x6CD8, v7  }
0x44f: {  	v9 =	vadd.f32 v43, v9;
	_ =	sdelay $0x1  }
0x450: {  	v45 =	vadd.s32 $0x70E0, v8;
	v9 =	vmax.f32 v9, $0.0e+00  }
0x451: {  	[tilespmem:s6+$0xFFFFEDA0] =	vst v9  }
0x452: {  	v46 =	vadd.s32 $0x74E8, v6;
	v11 =	vld.idx.msk [tilespmem:v44+s2+$0x0], $0xffff  }
0x453: {  	v47 =	vld [tilespmem:$0x1BD00]  }
0x454: {  	v48 =	vadd.s32 $0x78F0, v2  }
0x455: {  	v10 =	vld.idx.msk [tilespmem:v45+s2+$0x0], $0xffff  }
0x456: {  	v49 =	vadd.s32 $0x7CF8, v3  }
0x457: {  	v9 =	vld.idx.msk [tilespmem:v46+s2+$0x0], $0xffff  }
0x458: {  	v50 =	vadd.s32 $0x8100, v0;
	v11 =	vadd.f32 v11, v47  }
0x459: {  	v51 =	vld.idx.msk [tilespmem:v48+s2+$0x0], $0xffff  }
0x45a: {  	v52 =	vadd.s32 $0x8508, v1;
	v10 =	vadd.f32 v10, v11  }
0x45b: {  	v53 =	vld.idx.msk [tilespmem:v49+s2+$0x0], $0xffff  }
0x45c: {  	v54 =	vadd.s32 $0x8910, v4;
	v9 =	vadd.f32 v9, v10  }
0x45d: {  	v55 =	vld.idx.msk [tilespmem:v50+s2+$0x0], $0xffff  }
0x45e: {  	v56 =	vadd.s32 $0x8D18, v5;
	v9 =	vadd.f32 v51, v9  }
0x45f: {  	v57 =	vld.idx.msk [tilespmem:v52+s2+$0x0], $0xffff  }
0x460: {  	v9 =	vadd.f32 v53, v9  }
0x461: {  	v58 =	vld.idx.msk [tilespmem:v54+s2+$0x0], $0xffff  }
0x462: {  	v9 =	vadd.f32 v55, v9  }
0x463: {  	v59 =	vld.idx.msk [tilespmem:v56+s2+$0x0], $0xffff  }
0x464: {  	v9 =	vadd.f32 v57, v9;
	_ =	sdelay $0x1  }
0x465: {  	v9 =	vadd.f32 v58, v9  }
0x466: {  	v60 =	vadd.s32 $0x9120, v7  }
0x467: {  	v9 =	vadd.f32 v59, v9;
	_ =	sdelay $0x1  }
0x468: {  	v61 =	vadd.s32 $0x9528, v8;
	v9 =	vmax.f32 v9, $0.0e+00  }
0x469: {  	[tilespmem:s6+$0xFFFFF3C0] =	vst v9  }
0x46a: {  	v62 =	vadd.s32 $0x9930, v6;
	v11 =	vld.idx.msk [tilespmem:v60+s2+$0x0], $0xffff  }
0x46b: {  	v63 =	vld [tilespmem:$0x1BD80]  }
0x46c: {  	v18 =	vadd.s32 $0x9D38, v2  }
0x46d: {  	v10 =	vld.idx.msk [tilespmem:v61+s2+$0x0], $0xffff  }
0x46e: {  	v19 =	vadd.s32 $0xA140, v3  }
0x46f: {  	v9 =	vld.idx.msk [tilespmem:v62+s2+$0x0], $0xffff  }
0x470: {  	v20 =	vadd.s32 $0xA548, v0;
	v11 =	vadd.f32 v11, v63  }
0x471: {  	v21 =	vld.idx.msk [tilespmem:v18+s2+$0x0], $0xffff  }
0x472: {  	v22 =	vadd.s32 $0xA950, v1;
	v10 =	vadd.f32 v10, v11  }
0x473: {  	v23 =	vld.idx.msk [tilespmem:v19+s2+$0x0], $0xffff  }
0x474: {  	v24 =	vadd.s32 $0xAD58, v4;
	v9 =	vadd.f32 v9, v10  }
0x475: {  	v25 =	vld.idx.msk [tilespmem:v20+s2+$0x0], $0xffff  }
0x476: {  	v26 =	vadd.s32 $0xB160, v5;
	v9 =	vadd.f32 v21, v9  }
0x477: {  	v27 =	vld.idx.msk [tilespmem:v22+s2+$0x0], $0xffff  }
0x478: {  	v9 =	vadd.f32 v23, v9  }
0x479: {  	v28 =	vld.idx.msk [tilespmem:v24+s2+$0x0], $0xffff  }
0x47a: {  	v9 =	vadd.f32 v25, v9  }
0x47b: {  	v29 =	vld.idx.msk [tilespmem:v26+s2+$0x0], $0xffff  }
0x47c: {  	v9 =	vadd.f32 v27, v9;
	_ =	sdelay $0x1  }
0x47d: {  	v9 =	vadd.f32 v28, v9  }
0x47e: {  	v30 =	vadd.s32 $0xB568, v7  }
0x47f: {  	v9 =	vadd.f32 v29, v9;
	_ =	sdelay $0x1  }
0x480: {  	s26 =	sand.u32 $0x7F0, s7;
	v31 =	vadd.s32 $0xB970, v8;
	v9 =	vmax.f32 v9, $0.0e+00  }
0x481: {  	[tilespmem:s26+$0x1A300] =	vst v9  }
0x482: {  	v32 =	vadd.s32 $0xBD78, v6;
	v11 =	vld.idx.msk [tilespmem:v30+s2+$0x0], $0xffff  }
0x483: {  	v33 =	vld [tilespmem:$0x1BE00]  }
0x484: {  	v34 =	vadd.s32 $0xC180, v2  }
0x485: {  	v10 =	vld.idx.msk [tilespmem:v31+s2+$0x0], $0xffff  }
0x486: {  	v35 =	vadd.s32 $0xC588, v3  }
0x487: {  	v9 =	vld.idx.msk [tilespmem:v32+s2+$0x0], $0xffff  }
0x488: {  	v36 =	vadd.s32 $0xC990, v0;
	v11 =	vadd.f32 v11, v33  }
0x489: {  	v37 =	vld.idx.msk [tilespmem:v34+s2+$0x0], $0xffff  }
0x48a: {  	v38 =	vadd.s32 $0xCD98, v1;
	v10 =	vadd.f32 v10, v11  }
0x48b: {  	v39 =	vld.idx.msk [tilespmem:v35+s2+$0x0], $0xffff  }
0x48c: {  	v40 =	vadd.s32 $0xD1A0, v4;
	v9 =	vadd.f32 v9, v10  }
0x48d: {  	v41 =	vld.idx.msk [tilespmem:v36+s2+$0x0], $0xffff  }
0x48e: {  	v42 =	vadd.s32 $0xD5A8, v5;
	v9 =	vadd.f32 v37, v9  }
0x48f: {  	v43 =	vld.idx.msk [tilespmem:v38+s2+$0x0], $0xffff  }
0x490: {  	v9 =	vadd.f32 v39, v9  }
0x491: {  	v44 =	vld.idx.msk [tilespmem:v40+s2+$0x0], $0xffff  }
0x492: {  	v9 =	vadd.f32 v41, v9  }
0x493: {  	v45 =	vld.idx.msk [tilespmem:v42+s2+$0x0], $0xffff  }
0x494: {  	v9 =	vadd.f32 v43, v9;
	_ =	sdelay $0x1  }
0x495: {  	v9 =	vadd.f32 v44, v9  }
0x496: {  	v46 =	vadd.s32 $0xD9B0, v7  }
0x497: {  	v9 =	vadd.f32 v45, v9;
	_ =	sdelay $0x1  }
0x498: {  	v47 =	vadd.s32 $0xDDB8, v8;
	v9 =	vmax.f32 v9, $0.0e+00  }
0x499: {  	[tilespmem:s6+$0x0] =	vst v9  }
0x49a: {  	v48 =	vadd.s32 $0xE1C0, v6;
	v11 =	vld.idx.msk [tilespmem:v46+s2+$0x0], $0xffff  }
0x49b: {  	v49 =	vld [tilespmem:$0x1BE80]  }
0x49c: {  	v50 =	vadd.s32 $0xE5C8, v2  }
0x49d: {  	v10 =	vld.idx.msk [tilespmem:v47+s2+$0x0], $0xffff  }
0x49e: {  	v51 =	vadd.s32 $0xE9D0, v3  }
0x49f: {  	v9 =	vld.idx.msk [tilespmem:v48+s2+$0x0], $0xffff  }
0x4a0: {  	v52 =	vadd.s32 $0xEDD8, v0;
	v11 =	vadd.f32 v11, v49  }
0x4a1: {  	v53 =	vld.idx.msk [tilespmem:v50+s2+$0x0], $0xffff  }
0x4a2: {  	v54 =	vadd.s32 $0xF1E0, v1;
	v10 =	vadd.f32 v10, v11  }
0x4a3: {  	v55 =	vld.idx.msk [tilespmem:v51+s2+$0x0], $0xffff  }
0x4a4: {  	v56 =	vadd.s32 $0xF5E8, v4;
	v9 =	vadd.f32 v9, v10  }
0x4a5: {  	v57 =	vld.idx.msk [tilespmem:v52+s2+$0x0], $0xffff  }
0x4a6: {  	v58 =	vadd.s32 $0xF9F0, v5;
	v9 =	vadd.f32 v53, v9  }
0x4a7: {  	v59 =	vld.idx.msk [tilespmem:v54+s2+$0x0], $0xffff  }
0x4a8: {  	v9 =	vadd.f32 v55, v9  }
0x4a9: {  	v60 =	vld.idx.msk [tilespmem:v56+s2+$0x0], $0xffff  }
0x4aa: {  	v9 =	vadd.f32 v57, v9  }
0x4ab: {  	v61 =	vld.idx.msk [tilespmem:v58+s2+$0x0], $0xffff  }
0x4ac: {  	v9 =	vadd.f32 v59, v9;
	_ =	sdelay $0x1  }
0x4ad: {  	v9 =	vadd.f32 v60, v9;
	_ =	sdelay $0x1  }
0x4ae: {  	v7 =	vadd.s32 $0xFDF8, v7;
	v9 =	vadd.f32 v61, v9;
	_ =	sdelay $0x1  }
0x4af: {  	v8 =	vadd.s32 $0x10200, v8;
	v9 =	vmax.f32 v9, $0.0e+00  }
0x4b0: {  	[tilespmem:s6+$0x620] =	vst v9  }
0x4b1: {  	v6 =	vadd.s32 $0x10608, v6;
	v9 =	vld [tilespmem:$0x1BF00]  }
0x4b2: {  	v7 =	vld.idx.msk [tilespmem:v7+s2+$0x0], $0xffff  }
0x4b3: {  	v2 =	vadd.s32 $0x10A10, v2  }
0x4b4: {  	v8 =	vld.idx.msk [tilespmem:v8+s2+$0x0], $0xffff  }
0x4b5: {  	v3 =	vadd.s32 $0x10E18, v3  }
0x4b6: {  	v6 =	vld.idx.msk [tilespmem:v6+s2+$0x0], $0xffff  }
0x4b7: {  	v0 =	vadd.s32 $0x11220, v0;
	v7 =	vadd.f32 v7, v9  }
0x4b8: {  	v2 =	vld.idx.msk [tilespmem:v2+s2+$0x0], $0xffff  }
0x4b9: {  	v1 =	vadd.s32 $0x11628, v1;
	v7 =	vadd.f32 v8, v7  }
0x4ba: {  	v3 =	vld.idx.msk [tilespmem:v3+s2+$0x0], $0xffff  }
0x4bb: {  	v4 =	vadd.s32 $0x11A30, v4;
	v6 =	vadd.f32 v6, v7  }
0x4bc: {  	v0 =	vld.idx.msk [tilespmem:v0+s2+$0x0], $0xffff  }
0x4bd: {  	v5 =	vadd.s32 $0x11E38, v5;
	v2 =	vadd.f32 v2, v6  }
0x4be: {  	v1 =	vld.idx.msk [tilespmem:v1+s2+$0x0], $0xffff  }
0x4bf: {  	v2 =	vadd.f32 v3, v2  }
0x4c0: {  	v62 =	vld.idx.msk [tilespmem:v4+s2+$0x0], $0xffff  }
0x4c1: {  	v0 =	vadd.f32 v0, v2  }
0x4c2: {  	v63 =	vld.idx.msk [tilespmem:v5+s2+$0x0], $0xffff  }
0x4c3: {  	v0 =	vadd.f32 v1, v0;
	_ =	sdelay $0x1  }
0x4c4: {  	v0 =	vadd.f32 v62, v0;
	_ =	sdelay $0x1  }
0x4c5: {  	v0 =	vadd.f32 v63, v0;
	_ =	sdelay $0x1  }
0x4c6: {  	v0 =	vmax.f32 v0, $0.0e+00  }
0x4c7: {  	s28 =	simm.s32 $0x18A80;
	[tilespmem:s6+$0xC40] =	vst v0  }
0x4c8: {  	[hbm4b:s15+s2] =	stream.linear.scatter [tilespmem:s28], [sflag:$0x1], $0x620, $0x38;
	[tilespmem:$0x1BF80] =	vst v63  }
0x4c9: {  	_ =	swait.ge [sflag:s24], $0x620  }
0x4ca: {  	[sflag:s24] =	ssyncset.done $0x0  }
0x4cb: {  	[sflag:s24] =	ssyncadd.s32 $0xFFFFF9E0  }
0x4cc: {  	[hbm4b:s16+s2] =	stream.linear.scatter [tilespmem:s29], [sflag:$0x1], $0x620, $0x38;
	[tilespmem:$0x1BF80] =	vst v63  }
0x4cd: {  	_ =	swait.ge [sflag:s24], $0x620  }
0x4ce: {  	[sflag:s24] =	ssyncset.done $0x0  }
0x4cf: {  	[sflag:s24] =	ssyncadd.s32 $0xFFFFF9E0  }
0x4d0: {  	[hbm4b:s17+s2] =	stream.linear.scatter [tilespmem:s30], [sflag:$0x1], $0x620, $0x38;
	[tilespmem:$0x1BF80] =	vst v63  }
0x4d1: {  	_ =	swait.ge [sflag:s24], $0x620  }
0x4d2: {  	[sflag:s24] =	ssyncset.done $0x0  }
0x4d3: {  	[sflag:s24] =	ssyncadd.s32 $0xFFFFF9E0  }
0x4d4: {  	[hbm4b:s18+s2] =	stream.linear.scatter [tilespmem:s31], [sflag:$0x1], $0x620, $0x38;
	[tilespmem:$0x1BF80] =	vst v63  }
0x4d5: {  	_ =	swait.ge [sflag:s24], $0x620  }
0x4d6: {  	[sflag:s24] =	ssyncset.done $0x0  }
0x4d7: {  	[sflag:s24] =	ssyncadd.s32 $0xFFFFF9E0  }
0x4d8: {  	[hbm4b:s19+s2] =	stream.linear.scatter [tilespmem:s0], [sflag:$0x1], $0x620, $0x38;
	[tilespmem:$0x1BF80] =	vst v63  }
0x4d9: {  	_ =	swait.ge [sflag:s24], $0x620  }
0x4da: {  	[sflag:s24] =	ssyncset.done $0x0  }
0x4db: {  	[sflag:s24] =	ssyncadd.s32 $0xFFFFF9E0  }
0x4dc: {  	[hbm4b:s20+s2] =	stream.linear.scatter [tilespmem:s3], [sflag:$0x1], $0x620, $0x38;
	[tilespmem:$0x1BF80] =	vst v63  }
0x4dd: {  	_ =	swait.ge [sflag:s24], $0x620  }
0x4de: {  	[sflag:s24] =	ssyncset.done $0x0  }
0x4df: {  	[sflag:s24] =	ssyncadd.s32 $0xFFFFF9E0  }
0x4e0: {  	[hbm4b:s21+s2] =	stream.linear.scatter [tilespmem:s1], [sflag:$0x1], $0x620, $0x38;
	[tilespmem:$0x1BF80] =	vst v63  }
0x4e1: {  	s4 =	sadd.s32 $0x1, s4;
	_ =	swait.ge [sflag:s24], $0x620  }
0x4e2: {  	p0 =	sne.s32 s4, s23;
	[sflag:s24] =	ssyncset.done $0x0  }
.Ltmp2:
0x4e3: {  	[sflag:s24] =	ssyncadd.s32 $0xFFFFF9E0;
	(pc) =	sbr.rel @p0 .LBB2_1-.Ltmp2, $4  }
0x4e4: {  	[hbm4b:s22+s2] =	stream.linear.scatter [tilespmem:s25], [sflag:$0x1], $0x620, $0x38;
	[tilespmem:$0x1BF80] =	vst v63  }
0x4e5: {  	_ =	swait.ge [sflag:s24], $0x620  }
0x4e6: {  	[sflag:s24] =	ssyncset.done $0x0  }
0x4e7: {  	[sflag:s24] =	ssyncadd.s32 $0xFFFFF9E0  }
0x4e8: {  	_ =	sfence.sel $0x180000  }
0x4e9: {  	[bflag:$0x0] =	sbarrier.arrive $0xFFFF  }
0x4ea: {  	_ =	strace $0x9000004A  }
0x4eb: {  	s0 =	stileid.u32;
	[bflag:$0x2] =	sbarrier.arrive $0xFFFF  }
0x4ec: {  	p0 =	sne.s32 s0, $0x0;
	s0 =	rddreg [dreg:$0x1]  }
0x4ed: {  	s0 =	sadd.s32 @!p0 $0x100000, s0  }
0x4ee: {  	[sflag:s0] =	ssyncadd.tile.s32 @!p0 $0x1;
	_ =	shalt  }
.Lfunc_end2:
_tile_overlayer_lowered:
.L_overlay_start_2:
0x4ef: {  	(tag) =	ssettag $0x2  }
0x4f0: {  	s0 =	rddreg [dreg:$0x0];
	s2 =	stileid.u32  }
0x4f1: {  	s1 =	rddreg [dreg:$0x1];
	p0 =	sne.s32 s2, $0x0  }
0x4f2: {  	s3 =	rddreg [dreg:$0x2];
	[bflag:$0x3] =	sbarrier.arrive $0xFFFF;
	s2 =	simm.s32 @!p0 $0x1C01  }
0x4f3: {  	[timem:s3], [sflag:s2] =	dma.local @!p0 [hbm:s0], s1  }
0x4f4: {  	s0 =	simm.s32 @!p0 $0x1  }
0x4f5: {  	_ =	swait.ge @!p0 [sflag:s0], s1  }
0x4f6: {  	s1 =	ssub.s32 @!p0 $0x0, s1;
	[sflag:s0] =	ssyncset.done @!p0 $0x0  }
0x4f7: {  	[sflag:s0] =	ssyncadd.s32 @!p0 s1  }
0x4f8: {  	[bflag:$0x3] =	sbarrier.arrive $0xFFFF  }
0x4f9: {  	_ =	shalt  }

// kernel: sparse-core-data-format-call.1.cloned.1.call-start
scs
called_computation.1_lowered:
.L_overlay_start_0:
0x0: {  	s2 =	sld [smem:$0x3FD9]  }
0x1: {  	s3 =	sld [smem:$0x3FFE];
	_ =	sdelay $0x1  }
0x2: {  	s1 =	srdreg.scid  }
0x3: {  	s0 =	sand.u32 $0x1, s1  }
0x4: {  	s16 =	sshll.u32 s0, $0xA;
	s2 =	sadd.s32 s3, s2  }
0x5: {  	s2 =	sadd.s32 s2, s16  }
0x6: {  	[smem:$0x3FBA] =	sst s2  }
0x7: {  	_ = 	snop  }
0x8: {  	s2 =	sld [smem:$0x3FD0];
	_ =	sdelay $0x2  }
0x9: {  	s17 =	simm.s32 $0xC;
	s4 =	simm.s32 $0x10  }
0xa: {  	[smem:s4], [sflag:s17] =	dma.local [hbm:s2], $0x1  }
0xb: {  	_ =	swait.eq [sflag:s17], $0x1  }
0xc: {  	[sflag:s17] =	ssyncset.done $0x0  }
0xd: {  	[sflag:s17] =	ssyncadd.s32 $0xFFFFFFFF  }
0xe: {  	s18 =	sld [smem:$0x10];
	(tm) =	ssettm $0x1  }
0xf: {  	s19 =	sld [smem:$0x3FFB];
	_ =	sdelay $0x3  }
0x10: {  	_ =	strace s19  }
0x11: {  	s2 =	sld [smem:$0x3FFC];
	_ =	sdelay $0x3  }
0x12: {  	_ =	strace s2  }
0x13: {  	s2 =	sld [smem:$0x3FFD];
	_ =	sdelay $0x3  }
0x14: {  	_ =	strace s2  }
0x15: {  	_ =	strace $0x8FFFFFFF  }
0x16: {  	s20 =	sld [smem:$0x3FDB];
	_ =	sdelay $0x1  }
0x17: {  	s21 =	simm.s32 $_scs_section_size  }
0x18: {  	s5 =	simm.s32 $_size__tile_overlayer_lowered;
	s6 =	simm.s32 $_tile_overlayer_lowered  }
0x19: {  	s7 =	simm.s32 $0x1BFF;
	s22 =	sshll.u32 s6, $0x1;
	s4 =	sadd.s32 s21, s20  }
0x1a: {  	s23 =	simm.s32 $0x0;
	s5 =	sshll.u32 s5, $0x1;
	s6 =	sadd.s32 s22, s4  }
0x1b: {  	[timem:s23], [sflag:s7] =	dma.local [hbm:s6], s5  }
0x1c: {  	_ =	swait.ge [sflag:s7], s5  }
0x1d: {  	s5 =	ssub.s32 $0x0, s5;
	[sflag:s7] =	ssyncset.done $0x0  }
0x1e: {  	[sflag:s7] =	ssyncadd.s32 s5;
	_ =	sdelay $0x1  }
0x1f: {  	s24 =	simm.s32 $0x1B8B  }
0x20: {  	_ =	swait.ge [sflag:s24], $0x1  }
0x21: {  	[sflag:s24] =	ssyncset.done $0x0  }
0x22: {  	[sflag:s24] =	ssyncadd.s32 $0xFFFFFFFF  }
0x23: {  	s5 =	sld [smem:$0x0]  }
0x24: {  	s6 =	sand.u32 $0xFFFFFFFE, s1  }
0x25: {  	p0 =	sne.s32 s1, s6  }
0x26: {  	s6 =	sshll.u32 @p0 s6, $0xE  }
0x27: {  	s6 =	sadd.s32 @p0 $0x11B8D, s6;
	s7 =	sshll.u32 @p0 s5, $0x11  }
0x28: {  	s6 =	sor.u32 @p0 s7, s6  }
0x29: {  	[sflag:s6] =	ssyncadd.remote.s32 @p0 $0x1;
	_ =	sdelay $0x1  }
0x2a: {  	s6 =	simm.s32 @p0 $0x1B8D  }
0x2b: {  	_ =	swait.eq @p0 [sflag:s6], $0x1  }
0x2c: {  	[sflag:s6] =	ssyncadd.s32 @p0 $0xFFFFFFFF  }
0x2d: {  	s7 =	sshll.u32 @!p0 s1, $0xE  }
0x2e: {  	s7 =	sor.u32 @!p0 $0x4000, s7;
	s6 =	simm.s32 @!p0 $0x1B8D  }
0x2f: {  	s5 =	sshll.u32 @!p0 s5, $0x11;
	s7 =	sadd.s32 @!p0 $0x11B8D, s7;
	_ =	swait.eq @!p0 [sflag:s6], $0x1  }
0x30: {  	s5 =	sor.u32 @!p0 s5, s7;
	[sflag:s6] =	ssyncadd.s32 @!p0 $0xFFFFFFFF  }
0x31: {  	s26 =	simm.s32 $0x1B8E;
	s25 =	sld [smem:$0x3FFE];
	[sflag:s5] =	ssyncadd.remote.s32 @!p0 $0x1  }
0x32: {  	s27 =	simm.s32 $execute0_lowered;
	[smem:$0x3FD2] =	sst s26  }
0x33: {  	s6 =	sshll.u32 s27, $0x1;
	_ =	strace $0x8000004C;
	[dreg:$0x1] =	wrdreg $0xFFFFFFFF  }
0x34: {  	s28 =	simm.s32 $_size_execute0_lowered;
	s4 =	sadd.s32 s4, s6;
	[dreg:$0x0] =	wrdreg $0x0  }
0x35: {  	s6 =	sshll.u32 s28, $0x1;
	[dreg:$0x2] =	wrdreg s4  }
0x36: {  	[dreg:$0x3] =	wrdreg s6  }
0x37: {  	[dreg:$0x4] =	wrdreg $0xC0  }
0x38: {  	_ =	task [dreg:s23], $0x5FFFF  }
0x39: {  	[dreg:$0x1] =	wrdreg $0xFFFFFFFF  }
0x3a: {  	[dreg:$0x0] =	wrdreg $0x60  }
0x3b: {  	[dreg:$0x2] =	wrdreg s25  }
0x3c: {  	[dreg:$0x3] =	wrdreg s18  }
0x3d: {  	[dreg:$0x4] =	wrdreg $0x9  }
0x3e: {  	_ =	task.clear_ibuf [dreg:s23], $0x5FFFF;
	_ =	strace $0x9000004C  }
0x3f: {  	s29 =	simm.s32 $0x9;
	_ =	strace $0x8000004E  }
0x40: {  	_ =	swait.ge [sflag:s29], $0x1  }
0x41: {  	[sflag:s29] =	ssyncadd.s32 $0xFFFFFFFF  }
0x42: {  	_ =	strace $0x9000004E  }
0x43: {  	_ =	sfence  }
0x44: {  	s30 =	sld [smem:$0x0];
	_ =	sdelay $0x2  }
0x45: {  	s31 =	sshll.u32 s1, $0xD;
	s1 =	sshrl.u32 s1, $0x2  }
0x46: {  	s4 =	sand.u32 $0x4000, s31;
	s1 =	sadd.s32 s1, s30  }
0x47: {  	s0 =	sor.u32 s4, s0;
	s1 =	sshll.u32 s1, $0x11  }
0x48: {  	s0 =	sor.u32 s1, s0  }
0x49: {  	s0 =	sadd.s32 $0x8F2B, s0  }
0x4a: {  	[sflag:s0] =	ssyncadd.remote.s32 $0x1  }
0x4b: {  	_ =	sfence.sel $0xFFFF  }
0x4c: {  	[dreg:$0x0] =	wrdreg $0xFFFFFFFF;
	(pc) =	sbr.abs _section_cstart, $3  }
0x4d: {  	[dreg:$0x1] =	wrdreg $0xFFFFFFFF  }
0x4e: {  	_ =	task.clear_ibuf [dreg:s23], $0x2FFFF;
	_ =	strace $0x9FFFFFFF  }
0x4f: {  	(tm) =	ssettm $0x7FFFFFFF  }
tec
execute0_lowered:
.L_overlay_start_1:
0x0: {  	(tag) =	ssettag $0x1  }
0x1: {  	s4 =	rddreg [dreg:$0x0]  }
0x2: {  	s2 =	rddreg [dreg:$0x1]  }
0x3: {  	s0 =	rddreg [dreg:$0x2];
	_ =	strace $0x8000004D  }
0x4: {  	s3 =	srdreg.scid;
	s1 =	stileid.u32;
	s6 =	simm.s32 $0x2  }
.Ltmp0:
0x5: {  	s11 =	simm.s32 $0x0;
	s7 =	simm.s32 $0xC40000;
	(pc) =	sbr.rel .LBB1_1-.Ltmp0, $4  }
0x6: {  	s12 =	simm.s32 $0x0;
	s9 =	simm.s32 $0x0;
	s5 =	sshll.u32 s3, $0x4  }
0x7: {  	s8 =	simm.s32 $0x0;
	s3 =	simm.s32 $0x1;
	s5 =	sand.u32 $0x10, s5  }
0x8: {  	s4 =	sadd.s32 $0x1800, s4;
	[sflag:s3] =	ssyncpa.u1 $0x0;
	s5 =	sor.u32 s1, s5  }
0x9: {  	[sflag:s6] =	ssyncpa.u1 $0x0;
	s6 =	simm.s32 $0x2000;
	s10 =	smov.u32 s5  }
.LBB1_7:
0xa: {  	s13 =	sadd.s32 $0x20, s9  }
0xb: {  	s11 =	sadd.s32 $0x20, s10;
	s15 =	smov.u32 s10;
	p1 =	sgt.s32 s13, $0xDF  }
0xc: {  	p0 =	slt.u32 s8, $0x2;
	s15 =	smov.u32 @p1 s11  }
0xd: {  	s8 =	sadd.s32 $0x1, s8;
	s13 =	simm.s32 @p1 $0x0;
	p1 =	sgt.s32 s15, $0xDF  }
0xe: {  	s15 =	smov.u32 @p1 s5;
	p1 =	sne.s32 s8, $0x33  }
.Ltmp1:
0xf: {  	_ = 	snop;
	(pc) =	sbr.rel @!p1 .LBB1_8-.Ltmp1, $4  }
0x10: {  	s14 =	simm.s32 @!p0 $0x2  }
0x11: {  	_ =	swait.ge @!p0 [sflag:s14], $0x4000  }
0x12: {  	s12 =	smov.u32 s10;
	s11 =	smov.u32 s9;
	[sflag:s14] =	ssyncset.done @!p0 $0x0  }
0x13: {  	s9 =	smov.u32 s13;
	[sflag:s14] =	ssyncadd.s32 @!p0 $0xFFFFC000;
	s10 =	smov.u32 s15  }
.LBB1_1:
0x14: {  	p0 =	sgt.u32 s8, $0x30  }
0x15: {  	s13 =	smul.u32 @!p0 $0x3800, s10  }
0x16: {  	s14 =	sxor.u32 @!p0 $0xFFFFFFFF, s8  }
0x17: {  	s15 =	sshll.u32 @!p0 s9, $0x6;
	s14 =	sshll.u32 @!p0 s14, $0xE;
	s13 =	sadd.s32 @!p0 s4, s13  }
0x18: {  	s14 =	sand.u32 @!p0 $0x4000, s14;
	s13 =	sadd.s32 @!p0 s15, s13;
	s15 =	simm.s32 @!p0 $0x0  }
0x19: {  	[tilespmem:s14], [sflag:$0x1] =	stream.linear.gather @!p0 [hbm4b:s13+s15], $0x4000, $0x38;
	[tilespmem:$0x10000] =	vst v63  }
0x1a: {  	p0 =	seq.s32 s8, $0x0  }
0x1b: {  	p1 =	seq.s32 @!p0 s8, $0x32  }
0x1c: {  	p0 =	por p0, p1  }
.Ltmp2:
0x1d: {  	_ = 	snop;
	(pc) =	sbr.rel @p0 .LBB1_7-.Ltmp2, $1  }
0x1e: {  	_ =	sdelay $0x3  }
0x1f: {  	_ =	swait.ge [sflag:s3], $0x4000;
	s13 =	sshll.u32 s8, $0xE  }
0x20: {  	[sflag:s3] =	ssyncset.done $0x0;
	s14 =	sand.u32 $0x4000, s13  }
0x21: {  	s15 =	simm.s32 $0x0;
	[sflag:s3] =	ssyncadd.s32 $0xFFFFC000;
	s13 =	sor.u32 $0x8000, s14  }
.LBB1_3:
0x22: {  	s16 =	sshll.u32 s15, $0x8;
	s17 =	sshll.u32 s15, $0x7  }
0x23: {  	s16 =	sand.u32 $0x1800, s16;
	s18 =	sand.u32 $0x380, s17  }
0x24: {  	s16 =	sor.u32 s18, s16  }
0x25: {  	s29 =	sshll.u32 s15, $0x9;
	s19 =	sand.u32 $0x1B00, s16  }
0x26: {  	s17 =	sand.u32 $0x80, s17;
	s18 =	sand.u32 $0x3FFFFE00, s29;
	s19 =	sadd.s32 s19, s13  }
0x27: {  	s18 =	sadd.s32 s18, s14;
	s16 =	sadd.s32 s16, s13;
	s17 =	sadd.s32 s17, s19  }
0x28: {  	v0 =	vmov s18;
	v10 =	vmov s16;
	s19 =	sadd.s32 $0x10, s17;
	s20 =	sadd.s32 $0x20, s17  }
0x29: {  	s21 =	sadd.s32 $0x30, s17;
	v1 =	vmov s17;
	s30 =	sadd.s32 $0x40, s17;
	s22 =	sadd.s32 $0x50, s17;
	v2 =	vmov s19;
	v3 =	vmov s20  }
0x2a: {  	s23 =	sadd.s32 $0x60, s17;
	s31 =	sadd.s32 $0x70, s17;
	s17 =	sadd.s32 $0x400, s17;
	v4 =	vmov s21;
	v5 =	vmov s30;
	v6 =	vmov s22  }
0x2b: {  	p0 =	por $0x1, $0x1;
	s16 =	simm.s32 $0x0;
	v7 =	vmov s23;
	v8 =	vmov s31;
	v9 =	vmov s17  }
.LBB1_4:
0x2c: {  	s17 =	sshll.u32 s16, $0x7  }
0x2d: {  	s17 =	sand.u32 $0x3FFFFF80, s17  }
0x2e: {  	v11 =	vld.idx.msk [tilespmem:v0+s17+$0x0 ss:$0x1], $0xffff  }
0x2f: {  	v12 =	vld.idx.msk [tilespmem:v0+s17+$0x10 ss:$0x1], $0xffff  }
0x30: {  	v13 =	vld.idx.msk [tilespmem:v0+s17+$0x20 ss:$0x1], $0xffff  }
0x31: {  	v14 =	vld.idx.msk [tilespmem:v0+s17+$0x30 ss:$0x1], $0xffff  }
0x32: {  	s31 =	sshll.u32 s16, $0xD;
	v15 =	vld.idx.msk [tilespmem:v0+s17+$0x40 ss:$0x1], $0xffff  }
0x33: {  	[tilespmem:v1+s31+$0x0 ss:$0x1] =	vst.idx.msk $0xffff, v11;
	v11 =	vld.idx.msk [tilespmem:v0+s17+$0x50 ss:$0x1], $0xffff  }
0x34: {  	v56 =	vld.idx.msk [tilespmem:v0+s17+$0x60 ss:$0x1], $0xffff;
	[tilespmem:v2+s31+$0x0 ss:$0x1] =	vst.idx.msk $0xffff, v12  }
0x35: {  	v57 =	vld.idx.msk [tilespmem:v0+s17+$0x70 ss:$0x1], $0xffff;
	[tilespmem:v3+s31+$0x0 ss:$0x1] =	vst.idx.msk $0xffff, v13  }
0x36: {  	v58 =	vld.idx.msk [tilespmem:v0+s17+$0x100 ss:$0x1], $0xffff;
	[tilespmem:v4+s31+$0x0 ss:$0x1] =	vst.idx.msk $0xffff, v14  }
0x37: {  	v59 =	vld.idx.msk [tilespmem:v0+s17+$0x110 ss:$0x1], $0xffff;
	[tilespmem:v5+s31+$0x0 ss:$0x1] =	vst.idx.msk $0xffff, v15  }
0x38: {  	[tilespmem:v6+s31+$0x0 ss:$0x1] =	vst.idx.msk $0xffff, v11;
	v11 =	vld.idx.msk [tilespmem:v0+s17+$0x120 ss:$0x1], $0xffff  }
0x39: {  	v60 =	vld.idx.msk [tilespmem:v0+s17+$0x130 ss:$0x1], $0xffff;
	[tilespmem:v7+s31+$0x0 ss:$0x1] =	vst.idx.msk $0xffff, v56  }
0x3a: {  	v61 =	vld.idx.msk [tilespmem:v0+s17+$0x140 ss:$0x1], $0xffff;
	[tilespmem:v8+s31+$0x0 ss:$0x1] =	vst.idx.msk $0xffff, v57  }
0x3b: {  	v62 =	vld.idx.msk [tilespmem:v0+s17+$0x150 ss:$0x1], $0xffff;
	[tilespmem:v9+s31+$0x0 ss:$0x1] =	vst.idx.msk $0xffff, v58  }
0x3c: {  	v63 =	vld.idx.msk [tilespmem:v0+s17+$0x160 ss:$0x1], $0xffff;
	[tilespmem:v10+s31+$0x410 ss:$0x1] =	vst.idx.msk $0xffff, v59  }
0x3d: {  	p1 =	por p0, p0;
	[tilespmem:v10+s31+$0x420 ss:$0x1] =	vst.idx.msk $0xffff, v11;
	v11 =	vld.idx.msk [tilespmem:v0+s17+$0x170 ss:$0x1], $0xffff  }
.Ltmp3:
0x3e: {  	[tilespmem:v10+s31+$0x430 ss:$0x1] =	vst.idx.msk $0xffff, v60;
	(pc) =	sbr.rel @p1 .LBB1_4-.Ltmp3, $4  }
0x3f: {  	[tilespmem:v10+s31+$0x440 ss:$0x1] =	vst.idx.msk $0xffff, v61  }
0x40: {  	[tilespmem:v10+s31+$0x450 ss:$0x1] =	vst.idx.msk $0xffff, v62  }
0x41: {  	[tilespmem:v10+s31+$0x460 ss:$0x1] =	vst.idx.msk $0xffff, v63  }
0x42: {  	s16 =	simm.s32 $0x1;
	p0 =	por $0x0, $0x0;
	[tilespmem:v10+s31+$0x470 ss:$0x1] =	vst.idx.msk $0xffff, v11  }
0x43: {  	s15 =	sadd.s32 $0x1, s15  }
0x44: {  	p0 =	sne.s32 s15, $0x20  }
.Ltmp4:
0x45: {  	_ = 	snop;
	(pc) =	sbr.rel @p0 .LBB1_3-.Ltmp4, $1  }
0x46: {  	_ =	sdelay $0x3  }
0x47: {  	s14 =	sshll.u32 s11, $0x8;
	s15 =	sshll.u32 s11, $0x7  }
0x48: {  	s14 =	sand.u32 $0xFFFFF800, s14;
	s15 =	sand.u32 $0x300, s15  }
0x49: {  	s14 =	sor.u32 s15, s14  }
0x4a: {  	s14 =	sshrl.u32 s14, $0x8  }
0x4b: {  	s30 =	smulhi.u32 $0x124924A, s14  }
0x4c: {  	s12 =	smul.u32 $0x1C00, s12  }
0x4d: {  	s15 =	smul.u32 $0xE0, s30  }
.Ltmp5:
0x4e: {  	s31 =	sshll.u32 s11, $0x4;
	(pc) =	sbr.rel .LBB1_7-.Ltmp5, $4  }
0x4f: {  	s11 =	sand.u32 $0x10, s31;
	s12 =	sadd.s32 s2, s12;
	s14 =	ssub.s32 s14, s15  }
0x50: {  	s11 =	sadd.s32 s11, s12;
	s14 =	sshll.u32 s14, $0x5  }
0x51: {  	s11 =	sadd.s32 s14, s11  }
0x52: {  	[hbm4b:s11+s6] =	stream.strided.scatter [tilespmem:s13], [sflag:$0x2], $0x4000, s7, s6, $0x38;
	[tilespmem:$0x10000] =	vst v63  }
.LBB1_8:
0x53: {  	_ =	sfence.sel $0x180000  }
0x54: {  	s2 =	simm.s32 $0x1;
	[bflag:$0x0] =	sbarrier.arrive $0xFFFF  }
0x55: {  	s31 =	simm.s32 $0x2;
	[sflag:s2] =	ssyncpa.u1 $0x1  }
0x56: {  	[sflag:s31] =	ssyncpa.u1 $0x1  }
0x57: {  	p0 =	sne.s32 s1, $0x0;
	_ =	strace $0x9000004D  }
0x58: {  	s0 =	sadd.s32 @!p0 $0x100000, s0;
	[bflag:$0x2] =	sbarrier.arrive $0xFFFF  }
0x59: {  	[sflag:s0] =	ssyncadd.tile.s32 @!p0 $0x1;
	_ =	shalt  }
.Lfunc_end1:
_tile_overlayer_lowered:
.L_overlay_start_2:
0x5a: {  	(tag) =	ssettag $0x2  }
0x5b: {  	s0 =	rddreg [dreg:$0x0];
	s2 =	stileid.u32  }
0x5c: {  	s1 =	rddreg [dreg:$0x1];
	p0 =	sne.s32 s2, $0x0  }
0x5d: {  	s3 =	rddreg [dreg:$0x2];
	[bflag:$0x3] =	sbarrier.arrive $0xFFFF;
	s2 =	simm.s32 @!p0 $0x1C01  }
0x5e: {  	[timem:s3], [sflag:s2] =	dma.local @!p0 [hbm:s0], s1  }
0x5f: {  	s0 =	simm.s32 @!p0 $0x1  }
0x60: {  	_ =	swait.ge @!p0 [sflag:s0], s1  }
0x61: {  	s1 =	ssub.s32 @!p0 $0x0, s1;
	[sflag:s0] =	ssyncset.done @!p0 $0x0  }
0x62: {  	[sflag:s0] =	ssyncadd.s32 @!p0 s1  }
0x63: {  	[bflag:$0x3] =	sbarrier.arrive $0xFFFF  }
0x64: {  	_ =	shalt  }

// kernel: sparse-core-data-format-call.cloned.1.call-start
scs
called_computation_lowered:
.L_overlay_start_0:
0x0: {  	s2 =	sld [smem:$0x3FD9]  }
0x1: {  	s3 =	sld [smem:$0x3FFE];
	_ =	sdelay $0x1  }
0x2: {  	s1 =	srdreg.scid  }
0x3: {  	s0 =	sand.u32 $0x1, s1  }
0x4: {  	s15 =	sshll.u32 s0, $0xA;
	s2 =	sadd.s32 s3, s2  }
0x5: {  	s2 =	sadd.s32 s2, s15  }
0x6: {  	[smem:$0x3FBA] =	sst s2  }
0x7: {  	_ = 	snop  }
0x8: {  	s2 =	sld [smem:$0x3FD0];
	_ =	sdelay $0x2  }
0x9: {  	s16 =	simm.s32 $0xC;
	s4 =	simm.s32 $0x10  }
0xa: {  	[smem:s4], [sflag:s16] =	dma.local [hbm:s2], $0x1  }
0xb: {  	_ =	swait.eq [sflag:s16], $0x1  }
0xc: {  	[sflag:s16] =	ssyncset.done $0x0  }
0xd: {  	[sflag:s16] =	ssyncadd.s32 $0xFFFFFFFF  }
0xe: {  	s17 =	sld [smem:$0x10];
	(tm) =	ssettm $0x1  }
0xf: {  	s18 =	sld [smem:$0x3FFB];
	_ =	sdelay $0x3  }
0x10: {  	_ =	strace s18  }
0x11: {  	s3 =	sld [smem:$0x3FFC];
	_ =	sdelay $0x3  }
0x12: {  	_ =	strace s3  }
0x13: {  	s3 =	sld [smem:$0x3FFD];
	_ =	sdelay $0x3  }
0x14: {  	_ =	strace s3  }
0x15: {  	_ =	strace $0x8FFFFFFF  }
0x16: {  	s19 =	sld [smem:$0x3FDB];
	_ =	sdelay $0x1  }
0x17: {  	s20 =	simm.s32 $_scs_section_size  }
0x18: {  	s5 =	simm.s32 $_size__tile_overlayer_lowered;
	s6 =	simm.s32 $_tile_overlayer_lowered  }
0x19: {  	s23 =	simm.s32 $0x1BFF;
	s22 =	sshll.u32 s6, $0x1;
	s3 =	sadd.s32 s20, s19  }
0x1a: {  	s7 =	simm.s32 $0x0;
	s21 =	sshll.u32 s5, $0x1;
	s5 =	sadd.s32 s22, s3  }
0x1b: {  	[timem:s7], [sflag:s23] =	dma.local [hbm:s5], s21  }
0x1c: {  	_ =	swait.ge [sflag:s23], s21  }
0x1d: {  	s4 =	ssub.s32 $0x0, s21;
	[sflag:s23] =	ssyncset.done $0x0  }
0x1e: {  	[sflag:s23] =	ssyncadd.s32 s4;
	_ =	sdelay $0x1  }
0x1f: {  	s24 =	simm.s32 $0x1B8B  }
0x20: {  	_ =	swait.ge [sflag:s24], $0x1  }
0x21: {  	[sflag:s24] =	ssyncset.done $0x0  }
0x22: {  	s26 =	simm.s32 $0x1B8E;
	s25 =	sld [smem:$0x3FFE];
	[sflag:s24] =	ssyncadd.s32 $0xFFFFFFFF  }
0x23: {  	s27 =	simm.s32 $execute0_lowered;
	[smem:$0x3FD2] =	sst s26  }
0x24: {  	s5 =	sshll.u32 s27, $0x1;
	_ =	strace $0x80000046;
	[dreg:$0x1] =	wrdreg $0xFFFFFFFF  }
0x25: {  	s28 =	simm.s32 $_size_execute0_lowered;
	s3 =	sadd.s32 s3, s5;
	[dreg:$0x0] =	wrdreg $0x0  }
0x26: {  	s5 =	sshll.u32 s28, $0x1;
	[dreg:$0x2] =	wrdreg s3  }
0x27: {  	[dreg:$0x3] =	wrdreg s5  }
0x28: {  	[dreg:$0x4] =	wrdreg $0xC0  }
0x29: {  	_ =	task [dreg:s7], $0x5FFFF  }
0x2a: {  	[dreg:$0x1] =	wrdreg $0xFFFFFFFF  }
0x2b: {  	[dreg:$0x0] =	wrdreg $0x60  }
0x2c: {  	[dreg:$0x2] =	wrdreg s25  }
0x2d: {  	[dreg:$0x3] =	wrdreg s17  }
0x2e: {  	[dreg:$0x4] =	wrdreg $0x9  }
0x2f: {  	_ =	task.clear_ibuf [dreg:s7], $0x5FFFF;
	_ =	strace $0x90000046  }
0x30: {  	s29 =	simm.s32 $0x9;
	_ =	strace $0x80000048  }
0x31: {  	_ =	swait.ge [sflag:s29], $0x1  }
0x32: {  	[sflag:s29] =	ssyncadd.s32 $0xFFFFFFFF  }
0x33: {  	_ =	strace $0x90000048  }
0x34: {  	_ =	sfence  }
0x35: {  	s30 =	sld [smem:$0x0];
	_ =	sdelay $0x2  }
0x36: {  	s31 =	sshll.u32 s1, $0xD;
	s1 =	sshrl.u32 s1, $0x2  }
0x37: {  	s3 =	sand.u32 $0x4000, s31;
	s1 =	sadd.s32 s1, s30  }
0x38: {  	s0 =	sor.u32 s3, s0;
	s1 =	sshll.u32 s1, $0x11  }
0x39: {  	s0 =	sor.u32 s1, s0  }
0x3a: {  	s0 =	sadd.s32 $0x8F2B, s0  }
0x3b: {  	[sflag:s0] =	ssyncadd.remote.s32 $0x1  }
0x3c: {  	_ =	sfence.sel $0xFFFF  }
0x3d: {  	[dreg:$0x0] =	wrdreg $0xFFFFFFFF;
	(pc) =	sbr.abs _section_cstart, $3  }
0x3e: {  	[dreg:$0x1] =	wrdreg $0xFFFFFFFF  }
0x3f: {  	_ =	task.clear_ibuf [dreg:s7], $0x2FFFF;
	_ =	strace $0x9FFFFFFF  }
0x40: {  	(tm) =	ssettm $0x7FFFFFFF  }
0x41: {  	_ =	shalt  }
tec
execute0_lowered:
.L_overlay_start_1:
0x0: {  	(tag) =	ssettag $0x1  }
0x1: {  	s4 =	rddreg [dreg:$0x0]  }
0x2: {  	s2 =	rddreg [dreg:$0x1]  }
0x3: {  	s0 =	rddreg [dreg:$0x2];
	_ =	strace $0x80000047  }
0x4: {  	s3 =	srdreg.scid;
	s1 =	stileid.u32;
	s6 =	simm.s32 $0x2  }
.Ltmp0:
0x5: {  	s11 =	simm.s32 $0x0;
	s7 =	simm.s32 $0xC40000;
	(pc) =	sbr.rel .LBB1_1-.Ltmp0, $4  }
0x6: {  	s12 =	simm.s32 $0x0;
	s9 =	simm.s32 $0x0;
	s5 =	sshll.u32 s3, $0x4  }
0x7: {  	s8 =	simm.s32 $0x0;
	s3 =	simm.s32 $0x1;
	s5 =	sand.u32 $0x10, s5  }
0x8: {  	s4 =	sadd.s32 $0x1800, s4;
	[sflag:s3] =	ssyncpa.u1 $0x0;
	s5 =	sor.u32 s1, s5  }
0x9: {  	[sflag:s6] =	ssyncpa.u1 $0x0;
	s6 =	simm.s32 $0x2000;
	s10 =	smov.u32 s5  }
.LBB1_7:
0xa: {  	s13 =	sadd.s32 $0x20, s9  }
0xb: {  	s11 =	sadd.s32 $0x20, s10;
	s15 =	smov.u32 s10;
	p1 =	sgt.s32 s13, $0xDF  }
0xc: {  	p0 =	slt.u32 s8, $0x2;
	s15 =	smov.u32 @p1 s11  }
0xd: {  	s8 =	sadd.s32 $0x1, s8;
	s13 =	simm.s32 @p1 $0x0;
	p1 =	sgt.s32 s15, $0xDF  }
0xe: {  	s15 =	smov.u32 @p1 s5;
	p1 =	sne.s32 s8, $0x33  }
.Ltmp1:
0xf: {  	_ = 	snop;
	(pc) =	sbr.rel @!p1 .LBB1_8-.Ltmp1, $4  }
0x10: {  	s14 =	simm.s32 @!p0 $0x2  }
0x11: {  	_ =	swait.ge @!p0 [sflag:s14], $0x4000  }
0x12: {  	s12 =	smov.u32 s10;
	s11 =	smov.u32 s9;
	[sflag:s14] =	ssyncset.done @!p0 $0x0  }
0x13: {  	s9 =	smov.u32 s13;
	[sflag:s14] =	ssyncadd.s32 @!p0 $0xFFFFC000;
	s10 =	smov.u32 s15  }
.LBB1_1:
0x14: {  	p0 =	sgt.u32 s8, $0x30  }
0x15: {  	s13 =	smul.u32 @!p0 $0x3800, s10  }
0x16: {  	s14 =	sxor.u32 @!p0 $0xFFFFFFFF, s8  }
0x17: {  	s15 =	sshll.u32 @!p0 s9, $0x6;
	s14 =	sshll.u32 @!p0 s14, $0xE;
	s13 =	sadd.s32 @!p0 s4, s13  }
0x18: {  	s14 =	sand.u32 @!p0 $0x4000, s14;
	s13 =	sadd.s32 @!p0 s15, s13;
	s15 =	simm.s32 @!p0 $0x0  }
0x19: {  	[tilespmem:s14], [sflag:$0x1] =	stream.linear.gather @!p0 [hbm4b:s13+s15], $0x4000, $0x38;
	[tilespmem:$0x10000] =	vst v63  }
0x1a: {  	p0 =	seq.s32 s8, $0x0  }
0x1b: {  	p1 =	seq.s32 @!p0 s8, $0x32  }
0x1c: {  	p0 =	por p0, p1  }
.Ltmp2:
0x1d: {  	_ = 	snop;
	(pc) =	sbr.rel @p0 .LBB1_7-.Ltmp2, $1  }
0x1e: {  	_ =	sdelay $0x3  }
0x1f: {  	_ =	swait.ge [sflag:s3], $0x4000;
	s13 =	sshll.u32 s8, $0xE  }
0x20: {  	[sflag:s3] =	ssyncset.done $0x0;
	s14 =	sand.u32 $0x4000, s13  }
0x21: {  	s15 =	simm.s32 $0x0;
	[sflag:s3] =	ssyncadd.s32 $0xFFFFC000;
	s13 =	sor.u32 $0x8000, s14  }
.LBB1_3:
0x22: {  	s16 =	sshll.u32 s15, $0x8;
	s17 =	sshll.u32 s15, $0x7  }
0x23: {  	s16 =	sand.u32 $0x1800, s16;
	s18 =	sand.u32 $0x380, s17  }
0x24: {  	s16 =	sor.u32 s18, s16  }
0x25: {  	s29 =	sshll.u32 s15, $0x9;
	s19 =	sand.u32 $0x1B00, s16  }
0x26: {  	s17 =	sand.u32 $0x80, s17;
	s18 =	sand.u32 $0x3FFFFE00, s29;
	s19 =	sadd.s32 s19, s13  }
0x27: {  	s18 =	sadd.s32 s18, s14;
	s16 =	sadd.s32 s16, s13;
	s17 =	sadd.s32 s17, s19  }
0x28: {  	v0 =	vmov s18;
	v10 =	vmov s16;
	s19 =	sadd.s32 $0x10, s17;
	s20 =	sadd.s32 $0x20, s17  }
0x29: {  	s21 =	sadd.s32 $0x30, s17;
	v1 =	vmov s17;
	s30 =	sadd.s32 $0x40, s17;
	s22 =	sadd.s32 $0x50, s17;
	v2 =	vmov s19;
	v3 =	vmov s20  }
0x2a: {  	s23 =	sadd.s32 $0x60, s17;
	s31 =	sadd.s32 $0x70, s17;
	s17 =	sadd.s32 $0x400, s17;
	v4 =	vmov s21;
	v5 =	vmov s30;
	v6 =	vmov s22  }
0x2b: {  	p0 =	por $0x1, $0x1;
	s16 =	simm.s32 $0x0;
	v7 =	vmov s23;
	v8 =	vmov s31;
	v9 =	vmov s17  }
.LBB1_4:
0x2c: {  	s17 =	sshll.u32 s16, $0x7  }
0x2d: {  	s17 =	sand.u32 $0x3FFFFF80, s17  }
0x2e: {  	v11 =	vld.idx.msk [tilespmem:v0+s17+$0x0 ss:$0x1], $0xffff  }
0x2f: {  	v12 =	vld.idx.msk [tilespmem:v0+s17+$0x10 ss:$0x1], $0xffff  }
0x30: {  	v13 =	vld.idx.msk [tilespmem:v0+s17+$0x20 ss:$0x1], $0xffff  }
0x31: {  	v14 =	vld.idx.msk [tilespmem:v0+s17+$0x30 ss:$0x1], $0xffff  }
0x32: {  	s31 =	sshll.u32 s16, $0xD;
	v15 =	vld.idx.msk [tilespmem:v0+s17+$0x40 ss:$0x1], $0xffff  }
0x33: {  	[tilespmem:v1+s31+$0x0 ss:$0x1] =	vst.idx.msk $0xffff, v11;
	v11 =	vld.idx.msk [tilespmem:v0+s17+$0x50 ss:$0x1], $0xffff  }
0x34: {  	v56 =	vld.idx.msk [tilespmem:v0+s17+$0x60 ss:$0x1], $0xffff;
	[tilespmem:v2+s31+$0x0 ss:$0x1] =	vst.idx.msk $0xffff, v12  }
0x35: {  	v57 =	vld.idx.msk [tilespmem:v0+s17+$0x70 ss:$0x1], $0xffff;
	[tilespmem:v3+s31+$0x0 ss:$0x1] =	vst.idx.msk $0xffff, v13  }
0x36: {  	v58 =	vld.idx.msk [tilespmem:v0+s17+$0x100 ss:$0x1], $0xffff;
	[tilespmem:v4+s31+$0x0 ss:$0x1] =	vst.idx.msk $0xffff, v14  }
0x37: {  	v59 =	vld.idx.msk [tilespmem:v0+s17+$0x110 ss:$0x1], $0xffff;
	[tilespmem:v5+s31+$0x0 ss:$0x1] =	vst.idx.msk $0xffff, v15  }
0x38: {  	[tilespmem:v6+s31+$0x0 ss:$0x1] =	vst.idx.msk $0xffff, v11;
	v11 =	vld.idx.msk [tilespmem:v0+s17+$0x120 ss:$0x1], $0xffff  }
0x39: {  	v60 =	vld.idx.msk [tilespmem:v0+s17+$0x130 ss:$0x1], $0xffff;
	[tilespmem:v7+s31+$0x0 ss:$0x1] =	vst.idx.msk $0xffff, v56  }
0x3a: {  	v61 =	vld.idx.msk [tilespmem:v0+s17+$0x140 ss:$0x1], $0xffff;
	[tilespmem:v8+s31+$0x0 ss:$0x1] =	vst.idx.msk $0xffff, v57  }
0x3b: {  	v62 =	vld.idx.msk [tilespmem:v0+s17+$0x150 ss:$0x1], $0xffff;
	[tilespmem:v9+s31+$0x0 ss:$0x1] =	vst.idx.msk $0xffff, v58  }
0x3c: {  	v63 =	vld.idx.msk [tilespmem:v0+s17+$0x160 ss:$0x1], $0xffff;
	[tilespmem:v10+s31+$0x410 ss:$0x1] =	vst.idx.msk $0xffff, v59  }
0x3d: {  	p1 =	por p0, p0;
	[tilespmem:v10+s31+$0x420 ss:$0x1] =	vst.idx.msk $0xffff, v11;
	v11 =	vld.idx.msk [tilespmem:v0+s17+$0x170 ss:$0x1], $0xffff  }
.Ltmp3:
0x3e: {  	[tilespmem:v10+s31+$0x430 ss:$0x1] =	vst.idx.msk $0xffff, v60;
	(pc) =	sbr.rel @p1 .LBB1_4-.Ltmp3, $4  }
0x3f: {  	[tilespmem:v10+s31+$0x440 ss:$0x1] =	vst.idx.msk $0xffff, v61  }
0x40: {  	[tilespmem:v10+s31+$0x450 ss:$0x1] =	vst.idx.msk $0xffff, v62  }
0x41: {  	[tilespmem:v10+s31+$0x460 ss:$0x1] =	vst.idx.msk $0xffff, v63  }
0x42: {  	s16 =	simm.s32 $0x1;
	p0 =	por $0x0, $0x0;
	[tilespmem:v10+s31+$0x470 ss:$0x1] =	vst.idx.msk $0xffff, v11  }
0x43: {  	s15 =	sadd.s32 $0x1, s15  }
0x44: {  	p0 =	sne.s32 s15, $0x20  }
.Ltmp4:
0x45: {  	_ = 	snop;
	(pc) =	sbr.rel @p0 .LBB1_3-.Ltmp4, $1  }
0x46: {  	_ =	sdelay $0x3  }
0x47: {  	s14 =	sshll.u32 s11, $0x8;
	s15 =	sshll.u32 s11, $0x7  }
0x48: {  	s14 =	sand.u32 $0xFFFFF800, s14;
	s15 =	sand.u32 $0x300, s15  }
0x49: {  	s14 =	sor.u32 s15, s14  }
0x4a: {  	s14 =	sshrl.u32 s14, $0x8  }
0x4b: {  	s30 =	smulhi.u32 $0x124924A, s14  }
0x4c: {  	s12 =	smul.u32 $0x1C00, s12  }
0x4d: {  	s15 =	smul.u32 $0xE0, s30  }
.Ltmp5:
0x4e: {  	s31 =	sshll.u32 s11, $0x4;
	(pc) =	sbr.rel .LBB1_7-.Ltmp5, $4  }
0x4f: {  	s11 =	sand.u32 $0x10, s31;
	s12 =	sadd.s32 s2, s12;
	s14 =	ssub.s32 s14, s15  }
0x50: {  	s11 =	sadd.s32 s11, s12;
	s14 =	sshll.u32 s14, $0x5  }
0x51: {  	s11 =	sadd.s32 s14, s11  }
0x52: {  	[hbm4b:s11+s6] =	stream.strided.scatter [tilespmem:s13], [sflag:$0x2], $0x4000, s7, s6, $0x38;
	[tilespmem:$0x10000] =	vst v63  }
.LBB1_8:
0x53: {  	_ =	sfence.sel $0x180000  }
0x54: {  	s2 =	simm.s32 $0x1;
	[bflag:$0x0] =	sbarrier.arrive $0xFFFF  }
0x55: {  	s31 =	simm.s32 $0x2;
	[sflag:s2] =	ssyncpa.u1 $0x1  }
0x56: {  	[sflag:s31] =	ssyncpa.u1 $0x1  }
0x57: {  	p0 =	sne.s32 s1, $0x0;
	_ =	strace $0x90000047  }
0x58: {  	s0 =	sadd.s32 @!p0 $0x100000, s0;
	[bflag:$0x2] =	sbarrier.arrive $0xFFFF  }
0x59: {  	[sflag:s0] =	ssyncadd.tile.s32 @!p0 $0x1;
	_ =	shalt  }
.Lfunc_end1:
_tile_overlayer_lowered:
.L_overlay_start_2:
0x5a: {  	(tag) =	ssettag $0x2  }
0x5b: {  	s0 =	rddreg [dreg:$0x0];
	s2 =	stileid.u32  }
0x5c: {  	s1 =	rddreg [dreg:$0x1];
	p0 =	sne.s32 s2, $0x0  }
0x5d: {  	s3 =	rddreg [dreg:$0x2];
	[bflag:$0x3] =	sbarrier.arrive $0xFFFF;
	s2 =	simm.s32 @!p0 $0x1C01  }
0x5e: {  	[timem:s3], [sflag:s2] =	dma.local @!p0 [hbm:s0], s1  }
0x5f: {  	s0 =	simm.s32 @!p0 $0x1  }
0x60: {  	_ =	swait.ge @!p0 [sflag:s0], s1  }
0x61: {  	s1 =	ssub.s32 @!p0 $0x0, s1;
	[sflag:s0] =	ssyncset.done @!p0 $0x0  }
0x62: {  	[sflag:s0] =	ssyncadd.s32 @!p0 s1  }
0x63: {  	[bflag:$0x3] =	sbarrier.arrive $0xFFFF  }
0x64: {  	_ =	shalt  }

</sc_bundles>
